<compile_context>
chip_gen: v7x
topology: tpu7x:2x2x1
jax: 0.10.2.dev20260603
libtpu: 0.0.44.dev20260713+nightly
codegen_flags: <defaults>
</compile_context>

<pallas_src>
import functools
import jax
import jax.numpy as jnp
from jax import lax
from jax.experimental import pallas as pl
from jax.experimental.pallas import tpu as pltpu
from jax.experimental.pallas import tpu_sc as plsc

_S = 64.0
_M = 0.4
_L2E = 1.4426950408889634




def _make_sc_gather(b):
    info = plsc.get_sparse_core_info()
    ns, nl = info.num_subcores, info.num_lanes
    nc = 1
    nw = nc * ns
    per = b // nw
    mesh = plsc.VectorSubcoreMesh(
        core_axis_name="c", subcore_axis_name="s", num_cores=nc
    )

    @functools.partial(
        pl.kernel,
        mesh=mesh,
        out_type=jax.ShapeDtypeStruct((b, 128), jnp.float32),
        scratch_types=[
            pltpu.VMEM((per,), jnp.int32),
            pltpu.VMEM((per, 128), jnp.float32),
            pltpu.SemaphoreType.DMA,
        ],
    )
    def sc_gather(cos_hbm, lab_hbm, out_hbm, idx_v, rows_v, sem):
        wid = lax.axis_index("s") * nc + lax.axis_index("c")
        base = wid * per
        cs = (base // 128) * 128
        pltpu.sync_copy(lab_hbm.at[pl.ds(base, per)], idx_v)
        for k in range(per // nl):
            sl = pl.ds(k * nl, nl)
            idx_v[sl] = jnp.maximum(idx_v[sl], 0)
        pltpu.async_copy(cos_hbm.at[idx_v, pl.ds(cs, 128)], rows_v, sem).wait()
        pltpu.sync_copy(rows_v, out_hbm.at[pl.ds(base, per), :])

    return sc_gather




def _dense_kernel(cos_ref, out_ref, acc_ref, *, bcr, c_total, nblocks):
    pid = pl.program_id(0)
    b = cos_ref.shape[1]

    @pl.when(pid == 0)
    def _init():
        acc_ref[...] = jnp.zeros_like(acc_ref)

    def do_block(masked):
        acc = acc_ref[...]
        ids = jax.lax.broadcasted_iota(jnp.int32, (8, b), 0) + pid * bcr
        for s in range(bcr // 8):
            x = cos_ref[s * 8 : (s + 1) * 8, :]
            e = jnp.exp2(x * (_S * _L2E))
            if masked:
                e = jnp.where(ids < c_total, e, 0.0)
                ids = ids + 8
            acc = acc + e
        acc_ref[...] = acc

    @pl.when(pid < nblocks - 1)
    def _main():
        do_block(False)

    @pl.when(pid == nblocks - 1)
    def _last():
        do_block(True)
        out_ref[...] = jnp.sum(acc_ref[...], axis=0, keepdims=True)


def _dense_sumexp(cos_t):
    c, b = cos_t.shape
    bcr = 2048
    nblocks = pl.cdiv(c, bcr)
    return pl.pallas_call(
        functools.partial(_dense_kernel, bcr=bcr, c_total=c, nblocks=nblocks),
        grid=(nblocks,),
        in_specs=[pl.BlockSpec((bcr, b), lambda i: (i, 0))],
        out_specs=pl.BlockSpec((1, b), lambda i: (0, 0)),
        out_shape=jax.ShapeDtypeStruct((1, b), jnp.float32),
        scratch_shapes=[pltpu.VMEM((8, b), jnp.float32)],
        compiler_params=pltpu.CompilerParams(
            dimension_semantics=("arbitrary",),
        ),
    )(cos_t)




def _epi_kernel(acc_ref, rows_ref, lab_ref, out_ref):
    accrow = acc_ref[...]
    b = accrow.shape[1]
    rows = rows_ref[...]
    pick = jax.lax.broadcasted_iota(jnp.int32, (b, 128), 1) == (
        jax.lax.broadcasted_iota(jnp.int32, (b, 128), 0) % 128
    )
    xcol = jnp.sum(jnp.where(pick, rows, 0.0), axis=1)
    x = xcol.reshape(1, b)
    tl = x * (_S * _L2E)
    el = jnp.exp2(tl)
    km = 2.0 ** (-_S * _M * _L2E)
    adj = accrow - el + el * km
    valid = lab_ref[...] != -1
    nll = jnp.log(adj) - (x * _S - _S * _M)
    nll = jnp.where(valid, nll, 0.0)
    nv = jnp.maximum(jnp.sum(valid.astype(jnp.float32)), 1.0)
    out_ref[...] = (jnp.sum(nll) / nv).reshape(1, 1)


def _epilogue(accrow, rowsmat, label):
    b = label.shape[0]
    return pl.pallas_call(
        _epi_kernel,
        in_specs=[
            pl.BlockSpec((1, b), lambda: (0, 0)),
            pl.BlockSpec((b, 128), lambda: (0, 0)),
            pl.BlockSpec((1, b), lambda: (0, 0)),
        ],
        out_specs=pl.BlockSpec((1, 1), lambda: (0, 0)),
        out_shape=jax.ShapeDtypeStruct((1, 1), jnp.float32),
    )(accrow, rowsmat, label[None, :])


@jax.jit
def kernel(cosine, label):
    b, c = cosine.shape
    cos_t = cosine.T
    rowsmat = _make_sc_gather(b)(cos_t, label)
    accrow = _dense_sumexp(cos_t)
    return _epilogue(accrow, rowsmat, label)[0, 0]

# --- scband reference (transcript-rebuilt; emitter-appended) ---
"""Pipeline reference for scband-margin-softmax-18408229830798 (READ-ONLY COPY).

The authoritative reference and input builder live on the scoring server;
editing this copy changes nothing except your own understanding.
"""

import jax, jax.numpy as jnp
import numpy as np

S = 64.0
M = 0.4
B = 1024
C = 100000


def setup_inputs(seed: int = 0) -> dict:
    key = jax.random.key(seed)
    k1, k2 = jax.random.split(key)
    # cosine similarities in [-1, 1]
    cosine = jax.random.uniform(k1, (B, C), dtype=jnp.float32, minval=-1.0, maxval=1.0)
    label = jax.random.randint(k2, (B,), 0, C, dtype=jnp.int32)
    return {"cosine": cosine, "label": label}


def reference(cosine, label):
    # index = where(label != -1); m_hot scatter of margin m at label positions
    valid = (label != -1)
    one_hot = jax.nn.one_hot(jnp.where(valid, label, 0), cosine.shape[1], dtype=cosine.dtype)
    m_hot = one_hot * M * valid[:, None].astype(cosine.dtype)
    # cosine[index] -= m_hot ; output = cosine * s
    logits = (cosine - m_hot) * S
    # _calc_loss: cross-entropy ignoring label == -1
    logp = jax.nn.log_softmax(logits, axis=-1)
    nll = -jnp.take_along_axis(logp, jnp.where(valid, label, 0)[:, None], axis=1)[:, 0]
    nll = jnp.where(valid, nll, 0.0)
    n_valid = jnp.maximum(jnp.sum(valid.astype(jnp.float32)), 1.0)
    loss = jnp.sum(nll) / n_valid
    return loss

if __name__ == "__main__":
    import jax
    _d = setup_inputs()
    print(jax.jit(kernel)(*tuple(_d.values())))

</pallas_src>

<mosaic_0001>
#map = affine_map<(d0, d1) -> (0, 0)>
#map1 = affine_map<(d0, d1) -> (0)>
module attributes {stable_mosaic.version = 14 : i64} {
  func.func @sc_gather(%arg0: i32, %arg1: i32, %arg2: memref<100000x1024xf32, #tpu.memory_space<hbm>>, %arg3: memref<1024xi32, #tpu.memory_space<hbm>>, %arg4: memref<1024x128xf32, #tpu.memory_space<hbm>>, %arg5: memref<64xi32, #tpu.memory_space<vmem>>, %arg6: memref<64x128xf32, #tpu.memory_space<vmem>>, %arg7: memref<!tpu.dma_semaphore, #tpu.memory_space<semaphore_mem>>) attributes {dimension_semantics = [#tpu.dimension_semantics<core_parallel>, #tpu.dimension_semantics<subcore_parallel>], iteration_bounds = array<i64: 1, 16>, scalar_prefetch = 0 : i64, scratch_operands = 3 : i64, tpu.core_type = #tpu.core_type<sc_vector_subcore>, window_params = [{transform_indices = #map}, {transform_indices = #map1}, {transform_indices = #map}]} {
    %mul3A = arith.constant 1 : i32
    %mul3A_0 = arith.muli %arg1, %mul3A : i32
    %add3A = arith.addi %mul3A_0, %arg0 : i32
    %mul3A_1 = arith.constant 64 : i32
    %mul3A_2 = arith.muli %add3A, %mul3A_1 : i32
    %jit3A = arith.constant 128 : i32
    %div3A = arith.divsi %mul3A_2, %jit3A : i32
    %sign3A = arith.constant 0 : i32
    %sign3A_3 = arith.cmpi sgt, %mul3A_2, %sign3A : i32
    %sign3A_4 = arith.extui %sign3A_3 : i1 to i32
    %sign3A_5 = arith.constant 0 : i32
    %sign3A_6 = arith.cmpi slt, %mul3A_2, %sign3A_5 : i32
    %sign3A_7 = arith.extui %sign3A_6 : i1 to i32
    %sign3A_8 = arith.subi %sign3A_4, %sign3A_7 : i32
    %sign3A_9 = arith.constant 0 : i32
    %sign3A_10 = arith.cmpi sgt, %jit3A, %sign3A_9 : i32
    %sign3A_11 = arith.extui %sign3A_10 : i1 to i32
    %sign3A_12 = arith.constant 0 : i32
    %sign3A_13 = arith.cmpi slt, %jit3A, %sign3A_12 : i32
    %sign3A_14 = arith.extui %sign3A_13 : i1 to i32
    %sign3A_15 = arith.subi %sign3A_11, %sign3A_14 : i32
    %ne3A = arith.cmpi ne, %sign3A_8, %sign3A_15 : i32
    %rem3A = arith.remsi %mul3A_2, %jit3A : i32
    %ne3A_16 = arith.constant 0 : i32
    %ne3A_17 = arith.cmpi ne, %rem3A, %ne3A_16 : i32
    %and3A = arith.andi %ne3A, %ne3A_17 : i1
    %sub3A = arith.constant 1 : i32
    %sub3A_18 = arith.subi %div3A, %sub3A : i32
    %select_n3A = arith.select %and3A, %sub3A_18, %div3A : i32
    %mul3A_19 = arith.constant 128 : i32
    %mul3A_20 = arith.muli %select_n3A, %mul3A_19 : i32
    "tpu.region"() ({
      %run_scoped3A = tpu.sem_alloc : memref<!tpu.dma_semaphore, #tpu.memory_space<semaphore_mem>>
      %dma_start3A_60 = tpu.memref_slice %arg3[%mul3A_2] : memref<1024xi32, #tpu.memory_space<hbm>> -> memref<64xi32, #tpu.memory_space<hbm>>
      %dma_start3A_61 = tpu.memref_slice %arg3[%mul3A_2] : memref<1024xi32, #tpu.memory_space<hbm>> -> memref<64xi32, #tpu.memory_space<hbm>>
      tpu.enqueue_dma source(%dma_start3A_61 : memref<64xi32, #tpu.memory_space<hbm>>) target(%arg5 : memref<64xi32, #tpu.memory_space<vmem>>) target_semaphore(%run_scoped3A : memref<!tpu.dma_semaphore, #tpu.memory_space<semaphore_mem>>)
      %dma_wait3A_62 = tpu.memref_slice %arg3[%mul3A_2] : memref<1024xi32, #tpu.memory_space<hbm>> -> memref<64xi32, #tpu.memory_space<hbm>>
      %dma_wait3A_63 = tpu.memref_slice %arg3[%mul3A_2] : memref<1024xi32, #tpu.memory_space<hbm>> -> memref<64xi32, #tpu.memory_space<hbm>>
      tpu.wait_dma2 semaphore(%run_scoped3A : memref<!tpu.dma_semaphore, #tpu.memory_space<semaphore_mem>>) src(%dma_wait3A_63 : memref<64xi32, #tpu.memory_space<hbm>>) dst(%arg5 : memref<64xi32, #tpu.memory_space<vmem>>)
      tpu.yield
    }) : () -> ()
    %get3A = arith.constant 0 : index
    %get3A_21 = tpu.vector_load %arg5[%get3A] {strides = array<i32>} : memref<64xi32, #tpu.memory_space<vmem>>, vector<16xi32>,
    %get3A_22 = vector.shape_cast %get3A_21 : vector<16xi32> to vector<16xi32>
    %max3A = arith.constant 0 : i32
    %max3A_23 = vector.broadcast %max3A : i32 to vector<16xi32>
    %max3A_24 = arith.maxsi %get3A_22, %max3A_23 : vector<16xi32>
    %swap3A = arith.constant 0 : index
    %swap3A_25 = tpu.vector_load %arg5[%swap3A] {strides = array<i32>} : memref<64xi32, #tpu.memory_space<vmem>>, vector<16xi32>,
    %swap3A_26 = vector.shape_cast %swap3A_25 : vector<16xi32> to vector<16xi32>
    %swap3A_27 = vector.shape_cast %max3A_24 : vector<16xi32> to vector<16xi32>
    tpu.vector_store %arg5[%swap3A], %swap3A_27 {strides = array<i32>} : memref<64xi32, #tpu.memory_space<vmem>>, vector<16xi32>,
    %get3A_28 = arith.constant 16 : index
    %get3A_29 = tpu.vector_load %arg5[%get3A_28] {strides = array<i32>} : memref<64xi32, #tpu.memory_space<vmem>>, vector<16xi32>,
    %get3A_30 = vector.shape_cast %get3A_29 : vector<16xi32> to vector<16xi32>
    %max3A_31 = arith.constant 0 : i32
    %max3A_32 = vector.broadcast %max3A_31 : i32 to vector<16xi32>
    %max3A_33 = arith.maxsi %get3A_30, %max3A_32 : vector<16xi32>
    %swap3A_34 = arith.constant 16 : index
    %swap3A_35 = tpu.vector_load %arg5[%swap3A_34] {strides = array<i32>} : memref<64xi32, #tpu.memory_space<vmem>>, vector<16xi32>,
    %swap3A_36 = vector.shape_cast %swap3A_35 : vector<16xi32> to vector<16xi32>
    %swap3A_37 = vector.shape_cast %max3A_33 : vector<16xi32> to vector<16xi32>
    tpu.vector_store %arg5[%swap3A_34], %swap3A_37 {strides = array<i32>} : memref<64xi32, #tpu.memory_space<vmem>>, vector<16xi32>,
    %get3A_38 = arith.constant 32 : index
    %get3A_39 = tpu.vector_load %arg5[%get3A_38] {strides = array<i32>} : memref<64xi32, #tpu.memory_space<vmem>>, vector<16xi32>,
    %get3A_40 = vector.shape_cast %get3A_39 : vector<16xi32> to vector<16xi32>
    %max3A_41 = arith.constant 0 : i32
    %max3A_42 = vector.broadcast %max3A_41 : i32 to vector<16xi32>
    %max3A_43 = arith.maxsi %get3A_40, %max3A_42 : vector<16xi32>
    %swap3A_44 = arith.constant 32 : index
    %swap3A_45 = tpu.vector_load %arg5[%swap3A_44] {strides = array<i32>} : memref<64xi32, #tpu.memory_space<vmem>>, vector<16xi32>,
    %swap3A_46 = vector.shape_cast %swap3A_45 : vector<16xi32> to vector<16xi32>
    %swap3A_47 = vector.shape_cast %max3A_43 : vector<16xi32> to vector<16xi32>
    tpu.vector_store %arg5[%swap3A_44], %swap3A_47 {strides = array<i32>} : memref<64xi32, #tpu.memory_space<vmem>>, vector<16xi32>,
    %get3A_48 = arith.constant 48 : index
    %get3A_49 = tpu.vector_load %arg5[%get3A_48] {strides = array<i32>} : memref<64xi32, #tpu.memory_space<vmem>>, vector<16xi32>,
    %get3A_50 = vector.shape_cast %get3A_49 : vector<16xi32> to vector<16xi32>
    %max3A_51 = arith.constant 0 : i32
    %max3A_52 = vector.broadcast %max3A_51 : i32 to vector<16xi32>
    %max3A_53 = arith.maxsi %get3A_50, %max3A_52 : vector<16xi32>
    %swap3A_54 = arith.constant 48 : index
    %swap3A_55 = tpu.vector_load %arg5[%swap3A_54] {strides = array<i32>} : memref<64xi32, #tpu.memory_space<vmem>>, vector<16xi32>,
    %swap3A_56 = vector.shape_cast %swap3A_55 : vector<16xi32> to vector<16xi32>
    %swap3A_57 = vector.shape_cast %max3A_53 : vector<16xi32> to vector<16xi32>
    tpu.vector_store %arg5[%swap3A_54], %swap3A_57 {strides = array<i32>} : memref<64xi32, #tpu.memory_space<vmem>>, vector<16xi32>,
    %dma_start3A = arith.constant 0 : i32
    %dma_start3A_58 = tpu.memref_slice %arg2[%dma_start3A, %mul3A_20] : memref<100000x1024xf32, #tpu.memory_space<hbm>> -> memref<100000x128xf32, #tpu.memory_space<hbm>>
    tpu.enqueue_indirect_dma source(%dma_start3A_58 : memref<100000x128xf32, #tpu.memory_space<hbm>>) target(%arg6 : memref<64x128xf32, #tpu.memory_space<vmem>>) offsets(%arg5 : memref<64xi32, #tpu.memory_space<vmem>>) semaphore(%arg7 : memref<!tpu.dma_semaphore, #tpu.memory_space<semaphore_mem>>)
    %dma_wait3A = arith.constant 0 : i32
    %dma_wait3A_59 = tpu.memref_slice %arg2[%dma_wait3A, %mul3A_20] : memref<100000x1024xf32, #tpu.memory_space<hbm>> -> memref<100000x128xf32, #tpu.memory_space<hbm>>
    tpu.wait_indirect_dma semaphore(%arg7 : memref<!tpu.dma_semaphore, #tpu.memory_space<semaphore_mem>>) src(%dma_wait3A_59 : memref<100000x128xf32, #tpu.memory_space<hbm>>) dst(%arg6 : memref<64x128xf32, #tpu.memory_space<vmem>>)
    "tpu.region"() ({
      %run_scoped3A = tpu.sem_alloc : memref<!tpu.dma_semaphore, #tpu.memory_space<semaphore_mem>>
      %dma_start3A_60 = arith.constant 0 : i32
      %dma_start3A_61 = tpu.memref_slice %arg4[%mul3A_2, %dma_start3A_60] : memref<1024x128xf32, #tpu.memory_space<hbm>> -> memref<64x128xf32, #tpu.memory_space<hbm>>
      %dma_start3A_62 = arith.constant 0 : i32
      %dma_start3A_63 = tpu.memref_slice %arg4[%mul3A_2, %dma_start3A_62] : memref<1024x128xf32, #tpu.memory_space<hbm>> -> memref<64x128xf32, #tpu.memory_space<hbm>>
      tpu.enqueue_dma source(%arg6 : memref<64x128xf32, #tpu.memory_space<vmem>>) target(%dma_start3A_63 : memref<64x128xf32, #tpu.memory_space<hbm>>) target_semaphore(%run_scoped3A : memref<!tpu.dma_semaphore, #tpu.memory_space<semaphore_mem>>)
      %dma_wait3A_64 = arith.constant 0 : i32
      %dma_wait3A_65 = tpu.memref_slice %arg4[%mul3A_2, %dma_wait3A_64] : memref<1024x128xf32, #tpu.memory_space<hbm>> -> memref<64x128xf32, #tpu.memory_space<hbm>>
      %dma_wait3A_66 = arith.constant 0 : i32
      %dma_wait3A_67 = tpu.memref_slice %arg4[%mul3A_2, %dma_wait3A_66] : memref<1024x128xf32, #tpu.memory_space<hbm>> -> memref<64x128xf32, #tpu.memory_space<hbm>>
      tpu.wait_dma2 semaphore(%run_scoped3A : memref<!tpu.dma_semaphore, #tpu.memory_space<semaphore_mem>>) src(%arg6 : memref<64x128xf32, #tpu.memory_space<vmem>>) dst(%dma_wait3A_67 : memref<64x128xf32, #tpu.memory_space<hbm>>)
      tpu.yield
    }) : () -> ()
    return
  }
}

module attributes {stable_mosaic.version = 14 : i64} {
  func.func @_epi_kernel(%arg0: memref<1x1024xf32, #tpu.memory_space<vmem>>, %arg1: memref<1024x128xf32, #tpu.memory_space<vmem>>, %arg2: memref<1x1024xi32, #tpu.memory_space<vmem>>, %arg3: memref<1x1xf32, #tpu.memory_space<vmem>>) attributes {dimension_semantics = [], scalar_prefetch = 0 : i64, scratch_operands = 0 : i64, tpu.core_type = #tpu.core_type<tc>} {
    %get3A = arith.constant 0 : index
    %get3A_0 = arith.constant 0 : index
    %get3A_1 = vector.load %arg0[%get3A, %get3A_0] : memref<1x1024xf32, #tpu.memory_space<vmem>>, vector<1x1024xf32>
    %get3A_2 = arith.constant 0 : index
    %get3A_3 = arith.constant 0 : index
    %get3A_4 = vector.load %arg1[%get3A_2, %get3A_3] : memref<1024x128xf32, #tpu.memory_space<vmem>>, vector<1024x128xf32>
    %iota3A = tpu.iota {dimensions = array<i32: 1>} : vector<1024x128xi32>
    %iota3A_5 = tpu.iota {dimensions = array<i32: 0>} : vector<1024x128xi32>
    %jit3A = arith.constant 128 : i32
    %eq3A = arith.constant 0 : i32
    %eq3A_6 = arith.cmpi eq, %jit3A, %eq3A : i32
    %jit3A_7 = arith.constant 1 : i32
    %select_n3A = arith.select %eq3A_6, %jit3A_7, %jit3A : i32
    %rem3A = vector.broadcast %select_n3A : i32 to vector<1024x128xi32>
    %rem3A_8 = arith.remsi %iota3A_5, %rem3A : vector<1024x128xi32>
    %ne3A = arith.constant 0 : i32
    %ne3A_9 = vector.broadcast %ne3A : i32 to vector<1024x128xi32>
    %ne3A_10 = arith.cmpi ne, %rem3A_8, %ne3A_9 : vector<1024x128xi32>
    %lt3A = arith.constant 0 : i32
    %lt3A_11 = vector.broadcast %lt3A : i32 to vector<1024x128xi32>
    %lt3A_12 = arith.cmpi slt, %rem3A_8, %lt3A_11 : vector<1024x128xi32>
    %lt3A_13 = arith.constant 0 : i32
    %lt3A_14 = arith.cmpi slt, %select_n3A, %lt3A_13 : i32
    %ne3A_15 = vector.broadcast %lt3A_14 : i1 to vector<1024x128xi1>
    %ne3A_16 = vector.broadcast %ne3A_15 : vector<1024x128xi1> to vector<1024x128xi1>
    %ne3A_17 = arith.xori %lt3A_12, %ne3A_16 : vector<1024x128xi1>
    %and3A = arith.andi %ne3A_17, %ne3A_10 : vector<1024x128xi1>
    %add3A = vector.broadcast %select_n3A : i32 to vector<1024x128xi32>
    %add3A_18 = arith.addi %rem3A_8, %add3A : vector<1024x128xi32>
    %select_n3A_19 = arith.select %and3A, %add3A_18, %rem3A_8 : vector<1024x128xi1>, vector<1024x128xi32>
    %eq3A_20 = arith.cmpi eq, %iota3A, %select_n3A_19 : vector<1024x128xi32>
    %jit3A_21 = arith.constant 0.000000e+00 : f32
    %broadcast_in_dim3A = vector.broadcast %jit3A_21 : f32 to vector<1024x128xf32>
    %select_n3A_22 = arith.select %eq3A_20, %get3A_4, %broadcast_in_dim3A : vector<1024x128xi1>, vector<1024x128xf32>
    %reduce_sum3A = arith.constant dense<0.000000e+00> : vector<1024xf32>
    %reduce_sum3A_23 = vector.multi_reduction <add>, %select_n3A_22, %reduce_sum3A [1] : vector<1024x128xf32> to vector<1024xf32>
    %reshape3A = vector.shape_cast %reduce_sum3A_23 : vector<1024xf32> to vector<1x1024xf32>
    %mul3A = arith.constant 92.3324813 : f32
    %mul3A_24 = vector.broadcast %mul3A : f32 to vector<1x1024xf32>
    %mul3A_25 = arith.mulf %reshape3A, %mul3A_24 : vector<1x1024xf32>
    %exp23A = math.exp2 %mul3A_25 : vector<1x1024xf32>
    %sub3A = arith.subf %get3A_1, %exp23A : vector<1x1024xf32>
    %mul3A_26 = arith.constant 7.62186494E-12 : f32
    %mul3A_27 = vector.broadcast %mul3A_26 : f32 to vector<1x1024xf32>
    %mul3A_28 = arith.mulf %exp23A, %mul3A_27 : vector<1x1024xf32>
    %add3A_29 = arith.addf %sub3A, %mul3A_28 : vector<1x1024xf32>
    %get3A_30 = arith.constant 0 : index
    %get3A_31 = arith.constant 0 : index
    %get3A_32 = vector.load %arg2[%get3A_30, %get3A_31] : memref<1x1024xi32, #tpu.memory_space<vmem>>, vector<1x1024xi32>
    %ne3A_33 = arith.constant -1 : i32
    %ne3A_34 = vector.broadcast %ne3A_33 : i32 to vector<1x1024xi32>
    %ne3A_35 = arith.cmpi ne, %get3A_32, %ne3A_34 : vector<1x1024xi32>
    %log3A = math.log %add3A_29 : vector<1x1024xf32>
    %mul3A_36 = arith.constant 6.400000e+01 : f32
    %mul3A_37 = vector.broadcast %mul3A_36 : f32 to vector<1x1024xf32>
    %mul3A_38 = arith.mulf %reshape3A, %mul3A_37 : vector<1x1024xf32>
    %sub3A_39 = arith.constant 2.560000e+01 : f32
    %sub3A_40 = vector.broadcast %sub3A_39 : f32 to vector<1x1024xf32>
    %sub3A_41 = arith.subf %mul3A_38, %sub3A_40 : vector<1x1024xf32>
    %sub3A_42 = arith.subf %log3A, %sub3A_41 : vector<1x1024xf32>
    %jit3A_43 = arith.constant 0.000000e+00 : f32
    %broadcast_in_dim3A_44 = vector.broadcast %jit3A_43 : f32 to vector<1x1024xf32>
    %select_n3A_45 = arith.select %ne3A_35, %sub3A_42, %broadcast_in_dim3A_44 : vector<1x1024xi1>, vector<1x1024xf32>
    %convert_element_type3A = arith.extui %ne3A_35 : vector<1x1024xi1> to vector<1x1024xi32>
    %convert_element_type3A_46 = arith.sitofp %convert_element_type3A : vector<1x1024xi32> to vector<1x1024xf32>
    %reduce_sum3A_47 = vector.shape_cast %convert_element_type3A_46 : vector<1x1024xf32> to vector<1x1x1024xf32>
    %reduce_sum3A_48 = arith.constant dense<0.000000e+00> : vector<1xf32>
    %reduce_sum3A_49 = vector.multi_reduction <add>, %reduce_sum3A_47, %reduce_sum3A_48 [1, 2] : vector<1x1x1024xf32> to vector<1xf32>
    %reduce_sum3A_50 = vector.shape_cast %reduce_sum3A_49 : vector<1xf32> to vector<1x1x1xf32>
    %reduce_sum3A_51 = vector.extract %reduce_sum3A_50[0, 0, 0] : f32 from vector<1x1x1xf32>
    %max3A = arith.constant 1.000000e+00 : f32
    %max3A_52 = arith.maximumf %reduce_sum3A_51, %max3A : f32
    %reduce_sum3A_53 = vector.shape_cast %select_n3A_45 : vector<1x1024xf32> to vector<1x1x1024xf32>
    %reduce_sum3A_54 = arith.constant dense<0.000000e+00> : vector<1xf32>
    %reduce_sum3A_55 = vector.multi_reduction <add>, %reduce_sum3A_53, %reduce_sum3A_54 [1, 2] : vector<1x1x1024xf32> to vector<1xf32>
    %reduce_sum3A_56 = vector.shape_cast %reduce_sum3A_55 : vector<1xf32> to vector<1x1x1xf32>
    %reduce_sum3A_57 = vector.extract %reduce_sum3A_56[0, 0, 0] : f32 from vector<1x1x1xf32>
    %div3A = arith.divf %reduce_sum3A_57, %max3A_52 : f32
    %reshape3A_58 = vector.broadcast %div3A : f32 to vector<1x1xf32>
    %swap3A = arith.constant 0 : index
    %swap3A_59 = arith.constant 0 : index
    %swap3A_60 = vector.load %arg3[%swap3A, %swap3A_59] : memref<1x1xf32, #tpu.memory_space<vmem>>, vector<1x1xf32>
    tpu.vector_store %arg3[%swap3A, %swap3A_59], %reshape3A_58 {strides = array<i32>} : memref<1x1xf32, #tpu.memory_space<vmem>>, vector<1x1xf32>,
    return
  }
}

module attributes {stable_mosaic.version = 14 : i64} {
  func.func @_dense_kernel(%arg0: i32, %arg1: memref<2048x1024xf32, #tpu.memory_space<vmem>>, %arg2: memref<1x1024xf32, #tpu.memory_space<vmem>>, %arg3: memref<8x1024xf32, #tpu.memory_space<vmem>>) attributes {dimension_semantics = [#tpu.dimension_semantics<arbitrary>], iteration_bounds = array<i64: 49>, scalar_prefetch = 0 : i64, scratch_operands = 1 : i64, tpu.core_type = #tpu.core_type<tc>, window_params = [{transform_indices = @transform_0, window_bounds = array<i64: 2048, 1024>}, {pipeline_mode = #tpu.pipeline_mode<synchronous>, transform_indices = @transform_1, window_bounds = array<i64: 1, 1024>}]} {
    %eq3A = arith.constant 0 : i32
    %eq3A_0 = arith.cmpi eq, %arg0, %eq3A : i32
    %convert_element_type3A = arith.extui %eq3A_0 : i1 to i32
    %cond3A = arith.constant 0 : i32
    %cond3A_1 = arith.cmpi ne, %convert_element_type3A, %cond3A : i32
    scf.if %cond3A_1 {
      %broadcast_in_dim3A = arith.constant 0.000000e+00 : f32
      %broadcast_in_dim3A_11 = vector.broadcast %broadcast_in_dim3A : f32 to vector<8x1024xf32>
      %swap3A = arith.constant 0 : index
      %swap3A_12 = arith.constant 0 : index
      %swap3A_13 = vector.load %arg3[%swap3A, %swap3A_12] : memref<8x1024xf32, #tpu.memory_space<vmem>>, vector<8x1024xf32>
      tpu.vector_store %arg3[%swap3A, %swap3A_12], %broadcast_in_dim3A_11 {strides = array<i32>} : memref<8x1024xf32, #tpu.memory_space<vmem>>, vector<8x1024xf32>,
    } else {
    }
    %lt3A = arith.constant 48 : i32
    %lt3A_2 = arith.cmpi slt, %arg0, %lt3A : i32
    %convert_element_type3A_3 = arith.extui %lt3A_2 : i1 to i32
    %cond3A_4 = arith.constant 0 : i32
    %cond3A_5 = arith.cmpi ne, %convert_element_type3A_3, %cond3A_4 : i32
    scf.if %cond3A_5 {
      %get3A = arith.constant 0 : index
      %get3A_11 = arith.constant 0 : index
      %get3A_12 = vector.load %arg3[%get3A, %get3A_11] : memref<8x1024xf32, #tpu.memory_space<vmem>>, vector<8x1024xf32>
      %get3A_13 = arith.constant 0 : index
      %get3A_14 = arith.constant 0 : index
      %get3A_15 = vector.load %arg1[%get3A_13, %get3A_14] : memref<2048x1024xf32, #tpu.memory_space<vmem>>, vector<8x1024xf32>
      %mul3A = arith.constant 92.3324813 : f32
      %mul3A_16 = vector.broadcast %mul3A : f32 to vector<8x1024xf32>
      %mul3A_17 = arith.mulf %get3A_15, %mul3A_16 : vector<8x1024xf32>
      %exp23A = math.exp2 %mul3A_17 : vector<8x1024xf32>
      %add3A = arith.addf %get3A_12, %exp23A : vector<8x1024xf32>
      %get3A_18 = arith.constant 8 : index
      %get3A_19 = arith.constant 0 : index
      %get3A_20 = vector.load %arg1[%get3A_18, %get3A_19] : memref<2048x1024xf32, #tpu.memory_space<vmem>>, vector<8x1024xf32>
      %mul3A_21 = arith.constant 92.3324813 : f32
      %mul3A_22 = vector.broadcast %mul3A_21 : f32 to vector<8x1024xf32>
      %mul3A_23 = arith.mulf %get3A_20, %mul3A_22 : vector<8x1024xf32>
      %exp23A_24 = math.exp2 %mul3A_23 : vector<8x1024xf32>
      %add3A_25 = arith.addf %add3A, %exp23A_24 : vector<8x1024xf32>
      %get3A_26 = arith.constant 16 : index
      %get3A_27 = arith.constant 0 : index
      %get3A_28 = vector.load %arg1[%get3A_26, %get3A_27] : memref<2048x1024xf32, #tpu.memory_space<vmem>>, vector<8x1024xf32>
      %mul3A_29 = arith.constant 92.3324813 : f32
      %mul3A_30 = vector.broadcast %mul3A_29 : f32 to vector<8x1024xf32>
      %mul3A_31 = arith.mulf %get3A_28, %mul3A_30 : vector<8x1024xf32>
      %exp23A_32 = math.exp2 %mul3A_31 : vector<8x1024xf32>
      %add3A_33 = arith.addf %add3A_25, %exp23A_32 : vector<8x1024xf32>
      %get3A_34 = arith.constant 24 : index
      %get3A_35 = arith.constant 0 : index
      %get3A_36 = vector.load %arg1[%get3A_34, %get3A_35] : memref<2048x1024xf32, #tpu.memory_space<vmem>>, vector<8x1024xf32>
      %mul3A_37 = arith.constant 92.3324813 : f32
      %mul3A_38 = vector.broadcast %mul3A_37 : f32 to vector<8x1024xf32>
      %mul3A_39 = arith.mulf %get3A_36, %mul3A_38 : vector<8x1024xf32>
      %exp23A_40 = math.exp2 %mul3A_39 : vector<8x1024xf32>
      %add3A_41 = arith.addf %add3A_33, %exp23A_40 : vector<8x1024xf32>
      %get3A_42 = arith.constant 32 : index
      %get3A_43 = arith.constant 0 : index
      %get3A_44 = vector.load %arg1[%get3A_42, %get3A_43] : memref<2048x1024xf32, #tpu.memory_space<vmem>>, vector<8x1024xf32>
      %mul3A_45 = arith.constant 92.3324813 : f32
      %mul3A_46 = vector.broadcast %mul3A_45 : f32 to vector<8x1024xf32>
      %mul3A_47 = arith.mulf %get3A_44, %mul3A_46 : vector<8x1024xf32>
      %exp23A_48 = math.exp2 %mul3A_47 : vector<8x1024xf32>
      %add3A_49 = arith.addf %add3A_41, %exp23A_48 : vector<8x1024xf32>
      %get3A_50 = arith.constant 40 : index
      %get3A_51 = arith.constant 0 : index
      %get3A_52 = vector.load %arg1[%get3A_50, %get3A_51] : memref<2048x1024xf32, #tpu.memory_space<vmem>>, vector<8x1024xf32>
      %mul3A_53 = arith.constant 92.3324813 : f32
      %mul3A_54 = vector.broadcast %mul3A_53 : f32 to vector<8x1024xf32>
      %mul3A_55 = arith.mulf %get3A_52, %mul3A_54 : vector<8x1024xf32>
      %exp23A_56 = math.exp2 %mul3A_55 : vector<8x1024xf32>
      %add3A_57 = arith.addf %add3A_49, %exp23A_56 : vector<8x1024xf32>
      %get3A_58 = arith.constant 48 : index
      %get3A_59 = arith.constant 0 : index
      %get3A_60 = vector.load %arg1[%get3A_58, %get3A_59] : memref<2048x1024xf32, #tpu.memory_space<vmem>>, vector<8x1024xf32>
      %mul3A_61 = arith.constant 92.3324813 : f32
      %mul3A_62 = vector.broadcast %mul3A_61 : f32 to vector<8x1024xf32>
      %mul3A_63 = arith.mulf %get3A_60, %mul3A_62 : vector<8x1024xf32>
      %exp23A_64 = math.exp2 %mul3A_63 : vector<8x1024xf32>
      %add3A_65 = arith.addf %add3A_57, %exp23A_64 : vector<8x1024xf32>
      %get3A_66 = arith.constant 56 : index
      %get3A_67 = arith.constant 0 : index
      %get3A_68 = vector.load %arg1[%get3A_66, %get3A_67] : memref<2048x1024xf32, #tpu.memory_space<vmem>>, vector<8x1024xf32>
      %mul3A_69 = arith.constant 92.3324813 : f32
      %mul3A_70 = vector.broadcast %mul3A_69 : f32 to vector<8x1024xf32>
      %mul3A_71 = arith.mulf %get3A_68, %mul3A_70 : vector<8x1024xf32>
      %exp23A_72 = math.exp2 %mul3A_71 : vector<8x1024xf32>
      %add3A_73 = arith.addf %add3A_65, %exp23A_72 : vector<8x1024xf32>
      %get3A_74 = arith.constant 64 : index
      %get3A_75 = arith.constant 0 : index
      %get3A_76 = vector.load %arg1[%get3A_74, %get3A_75] : memref<2048x1024xf32, #tpu.memory_space<vmem>>, vector<8x1024xf32>
      %mul3A_77 = arith.constant 92.3324813 : f32
      %mul3A_78 = vector.broadcast %mul3A_77 : f32 to vector<8x1024xf32>
      %mul3A_79 = arith.mulf %get3A_76, %mul3A_78 : vector<8x1024xf32>
      %exp23A_80 = math.exp2 %mul3A_79 : vector<8x1024xf32>
      %add3A_81 = arith.addf %add3A_73, %exp23A_80 : vector<8x1024xf32>
      %get3A_82 = arith.constant 72 : index
      %get3A_83 = arith.constant 0 : index
      %get3A_84 = vector.load %arg1[%get3A_82, %get3A_83] : memref<2048x1024xf32, #tpu.memory_space<vmem>>, vector<8x1024xf32>
      %mul3A_85 = arith.constant 92.3324813 : f32
      %mul3A_86 = vector.broadcast %mul3A_85 : f32 to vector<8x1024xf32>
      %mul3A_87 = arith.mulf %get3A_84, %mul3A_86 : vector<8x1024xf32>
      %exp23A_88 = math.exp2 %mul3A_87 : vector<8x1024xf32>
      %add3A_89 = arith.addf %add3A_81, %exp23A_88 : vector<8x1024xf32>
      %get3A_90 = arith.constant 80 : index
      %get3A_91 = arith.constant 0 : index
      %get3A_92 = vector.load %arg1[%get3A_90, %get3A_91] : memref<2048x1024xf32, #tpu.memory_space<vmem>>, vector<8x1024xf32>
      %mul3A_93 = arith.constant 92.3324813 : f32
      %mul3A_94 = vector.broadcast %mul3A_93 : f32 to vector<8x1024xf32>
      %mul3A_95 = arith.mulf %get3A_92, %mul3A_94 : vector<8x1024xf32>
      %exp23A_96 = math.exp2 %mul3A_95 : vector<8x1024xf32>
      %add3A_97 = arith.addf %add3A_89, %exp23A_96 : vector<8x1024xf32>
      %get3A_98 = arith.constant 88 : index
      %get3A_99 = arith.constant 0 : index
      %get3A_100 = vector.load %arg1[%get3A_98, %get3A_99] : memref<2048x1024xf32, #tpu.memory_space<vmem>>, vector<8x1024xf32>
      %mul3A_101 = arith.constant 92.3324813 : f32
      %mul3A_102 = vector.broadcast %mul3A_101 : f32 to vector<8x1024xf32>
      %mul3A_103 = arith.mulf %get3A_100, %mul3A_102 : vector<8x1024xf32>
      %exp23A_104 = math.exp2 %mul3A_103 : vector<8x1024xf32>
      %add3A_105 = arith.addf %add3A_97, %exp23A_104 : vector<8x1024xf32>
      %get3A_106 = arith.constant 96 : index
      %get3A_107 = arith.constant 0 : index
      %get3A_108 = vector.load %arg1[%get3A_106, %get3A_107] : memref<2048x1024xf32, #tpu.memory_space<vmem>>, vector<8x1024xf32>
      %mul3A_109 = arith.constant 92.3324813 : f32
      %mul3A_110 = vector.broadcast %mul3A_109 : f32 to vector<8x1024xf32>
      %mul3A_111 = arith.mulf %get3A_108, %mul3A_110 : vector<8x1024xf32>
      %exp23A_112 = math.exp2 %mul3A_111 : vector<8x1024xf32>
      %add3A_113 = arith.addf %add3A_105, %exp23A_112 : vector<8x1024xf32>
      %get3A_114 = arith.constant 104 : index
      %get3A_115 = arith.constant 0 : index
      %get3A_116 = vector.load %arg1[%get3A_114, %get3A_115] : memref<2048x1024xf32, #tpu.memory_space<vmem>>, vector<8x1024xf32>
      %mul3A_117 = arith.constant 92.3324813 : f32
      %mul3A_118 = vector.broadcast %mul3A_117 : f32 to vector<8x1024xf32>
      %mul3A_119 = arith.mulf %get3A_116, %mul3A_118 : vector<8x1024xf32>
      %exp23A_120 = math.exp2 %mul3A_119 : vector<8x1024xf32>
      %add3A_121 = arith.addf %add3A_113, %exp23A_120 : vector<8x1024xf32>
      %get3A_122 = arith.constant 112 : index
      %get3A_123 = arith.constant 0 : index
      %get3A_124 = vector.load %arg1[%get3A_122, %get3A_123] : memref<2048x1024xf32, #tpu.memory_space<vmem>>, vector<8x1024xf32>
      %mul3A_125 = arith.constant 92.3324813 : f32
      %mul3A_126 = vector.broadcast %mul3A_125 : f32 to vector<8x1024xf32>
      %mul3A_127 = arith.mulf %get3A_124, %mul3A_126 : vector<8x1024xf32>
      %exp23A_128 = math.exp2 %mul3A_127 : vector<8x1024xf32>
      %add3A_129 = arith.addf %add3A_121, %exp23A_128 : vector<8x1024xf32>
      %get3A_130 = arith.constant 120 : index
      %get3A_131 = arith.constant 0 : index
      %get3A_132 = vector.load %arg1[%get3A_130, %get3A_131] : memref<2048x1024xf32, #tpu.memory_space<vmem>>, vector<8x1024xf32>
      %mul3A_133 = arith.constant 92.3324813 : f32
      %mul3A_134 = vector.broadcast %mul3A_133 : f32 to vector<8x1024xf32>
      %mul3A_135 = arith.mulf %get3A_132, %mul3A_134 : vector<8x1024xf32>
      %exp23A_136 = math.exp2 %mul3A_135 : vector<8x1024xf32>
      %add3A_137 = arith.addf %add3A_129, %exp23A_136 : vector<8x1024xf32>
      %get3A_138 = arith.constant 128 : index
      %get3A_139 = arith.constant 0 : index
      %get3A_140 = vector.load %arg1[%get3A_138, %get3A_139] : memref<2048x1024xf32, #tpu.memory_space<vmem>>, vector<8x1024xf32>
      %mul3A_141 = arith.constant 92.3324813 : f32
      %mul3A_142 = vector.broadcast %mul3A_141 : f32 to vector<8x1024xf32>
      %mul3A_143 = arith.mulf %get3A_140, %mul3A_142 : vector<8x1024xf32>
      %exp23A_144 = math.exp2 %mul3A_143 : vector<8x1024xf32>
      %add3A_145 = arith.addf %add3A_137, %exp23A_144 : vector<8x1024xf32>
      %get3A_146 = arith.constant 136 : index
      %get3A_147 = arith.constant 0 : index
      %get3A_148 = vector.load %arg1[%get3A_146, %get3A_147] : memref<2048x1024xf32, #tpu.memory_space<vmem>>, vector<8x1024xf32>
      %mul3A_149 = arith.constant 92.3324813 : f32
      %mul3A_150 = vector.broadcast %mul3A_149 : f32 to vector<8x1024xf32>
      %mul3A_151 = arith.mulf %get3A_148, %mul3A_150 : vector<8x1024xf32>
      %exp23A_152 = math.exp2 %mul3A_151 : vector<8x1024xf32>
      %add3A_153 = arith.addf %add3A_145, %exp23A_152 : vector<8x1024xf32>
      %get3A_154 = arith.constant 144 : index
      %get3A_155 = arith.constant 0 : index
      %get3A_156 = vector.load %arg1[%get3A_154, %get3A_155] : memref<2048x1024xf32, #tpu.memory_space<vmem>>, vector<8x1024xf32>
      %mul3A_157 = arith.constant 92.3324813 : f32
      %mul3A_158 = vector.broadcast %mul3A_157 : f32 to vector<8x1024xf32>
      %mul3A_159 = arith.mulf %get3A_156, %mul3A_158 : vector<8x1024xf32>
      %exp23A_160 = math.exp2 %mul3A_159 : vector<8x1024xf32>
      %add3A_161 = arith.addf %add3A_153, %exp23A_160 : vector<8x1024xf32>
      %get3A_162 = arith.constant 152 : index
      %get3A_163 = arith.constant 0 : index
      %get3A_164 = vector.load %arg1[%get3A_162, %get3A_163] : memref<2048x1024xf32, #tpu.memory_space<vmem>>, vector<8x1024xf32>
      %mul3A_165 = arith.constant 92.3324813 : f32
      %mul3A_166 = vector.broadcast %mul3A_165 : f32 to vector<8x1024xf32>
      %mul3A_167 = arith.mulf %get3A_164, %mul3A_166 : vector<8x1024xf32>
      %exp23A_168 = math.exp2 %mul3A_167 : vector<8x1024xf32>
      %add3A_169 = arith.addf %add3A_161, %exp23A_168 : vector<8x1024xf32>
      %get3A_170 = arith.constant 160 : index
      %get3A_171 = arith.constant 0 : index
      %get3A_172 = vector.load %arg1[%get3A_170, %get3A_171] : memref<2048x1024xf32, #tpu.memory_space<vmem>>, vector<8x1024xf32>
      %mul3A_173 = arith.constant 92.3324813 : f32
      %mul3A_174 = vector.broadcast %mul3A_173 : f32 to vector<8x1024xf32>
      %mul3A_175 = arith.mulf %get3A_172, %mul3A_174 : vector<8x1024xf32>
      %exp23A_176 = math.exp2 %mul3A_175 : vector<8x1024xf32>
      %add3A_177 = arith.addf %add3A_169, %exp23A_176 : vector<8x1024xf32>
      %get3A_178 = arith.constant 168 : index
      %get3A_179 = arith.constant 0 : index
      %get3A_180 = vector.load %arg1[%get3A_178, %get3A_179] : memref<2048x1024xf32, #tpu.memory_space<vmem>>, vector<8x1024xf32>
      %mul3A_181 = arith.constant 92.3324813 : f32
      %mul3A_182 = vector.broadcast %mul3A_181 : f32 to vector<8x1024xf32>
      %mul3A_183 = arith.mulf %get3A_180, %mul3A_182 : vector<8x1024xf32>
      %exp23A_184 = math.exp2 %mul3A_183 : vector<8x1024xf32>
      %add3A_185 = arith.addf %add3A_177, %exp23A_184 : vector<8x1024xf32>
      %get3A_186 = arith.constant 176 : index
      %get3A_187 = arith.constant 0 : index
      %get3A_188 = vector.load %arg1[%get3A_186, %get3A_187] : memref<2048x1024xf32, #tpu.memory_space<vmem>>, vector<8x1024xf32>
      %mul3A_189 = arith.constant 92.3324813 : f32
      %mul3A_190 = vector.broadcast %mul3A_189 : f32 to vector<8x1024xf32>
      %mul3A_191 = arith.mulf %get3A_188, %mul3A_190 : vector<8x1024xf32>
      %exp23A_192 = math.exp2 %mul3A_191 : vector<8x1024xf32>
      %add3A_193 = arith.addf %add3A_185, %exp23A_192 : vector<8x1024xf32>
      %get3A_194 = arith.constant 184 : index
      %get3A_195 = arith.constant 0 : index
      %get3A_196 = vector.load %arg1[%get3A_194, %get3A_195] : memref<2048x1024xf32, #tpu.memory_space<vmem>>, vector<8x1024xf32>
      %mul3A_197 = arith.constant 92.3324813 : f32
      %mul3A_198 = vector.broadcast %mul3A_197 : f32 to vector<8x1024xf32>
      %mul3A_199 = arith.mulf %get3A_196, %mul3A_198 : vector<8x1024xf32>
      %exp23A_200 = math.exp2 %mul3A_199 : vector<8x1024xf32>
      %add3A_201 = arith.addf %add3A_193, %exp23A_200 : vector<8x1024xf32>
      %get3A_202 = arith.constant 192 : index
      %get3A_203 = arith.constant 0 : index
      %get3A_204 = vector.load %arg1[%get3A_202, %get3A_203] : memref<2048x1024xf32, #tpu.memory_space<vmem>>, vector<8x1024xf32>
      %mul3A_205 = arith.constant 92.3324813 : f32
      %mul3A_206 = vector.broadcast %mul3A_205 : f32 to vector<8x1024xf32>
      %mul3A_207 = arith.mulf %get3A_204, %mul3A_206 : vector<8x1024xf32>
      %exp23A_208 = math.exp2 %mul3A_207 : vector<8x1024xf32>
      %add3A_209 = arith.addf %add3A_201, %exp23A_208 : vector<8x1024xf32>
      %get3A_210 = arith.constant 200 : index
      %get3A_211 = arith.constant 0 : index
      %get3A_212 = vector.load %arg1[%get3A_210, %get3A_211] : memref<2048x1024xf32, #tpu.memory_space<vmem>>, vector<8x1024xf32>
      %mul3A_213 = arith.constant 92.3324813 : f32
      %mul3A_214 = vector.broadcast %mul3A_213 : f32 to vector<8x1024xf32>
      %mul3A_215 = arith.mulf %get3A_212, %mul3A_214 : vector<8x1024xf32>
      %exp23A_216 = math.exp2 %mul3A_215 : vector<8x1024xf32>
      %add3A_217 = arith.addf %add3A_209, %exp23A_216 : vector<8x1024xf32>
      %get3A_218 = arith.constant 208 : index
      %get3A_219 = arith.constant 0 : index
      %get3A_220 = vector.load %arg1[%get3A_218, %get3A_219] : memref<2048x1024xf32, #tpu.memory_space<vmem>>, vector<8x1024xf32>
      %mul3A_221 = arith.constant 92.3324813 : f32
      %mul3A_222 = vector.broadcast %mul3A_221 : f32 to vector<8x1024xf32>
      %mul3A_223 = arith.mulf %get3A_220, %mul3A_222 : vector<8x1024xf32>
      %exp23A_224 = math.exp2 %mul3A_223 : vector<8x1024xf32>
      %add3A_225 = arith.addf %add3A_217, %exp23A_224 : vector<8x1024xf32>
      %get3A_226 = arith.constant 216 : index
      %get3A_227 = arith.constant 0 : index
      %get3A_228 = vector.load %arg1[%get3A_226, %get3A_227] : memref<2048x1024xf32, #tpu.memory_space<vmem>>, vector<8x1024xf32>
      %mul3A_229 = arith.constant 92.3324813 : f32
      %mul3A_230 = vector.broadcast %mul3A_229 : f32 to vector<8x1024xf32>
      %mul3A_231 = arith.mulf %get3A_228, %mul3A_230 : vector<8x1024xf32>
      %exp23A_232 = math.exp2 %mul3A_231 : vector<8x1024xf32>
      %add3A_233 = arith.addf %add3A_225, %exp23A_232 : vector<8x1024xf32>
      %get3A_234 = arith.constant 224 : index
      %get3A_235 = arith.constant 0 : index
      %get3A_236 = vector.load %arg1[%get3A_234, %get3A_235] : memref<2048x1024xf32, #tpu.memory_space<vmem>>, vector<8x1024xf32>
      %mul3A_237 = arith.constant 92.3324813 : f32
      %mul3A_238 = vector.broadcast %mul3A_237 : f32 to vector<8x1024xf32>
      %mul3A_239 = arith.mulf %get3A_236, %mul3A_238 : vector<8x1024xf32>
      %exp23A_240 = math.exp2 %mul3A_239 : vector<8x1024xf32>
      %add3A_241 = arith.addf %add3A_233, %exp23A_240 : vector<8x1024xf32>
      %get3A_242 = arith.constant 232 : index
      %get3A_243 = arith.constant 0 : index
      %get3A_244 = vector.load %arg1[%get3A_242, %get3A_243] : memref<2048x1024xf32, #tpu.memory_space<vmem>>, vector<8x1024xf32>
      %mul3A_245 = arith.constant 92.3324813 : f32
      %mul3A_246 = vector.broadcast %mul3A_245 : f32 to vector<8x1024xf32>
      %mul3A_247 = arith.mulf %get3A_244, %mul3A_246 : vector<8x1024xf32>
      %exp23A_248 = math.exp2 %mul3A_247 : vector<8x1024xf32>
      %add3A_249 = arith.addf %add3A_241, %exp23A_248 : vector<8x1024xf32>
      %get3A_250 = arith.constant 240 : index
      %get3A_251 = arith.constant 0 : index
      %get3A_252 = vector.load %arg1[%get3A_250, %get3A_251] : memref<2048x1024xf32, #tpu.memory_space<vmem>>, vector<8x1024xf32>
      %mul3A_253 = arith.constant 92.3324813 : f32
      %mul3A_254 = vector.broadcast %mul3A_253 : f32 to vector<8x1024xf32>
      %mul3A_255 = arith.mulf %get3A_252, %mul3A_254 : vector<8x1024xf32>
      %exp23A_256 = math.exp2 %mul3A_255 : vector<8x1024xf32>
      %add3A_257 = arith.addf %add3A_249, %exp23A_256 : vector<8x1024xf32>
      %get3A_258 = arith.constant 248 : index
      %get3A_259 = arith.constant 0 : index
      %get3A_260 = vector.load %arg1[%get3A_258, %get3A_259] : memref<2048x1024xf32, #tpu.memory_space<vmem>>, vector<8x1024xf32>
      %mul3A_261 = arith.constant 92.3324813 : f32
      %mul3A_262 = vector.broadcast %mul3A_261 : f32 to vector<8x1024xf32>
      %mul3A_263 = arith.mulf %get3A_260, %mul3A_262 : vector<8x1024xf32>
      %exp23A_264 = math.exp2 %mul3A_263 : vector<8x1024xf32>
      %add3A_265 = arith.addf %add3A_257, %exp23A_264 : vector<8x1024xf32>
      %get3A_266 = arith.constant 256 : index
      %get3A_267 = arith.constant 0 : index
      %get3A_268 = vector.load %arg1[%get3A_266, %get3A_267] : memref<2048x1024xf32, #tpu.memory_space<vmem>>, vector<8x1024xf32>
      %mul3A_269 = arith.constant 92.3324813 : f32
      %mul3A_270 = vector.broadcast %mul3A_269 : f32 to vector<8x1024xf32>
      %mul3A_271 = arith.mulf %get3A_268, %mul3A_270 : vector<8x1024xf32>
      %exp23A_272 = math.exp2 %mul3A_271 : vector<8x1024xf32>
      %add3A_273 = arith.addf %add3A_265, %exp23A_272 : vector<8x1024xf32>
      %get3A_274 = arith.constant 264 : index
      %get3A_275 = arith.constant 0 : index
      %get3A_276 = vector.load %arg1[%get3A_274, %get3A_275] : memref<2048x1024xf32, #tpu.memory_space<vmem>>, vector<8x1024xf32>
      %mul3A_277 = arith.constant 92.3324813 : f32
      %mul3A_278 = vector.broadcast %mul3A_277 : f32 to vector<8x1024xf32>
      %mul3A_279 = arith.mulf %get3A_276, %mul3A_278 : vector<8x1024xf32>
      %exp23A_280 = math.exp2 %mul3A_279 : vector<8x1024xf32>
      %add3A_281 = arith.addf %add3A_273, %exp23A_280 : vector<8x1024xf32>
      %get3A_282 = arith.constant 272 : index
      %get3A_283 = arith.constant 0 : index
      %get3A_284 = vector.load %arg1[%get3A_282, %get3A_283] : memref<2048x1024xf32, #tpu.memory_space<vmem>>, vector<8x1024xf32>
      %mul3A_285 = arith.constant 92.3324813 : f32
      %mul3A_286 = vector.broadcast %mul3A_285 : f32 to vector<8x1024xf32>
      %mul3A_287 = arith.mulf %get3A_284, %mul3A_286 : vector<8x1024xf32>
      %exp23A_288 = math.exp2 %mul3A_287 : vector<8x1024xf32>
      %add3A_289 = arith.addf %add3A_281, %exp23A_288 : vector<8x1024xf32>
      %get3A_290 = arith.constant 280 : index
      %get3A_291 = arith.constant 0 : index
      %get3A_292 = vector.load %arg1[%get3A_290, %get3A_291] : memref<2048x1024xf32, #tpu.memory_space<vmem>>, vector<8x1024xf32>
      %mul3A_293 = arith.constant 92.3324813 : f32
      %mul3A_294 = vector.broadcast %mul3A_293 : f32 to vector<8x1024xf32>
      %mul3A_295 = arith.mulf %get3A_292, %mul3A_294 : vector<8x1024xf32>
      %exp23A_296 = math.exp2 %mul3A_295 : vector<8x1024xf32>
      %add3A_297 = arith.addf %add3A_289, %exp23A_296 : vector<8x1024xf32>
      %get3A_298 = arith.constant 288 : index
      %get3A_299 = arith.constant 0 : index
      %get3A_300 = vector.load %arg1[%get3A_298, %get3A_299] : memref<2048x1024xf32, #tpu.memory_space<vmem>>, vector<8x1024xf32>
      %mul3A_301 = arith.constant 92.3324813 : f32
      %mul3A_302 = vector.broadcast %mul3A_301 : f32 to vector<8x1024xf32>
      %mul3A_303 = arith.mulf %get3A_300, %mul3A_302 : vector<8x1024xf32>
      %exp23A_304 = math.exp2 %mul3A_303 : vector<8x1024xf32>
      %add3A_305 = arith.addf %add3A_297, %exp23A_304 : vector<8x1024xf32>
      %get3A_306 = arith.constant 296 : index
      %get3A_307 = arith.constant 0 : index
      %get3A_308 = vector.load %arg1[%get3A_306, %get3A_307] : memref<2048x1024xf32, #tpu.memory_space<vmem>>, vector<8x1024xf32>
      %mul3A_309 = arith.constant 92.3324813 : f32
      %mul3A_310 = vector.broadcast %mul3A_309 : f32 to vector<8x1024xf32>
      %mul3A_311 = arith.mulf %get3A_308, %mul3A_310 : vector<8x1024xf32>
      %exp23A_312 = math.exp2 %mul3A_311 : vector<8x1024xf32>
      %add3A_313 = arith.addf %add3A_305, %exp23A_312 : vector<8x1024xf32>
      %get3A_314 = arith.constant 304 : index
      %get3A_315 = arith.constant 0 : index
      %get3A_316 = vector.load %arg1[%get3A_314, %get3A_315] : memref<2048x1024xf32, #tpu.memory_space<vmem>>, vector<8x1024xf32>
      %mul3A_317 = arith.constant 92.3324813 : f32
      %mul3A_318 = vector.broadcast %mul3A_317 : f32 to vector<8x1024xf32>
      %mul3A_319 = arith.mulf %get3A_316, %mul3A_318 : vector<8x1024xf32>
      %exp23A_320 = math.exp2 %mul3A_319 : vector<8x1024xf32>
      %add3A_321 = arith.addf %add3A_313, %exp23A_320 : vector<8x1024xf32>
      %get3A_322 = arith.constant 312 : index
      %get3A_323 = arith.constant 0 : index
      %get3A_324 = vector.load %arg1[%get3A_322, %get3A_323] : memref<2048x1024xf32, #tpu.memory_space<vmem>>, vector<8x1024xf32>
      %mul3A_325 = arith.constant 92.3324813 : f32
      %mul3A_326 = vector.broadcast %mul3A_325 : f32 to vector<8x1024xf32>
      %mul3A_327 = arith.mulf %get3A_324, %mul3A_326 : vector<8x1024xf32>
      %exp23A_328 = math.exp2 %mul3A_327 : vector<8x1024xf32>
      %add3A_329 = arith.addf %add3A_321, %exp23A_328 : vector<8x1024xf32>
      %get3A_330 = arith.constant 320 : index
      %get3A_331 = arith.constant 0 : index
      %get3A_332 = vector.load %arg1[%get3A_330, %get3A_331] : memref<2048x1024xf32, #tpu.memory_space<vmem>>, vector<8x1024xf32>
      %mul3A_333 = arith.constant 92.3324813 : f32
      %mul3A_334 = vector.broadcast %mul3A_333 : f32 to vector<8x1024xf32>
      %mul3A_335 = arith.mulf %get3A_332, %mul3A_334 : vector<8x1024xf32>
      %exp23A_336 = math.exp2 %mul3A_335 : vector<8x1024xf32>
      %add3A_337 = arith.addf %add3A_329, %exp23A_336 : vector<8x1024xf32>
      %get3A_338 = arith.constant 328 : index
      %get3A_339 = arith.constant 0 : index
      %get3A_340 = vector.load %arg1[%get3A_338, %get3A_339] : memref<2048x1024xf32, #tpu.memory_space<vmem>>, vector<8x1024xf32>
      %mul3A_341 = arith.constant 92.3324813 : f32
      %mul3A_342 = vector.broadcast %mul3A_341 : f32 to vector<8x1024xf32>
      %mul3A_343 = arith.mulf %get3A_340, %mul3A_342 : vector<8x1024xf32>
      %exp23A_344 = math.exp2 %mul3A_343 : vector<8x1024xf32>
      %add3A_345 = arith.addf %add3A_337, %exp23A_344 : vector<8x1024xf32>
      %get3A_346 = arith.constant 336 : index
      %get3A_347 = arith.constant 0 : index
      %get3A_348 = vector.load %arg1[%get3A_346, %get3A_347] : memref<2048x1024xf32, #tpu.memory_space<vmem>>, vector<8x1024xf32>
      %mul3A_349 = arith.constant 92.3324813 : f32
      %mul3A_350 = vector.broadcast %mul3A_349 : f32 to vector<8x1024xf32>
      %mul3A_351 = arith.mulf %get3A_348, %mul3A_350 : vector<8x1024xf32>
      %exp23A_352 = math.exp2 %mul3A_351 : vector<8x1024xf32>
      %add3A_353 = arith.addf %add3A_345, %exp23A_352 : vector<8x1024xf32>
      %get3A_354 = arith.constant 344 : index
      %get3A_355 = arith.constant 0 : index
      %get3A_356 = vector.load %arg1[%get3A_354, %get3A_355] : memref<2048x1024xf32, #tpu.memory_space<vmem>>, vector<8x1024xf32>
      %mul3A_357 = arith.constant 92.3324813 : f32
      %mul3A_358 = vector.broadcast %mul3A_357 : f32 to vector<8x1024xf32>
      %mul3A_359 = arith.mulf %get3A_356, %mul3A_358 : vector<8x1024xf32>
      %exp23A_360 = math.exp2 %mul3A_359 : vector<8x1024xf32>
      %add3A_361 = arith.addf %add3A_353, %exp23A_360 : vector<8x1024xf32>
      %get3A_362 = arith.constant 352 : index
      %get3A_363 = arith.constant 0 : index
      %get3A_364 = vector.load %arg1[%get3A_362, %get3A_363] : memref<2048x1024xf32, #tpu.memory_space<vmem>>, vector<8x1024xf32>
      %mul3A_365 = arith.constant 92.3324813 : f32
      %mul3A_366 = vector.broadcast %mul3A_365 : f32 to vector<8x1024xf32>
      %mul3A_367 = arith.mulf %get3A_364, %mul3A_366 : vector<8x1024xf32>
      %exp23A_368 = math.exp2 %mul3A_367 : vector<8x1024xf32>
      %add3A_369 = arith.addf %add3A_361, %exp23A_368 : vector<8x1024xf32>
      %get3A_370 = arith.constant 360 : index
      %get3A_371 = arith.constant 0 : index
      %get3A_372 = vector.load %arg1[%get3A_370, %get3A_371] : memref<2048x1024xf32, #tpu.memory_space<vmem>>, vector<8x1024xf32>
      %mul3A_373 = arith.constant 92.3324813 : f32
      %mul3A_374 = vector.broadcast %mul3A_373 : f32 to vector<8x1024xf32>
      %mul3A_375 = arith.mulf %get3A_372, %mul3A_374 : vector<8x1024xf32>
      %exp23A_376 = math.exp2 %mul3A_375 : vector<8x1024xf32>
      %add3A_377 = arith.addf %add3A_369, %exp23A_376 : vector<8x1024xf32>
      %get3A_378 = arith.constant 368 : index
      %get3A_379 = arith.constant 0 : index
      %get3A_380 = vector.load %arg1[%get3A_378, %get3A_379] : memref<2048x1024xf32, #tpu.memory_space<vmem>>, vector<8x1024xf32>
      %mul3A_381 = arith.constant 92.3324813 : f32
      %mul3A_382 = vector.broadcast %mul3A_381 : f32 to vector<8x1024xf32>
      %mul3A_383 = arith.mulf %get3A_380, %mul3A_382 : vector<8x1024xf32>
      %exp23A_384 = math.exp2 %mul3A_383 : vector<8x1024xf32>
      %add3A_385 = arith.addf %add3A_377, %exp23A_384 : vector<8x1024xf32>
      %get3A_386 = arith.constant 376 : index
      %get3A_387 = arith.constant 0 : index
      %get3A_388 = vector.load %arg1[%get3A_386, %get3A_387] : memref<2048x1024xf32, #tpu.memory_space<vmem>>, vector<8x1024xf32>
      %mul3A_389 = arith.constant 92.3324813 : f32
      %mul3A_390 = vector.broadcast %mul3A_389 : f32 to vector<8x1024xf32>
      %mul3A_391 = arith.mulf %get3A_388, %mul3A_390 : vector<8x1024xf32>
      %exp23A_392 = math.exp2 %mul3A_391 : vector<8x1024xf32>
      %add3A_393 = arith.addf %add3A_385, %exp23A_392 : vector<8x1024xf32>
      %get3A_394 = arith.constant 384 : index
      %get3A_395 = arith.constant 0 : index
      %get3A_396 = vector.load %arg1[%get3A_394, %get3A_395] : memref<2048x1024xf32, #tpu.memory_space<vmem>>, vector<8x1024xf32>
      %mul3A_397 = arith.constant 92.3324813 : f32
      %mul3A_398 = vector.broadcast %mul3A_397 : f32 to vector<8x1024xf32>
      %mul3A_399 = arith.mulf %get3A_396, %mul3A_398 : vector<8x1024xf32>
      %exp23A_400 = math.exp2 %mul3A_399 : vector<8x1024xf32>
      %add3A_401 = arith.addf %add3A_393, %exp23A_400 : vector<8x1024xf32>
      %get3A_402 = arith.constant 392 : index
      %get3A_403 = arith.constant 0 : index
      %get3A_404 = vector.load %arg1[%get3A_402, %get3A_403] : memref<2048x1024xf32, #tpu.memory_space<vmem>>, vector<8x1024xf32>
      %mul3A_405 = arith.constant 92.3324813 : f32
      %mul3A_406 = vector.broadcast %mul3A_405 : f32 to vector<8x1024xf32>
      %mul3A_407 = arith.mulf %get3A_404, %mul3A_406 : vector<8x1024xf32>
      %exp23A_408 = math.exp2 %mul3A_407 : vector<8x1024xf32>
      %add3A_409 = arith.addf %add3A_401, %exp23A_408 : vector<8x1024xf32>
      %get3A_410 = arith.constant 400 : index
      %get3A_411 = arith.constant 0 : index
      %get3A_412 = vector.load %arg1[%get3A_410, %get3A_411] : memref<2048x1024xf32, #tpu.memory_space<vmem>>, vector<8x1024xf32>
      %mul3A_413 = arith.constant 92.3324813 : f32
      %mul3A_414 = vector.broadcast %mul3A_413 : f32 to vector<8x1024xf32>
      %mul3A_415 = arith.mulf %get3A_412, %mul3A_414 : vector<8x1024xf32>
      %exp23A_416 = math.exp2 %mul3A_415 : vector<8x1024xf32>
      %add3A_417 = arith.addf %add3A_409, %exp23A_416 : vector<8x1024xf32>
      %get3A_418 = arith.constant 408 : index
      %get3A_419 = arith.constant 0 : index
      %get3A_420 = vector.load %arg1[%get3A_418, %get3A_419] : memref<2048x1024xf32, #tpu.memory_space<vmem>>, vector<8x1024xf32>
      %mul3A_421 = arith.constant 92.3324813 : f32
      %mul3A_422 = vector.broadcast %mul3A_421 : f32 to vector<8x1024xf32>
      %mul3A_423 = arith.mulf %get3A_420, %mul3A_422 : vector<8x1024xf32>
      %exp23A_424 = math.exp2 %mul3A_423 : vector<8x1024xf32>
      %add3A_425 = arith.addf %add3A_417, %exp23A_424 : vector<8x1024xf32>
      %get3A_426 = arith.constant 416 : index
      %get3A_427 = arith.constant 0 : index
      %get3A_428 = vector.load %arg1[%get3A_426, %get3A_427] : memref<2048x1024xf32, #tpu.memory_space<vmem>>, vector<8x1024xf32>
      %mul3A_429 = arith.constant 92.3324813 : f32
      %mul3A_430 = vector.broadcast %mul3A_429 : f32 to vector<8x1024xf32>
      %mul3A_431 = arith.mulf %get3A_428, %mul3A_430 : vector<8x1024xf32>
      %exp23A_432 = math.exp2 %mul3A_431 : vector<8x1024xf32>
      %add3A_433 = arith.addf %add3A_425, %exp23A_432 : vector<8x1024xf32>
      %get3A_434 = arith.constant 424 : index
      %get3A_435 = arith.constant 0 : index
      %get3A_436 = vector.load %arg1[%get3A_434, %get3A_435] : memref<2048x1024xf32, #tpu.memory_space<vmem>>, vector<8x1024xf32>
      %mul3A_437 = arith.constant 92.3324813 : f32
      %mul3A_438 = vector.broadcast %mul3A_437 : f32 to vector<8x1024xf32>
      %mul3A_439 = arith.mulf %get3A_436, %mul3A_438 : vector<8x1024xf32>
      %exp23A_440 = math.exp2 %mul3A_439 : vector<8x1024xf32>
      %add3A_441 = arith.addf %add3A_433, %exp23A_440 : vector<8x1024xf32>
      %get3A_442 = arith.constant 432 : index
      %get3A_443 = arith.constant 0 : index
      %get3A_444 = vector.load %arg1[%get3A_442, %get3A_443] : memref<2048x1024xf32, #tpu.memory_space<vmem>>, vector<8x1024xf32>
      %mul3A_445 = arith.constant 92.3324813 : f32
      %mul3A_446 = vector.broadcast %mul3A_445 : f32 to vector<8x1024xf32>
      %mul3A_447 = arith.mulf %get3A_444, %mul3A_446 : vector<8x1024xf32>
      %exp23A_448 = math.exp2 %mul3A_447 : vector<8x1024xf32>
      %add3A_449 = arith.addf %add3A_441, %exp23A_448 : vector<8x1024xf32>
      %get3A_450 = arith.constant 440 : index
      %get3A_451 = arith.constant 0 : index
      %get3A_452 = vector.load %arg1[%get3A_450, %get3A_451] : memref<2048x1024xf32, #tpu.memory_space<vmem>>, vector<8x1024xf32>
      %mul3A_453 = arith.constant 92.3324813 : f32
      %mul3A_454 = vector.broadcast %mul3A_453 : f32 to vector<8x1024xf32>
      %mul3A_455 = arith.mulf %get3A_452, %mul3A_454 : vector<8x1024xf32>
      %exp23A_456 = math.exp2 %mul3A_455 : vector<8x1024xf32>
      %add3A_457 = arith.addf %add3A_449, %exp23A_456 : vector<8x1024xf32>
      %get3A_458 = arith.constant 448 : index
      %get3A_459 = arith.constant 0 : index
      %get3A_460 = vector.load %arg1[%get3A_458, %get3A_459] : memref<2048x1024xf32, #tpu.memory_space<vmem>>, vector<8x1024xf32>
      %mul3A_461 = arith.constant 92.3324813 : f32
      %mul3A_462 = vector.broadcast %mul3A_461 : f32 to vector<8x1024xf32>
      %mul3A_463 = arith.mulf %get3A_460, %mul3A_462 : vector<8x1024xf32>
      %exp23A_464 = math.exp2 %mul3A_463 : vector<8x1024xf32>
      %add3A_465 = arith.addf %add3A_457, %exp23A_464 : vector<8x1024xf32>
      %get3A_466 = arith.constant 456 : index
      %get3A_467 = arith.constant 0 : index
      %get3A_468 = vector.load %arg1[%get3A_466, %get3A_467] : memref<2048x1024xf32, #tpu.memory_space<vmem>>, vector<8x1024xf32>
      %mul3A_469 = arith.constant 92.3324813 : f32
      %mul3A_470 = vector.broadcast %mul3A_469 : f32 to vector<8x1024xf32>
      %mul3A_471 = arith.mulf %get3A_468, %mul3A_470 : vector<8x1024xf32>
      %exp23A_472 = math.exp2 %mul3A_471 : vector<8x1024xf32>
      %add3A_473 = arith.addf %add3A_465, %exp23A_472 : vector<8x1024xf32>
      %get3A_474 = arith.constant 464 : index
      %get3A_475 = arith.constant 0 : index
      %get3A_476 = vector.load %arg1[%get3A_474, %get3A_475] : memref<2048x1024xf32, #tpu.memory_space<vmem>>, vector<8x1024xf32>
      %mul3A_477 = arith.constant 92.3324813 : f32
      %mul3A_478 = vector.broadcast %mul3A_477 : f32 to vector<8x1024xf32>
      %mul3A_479 = arith.mulf %get3A_476, %mul3A_478 : vector<8x1024xf32>
      %exp23A_480 = math.exp2 %mul3A_479 : vector<8x1024xf32>
      %add3A_481 = arith.addf %add3A_473, %exp23A_480 : vector<8x1024xf32>
      %get3A_482 = arith.constant 472 : index
      %get3A_483 = arith.constant 0 : index
      %get3A_484 = vector.load %arg1[%get3A_482, %get3A_483] : memref<2048x1024xf32, #tpu.memory_space<vmem>>, vector<8x1024xf32>
      %mul3A_485 = arith.constant 92.3324813 : f32
      %mul3A_486 = vector.broadcast %mul3A_485 : f32 to vector<8x1024xf32>
      %mul3A_487 = arith.mulf %get3A_484, %mul3A_486 : vector<8x1024xf32>
      %exp23A_488 = math.exp2 %mul3A_487 : vector<8x1024xf32>
      %add3A_489 = arith.addf %add3A_481, %exp23A_488 : vector<8x1024xf32>
      %get3A_490 = arith.constant 480 : index
      %get3A_491 = arith.constant 0 : index
      %get3A_492 = vector.load %arg1[%get3A_490, %get3A_491] : memref<2048x1024xf32, #tpu.memory_space<vmem>>, vector<8x1024xf32>
      %mul3A_493 = arith.constant 92.3324813 : f32
      %mul3A_494 = vector.broadcast %mul3A_493 : f32 to vector<8x1024xf32>
      %mul3A_495 = arith.mulf %get3A_492, %mul3A_494 : vector<8x1024xf32>
      %exp23A_496 = math.exp2 %mul3A_495 : vector<8x1024xf32>
      %add3A_497 = arith.addf %add3A_489, %exp23A_496 : vector<8x1024xf32>
      %get3A_498 = arith.constant 488 : index
      %get3A_499 = arith.constant 0 : index
      %get3A_500 = vector.load %arg1[%get3A_498, %get3A_499] : memref<2048x1024xf32, #tpu.memory_space<vmem>>, vector<8x1024xf32>
      %mul3A_501 = arith.constant 92.3324813 : f32
      %mul3A_502 = vector.broadcast %mul3A_501 : f32 to vector<8x1024xf32>
      %mul3A_503 = arith.mulf %get3A_500, %mul3A_502 : vector<8x1024xf32>
      %exp23A_504 = math.exp2 %mul3A_503 : vector<8x1024xf32>
      %add3A_505 = arith.addf %add3A_497, %exp23A_504 : vector<8x1024xf32>
      %get3A_506 = arith.constant 496 : index
      %get3A_507 = arith.constant 0 : index
      %get3A_508 = vector.load %arg1[%get3A_506, %get3A_507] : memref<2048x1024xf32, #tpu.memory_space<vmem>>, vector<8x1024xf32>
      %mul3A_509 = arith.constant 92.3324813 : f32
      %mul3A_510 = vector.broadcast %mul3A_509 : f32 to vector<8x1024xf32>
      %mul3A_511 = arith.mulf %get3A_508, %mul3A_510 : vector<8x1024xf32>
      %exp23A_512 = math.exp2 %mul3A_511 : vector<8x1024xf32>
      %add3A_513 = arith.addf %add3A_505, %exp23A_512 : vector<8x1024xf32>
      %get3A_514 = arith.constant 504 : index
      %get3A_515 = arith.constant 0 : index
      %get3A_516 = vector.load %arg1[%get3A_514, %get3A_515] : memref<2048x1024xf32, #tpu.memory_space<vmem>>, vector<8x1024xf32>
      %mul3A_517 = arith.constant 92.3324813 : f32
      %mul3A_518 = vector.broadcast %mul3A_517 : f32 to vector<8x1024xf32>
      %mul3A_519 = arith.mulf %get3A_516, %mul3A_518 : vector<8x1024xf32>
      %exp23A_520 = math.exp2 %mul3A_519 : vector<8x1024xf32>
      %add3A_521 = arith.addf %add3A_513, %exp23A_520 : vector<8x1024xf32>
      %get3A_522 = arith.constant 512 : index
      %get3A_523 = arith.constant 0 : index
      %get3A_524 = vector.load %arg1[%get3A_522, %get3A_523] : memref<2048x1024xf32, #tpu.memory_space<vmem>>, vector<8x1024xf32>
      %mul3A_525 = arith.constant 92.3324813 : f32
      %mul3A_526 = vector.broadcast %mul3A_525 : f32 to vector<8x1024xf32>
      %mul3A_527 = arith.mulf %get3A_524, %mul3A_526 : vector<8x1024xf32>
      %exp23A_528 = math.exp2 %mul3A_527 : vector<8x1024xf32>
      %add3A_529 = arith.addf %add3A_521, %exp23A_528 : vector<8x1024xf32>
      %get3A_530 = arith.constant 520 : index
      %get3A_531 = arith.constant 0 : index
      %get3A_532 = vector.load %arg1[%get3A_530, %get3A_531] : memref<2048x1024xf32, #tpu.memory_space<vmem>>, vector<8x1024xf32>
      %mul3A_533 = arith.constant 92.3324813 : f32
      %mul3A_534 = vector.broadcast %mul3A_533 : f32 to vector<8x1024xf32>
      %mul3A_535 = arith.mulf %get3A_532, %mul3A_534 : vector<8x1024xf32>
      %exp23A_536 = math.exp2 %mul3A_535 : vector<8x1024xf32>
      %add3A_537 = arith.addf %add3A_529, %exp23A_536 : vector<8x1024xf32>
      %get3A_538 = arith.constant 528 : index
      %get3A_539 = arith.constant 0 : index
      %get3A_540 = vector.load %arg1[%get3A_538, %get3A_539] : memref<2048x1024xf32, #tpu.memory_space<vmem>>, vector<8x1024xf32>
      %mul3A_541 = arith.constant 92.3324813 : f32
      %mul3A_542 = vector.broadcast %mul3A_541 : f32 to vector<8x1024xf32>
      %mul3A_543 = arith.mulf %get3A_540, %mul3A_542 : vector<8x1024xf32>
      %exp23A_544 = math.exp2 %mul3A_543 : vector<8x1024xf32>
      %add3A_545 = arith.addf %add3A_537, %exp23A_544 : vector<8x1024xf32>
      %get3A_546 = arith.constant 536 : index
      %get3A_547 = arith.constant 0 : index
      %get3A_548 = vector.load %arg1[%get3A_546, %get3A_547] : memref<2048x1024xf32, #tpu.memory_space<vmem>>, vector<8x1024xf32>
      %mul3A_549 = arith.constant 92.3324813 : f32
      %mul3A_550 = vector.broadcast %mul3A_549 : f32 to vector<8x1024xf32>
      %mul3A_551 = arith.mulf %get3A_548, %mul3A_550 : vector<8x1024xf32>
      %exp23A_552 = math.exp2 %mul3A_551 : vector<8x1024xf32>
      %add3A_553 = arith.addf %add3A_545, %exp23A_552 : vector<8x1024xf32>
      %get3A_554 = arith.constant 544 : index
      %get3A_555 = arith.constant 0 : index
      %get3A_556 = vector.load %arg1[%get3A_554, %get3A_555] : memref<2048x1024xf32, #tpu.memory_space<vmem>>, vector<8x1024xf32>
      %mul3A_557 = arith.constant 92.3324813 : f32
      %mul3A_558 = vector.broadcast %mul3A_557 : f32 to vector<8x1024xf32>
      %mul3A_559 = arith.mulf %get3A_556, %mul3A_558 : vector<8x1024xf32>
      %exp23A_560 = math.exp2 %mul3A_559 : vector<8x1024xf32>
      %add3A_561 = arith.addf %add3A_553, %exp23A_560 : vector<8x1024xf32>
      %get3A_562 = arith.constant 552 : index
      %get3A_563 = arith.constant 0 : index
      %get3A_564 = vector.load %arg1[%get3A_562, %get3A_563] : memref<2048x1024xf32, #tpu.memory_space<vmem>>, vector<8x1024xf32>
      %mul3A_565 = arith.constant 92.3324813 : f32
      %mul3A_566 = vector.broadcast %mul3A_565 : f32 to vector<8x1024xf32>
      %mul3A_567 = arith.mulf %get3A_564, %mul3A_566 : vector<8x1024xf32>
      %exp23A_568 = math.exp2 %mul3A_567 : vector<8x1024xf32>
      %add3A_569 = arith.addf %add3A_561, %exp23A_568 : vector<8x1024xf32>
      %get3A_570 = arith.constant 560 : index
      %get3A_571 = arith.constant 0 : index
      %get3A_572 = vector.load %arg1[%get3A_570, %get3A_571] : memref<2048x1024xf32, #tpu.memory_space<vmem>>, vector<8x1024xf32>
      %mul3A_573 = arith.constant 92.3324813 : f32
      %mul3A_574 = vector.broadcast %mul3A_573 : f32 to vector<8x1024xf32>
      %mul3A_575 = arith.mulf %get3A_572, %mul3A_574 : vector<8x1024xf32>
      %exp23A_576 = math.exp2 %mul3A_575 : vector<8x1024xf32>
      %add3A_577 = arith.addf %add3A_569, %exp23A_576 : vector<8x1024xf32>
      %get3A_578 = arith.constant 568 : index
      %get3A_579 = arith.constant 0 : index
      %get3A_580 = vector.load %arg1[%get3A_578, %get3A_579] : memref<2048x1024xf32, #tpu.memory_space<vmem>>, vector<8x1024xf32>
      %mul3A_581 = arith.constant 92.3324813 : f32
      %mul3A_582 = vector.broadcast %mul3A_581 : f32 to vector<8x1024xf32>
      %mul3A_583 = arith.mulf %get3A_580, %mul3A_582 : vector<8x1024xf32>
      %exp23A_584 = math.exp2 %mul3A_583 : vector<8x1024xf32>
      %add3A_585 = arith.addf %add3A_577, %exp23A_584 : vector<8x1024xf32>
      %get3A_586 = arith.constant 576 : index
      %get3A_587 = arith.constant 0 : index
      %get3A_588 = vector.load %arg1[%get3A_586, %get3A_587] : memref<2048x1024xf32, #tpu.memory_space<vmem>>, vector<8x1024xf32>
      %mul3A_589 = arith.constant 92.3324813 : f32
      %mul3A_590 = vector.broadcast %mul3A_589 : f32 to vector<8x1024xf32>
      %mul3A_591 = arith.mulf %get3A_588, %mul3A_590 : vector<8x1024xf32>
      %exp23A_592 = math.exp2 %mul3A_591 : vector<8x1024xf32>
      %add3A_593 = arith.addf %add3A_585, %exp23A_592 : vector<8x1024xf32>
      %get3A_594 = arith.constant 584 : index
      %get3A_595 = arith.constant 0 : index
      %get3A_596 = vector.load %arg1[%get3A_594, %get3A_595] : memref<2048x1024xf32, #tpu.memory_space<vmem>>, vector<8x1024xf32>
      %mul3A_597 = arith.constant 92.3324813 : f32
      %mul3A_598 = vector.broadcast %mul3A_597 : f32 to vector<8x1024xf32>
      %mul3A_599 = arith.mulf %get3A_596, %mul3A_598 : vector<8x1024xf32>
      %exp23A_600 = math.exp2 %mul3A_599 : vector<8x1024xf32>
      %add3A_601 = arith.addf %add3A_593, %exp23A_600 : vector<8x1024xf32>
      %get3A_602 = arith.constant 592 : index
      %get3A_603 = arith.constant 0 : index
      %get3A_604 = vector.load %arg1[%get3A_602, %get3A_603] : memref<2048x1024xf32, #tpu.memory_space<vmem>>, vector<8x1024xf32>
      %mul3A_605 = arith.constant 92.3324813 : f32
      %mul3A_606 = vector.broadcast %mul3A_605 : f32 to vector<8x1024xf32>
      %mul3A_607 = arith.mulf %get3A_604, %mul3A_606 : vector<8x1024xf32>
      %exp23A_608 = math.exp2 %mul3A_607 : vector<8x1024xf32>
      %add3A_609 = arith.addf %add3A_601, %exp23A_608 : vector<8x1024xf32>
      %get3A_610 = arith.constant 600 : index
      %get3A_611 = arith.constant 0 : index
      %get3A_612 = vector.load %arg1[%get3A_610, %get3A_611] : memref<2048x1024xf32, #tpu.memory_space<vmem>>, vector<8x1024xf32>
      %mul3A_613 = arith.constant 92.3324813 : f32
      %mul3A_614 = vector.broadcast %mul3A_613 : f32 to vector<8x1024xf32>
      %mul3A_615 = arith.mulf %get3A_612, %mul3A_614 : vector<8x1024xf32>
      %exp23A_616 = math.exp2 %mul3A_615 : vector<8x1024xf32>
      %add3A_617 = arith.addf %add3A_609, %exp23A_616 : vector<8x1024xf32>
      %get3A_618 = arith.constant 608 : index
      %get3A_619 = arith.constant 0 : index
      %get3A_620 = vector.load %arg1[%get3A_618, %get3A_619] : memref<2048x1024xf32, #tpu.memory_space<vmem>>, vector<8x1024xf32>
      %mul3A_621 = arith.constant 92.3324813 : f32
      %mul3A_622 = vector.broadcast %mul3A_621 : f32 to vector<8x1024xf32>
      %mul3A_623 = arith.mulf %get3A_620, %mul3A_622 : vector<8x1024xf32>
      %exp23A_624 = math.exp2 %mul3A_623 : vector<8x1024xf32>
      %add3A_625 = arith.addf %add3A_617, %exp23A_624 : vector<8x1024xf32>
      %get3A_626 = arith.constant 616 : index
      %get3A_627 = arith.constant 0 : index
      %get3A_628 = vector.load %arg1[%get3A_626, %get3A_627] : memref<2048x1024xf32, #tpu.memory_space<vmem>>, vector<8x1024xf32>
      %mul3A_629 = arith.constant 92.3324813 : f32
      %mul3A_630 = vector.broadcast %mul3A_629 : f32 to vector<8x1024xf32>
      %mul3A_631 = arith.mulf %get3A_628, %mul3A_630 : vector<8x1024xf32>
      %exp23A_632 = math.exp2 %mul3A_631 : vector<8x1024xf32>
      %add3A_633 = arith.addf %add3A_625, %exp23A_632 : vector<8x1024xf32>
      %get3A_634 = arith.constant 624 : index
      %get3A_635 = arith.constant 0 : index
      %get3A_636 = vector.load %arg1[%get3A_634, %get3A_635] : memref<2048x1024xf32, #tpu.memory_space<vmem>>, vector<8x1024xf32>
      %mul3A_637 = arith.constant 92.3324813 : f32
      %mul3A_638 = vector.broadcast %mul3A_637 : f32 to vector<8x1024xf32>
      %mul3A_639 = arith.mulf %get3A_636, %mul3A_638 : vector<8x1024xf32>
      %exp23A_640 = math.exp2 %mul3A_639 : vector<8x1024xf32>
      %add3A_641 = arith.addf %add3A_633, %exp23A_640 : vector<8x1024xf32>
      %get3A_642 = arith.constant 632 : index
      %get3A_643 = arith.constant 0 : index
      %get3A_644 = vector.load %arg1[%get3A_642, %get3A_643] : memref<2048x1024xf32, #tpu.memory_space<vmem>>, vector<8x1024xf32>
      %mul3A_645 = arith.constant 92.3324813 : f32
      %mul3A_646 = vector.broadcast %mul3A_645 : f32 to vector<8x1024xf32>
      %mul3A_647 = arith.mulf %get3A_644, %mul3A_646 : vector<8x1024xf32>
      %exp23A_648 = math.exp2 %mul3A_647 : vector<8x1024xf32>
      %add3A_649 = arith.addf %add3A_641, %exp23A_648 : vector<8x1024xf32>
      %get3A_650 = arith.constant 640 : index
      %get3A_651 = arith.constant 0 : index
      %get3A_652 = vector.load %arg1[%get3A_650, %get3A_651] : memref<2048x1024xf32, #tpu.memory_space<vmem>>, vector<8x1024xf32>
      %mul3A_653 = arith.constant 92.3324813 : f32
      %mul3A_654 = vector.broadcast %mul3A_653 : f32 to vector<8x1024xf32>
      %mul3A_655 = arith.mulf %get3A_652, %mul3A_654 : vector<8x1024xf32>
      %exp23A_656 = math.exp2 %mul3A_655 : vector<8x1024xf32>
      %add3A_657 = arith.addf %add3A_649, %exp23A_656 : vector<8x1024xf32>
      %get3A_658 = arith.constant 648 : index
      %get3A_659 = arith.constant 0 : index
      %get3A_660 = vector.load %arg1[%get3A_658, %get3A_659] : memref<2048x1024xf32, #tpu.memory_space<vmem>>, vector<8x1024xf32>
      %mul3A_661 = arith.constant 92.3324813 : f32
      %mul3A_662 = vector.broadcast %mul3A_661 : f32 to vector<8x1024xf32>
      %mul3A_663 = arith.mulf %get3A_660, %mul3A_662 : vector<8x1024xf32>
      %exp23A_664 = math.exp2 %mul3A_663 : vector<8x1024xf32>
      %add3A_665 = arith.addf %add3A_657, %exp23A_664 : vector<8x1024xf32>
      %get3A_666 = arith.constant 656 : index
      %get3A_667 = arith.constant 0 : index
      %get3A_668 = vector.load %arg1[%get3A_666, %get3A_667] : memref<2048x1024xf32, #tpu.memory_space<vmem>>, vector<8x1024xf32>
      %mul3A_669 = arith.constant 92.3324813 : f32
      %mul3A_670 = vector.broadcast %mul3A_669 : f32 to vector<8x1024xf32>
      %mul3A_671 = arith.mulf %get3A_668, %mul3A_670 : vector<8x1024xf32>
      %exp23A_672 = math.exp2 %mul3A_671 : vector<8x1024xf32>
      %add3A_673 = arith.addf %add3A_665, %exp23A_672 : vector<8x1024xf32>
      %get3A_674 = arith.constant 664 : index
      %get3A_675 = arith.constant 0 : index
      %get3A_676 = vector.load %arg1[%get3A_674, %get3A_675] : memref<2048x1024xf32, #tpu.memory_space<vmem>>, vector<8x1024xf32>
      %mul3A_677 = arith.constant 92.3324813 : f32
      %mul3A_678 = vector.broadcast %mul3A_677 : f32 to vector<8x1024xf32>
      %mul3A_679 = arith.mulf %get3A_676, %mul3A_678 : vector<8x1024xf32>
      %exp23A_680 = math.exp2 %mul3A_679 : vector<8x1024xf32>
      %add3A_681 = arith.addf %add3A_673, %exp23A_680 : vector<8x1024xf32>
      %get3A_682 = arith.constant 672 : index
      %get3A_683 = arith.constant 0 : index
      %get3A_684 = vector.load %arg1[%get3A_682, %get3A_683] : memref<2048x1024xf32, #tpu.memory_space<vmem>>, vector<8x1024xf32>
      %mul3A_685 = arith.constant 92.3324813 : f32
      %mul3A_686 = vector.broadcast %mul3A_685 : f32 to vector<8x1024xf32>
      %mul3A_687 = arith.mulf %get3A_684, %mul3A_686 : vector<8x1024xf32>
      %exp23A_688 = math.exp2 %mul3A_687 : vector<8x1024xf32>
      %add3A_689 = arith.addf %add3A_681, %exp23A_688 : vector<8x1024xf32>
      %get3A_690 = arith.constant 680 : index
      %get3A_691 = arith.constant 0 : index
      %get3A_692 = vector.load %arg1[%get3A_690, %get3A_691] : memref<2048x1024xf32, #tpu.memory_space<vmem>>, vector<8x1024xf32>
      %mul3A_693 = arith.constant 92.3324813 : f32
      %mul3A_694 = vector.broadcast %mul3A_693 : f32 to vector<8x1024xf32>
      %mul3A_695 = arith.mulf %get3A_692, %mul3A_694 : vector<8x1024xf32>
      %exp23A_696 = math.exp2 %mul3A_695 : vector<8x1024xf32>
      %add3A_697 = arith.addf %add3A_689, %exp23A_696 : vector<8x1024xf32>
      %get3A_698 = arith.constant 688 : index
      %get3A_699 = arith.constant 0 : index
      %get3A_700 = vector.load %arg1[%get3A_698, %get3A_699] : memref<2048x1024xf32, #tpu.memory_space<vmem>>, vector<8x1024xf32>
      %mul3A_701 = arith.constant 92.3324813 : f32
      %mul3A_702 = vector.broadcast %mul3A_701 : f32 to vector<8x1024xf32>
      %mul3A_703 = arith.mulf %get3A_700, %mul3A_702 : vector<8x1024xf32>
      %exp23A_704 = math.exp2 %mul3A_703 : vector<8x1024xf32>
      %add3A_705 = arith.addf %add3A_697, %exp23A_704 : vector<8x1024xf32>
      %get3A_706 = arith.constant 696 : index
      %get3A_707 = arith.constant 0 : index
      %get3A_708 = vector.load %arg1[%get3A_706, %get3A_707] : memref<2048x1024xf32, #tpu.memory_space<vmem>>, vector<8x1024xf32>
      %mul3A_709 = arith.constant 92.3324813 : f32
      %mul3A_710 = vector.broadcast %mul3A_709 : f32 to vector<8x1024xf32>
      %mul3A_711 = arith.mulf %get3A_708, %mul3A_710 : vector<8x1024xf32>
      %exp23A_712 = math.exp2 %mul3A_711 : vector<8x1024xf32>
      %add3A_713 = arith.addf %add3A_705, %exp23A_712 : vector<8x1024xf32>
      %get3A_714 = arith.constant 704 : index
      %get3A_715 = arith.constant 0 : index
      %get3A_716 = vector.load %arg1[%get3A_714, %get3A_715] : memref<2048x1024xf32, #tpu.memory_space<vmem>>, vector<8x1024xf32>
      %mul3A_717 = arith.constant 92.3324813 : f32
      %mul3A_718 = vector.broadcast %mul3A_717 : f32 to vector<8x1024xf32>
      %mul3A_719 = arith.mulf %get3A_716, %mul3A_718 : vector<8x1024xf32>
      %exp23A_720 = math.exp2 %mul3A_719 : vector<8x1024xf32>
      %add3A_721 = arith.addf %add3A_713, %exp23A_720 : vector<8x1024xf32>
      %get3A_722 = arith.constant 712 : index
      %get3A_723 = arith.constant 0 : index
      %get3A_724 = vector.load %arg1[%get3A_722, %get3A_723] : memref<2048x1024xf32, #tpu.memory_space<vmem>>, vector<8x1024xf32>
      %mul3A_725 = arith.constant 92.3324813 : f32
      %mul3A_726 = vector.broadcast %mul3A_725 : f32 to vector<8x1024xf32>
      %mul3A_727 = arith.mulf %get3A_724, %mul3A_726 : vector<8x1024xf32>
      %exp23A_728 = math.exp2 %mul3A_727 : vector<8x1024xf32>
      %add3A_729 = arith.addf %add3A_721, %exp23A_728 : vector<8x1024xf32>
      %get3A_730 = arith.constant 720 : index
      %get3A_731 = arith.constant 0 : index
      %get3A_732 = vector.load %arg1[%get3A_730, %get3A_731] : memref<2048x1024xf32, #tpu.memory_space<vmem>>, vector<8x1024xf32>
      %mul3A_733 = arith.constant 92.3324813 : f32
      %mul3A_734 = vector.broadcast %mul3A_733 : f32 to vector<8x1024xf32>
      %mul3A_735 = arith.mulf %get3A_732, %mul3A_734 : vector<8x1024xf32>
      %exp23A_736 = math.exp2 %mul3A_735 : vector<8x1024xf32>
      %add3A_737 = arith.addf %add3A_729, %exp23A_736 : vector<8x1024xf32>
      %get3A_738 = arith.constant 728 : index
      %get3A_739 = arith.constant 0 : index
      %get3A_740 = vector.load %arg1[%get3A_738, %get3A_739] : memref<2048x1024xf32, #tpu.memory_space<vmem>>, vector<8x1024xf32>
      %mul3A_741 = arith.constant 92.3324813 : f32
      %mul3A_742 = vector.broadcast %mul3A_741 : f32 to vector<8x1024xf32>
      %mul3A_743 = arith.mulf %get3A_740, %mul3A_742 : vector<8x1024xf32>
      %exp23A_744 = math.exp2 %mul3A_743 : vector<8x1024xf32>
      %add3A_745 = arith.addf %add3A_737, %exp23A_744 : vector<8x1024xf32>
      %get3A_746 = arith.constant 736 : index
      %get3A_747 = arith.constant 0 : index
      %get3A_748 = vector.load %arg1[%get3A_746, %get3A_747] : memref<2048x1024xf32, #tpu.memory_space<vmem>>, vector<8x1024xf32>
      %mul3A_749 = arith.constant 92.3324813 : f32
      %mul3A_750 = vector.broadcast %mul3A_749 : f32 to vector<8x1024xf32>
      %mul3A_751 = arith.mulf %get3A_748, %mul3A_750 : vector<8x1024xf32>
      %exp23A_752 = math.exp2 %mul3A_751 : vector<8x1024xf32>
      %add3A_753 = arith.addf %add3A_745, %exp23A_752 : vector<8x1024xf32>
      %get3A_754 = arith.constant 744 : index
      %get3A_755 = arith.constant 0 : index
      %get3A_756 = vector.load %arg1[%get3A_754, %get3A_755] : memref<2048x1024xf32, #tpu.memory_space<vmem>>, vector<8x1024xf32>
      %mul3A_757 = arith.constant 92.3324813 : f32
      %mul3A_758 = vector.broadcast %mul3A_757 : f32 to vector<8x1024xf32>
      %mul3A_759 = arith.mulf %get3A_756, %mul3A_758 : vector<8x1024xf32>
      %exp23A_760 = math.exp2 %mul3A_759 : vector<8x1024xf32>
      %add3A_761 = arith.addf %add3A_753, %exp23A_760 : vector<8x1024xf32>
      %get3A_762 = arith.constant 752 : index
      %get3A_763 = arith.constant 0 : index
      %get3A_764 = vector.load %arg1[%get3A_762, %get3A_763] : memref<2048x1024xf32, #tpu.memory_space<vmem>>, vector<8x1024xf32>
      %mul3A_765 = arith.constant 92.3324813 : f32
      %mul3A_766 = vector.broadcast %mul3A_765 : f32 to vector<8x1024xf32>
      %mul3A_767 = arith.mulf %get3A_764, %mul3A_766 : vector<8x1024xf32>
      %exp23A_768 = math.exp2 %mul3A_767 : vector<8x1024xf32>
      %add3A_769 = arith.addf %add3A_761, %exp23A_768 : vector<8x1024xf32>
      %get3A_770 = arith.constant 760 : index
      %get3A_771 = arith.constant 0 : index
      %get3A_772 = vector.load %arg1[%get3A_770, %get3A_771] : memref<2048x1024xf32, #tpu.memory_space<vmem>>, vector<8x1024xf32>
      %mul3A_773 = arith.constant 92.3324813 : f32
      %mul3A_774 = vector.broadcast %mul3A_773 : f32 to vector<8x1024xf32>
      %mul3A_775 = arith.mulf %get3A_772, %mul3A_774 : vector<8x1024xf32>
      %exp23A_776 = math.exp2 %mul3A_775 : vector<8x1024xf32>
      %add3A_777 = arith.addf %add3A_769, %exp23A_776 : vector<8x1024xf32>
      %get3A_778 = arith.constant 768 : index
      %get3A_779 = arith.constant 0 : index
      %get3A_780 = vector.load %arg1[%get3A_778, %get3A_779] : memref<2048x1024xf32, #tpu.memory_space<vmem>>, vector<8x1024xf32>
      %mul3A_781 = arith.constant 92.3324813 : f32
      %mul3A_782 = vector.broadcast %mul3A_781 : f32 to vector<8x1024xf32>
      %mul3A_783 = arith.mulf %get3A_780, %mul3A_782 : vector<8x1024xf32>
      %exp23A_784 = math.exp2 %mul3A_783 : vector<8x1024xf32>
      %add3A_785 = arith.addf %add3A_777, %exp23A_784 : vector<8x1024xf32>
      %get3A_786 = arith.constant 776 : index
      %get3A_787 = arith.constant 0 : index
      %get3A_788 = vector.load %arg1[%get3A_786, %get3A_787] : memref<2048x1024xf32, #tpu.memory_space<vmem>>, vector<8x1024xf32>
      %mul3A_789 = arith.constant 92.3324813 : f32
      %mul3A_790 = vector.broadcast %mul3A_789 : f32 to vector<8x1024xf32>
      %mul3A_791 = arith.mulf %get3A_788, %mul3A_790 : vector<8x1024xf32>
      %exp23A_792 = math.exp2 %mul3A_791 : vector<8x1024xf32>
      %add3A_793 = arith.addf %add3A_785, %exp23A_792 : vector<8x1024xf32>
      %get3A_794 = arith.constant 784 : index
      %get3A_795 = arith.constant 0 : index
      %get3A_796 = vector.load %arg1[%get3A_794, %get3A_795] : memref<2048x1024xf32, #tpu.memory_space<vmem>>, vector<8x1024xf32>
      %mul3A_797 = arith.constant 92.3324813 : f32
      %mul3A_798 = vector.broadcast %mul3A_797 : f32 to vector<8x1024xf32>
      %mul3A_799 = arith.mulf %get3A_796, %mul3A_798 : vector<8x1024xf32>
      %exp23A_800 = math.exp2 %mul3A_799 : vector<8x1024xf32>
      %add3A_801 = arith.addf %add3A_793, %exp23A_800 : vector<8x1024xf32>
      %get3A_802 = arith.constant 792 : index
      %get3A_803 = arith.constant 0 : index
      %get3A_804 = vector.load %arg1[%get3A_802, %get3A_803] : memref<2048x1024xf32, #tpu.memory_space<vmem>>, vector<8x1024xf32>
      %mul3A_805 = arith.constant 92.3324813 : f32
      %mul3A_806 = vector.broadcast %mul3A_805 : f32 to vector<8x1024xf32>
      %mul3A_807 = arith.mulf %get3A_804, %mul3A_806 : vector<8x1024xf32>
      %exp23A_808 = math.exp2 %mul3A_807 : vector<8x1024xf32>
      %add3A_809 = arith.addf %add3A_801, %exp23A_808 : vector<8x1024xf32>
      %get3A_810 = arith.constant 800 : index
      %get3A_811 = arith.constant 0 : index
      %get3A_812 = vector.load %arg1[%get3A_810, %get3A_811] : memref<2048x1024xf32, #tpu.memory_space<vmem>>, vector<8x1024xf32>
      %mul3A_813 = arith.constant 92.3324813 : f32
      %mul3A_814 = vector.broadcast %mul3A_813 : f32 to vector<8x1024xf32>
      %mul3A_815 = arith.mulf %get3A_812, %mul3A_814 : vector<8x1024xf32>
      %exp23A_816 = math.exp2 %mul3A_815 : vector<8x1024xf32>
      %add3A_817 = arith.addf %add3A_809, %exp23A_816 : vector<8x1024xf32>
      %get3A_818 = arith.constant 808 : index
      %get3A_819 = arith.constant 0 : index
      %get3A_820 = vector.load %arg1[%get3A_818, %get3A_819] : memref<2048x1024xf32, #tpu.memory_space<vmem>>, vector<8x1024xf32>
      %mul3A_821 = arith.constant 92.3324813 : f32
      %mul3A_822 = vector.broadcast %mul3A_821 : f32 to vector<8x1024xf32>
      %mul3A_823 = arith.mulf %get3A_820, %mul3A_822 : vector<8x1024xf32>
      %exp23A_824 = math.exp2 %mul3A_823 : vector<8x1024xf32>
      %add3A_825 = arith.addf %add3A_817, %exp23A_824 : vector<8x1024xf32>
      %get3A_826 = arith.constant 816 : index
      %get3A_827 = arith.constant 0 : index
      %get3A_828 = vector.load %arg1[%get3A_826, %get3A_827] : memref<2048x1024xf32, #tpu.memory_space<vmem>>, vector<8x1024xf32>
      %mul3A_829 = arith.constant 92.3324813 : f32
      %mul3A_830 = vector.broadcast %mul3A_829 : f32 to vector<8x1024xf32>
      %mul3A_831 = arith.mulf %get3A_828, %mul3A_830 : vector<8x1024xf32>
      %exp23A_832 = math.exp2 %mul3A_831 : vector<8x1024xf32>
      %add3A_833 = arith.addf %add3A_825, %exp23A_832 : vector<8x1024xf32>
      %get3A_834 = arith.constant 824 : index
      %get3A_835 = arith.constant 0 : index
      %get3A_836 = vector.load %arg1[%get3A_834, %get3A_835] : memref<2048x1024xf32, #tpu.memory_space<vmem>>, vector<8x1024xf32>
      %mul3A_837 = arith.constant 92.3324813 : f32
      %mul3A_838 = vector.broadcast %mul3A_837 : f32 to vector<8x1024xf32>
      %mul3A_839 = arith.mulf %get3A_836, %mul3A_838 : vector<8x1024xf32>
      %exp23A_840 = math.exp2 %mul3A_839 : vector<8x1024xf32>
      %add3A_841 = arith.addf %add3A_833, %exp23A_840 : vector<8x1024xf32>
      %get3A_842 = arith.constant 832 : index
      %get3A_843 = arith.constant 0 : index
      %get3A_844 = vector.load %arg1[%get3A_842, %get3A_843] : memref<2048x1024xf32, #tpu.memory_space<vmem>>, vector<8x1024xf32>
      %mul3A_845 = arith.constant 92.3324813 : f32
      %mul3A_846 = vector.broadcast %mul3A_845 : f32 to vector<8x1024xf32>
      %mul3A_847 = arith.mulf %get3A_844, %mul3A_846 : vector<8x1024xf32>
      %exp23A_848 = math.exp2 %mul3A_847 : vector<8x1024xf32>
      %add3A_849 = arith.addf %add3A_841, %exp23A_848 : vector<8x1024xf32>
      %get3A_850 = arith.constant 840 : index
      %get3A_851 = arith.constant 0 : index
      %get3A_852 = vector.load %arg1[%get3A_850, %get3A_851] : memref<2048x1024xf32, #tpu.memory_space<vmem>>, vector<8x1024xf32>
      %mul3A_853 = arith.constant 92.3324813 : f32
      %mul3A_854 = vector.broadcast %mul3A_853 : f32 to vector<8x1024xf32>
      %mul3A_855 = arith.mulf %get3A_852, %mul3A_854 : vector<8x1024xf32>
      %exp23A_856 = math.exp2 %mul3A_855 : vector<8x1024xf32>
      %add3A_857 = arith.addf %add3A_849, %exp23A_856 : vector<8x1024xf32>
      %get3A_858 = arith.constant 848 : index
      %get3A_859 = arith.constant 0 : index
      %get3A_860 = vector.load %arg1[%get3A_858, %get3A_859] : memref<2048x1024xf32, #tpu.memory_space<vmem>>, vector<8x1024xf32>
      %mul3A_861 = arith.constant 92.3324813 : f32
      %mul3A_862 = vector.broadcast %mul3A_861 : f32 to vector<8x1024xf32>
      %mul3A_863 = arith.mulf %get3A_860, %mul3A_862 : vector<8x1024xf32>
      %exp23A_864 = math.exp2 %mul3A_863 : vector<8x1024xf32>
      %add3A_865 = arith.addf %add3A_857, %exp23A_864 : vector<8x1024xf32>
      %get3A_866 = arith.constant 856 : index
      %get3A_867 = arith.constant 0 : index
      %get3A_868 = vector.load %arg1[%get3A_866, %get3A_867] : memref<2048x1024xf32, #tpu.memory_space<vmem>>, vector<8x1024xf32>
      %mul3A_869 = arith.constant 92.3324813 : f32
      %mul3A_870 = vector.broadcast %mul3A_869 : f32 to vector<8x1024xf32>
      %mul3A_871 = arith.mulf %get3A_868, %mul3A_870 : vector<8x1024xf32>
      %exp23A_872 = math.exp2 %mul3A_871 : vector<8x1024xf32>
      %add3A_873 = arith.addf %add3A_865, %exp23A_872 : vector<8x1024xf32>
      %get3A_874 = arith.constant 864 : index
      %get3A_875 = arith.constant 0 : index
      %get3A_876 = vector.load %arg1[%get3A_874, %get3A_875] : memref<2048x1024xf32, #tpu.memory_space<vmem>>, vector<8x1024xf32>
      %mul3A_877 = arith.constant 92.3324813 : f32
      %mul3A_878 = vector.broadcast %mul3A_877 : f32 to vector<8x1024xf32>
      %mul3A_879 = arith.mulf %get3A_876, %mul3A_878 : vector<8x1024xf32>
      %exp23A_880 = math.exp2 %mul3A_879 : vector<8x1024xf32>
      %add3A_881 = arith.addf %add3A_873, %exp23A_880 : vector<8x1024xf32>
      %get3A_882 = arith.constant 872 : index
      %get3A_883 = arith.constant 0 : index
      %get3A_884 = vector.load %arg1[%get3A_882, %get3A_883] : memref<2048x1024xf32, #tpu.memory_space<vmem>>, vector<8x1024xf32>
      %mul3A_885 = arith.constant 92.3324813 : f32
      %mul3A_886 = vector.broadcast %mul3A_885 : f32 to vector<8x1024xf32>
      %mul3A_887 = arith.mulf %get3A_884, %mul3A_886 : vector<8x1024xf32>
      %exp23A_888 = math.exp2 %mul3A_887 : vector<8x1024xf32>
      %add3A_889 = arith.addf %add3A_881, %exp23A_888 : vector<8x1024xf32>
      %get3A_890 = arith.constant 880 : index
      %get3A_891 = arith.constant 0 : index
      %get3A_892 = vector.load %arg1[%get3A_890, %get3A_891] : memref<2048x1024xf32, #tpu.memory_space<vmem>>, vector<8x1024xf32>
      %mul3A_893 = arith.constant 92.3324813 : f32
      %mul3A_894 = vector.broadcast %mul3A_893 : f32 to vector<8x1024xf32>
      %mul3A_895 = arith.mulf %get3A_892, %mul3A_894 : vector<8x1024xf32>
      %exp23A_896 = math.exp2 %mul3A_895 : vector<8x1024xf32>
      %add3A_897 = arith.addf %add3A_889, %exp23A_896 : vector<8x1024xf32>
      %get3A_898 = arith.constant 888 : index
      %get3A_899 = arith.constant 0 : index
      %get3A_900 = vector.load %arg1[%get3A_898, %get3A_899] : memref<2048x1024xf32, #tpu.memory_space<vmem>>, vector<8x1024xf32>
      %mul3A_901 = arith.constant 92.3324813 : f32
      %mul3A_902 = vector.broadcast %mul3A_901 : f32 to vector<8x1024xf32>
      %mul3A_903 = arith.mulf %get3A_900, %mul3A_902 : vector<8x1024xf32>
      %exp23A_904 = math.exp2 %mul3A_903 : vector<8x1024xf32>
      %add3A_905 = arith.addf %add3A_897, %exp23A_904 : vector<8x1024xf32>
      %get3A_906 = arith.constant 896 : index
      %get3A_907 = arith.constant 0 : index
      %get3A_908 = vector.load %arg1[%get3A_906, %get3A_907] : memref<2048x1024xf32, #tpu.memory_space<vmem>>, vector<8x1024xf32>
      %mul3A_909 = arith.constant 92.3324813 : f32
      %mul3A_910 = vector.broadcast %mul3A_909 : f32 to vector<8x1024xf32>
      %mul3A_911 = arith.mulf %get3A_908, %mul3A_910 : vector<8x1024xf32>
      %exp23A_912 = math.exp2 %mul3A_911 : vector<8x1024xf32>
      %add3A_913 = arith.addf %add3A_905, %exp23A_912 : vector<8x1024xf32>
      %get3A_914 = arith.constant 904 : index
      %get3A_915 = arith.constant 0 : index
      %get3A_916 = vector.load %arg1[%get3A_914, %get3A_915] : memref<2048x1024xf32, #tpu.memory_space<vmem>>, vector<8x1024xf32>
      %mul3A_917 = arith.constant 92.3324813 : f32
      %mul3A_918 = vector.broadcast %mul3A_917 : f32 to vector<8x1024xf32>
      %mul3A_919 = arith.mulf %get3A_916, %mul3A_918 : vector<8x1024xf32>
      %exp23A_920 = math.exp2 %mul3A_919 : vector<8x1024xf32>
      %add3A_921 = arith.addf %add3A_913, %exp23A_920 : vector<8x1024xf32>
      %get3A_922 = arith.constant 912 : index
      %get3A_923 = arith.constant 0 : index
      %get3A_924 = vector.load %arg1[%get3A_922, %get3A_923] : memref<2048x1024xf32, #tpu.memory_space<vmem>>, vector<8x1024xf32>
      %mul3A_925 = arith.constant 92.3324813 : f32
      %mul3A_926 = vector.broadcast %mul3A_925 : f32 to vector<8x1024xf32>
      %mul3A_927 = arith.mulf %get3A_924, %mul3A_926 : vector<8x1024xf32>
      %exp23A_928 = math.exp2 %mul3A_927 : vector<8x1024xf32>
      %add3A_929 = arith.addf %add3A_921, %exp23A_928 : vector<8x1024xf32>
      %get3A_930 = arith.constant 920 : index
      %get3A_931 = arith.constant 0 : index
      %get3A_932 = vector.load %arg1[%get3A_930, %get3A_931] : memref<2048x1024xf32, #tpu.memory_space<vmem>>, vector<8x1024xf32>
      %mul3A_933 = arith.constant 92.3324813 : f32
      %mul3A_934 = vector.broadcast %mul3A_933 : f32 to vector<8x1024xf32>
      %mul3A_935 = arith.mulf %get3A_932, %mul3A_934 : vector<8x1024xf32>
      %exp23A_936 = math.exp2 %mul3A_935 : vector<8x1024xf32>
      %add3A_937 = arith.addf %add3A_929, %exp23A_936 : vector<8x1024xf32>
      %get3A_938 = arith.constant 928 : index
      %get3A_939 = arith.constant 0 : index
      %get3A_940 = vector.load %arg1[%get3A_938, %get3A_939] : memref<2048x1024xf32, #tpu.memory_space<vmem>>, vector<8x1024xf32>
      %mul3A_941 = arith.constant 92.3324813 : f32
      %mul3A_942 = vector.broadcast %mul3A_941 : f32 to vector<8x1024xf32>
      %mul3A_943 = arith.mulf %get3A_940, %mul3A_942 : vector<8x1024xf32>
      %exp23A_944 = math.exp2 %mul3A_943 : vector<8x1024xf32>
      %add3A_945 = arith.addf %add3A_937, %exp23A_944 : vector<8x1024xf32>
      %get3A_946 = arith.constant 936 : index
      %get3A_947 = arith.constant 0 : index
      %get3A_948 = vector.load %arg1[%get3A_946, %get3A_947] : memref<2048x1024xf32, #tpu.memory_space<vmem>>, vector<8x1024xf32>
      %mul3A_949 = arith.constant 92.3324813 : f32
      %mul3A_950 = vector.broadcast %mul3A_949 : f32 to vector<8x1024xf32>
      %mul3A_951 = arith.mulf %get3A_948, %mul3A_950 : vector<8x1024xf32>
      %exp23A_952 = math.exp2 %mul3A_951 : vector<8x1024xf32>
      %add3A_953 = arith.addf %add3A_945, %exp23A_952 : vector<8x1024xf32>
      %get3A_954 = arith.constant 944 : index
      %get3A_955 = arith.constant 0 : index
      %get3A_956 = vector.load %arg1[%get3A_954, %get3A_955] : memref<2048x1024xf32, #tpu.memory_space<vmem>>, vector<8x1024xf32>
      %mul3A_957 = arith.constant 92.3324813 : f32
      %mul3A_958 = vector.broadcast %mul3A_957 : f32 to vector<8x1024xf32>
      %mul3A_959 = arith.mulf %get3A_956, %mul3A_958 : vector<8x1024xf32>
      %exp23A_960 = math.exp2 %mul3A_959 : vector<8x1024xf32>
      %add3A_961 = arith.addf %add3A_953, %exp23A_960 : vector<8x1024xf32>
      %get3A_962 = arith.constant 952 : index
      %get3A_963 = arith.constant 0 : index
      %get3A_964 = vector.load %arg1[%get3A_962, %get3A_963] : memref<2048x1024xf32, #tpu.memory_space<vmem>>, vector<8x1024xf32>
      %mul3A_965 = arith.constant 92.3324813 : f32
      %mul3A_966 = vector.broadcast %mul3A_965 : f32 to vector<8x1024xf32>
      %mul3A_967 = arith.mulf %get3A_964, %mul3A_966 : vector<8x1024xf32>
      %exp23A_968 = math.exp2 %mul3A_967 : vector<8x1024xf32>
      %add3A_969 = arith.addf %add3A_961, %exp23A_968 : vector<8x1024xf32>
      %get3A_970 = arith.constant 960 : index
      %get3A_971 = arith.constant 0 : index
      %get3A_972 = vector.load %arg1[%get3A_970, %get3A_971] : memref<2048x1024xf32, #tpu.memory_space<vmem>>, vector<8x1024xf32>
      %mul3A_973 = arith.constant 92.3324813 : f32
      %mul3A_974 = vector.broadcast %mul3A_973 : f32 to vector<8x1024xf32>
      %mul3A_975 = arith.mulf %get3A_972, %mul3A_974 : vector<8x1024xf32>
      %exp23A_976 = math.exp2 %mul3A_975 : vector<8x1024xf32>
      %add3A_977 = arith.addf %add3A_969, %exp23A_976 : vector<8x1024xf32>
      %get3A_978 = arith.constant 968 : index
      %get3A_979 = arith.constant 0 : index
      %get3A_980 = vector.load %arg1[%get3A_978, %get3A_979] : memref<2048x1024xf32, #tpu.memory_space<vmem>>, vector<8x1024xf32>
      %mul3A_981 = arith.constant 92.3324813 : f32
      %mul3A_982 = vector.broadcast %mul3A_981 : f32 to vector<8x1024xf32>
      %mul3A_983 = arith.mulf %get3A_980, %mul3A_982 : vector<8x1024xf32>
      %exp23A_984 = math.exp2 %mul3A_983 : vector<8x1024xf32>
      %add3A_985 = arith.addf %add3A_977, %exp23A_984 : vector<8x1024xf32>
      %get3A_986 = arith.constant 976 : index
      %get3A_987 = arith.constant 0 : index
      %get3A_988 = vector.load %arg1[%get3A_986, %get3A_987] : memref<2048x1024xf32, #tpu.memory_space<vmem>>, vector<8x1024xf32>
      %mul3A_989 = arith.constant 92.3324813 : f32
      %mul3A_990 = vector.broadcast %mul3A_989 : f32 to vector<8x1024xf32>
      %mul3A_991 = arith.mulf %get3A_988, %mul3A_990 : vector<8x1024xf32>
      %exp23A_992 = math.exp2 %mul3A_991 : vector<8x1024xf32>
      %add3A_993 = arith.addf %add3A_985, %exp23A_992 : vector<8x1024xf32>
      %get3A_994 = arith.constant 984 : index
      %get3A_995 = arith.constant 0 : index
      %get3A_996 = vector.load %arg1[%get3A_994, %get3A_995] : memref<2048x1024xf32, #tpu.memory_space<vmem>>, vector<8x1024xf32>
      %mul3A_997 = arith.constant 92.3324813 : f32
      %mul3A_998 = vector.broadcast %mul3A_997 : f32 to vector<8x1024xf32>
      %mul3A_999 = arith.mulf %get3A_996, %mul3A_998 : vector<8x1024xf32>
      %exp23A_1000 = math.exp2 %mul3A_999 : vector<8x1024xf32>
      %add3A_1001 = arith.addf %add3A_993, %exp23A_1000 : vector<8x1024xf32>
      %get3A_1002 = arith.constant 992 : index
      %get3A_1003 = arith.constant 0 : index
      %get3A_1004 = vector.load %arg1[%get3A_1002, %get3A_1003] : memref<2048x1024xf32, #tpu.memory_space<vmem>>, vector<8x1024xf32>
      %mul3A_1005 = arith.constant 92.3324813 : f32
      %mul3A_1006 = vector.broadcast %mul3A_1005 : f32 to vector<8x1024xf32>
      %mul3A_1007 = arith.mulf %get3A_1004, %mul3A_1006 : vector<8x1024xf32>
      %exp23A_1008 = math.exp2 %mul3A_1007 : vector<8x1024xf32>
      %add3A_1009 = arith.addf %add3A_1001, %exp23A_1008 : vector<8x1024xf32>
      %get3A_1010 = arith.constant 1000 : index
      %get3A_1011 = arith.constant 0 : index
      %get3A_1012 = vector.load %arg1[%get3A_1010, %get3A_1011] : memref<2048x1024xf32, #tpu.memory_space<vmem>>, vector<8x1024xf32>
      %mul3A_1013 = arith.constant 92.3324813 : f32
      %mul3A_1014 = vector.broadcast %mul3A_1013 : f32 to vector<8x1024xf32>
      %mul3A_1015 = arith.mulf %get3A_1012, %mul3A_1014 : vector<8x1024xf32>
      %exp23A_1016 = math.exp2 %mul3A_1015 : vector<8x1024xf32>
      %add3A_1017 = arith.addf %add3A_1009, %exp23A_1016 : vector<8x1024xf32>
      %get3A_1018 = arith.constant 1008 : index
      %get3A_1019 = arith.constant 0 : index
      %get3A_1020 = vector.load %arg1[%get3A_1018, %get3A_1019] : memref<2048x1024xf32, #tpu.memory_space<vmem>>, vector<8x1024xf32>
      %mul3A_1021 = arith.constant 92.3324813 : f32
      %mul3A_1022 = vector.broadcast %mul3A_1021 : f32 to vector<8x1024xf32>
      %mul3A_1023 = arith.mulf %get3A_1020, %mul3A_1022 : vector<8x1024xf32>
      %exp23A_1024 = math.exp2 %mul3A_1023 : vector<8x1024xf32>
      %add3A_1025 = arith.addf %add3A_1017, %exp23A_1024 : vector<8x1024xf32>
      %get3A_1026 = arith.constant 1016 : index
      %get3A_1027 = arith.constant 0 : index
      %get3A_1028 = vector.load %arg1[%get3A_1026, %get3A_1027] : memref<2048x1024xf32, #tpu.memory_space<vmem>>, vector<8x1024xf32>
      %mul3A_1029 = arith.constant 92.3324813 : f32
      %mul3A_1030 = vector.broadcast %mul3A_1029 : f32 to vector<8x1024xf32>
      %mul3A_1031 = arith.mulf %get3A_1028, %mul3A_1030 : vector<8x1024xf32>
      %exp23A_1032 = math.exp2 %mul3A_1031 : vector<8x1024xf32>
      %add3A_1033 = arith.addf %add3A_1025, %exp23A_1032 : vector<8x1024xf32>
      %get3A_1034 = arith.constant 1024 : index
      %get3A_1035 = arith.constant 0 : index
      %get3A_1036 = vector.load %arg1[%get3A_1034, %get3A_1035] : memref<2048x1024xf32, #tpu.memory_space<vmem>>, vector<8x1024xf32>
      %mul3A_1037 = arith.constant 92.3324813 : f32
      %mul3A_1038 = vector.broadcast %mul3A_1037 : f32 to vector<8x1024xf32>
      %mul3A_1039 = arith.mulf %get3A_1036, %mul3A_1038 : vector<8x1024xf32>
      %exp23A_1040 = math.exp2 %mul3A_1039 : vector<8x1024xf32>
      %add3A_1041 = arith.addf %add3A_1033, %exp23A_1040 : vector<8x1024xf32>
      %get3A_1042 = arith.constant 1032 : index
      %get3A_1043 = arith.constant 0 : index
      %get3A_1044 = vector.load %arg1[%get3A_1042, %get3A_1043] : memref<2048x1024xf32, #tpu.memory_space<vmem>>, vector<8x1024xf32>
      %mul3A_1045 = arith.constant 92.3324813 : f32
      %mul3A_1046 = vector.broadcast %mul3A_1045 : f32 to vector<8x1024xf32>
      %mul3A_1047 = arith.mulf %get3A_1044, %mul3A_1046 : vector<8x1024xf32>
      %exp23A_1048 = math.exp2 %mul3A_1047 : vector<8x1024xf32>
      %add3A_1049 = arith.addf %add3A_1041, %exp23A_1048 : vector<8x1024xf32>
      %get3A_1050 = arith.constant 1040 : index
      %get3A_1051 = arith.constant 0 : index
      %get3A_1052 = vector.load %arg1[%get3A_1050, %get3A_1051] : memref<2048x1024xf32, #tpu.memory_space<vmem>>, vector<8x1024xf32>
      %mul3A_1053 = arith.constant 92.3324813 : f32
      %mul3A_1054 = vector.broadcast %mul3A_1053 : f32 to vector<8x1024xf32>
      %mul3A_1055 = arith.mulf %get3A_1052, %mul3A_1054 : vector<8x1024xf32>
      %exp23A_1056 = math.exp2 %mul3A_1055 : vector<8x1024xf32>
      %add3A_1057 = arith.addf %add3A_1049, %exp23A_1056 : vector<8x1024xf32>
      %get3A_1058 = arith.constant 1048 : index
      %get3A_1059 = arith.constant 0 : index
      %get3A_1060 = vector.load %arg1[%get3A_1058, %get3A_1059] : memref<2048x1024xf32, #tpu.memory_space<vmem>>, vector<8x1024xf32>
      %mul3A_1061 = arith.constant 92.3324813 : f32
      %mul3A_1062 = vector.broadcast %mul3A_1061 : f32 to vector<8x1024xf32>
      %mul3A_1063 = arith.mulf %get3A_1060, %mul3A_1062 : vector<8x1024xf32>
      %exp23A_1064 = math.exp2 %mul3A_1063 : vector<8x1024xf32>
      %add3A_1065 = arith.addf %add3A_1057, %exp23A_1064 : vector<8x1024xf32>
      %get3A_1066 = arith.constant 1056 : index
      %get3A_1067 = arith.constant 0 : index
      %get3A_1068 = vector.load %arg1[%get3A_1066, %get3A_1067] : memref<2048x1024xf32, #tpu.memory_space<vmem>>, vector<8x1024xf32>
      %mul3A_1069 = arith.constant 92.3324813 : f32
      %mul3A_1070 = vector.broadcast %mul3A_1069 : f32 to vector<8x1024xf32>
      %mul3A_1071 = arith.mulf %get3A_1068, %mul3A_1070 : vector<8x1024xf32>
      %exp23A_1072 = math.exp2 %mul3A_1071 : vector<8x1024xf32>
      %add3A_1073 = arith.addf %add3A_1065, %exp23A_1072 : vector<8x1024xf32>
      %get3A_1074 = arith.constant 1064 : index
      %get3A_1075 = arith.constant 0 : index
      %get3A_1076 = vector.load %arg1[%get3A_1074, %get3A_1075] : memref<2048x1024xf32, #tpu.memory_space<vmem>>, vector<8x1024xf32>
      %mul3A_1077 = arith.constant 92.3324813 : f32
      %mul3A_1078 = vector.broadcast %mul3A_1077 : f32 to vector<8x1024xf32>
      %mul3A_1079 = arith.mulf %get3A_1076, %mul3A_1078 : vector<8x1024xf32>
      %exp23A_1080 = math.exp2 %mul3A_1079 : vector<8x1024xf32>
      %add3A_1081 = arith.addf %add3A_1073, %exp23A_1080 : vector<8x1024xf32>
      %get3A_1082 = arith.constant 1072 : index
      %get3A_1083 = arith.constant 0 : index
      %get3A_1084 = vector.load %arg1[%get3A_1082, %get3A_1083] : memref<2048x1024xf32, #tpu.memory_space<vmem>>, vector<8x1024xf32>
      %mul3A_1085 = arith.constant 92.3324813 : f32
      %mul3A_1086 = vector.broadcast %mul3A_1085 : f32 to vector<8x1024xf32>
      %mul3A_1087 = arith.mulf %get3A_1084, %mul3A_1086 : vector<8x1024xf32>
      %exp23A_1088 = math.exp2 %mul3A_1087 : vector<8x1024xf32>
      %add3A_1089 = arith.addf %add3A_1081, %exp23A_1088 : vector<8x1024xf32>
      %get3A_1090 = arith.constant 1080 : index
      %get3A_1091 = arith.constant 0 : index
      %get3A_1092 = vector.load %arg1[%get3A_1090, %get3A_1091] : memref<2048x1024xf32, #tpu.memory_space<vmem>>, vector<8x1024xf32>
      %mul3A_1093 = arith.constant 92.3324813 : f32
      %mul3A_1094 = vector.broadcast %mul3A_1093 : f32 to vector<8x1024xf32>
      %mul3A_1095 = arith.mulf %get3A_1092, %mul3A_1094 : vector<8x1024xf32>
      %exp23A_1096 = math.exp2 %mul3A_1095 : vector<8x1024xf32>
      %add3A_1097 = arith.addf %add3A_1089, %exp23A_1096 : vector<8x1024xf32>
      %get3A_1098 = arith.constant 1088 : index
      %get3A_1099 = arith.constant 0 : index
      %get3A_1100 = vector.load %arg1[%get3A_1098, %get3A_1099] : memref<2048x1024xf32, #tpu.memory_space<vmem>>, vector<8x1024xf32>
      %mul3A_1101 = arith.constant 92.3324813 : f32
      %mul3A_1102 = vector.broadcast %mul3A_1101 : f32 to vector<8x1024xf32>
      %mul3A_1103 = arith.mulf %get3A_1100, %mul3A_1102 : vector<8x1024xf32>
      %exp23A_1104 = math.exp2 %mul3A_1103 : vector<8x1024xf32>
      %add3A_1105 = arith.addf %add3A_1097, %exp23A_1104 : vector<8x1024xf32>
      %get3A_1106 = arith.constant 1096 : index
      %get3A_1107 = arith.constant 0 : index
      %get3A_1108 = vector.load %arg1[%get3A_1106, %get3A_1107] : memref<2048x1024xf32, #tpu.memory_space<vmem>>, vector<8x1024xf32>
      %mul3A_1109 = arith.constant 92.3324813 : f32
      %mul3A_1110 = vector.broadcast %mul3A_1109 : f32 to vector<8x1024xf32>
      %mul3A_1111 = arith.mulf %get3A_1108, %mul3A_1110 : vector<8x1024xf32>
      %exp23A_1112 = math.exp2 %mul3A_1111 : vector<8x1024xf32>
      %add3A_1113 = arith.addf %add3A_1105, %exp23A_1112 : vector<8x1024xf32>
      %get3A_1114 = arith.constant 1104 : index
      %get3A_1115 = arith.constant 0 : index
      %get3A_1116 = vector.load %arg1[%get3A_1114, %get3A_1115] : memref<2048x1024xf32, #tpu.memory_space<vmem>>, vector<8x1024xf32>
      %mul3A_1117 = arith.constant 92.3324813 : f32
      %mul3A_1118 = vector.broadcast %mul3A_1117 : f32 to vector<8x1024xf32>
      %mul3A_1119 = arith.mulf %get3A_1116, %mul3A_1118 : vector<8x1024xf32>
      %exp23A_1120 = math.exp2 %mul3A_1119 : vector<8x1024xf32>
      %add3A_1121 = arith.addf %add3A_1113, %exp23A_1120 : vector<8x1024xf32>
      %get3A_1122 = arith.constant 1112 : index
      %get3A_1123 = arith.constant 0 : index
      %get3A_1124 = vector.load %arg1[%get3A_1122, %get3A_1123] : memref<2048x1024xf32, #tpu.memory_space<vmem>>, vector<8x1024xf32>
      %mul3A_1125 = arith.constant 92.3324813 : f32
      %mul3A_1126 = vector.broadcast %mul3A_1125 : f32 to vector<8x1024xf32>
      %mul3A_1127 = arith.mulf %get3A_1124, %mul3A_1126 : vector<8x1024xf32>
      %exp23A_1128 = math.exp2 %mul3A_1127 : vector<8x1024xf32>
      %add3A_1129 = arith.addf %add3A_1121, %exp23A_1128 : vector<8x1024xf32>
      %get3A_1130 = arith.constant 1120 : index
      %get3A_1131 = arith.constant 0 : index
      %get3A_1132 = vector.load %arg1[%get3A_1130, %get3A_1131] : memref<2048x1024xf32, #tpu.memory_space<vmem>>, vector<8x1024xf32>
      %mul3A_1133 = arith.constant 92.3324813 : f32
      %mul3A_1134 = vector.broadcast %mul3A_1133 : f32 to vector<8x1024xf32>
      %mul3A_1135 = arith.mulf %get3A_1132, %mul3A_1134 : vector<8x1024xf32>
      %exp23A_1136 = math.exp2 %mul3A_1135 : vector<8x1024xf32>
      %add3A_1137 = arith.addf %add3A_1129, %exp23A_1136 : vector<8x1024xf32>
      %get3A_1138 = arith.constant 1128 : index
      %get3A_1139 = arith.constant 0 : index
      %get3A_1140 = vector.load %arg1[%get3A_1138, %get3A_1139] : memref<2048x1024xf32, #tpu.memory_space<vmem>>, vector<8x1024xf32>
      %mul3A_1141 = arith.constant 92.3324813 : f32
      %mul3A_1142 = vector.broadcast %mul3A_1141 : f32 to vector<8x1024xf32>
      %mul3A_1143 = arith.mulf %get3A_1140, %mul3A_1142 : vector<8x1024xf32>
      %exp23A_1144 = math.exp2 %mul3A_1143 : vector<8x1024xf32>
      %add3A_1145 = arith.addf %add3A_1137, %exp23A_1144 : vector<8x1024xf32>
      %get3A_1146 = arith.constant 1136 : index
      %get3A_1147 = arith.constant 0 : index
      %get3A_1148 = vector.load %arg1[%get3A_1146, %get3A_1147] : memref<2048x1024xf32, #tpu.memory_space<vmem>>, vector<8x1024xf32>
      %mul3A_1149 = arith.constant 92.3324813 : f32
      %mul3A_1150 = vector.broadcast %mul3A_1149 : f32 to vector<8x1024xf32>
      %mul3A_1151 = arith.mulf %get3A_1148, %mul3A_1150 : vector<8x1024xf32>
      %exp23A_1152 = math.exp2 %mul3A_1151 : vector<8x1024xf32>
      %add3A_1153 = arith.addf %add3A_1145, %exp23A_1152 : vector<8x1024xf32>
      %get3A_1154 = arith.constant 1144 : index
      %get3A_1155 = arith.constant 0 : index
      %get3A_1156 = vector.load %arg1[%get3A_1154, %get3A_1155] : memref<2048x1024xf32, #tpu.memory_space<vmem>>, vector<8x1024xf32>
      %mul3A_1157 = arith.constant 92.3324813 : f32
      %mul3A_1158 = vector.broadcast %mul3A_1157 : f32 to vector<8x1024xf32>
      %mul3A_1159 = arith.mulf %get3A_1156, %mul3A_1158 : vector<8x1024xf32>
      %exp23A_1160 = math.exp2 %mul3A_1159 : vector<8x1024xf32>
      %add3A_1161 = arith.addf %add3A_1153, %exp23A_1160 : vector<8x1024xf32>
      %get3A_1162 = arith.constant 1152 : index
      %get3A_1163 = arith.constant 0 : index
      %get3A_1164 = vector.load %arg1[%get3A_1162, %get3A_1163] : memref<2048x1024xf32, #tpu.memory_space<vmem>>, vector<8x1024xf32>
      %mul3A_1165 = arith.constant 92.3324813 : f32
      %mul3A_1166 = vector.broadcast %mul3A_1165 : f32 to vector<8x1024xf32>
      %mul3A_1167 = arith.mulf %get3A_1164, %mul3A_1166 : vector<8x1024xf32>
      %exp23A_1168 = math.exp2 %mul3A_1167 : vector<8x1024xf32>
      %add3A_1169 = arith.addf %add3A_1161, %exp23A_1168 : vector<8x1024xf32>
      %get3A_1170 = arith.constant 1160 : index
      %get3A_1171 = arith.constant 0 : index
      %get3A_1172 = vector.load %arg1[%get3A_1170, %get3A_1171] : memref<2048x1024xf32, #tpu.memory_space<vmem>>, vector<8x1024xf32>
      %mul3A_1173 = arith.constant 92.3324813 : f32
      %mul3A_1174 = vector.broadcast %mul3A_1173 : f32 to vector<8x1024xf32>
      %mul3A_1175 = arith.mulf %get3A_1172, %mul3A_1174 : vector<8x1024xf32>
      %exp23A_1176 = math.exp2 %mul3A_1175 : vector<8x1024xf32>
      %add3A_1177 = arith.addf %add3A_1169, %exp23A_1176 : vector<8x1024xf32>
      %get3A_1178 = arith.constant 1168 : index
      %get3A_1179 = arith.constant 0 : index
      %get3A_1180 = vector.load %arg1[%get3A_1178, %get3A_1179] : memref<2048x1024xf32, #tpu.memory_space<vmem>>, vector<8x1024xf32>
      %mul3A_1181 = arith.constant 92.3324813 : f32
      %mul3A_1182 = vector.broadcast %mul3A_1181 : f32 to vector<8x1024xf32>
      %mul3A_1183 = arith.mulf %get3A_1180, %mul3A_1182 : vector<8x1024xf32>
      %exp23A_1184 = math.exp2 %mul3A_1183 : vector<8x1024xf32>
      %add3A_1185 = arith.addf %add3A_1177, %exp23A_1184 : vector<8x1024xf32>
      %get3A_1186 = arith.constant 1176 : index
      %get3A_1187 = arith.constant 0 : index
      %get3A_1188 = vector.load %arg1[%get3A_1186, %get3A_1187] : memref<2048x1024xf32, #tpu.memory_space<vmem>>, vector<8x1024xf32>
      %mul3A_1189 = arith.constant 92.3324813 : f32
      %mul3A_1190 = vector.broadcast %mul3A_1189 : f32 to vector<8x1024xf32>
      %mul3A_1191 = arith.mulf %get3A_1188, %mul3A_1190 : vector<8x1024xf32>
      %exp23A_1192 = math.exp2 %mul3A_1191 : vector<8x1024xf32>
      %add3A_1193 = arith.addf %add3A_1185, %exp23A_1192 : vector<8x1024xf32>
      %get3A_1194 = arith.constant 1184 : index
      %get3A_1195 = arith.constant 0 : index
      %get3A_1196 = vector.load %arg1[%get3A_1194, %get3A_1195] : memref<2048x1024xf32, #tpu.memory_space<vmem>>, vector<8x1024xf32>
      %mul3A_1197 = arith.constant 92.3324813 : f32
      %mul3A_1198 = vector.broadcast %mul3A_1197 : f32 to vector<8x1024xf32>
      %mul3A_1199 = arith.mulf %get3A_1196, %mul3A_1198 : vector<8x1024xf32>
      %exp23A_1200 = math.exp2 %mul3A_1199 : vector<8x1024xf32>
      %add3A_1201 = arith.addf %add3A_1193, %exp23A_1200 : vector<8x1024xf32>
      %get3A_1202 = arith.constant 1192 : index
      %get3A_1203 = arith.constant 0 : index
      %get3A_1204 = vector.load %arg1[%get3A_1202, %get3A_1203] : memref<2048x1024xf32, #tpu.memory_space<vmem>>, vector<8x1024xf32>
      %mul3A_1205 = arith.constant 92.3324813 : f32
      %mul3A_1206 = vector.broadcast %mul3A_1205 : f32 to vector<8x1024xf32>
      %mul3A_1207 = arith.mulf %get3A_1204, %mul3A_1206 : vector<8x1024xf32>
      %exp23A_1208 = math.exp2 %mul3A_1207 : vector<8x1024xf32>
      %add3A_1209 = arith.addf %add3A_1201, %exp23A_1208 : vector<8x1024xf32>
      %get3A_1210 = arith.constant 1200 : index
      %get3A_1211 = arith.constant 0 : index
      %get3A_1212 = vector.load %arg1[%get3A_1210, %get3A_1211] : memref<2048x1024xf32, #tpu.memory_space<vmem>>, vector<8x1024xf32>
      %mul3A_1213 = arith.constant 92.3324813 : f32
      %mul3A_1214 = vector.broadcast %mul3A_1213 : f32 to vector<8x1024xf32>
      %mul3A_1215 = arith.mulf %get3A_1212, %mul3A_1214 : vector<8x1024xf32>
      %exp23A_1216 = math.exp2 %mul3A_1215 : vector<8x1024xf32>
      %add3A_1217 = arith.addf %add3A_1209, %exp23A_1216 : vector<8x1024xf32>
      %get3A_1218 = arith.constant 1208 : index
      %get3A_1219 = arith.constant 0 : index
      %get3A_1220 = vector.load %arg1[%get3A_1218, %get3A_1219] : memref<2048x1024xf32, #tpu.memory_space<vmem>>, vector<8x1024xf32>
      %mul3A_1221 = arith.constant 92.3324813 : f32
      %mul3A_1222 = vector.broadcast %mul3A_1221 : f32 to vector<8x1024xf32>
      %mul3A_1223 = arith.mulf %get3A_1220, %mul3A_1222 : vector<8x1024xf32>
      %exp23A_1224 = math.exp2 %mul3A_1223 : vector<8x1024xf32>
      %add3A_1225 = arith.addf %add3A_1217, %exp23A_1224 : vector<8x1024xf32>
      %get3A_1226 = arith.constant 1216 : index
      %get3A_1227 = arith.constant 0 : index
      %get3A_1228 = vector.load %arg1[%get3A_1226, %get3A_1227] : memref<2048x1024xf32, #tpu.memory_space<vmem>>, vector<8x1024xf32>
      %mul3A_1229 = arith.constant 92.3324813 : f32
      %mul3A_1230 = vector.broadcast %mul3A_1229 : f32 to vector<8x1024xf32>
      %mul3A_1231 = arith.mulf %get3A_1228, %mul3A_1230 : vector<8x1024xf32>
      %exp23A_1232 = math.exp2 %mul3A_1231 : vector<8x1024xf32>
      %add3A_1233 = arith.addf %add3A_1225, %exp23A_1232 : vector<8x1024xf32>
      %get3A_1234 = arith.constant 1224 : index
      %get3A_1235 = arith.constant 0 : index
      %get3A_1236 = vector.load %arg1[%get3A_1234, %get3A_1235] : memref<2048x1024xf32, #tpu.memory_space<vmem>>, vector<8x1024xf32>
      %mul3A_1237 = arith.constant 92.3324813 : f32
      %mul3A_1238 = vector.broadcast %mul3A_1237 : f32 to vector<8x1024xf32>
      %mul3A_1239 = arith.mulf %get3A_1236, %mul3A_1238 : vector<8x1024xf32>
      %exp23A_1240 = math.exp2 %mul3A_1239 : vector<8x1024xf32>
      %add3A_1241 = arith.addf %add3A_1233, %exp23A_1240 : vector<8x1024xf32>
      %get3A_1242 = arith.constant 1232 : index
      %get3A_1243 = arith.constant 0 : index
      %get3A_1244 = vector.load %arg1[%get3A_1242, %get3A_1243] : memref<2048x1024xf32, #tpu.memory_space<vmem>>, vector<8x1024xf32>
      %mul3A_1245 = arith.constant 92.3324813 : f32
      %mul3A_1246 = vector.broadcast %mul3A_1245 : f32 to vector<8x1024xf32>
      %mul3A_1247 = arith.mulf %get3A_1244, %mul3A_1246 : vector<8x1024xf32>
      %exp23A_1248 = math.exp2 %mul3A_1247 : vector<8x1024xf32>
      %add3A_1249 = arith.addf %add3A_1241, %exp23A_1248 : vector<8x1024xf32>
      %get3A_1250 = arith.constant 1240 : index
      %get3A_1251 = arith.constant 0 : index
      %get3A_1252 = vector.load %arg1[%get3A_1250, %get3A_1251] : memref<2048x1024xf32, #tpu.memory_space<vmem>>, vector<8x1024xf32>
      %mul3A_1253 = arith.constant 92.3324813 : f32
      %mul3A_1254 = vector.broadcast %mul3A_1253 : f32 to vector<8x1024xf32>
      %mul3A_1255 = arith.mulf %get3A_1252, %mul3A_1254 : vector<8x1024xf32>
      %exp23A_1256 = math.exp2 %mul3A_1255 : vector<8x1024xf32>
      %add3A_1257 = arith.addf %add3A_1249, %exp23A_1256 : vector<8x1024xf32>
      %get3A_1258 = arith.constant 1248 : index
      %get3A_1259 = arith.constant 0 : index
      %get3A_1260 = vector.load %arg1[%get3A_1258, %get3A_1259] : memref<2048x1024xf32, #tpu.memory_space<vmem>>, vector<8x1024xf32>
      %mul3A_1261 = arith.constant 92.3324813 : f32
      %mul3A_1262 = vector.broadcast %mul3A_1261 : f32 to vector<8x1024xf32>
      %mul3A_1263 = arith.mulf %get3A_1260, %mul3A_1262 : vector<8x1024xf32>
      %exp23A_1264 = math.exp2 %mul3A_1263 : vector<8x1024xf32>
      %add3A_1265 = arith.addf %add3A_1257, %exp23A_1264 : vector<8x1024xf32>
      %get3A_1266 = arith.constant 1256 : index
      %get3A_1267 = arith.constant 0 : index
      %get3A_1268 = vector.load %arg1[%get3A_1266, %get3A_1267] : memref<2048x1024xf32, #tpu.memory_space<vmem>>, vector<8x1024xf32>
      %mul3A_1269 = arith.constant 92.3324813 : f32
      %mul3A_1270 = vector.broadcast %mul3A_1269 : f32 to vector<8x1024xf32>
      %mul3A_1271 = arith.mulf %get3A_1268, %mul3A_1270 : vector<8x1024xf32>
      %exp23A_1272 = math.exp2 %mul3A_1271 : vector<8x1024xf32>
      %add3A_1273 = arith.addf %add3A_1265, %exp23A_1272 : vector<8x1024xf32>
      %get3A_1274 = arith.constant 1264 : index
      %get3A_1275 = arith.constant 0 : index
      %get3A_1276 = vector.load %arg1[%get3A_1274, %get3A_1275] : memref<2048x1024xf32, #tpu.memory_space<vmem>>, vector<8x1024xf32>
      %mul3A_1277 = arith.constant 92.3324813 : f32
      %mul3A_1278 = vector.broadcast %mul3A_1277 : f32 to vector<8x1024xf32>
      %mul3A_1279 = arith.mulf %get3A_1276, %mul3A_1278 : vector<8x1024xf32>
      %exp23A_1280 = math.exp2 %mul3A_1279 : vector<8x1024xf32>
      %add3A_1281 = arith.addf %add3A_1273, %exp23A_1280 : vector<8x1024xf32>
      %get3A_1282 = arith.constant 1272 : index
      %get3A_1283 = arith.constant 0 : index
      %get3A_1284 = vector.load %arg1[%get3A_1282, %get3A_1283] : memref<2048x1024xf32, #tpu.memory_space<vmem>>, vector<8x1024xf32>
      %mul3A_1285 = arith.constant 92.3324813 : f32
      %mul3A_1286 = vector.broadcast %mul3A_1285 : f32 to vector<8x1024xf32>
      %mul3A_1287 = arith.mulf %get3A_1284, %mul3A_1286 : vector<8x1024xf32>
      %exp23A_1288 = math.exp2 %mul3A_1287 : vector<8x1024xf32>
      %add3A_1289 = arith.addf %add3A_1281, %exp23A_1288 : vector<8x1024xf32>
      %get3A_1290 = arith.constant 1280 : index
      %get3A_1291 = arith.constant 0 : index
      %get3A_1292 = vector.load %arg1[%get3A_1290, %get3A_1291] : memref<2048x1024xf32, #tpu.memory_space<vmem>>, vector<8x1024xf32>
      %mul3A_1293 = arith.constant 92.3324813 : f32
      %mul3A_1294 = vector.broadcast %mul3A_1293 : f32 to vector<8x1024xf32>
      %mul3A_1295 = arith.mulf %get3A_1292, %mul3A_1294 : vector<8x1024xf32>
      %exp23A_1296 = math.exp2 %mul3A_1295 : vector<8x1024xf32>
      %add3A_1297 = arith.addf %add3A_1289, %exp23A_1296 : vector<8x1024xf32>
      %get3A_1298 = arith.constant 1288 : index
      %get3A_1299 = arith.constant 0 : index
      %get3A_1300 = vector.load %arg1[%get3A_1298, %get3A_1299] : memref<2048x1024xf32, #tpu.memory_space<vmem>>, vector<8x1024xf32>
      %mul3A_1301 = arith.constant 92.3324813 : f32
      %mul3A_1302 = vector.broadcast %mul3A_1301 : f32 to vector<8x1024xf32>
      %mul3A_1303 = arith.mulf %get3A_1300, %mul3A_1302 : vector<8x1024xf32>
      %exp23A_1304 = math.exp2 %mul3A_1303 : vector<8x1024xf32>
      %add3A_1305 = arith.addf %add3A_1297, %exp23A_1304 : vector<8x1024xf32>
      %get3A_1306 = arith.constant 1296 : index
      %get3A_1307 = arith.constant 0 : index
      %get3A_1308 = vector.load %arg1[%get3A_1306, %get3A_1307] : memref<2048x1024xf32, #tpu.memory_space<vmem>>, vector<8x1024xf32>
      %mul3A_1309 = arith.constant 92.3324813 : f32
      %mul3A_1310 = vector.broadcast %mul3A_1309 : f32 to vector<8x1024xf32>
      %mul3A_1311 = arith.mulf %get3A_1308, %mul3A_1310 : vector<8x1024xf32>
      %exp23A_1312 = math.exp2 %mul3A_1311 : vector<8x1024xf32>
      %add3A_1313 = arith.addf %add3A_1305, %exp23A_1312 : vector<8x1024xf32>
      %get3A_1314 = arith.constant 1304 : index
      %get3A_1315 = arith.constant 0 : index
      %get3A_1316 = vector.load %arg1[%get3A_1314, %get3A_1315] : memref<2048x1024xf32, #tpu.memory_space<vmem>>, vector<8x1024xf32>
      %mul3A_1317 = arith.constant 92.3324813 : f32
      %mul3A_1318 = vector.broadcast %mul3A_1317 : f32 to vector<8x1024xf32>
      %mul3A_1319 = arith.mulf %get3A_1316, %mul3A_1318 : vector<8x1024xf32>
      %exp23A_1320 = math.exp2 %mul3A_1319 : vector<8x1024xf32>
      %add3A_1321 = arith.addf %add3A_1313, %exp23A_1320 : vector<8x1024xf32>
      %get3A_1322 = arith.constant 1312 : index
      %get3A_1323 = arith.constant 0 : index
      %get3A_1324 = vector.load %arg1[%get3A_1322, %get3A_1323] : memref<2048x1024xf32, #tpu.memory_space<vmem>>, vector<8x1024xf32>
      %mul3A_1325 = arith.constant 92.3324813 : f32
      %mul3A_1326 = vector.broadcast %mul3A_1325 : f32 to vector<8x1024xf32>
      %mul3A_1327 = arith.mulf %get3A_1324, %mul3A_1326 : vector<8x1024xf32>
      %exp23A_1328 = math.exp2 %mul3A_1327 : vector<8x1024xf32>
      %add3A_1329 = arith.addf %add3A_1321, %exp23A_1328 : vector<8x1024xf32>
      %get3A_1330 = arith.constant 1320 : index
      %get3A_1331 = arith.constant 0 : index
      %get3A_1332 = vector.load %arg1[%get3A_1330, %get3A_1331] : memref<2048x1024xf32, #tpu.memory_space<vmem>>, vector<8x1024xf32>
      %mul3A_1333 = arith.constant 92.3324813 : f32
      %mul3A_1334 = vector.broadcast %mul3A_1333 : f32 to vector<8x1024xf32>
      %mul3A_1335 = arith.mulf %get3A_1332, %mul3A_1334 : vector<8x1024xf32>
      %exp23A_1336 = math.exp2 %mul3A_1335 : vector<8x1024xf32>
      %add3A_1337 = arith.addf %add3A_1329, %exp23A_1336 : vector<8x1024xf32>
      %get3A_1338 = arith.constant 1328 : index
      %get3A_1339 = arith.constant 0 : index
      %get3A_1340 = vector.load %arg1[%get3A_1338, %get3A_1339] : memref<2048x1024xf32, #tpu.memory_space<vmem>>, vector<8x1024xf32>
      %mul3A_1341 = arith.constant 92.3324813 : f32
      %mul3A_1342 = vector.broadcast %mul3A_1341 : f32 to vector<8x1024xf32>
      %mul3A_1343 = arith.mulf %get3A_1340, %mul3A_1342 : vector<8x1024xf32>
      %exp23A_1344 = math.exp2 %mul3A_1343 : vector<8x1024xf32>
      %add3A_1345 = arith.addf %add3A_1337, %exp23A_1344 : vector<8x1024xf32>
      %get3A_1346 = arith.constant 1336 : index
      %get3A_1347 = arith.constant 0 : index
      %get3A_1348 = vector.load %arg1[%get3A_1346, %get3A_1347] : memref<2048x1024xf32, #tpu.memory_space<vmem>>, vector<8x1024xf32>
      %mul3A_1349 = arith.constant 92.3324813 : f32
      %mul3A_1350 = vector.broadcast %mul3A_1349 : f32 to vector<8x1024xf32>
      %mul3A_1351 = arith.mulf %get3A_1348, %mul3A_1350 : vector<8x1024xf32>
      %exp23A_1352 = math.exp2 %mul3A_1351 : vector<8x1024xf32>
      %add3A_1353 = arith.addf %add3A_1345, %exp23A_1352 : vector<8x1024xf32>
      %get3A_1354 = arith.constant 1344 : index
      %get3A_1355 = arith.constant 0 : index
      %get3A_1356 = vector.load %arg1[%get3A_1354, %get3A_1355] : memref<2048x1024xf32, #tpu.memory_space<vmem>>, vector<8x1024xf32>
      %mul3A_1357 = arith.constant 92.3324813 : f32
      %mul3A_1358 = vector.broadcast %mul3A_1357 : f32 to vector<8x1024xf32>
      %mul3A_1359 = arith.mulf %get3A_1356, %mul3A_1358 : vector<8x1024xf32>
      %exp23A_1360 = math.exp2 %mul3A_1359 : vector<8x1024xf32>
      %add3A_1361 = arith.addf %add3A_1353, %exp23A_1360 : vector<8x1024xf32>
      %get3A_1362 = arith.constant 1352 : index
      %get3A_1363 = arith.constant 0 : index
      %get3A_1364 = vector.load %arg1[%get3A_1362, %get3A_1363] : memref<2048x1024xf32, #tpu.memory_space<vmem>>, vector<8x1024xf32>
      %mul3A_1365 = arith.constant 92.3324813 : f32
      %mul3A_1366 = vector.broadcast %mul3A_1365 : f32 to vector<8x1024xf32>
      %mul3A_1367 = arith.mulf %get3A_1364, %mul3A_1366 : vector<8x1024xf32>
      %exp23A_1368 = math.exp2 %mul3A_1367 : vector<8x1024xf32>
      %add3A_1369 = arith.addf %add3A_1361, %exp23A_1368 : vector<8x1024xf32>
      %get3A_1370 = arith.constant 1360 : index
      %get3A_1371 = arith.constant 0 : index
      %get3A_1372 = vector.load %arg1[%get3A_1370, %get3A_1371] : memref<2048x1024xf32, #tpu.memory_space<vmem>>, vector<8x1024xf32>
      %mul3A_1373 = arith.constant 92.3324813 : f32
      %mul3A_1374 = vector.broadcast %mul3A_1373 : f32 to vector<8x1024xf32>
      %mul3A_1375 = arith.mulf %get3A_1372, %mul3A_1374 : vector<8x1024xf32>
      %exp23A_1376 = math.exp2 %mul3A_1375 : vector<8x1024xf32>
      %add3A_1377 = arith.addf %add3A_1369, %exp23A_1376 : vector<8x1024xf32>
      %get3A_1378 = arith.constant 1368 : index
      %get3A_1379 = arith.constant 0 : index
      %get3A_1380 = vector.load %arg1[%get3A_1378, %get3A_1379] : memref<2048x1024xf32, #tpu.memory_space<vmem>>, vector<8x1024xf32>
      %mul3A_1381 = arith.constant 92.3324813 : f32
      %mul3A_1382 = vector.broadcast %mul3A_1381 : f32 to vector<8x1024xf32>
      %mul3A_1383 = arith.mulf %get3A_1380, %mul3A_1382 : vector<8x1024xf32>
      %exp23A_1384 = math.exp2 %mul3A_1383 : vector<8x1024xf32>
      %add3A_1385 = arith.addf %add3A_1377, %exp23A_1384 : vector<8x1024xf32>
      %get3A_1386 = arith.constant 1376 : index
      %get3A_1387 = arith.constant 0 : index
      %get3A_1388 = vector.load %arg1[%get3A_1386, %get3A_1387] : memref<2048x1024xf32, #tpu.memory_space<vmem>>, vector<8x1024xf32>
      %mul3A_1389 = arith.constant 92.3324813 : f32
      %mul3A_1390 = vector.broadcast %mul3A_1389 : f32 to vector<8x1024xf32>
      %mul3A_1391 = arith.mulf %get3A_1388, %mul3A_1390 : vector<8x1024xf32>
      %exp23A_1392 = math.exp2 %mul3A_1391 : vector<8x1024xf32>
      %add3A_1393 = arith.addf %add3A_1385, %exp23A_1392 : vector<8x1024xf32>
      %get3A_1394 = arith.constant 1384 : index
      %get3A_1395 = arith.constant 0 : index
      %get3A_1396 = vector.load %arg1[%get3A_1394, %get3A_1395] : memref<2048x1024xf32, #tpu.memory_space<vmem>>, vector<8x1024xf32>
      %mul3A_1397 = arith.constant 92.3324813 : f32
      %mul3A_1398 = vector.broadcast %mul3A_1397 : f32 to vector<8x1024xf32>
      %mul3A_1399 = arith.mulf %get3A_1396, %mul3A_1398 : vector<8x1024xf32>
      %exp23A_1400 = math.exp2 %mul3A_1399 : vector<8x1024xf32>
      %add3A_1401 = arith.addf %add3A_1393, %exp23A_1400 : vector<8x1024xf32>
      %get3A_1402 = arith.constant 1392 : index
      %get3A_1403 = arith.constant 0 : index
      %get3A_1404 = vector.load %arg1[%get3A_1402, %get3A_1403] : memref<2048x1024xf32, #tpu.memory_space<vmem>>, vector<8x1024xf32>
      %mul3A_1405 = arith.constant 92.3324813 : f32
      %mul3A_1406 = vector.broadcast %mul3A_1405 : f32 to vector<8x1024xf32>
      %mul3A_1407 = arith.mulf %get3A_1404, %mul3A_1406 : vector<8x1024xf32>
      %exp23A_1408 = math.exp2 %mul3A_1407 : vector<8x1024xf32>
      %add3A_1409 = arith.addf %add3A_1401, %exp23A_1408 : vector<8x1024xf32>
      %get3A_1410 = arith.constant 1400 : index
      %get3A_1411 = arith.constant 0 : index
      %get3A_1412 = vector.load %arg1[%get3A_1410, %get3A_1411] : memref<2048x1024xf32, #tpu.memory_space<vmem>>, vector<8x1024xf32>
      %mul3A_1413 = arith.constant 92.3324813 : f32
      %mul3A_1414 = vector.broadcast %mul3A_1413 : f32 to vector<8x1024xf32>
      %mul3A_1415 = arith.mulf %get3A_1412, %mul3A_1414 : vector<8x1024xf32>
      %exp23A_1416 = math.exp2 %mul3A_1415 : vector<8x1024xf32>
      %add3A_1417 = arith.addf %add3A_1409, %exp23A_1416 : vector<8x1024xf32>
      %get3A_1418 = arith.constant 1408 : index
      %get3A_1419 = arith.constant 0 : index
      %get3A_1420 = vector.load %arg1[%get3A_1418, %get3A_1419] : memref<2048x1024xf32, #tpu.memory_space<vmem>>, vector<8x1024xf32>
      %mul3A_1421 = arith.constant 92.3324813 : f32
      %mul3A_1422 = vector.broadcast %mul3A_1421 : f32 to vector<8x1024xf32>
      %mul3A_1423 = arith.mulf %get3A_1420, %mul3A_1422 : vector<8x1024xf32>
      %exp23A_1424 = math.exp2 %mul3A_1423 : vector<8x1024xf32>
      %add3A_1425 = arith.addf %add3A_1417, %exp23A_1424 : vector<8x1024xf32>
      %get3A_1426 = arith.constant 1416 : index
      %get3A_1427 = arith.constant 0 : index
      %get3A_1428 = vector.load %arg1[%get3A_1426, %get3A_1427] : memref<2048x1024xf32, #tpu.memory_space<vmem>>, vector<8x1024xf32>
      %mul3A_1429 = arith.constant 92.3324813 : f32
      %mul3A_1430 = vector.broadcast %mul3A_1429 : f32 to vector<8x1024xf32>
      %mul3A_1431 = arith.mulf %get3A_1428, %mul3A_1430 : vector<8x1024xf32>
      %exp23A_1432 = math.exp2 %mul3A_1431 : vector<8x1024xf32>
      %add3A_1433 = arith.addf %add3A_1425, %exp23A_1432 : vector<8x1024xf32>
      %get3A_1434 = arith.constant 1424 : index
      %get3A_1435 = arith.constant 0 : index
      %get3A_1436 = vector.load %arg1[%get3A_1434, %get3A_1435] : memref<2048x1024xf32, #tpu.memory_space<vmem>>, vector<8x1024xf32>
      %mul3A_1437 = arith.constant 92.3324813 : f32
      %mul3A_1438 = vector.broadcast %mul3A_1437 : f32 to vector<8x1024xf32>
      %mul3A_1439 = arith.mulf %get3A_1436, %mul3A_1438 : vector<8x1024xf32>
      %exp23A_1440 = math.exp2 %mul3A_1439 : vector<8x1024xf32>
      %add3A_1441 = arith.addf %add3A_1433, %exp23A_1440 : vector<8x1024xf32>
      %get3A_1442 = arith.constant 1432 : index
      %get3A_1443 = arith.constant 0 : index
      %get3A_1444 = vector.load %arg1[%get3A_1442, %get3A_1443] : memref<2048x1024xf32, #tpu.memory_space<vmem>>, vector<8x1024xf32>
      %mul3A_1445 = arith.constant 92.3324813 : f32
      %mul3A_1446 = vector.broadcast %mul3A_1445 : f32 to vector<8x1024xf32>
      %mul3A_1447 = arith.mulf %get3A_1444, %mul3A_1446 : vector<8x1024xf32>
      %exp23A_1448 = math.exp2 %mul3A_1447 : vector<8x1024xf32>
      %add3A_1449 = arith.addf %add3A_1441, %exp23A_1448 : vector<8x1024xf32>
      %get3A_1450 = arith.constant 1440 : index
      %get3A_1451 = arith.constant 0 : index
      %get3A_1452 = vector.load %arg1[%get3A_1450, %get3A_1451] : memref<2048x1024xf32, #tpu.memory_space<vmem>>, vector<8x1024xf32>
      %mul3A_1453 = arith.constant 92.3324813 : f32
      %mul3A_1454 = vector.broadcast %mul3A_1453 : f32 to vector<8x1024xf32>
      %mul3A_1455 = arith.mulf %get3A_1452, %mul3A_1454 : vector<8x1024xf32>
      %exp23A_1456 = math.exp2 %mul3A_1455 : vector<8x1024xf32>
      %add3A_1457 = arith.addf %add3A_1449, %exp23A_1456 : vector<8x1024xf32>
      %get3A_1458 = arith.constant 1448 : index
      %get3A_1459 = arith.constant 0 : index
      %get3A_1460 = vector.load %arg1[%get3A_1458, %get3A_1459] : memref<2048x1024xf32, #tpu.memory_space<vmem>>, vector<8x1024xf32>
      %mul3A_1461 = arith.constant 92.3324813 : f32
      %mul3A_1462 = vector.broadcast %mul3A_1461 : f32 to vector<8x1024xf32>
      %mul3A_1463 = arith.mulf %get3A_1460, %mul3A_1462 : vector<8x1024xf32>
      %exp23A_1464 = math.exp2 %mul3A_1463 : vector<8x1024xf32>
      %add3A_1465 = arith.addf %add3A_1457, %exp23A_1464 : vector<8x1024xf32>
      %get3A_1466 = arith.constant 1456 : index
      %get3A_1467 = arith.constant 0 : index
      %get3A_1468 = vector.load %arg1[%get3A_1466, %get3A_1467] : memref<2048x1024xf32, #tpu.memory_space<vmem>>, vector<8x1024xf32>
      %mul3A_1469 = arith.constant 92.3324813 : f32
      %mul3A_1470 = vector.broadcast %mul3A_1469 : f32 to vector<8x1024xf32>
      %mul3A_1471 = arith.mulf %get3A_1468, %mul3A_1470 : vector<8x1024xf32>
      %exp23A_1472 = math.exp2 %mul3A_1471 : vector<8x1024xf32>
      %add3A_1473 = arith.addf %add3A_1465, %exp23A_1472 : vector<8x1024xf32>
      %get3A_1474 = arith.constant 1464 : index
      %get3A_1475 = arith.constant 0 : index
      %get3A_1476 = vector.load %arg1[%get3A_1474, %get3A_1475] : memref<2048x1024xf32, #tpu.memory_space<vmem>>, vector<8x1024xf32>
      %mul3A_1477 = arith.constant 92.3324813 : f32
      %mul3A_1478 = vector.broadcast %mul3A_1477 : f32 to vector<8x1024xf32>
      %mul3A_1479 = arith.mulf %get3A_1476, %mul3A_1478 : vector<8x1024xf32>
      %exp23A_1480 = math.exp2 %mul3A_1479 : vector<8x1024xf32>
      %add3A_1481 = arith.addf %add3A_1473, %exp23A_1480 : vector<8x1024xf32>
      %get3A_1482 = arith.constant 1472 : index
      %get3A_1483 = arith.constant 0 : index
      %get3A_1484 = vector.load %arg1[%get3A_1482, %get3A_1483] : memref<2048x1024xf32, #tpu.memory_space<vmem>>, vector<8x1024xf32>
      %mul3A_1485 = arith.constant 92.3324813 : f32
      %mul3A_1486 = vector.broadcast %mul3A_1485 : f32 to vector<8x1024xf32>
      %mul3A_1487 = arith.mulf %get3A_1484, %mul3A_1486 : vector<8x1024xf32>
      %exp23A_1488 = math.exp2 %mul3A_1487 : vector<8x1024xf32>
      %add3A_1489 = arith.addf %add3A_1481, %exp23A_1488 : vector<8x1024xf32>
      %get3A_1490 = arith.constant 1480 : index
      %get3A_1491 = arith.constant 0 : index
      %get3A_1492 = vector.load %arg1[%get3A_1490, %get3A_1491] : memref<2048x1024xf32, #tpu.memory_space<vmem>>, vector<8x1024xf32>
      %mul3A_1493 = arith.constant 92.3324813 : f32
      %mul3A_1494 = vector.broadcast %mul3A_1493 : f32 to vector<8x1024xf32>
      %mul3A_1495 = arith.mulf %get3A_1492, %mul3A_1494 : vector<8x1024xf32>
      %exp23A_1496 = math.exp2 %mul3A_1495 : vector<8x1024xf32>
      %add3A_1497 = arith.addf %add3A_1489, %exp23A_1496 : vector<8x1024xf32>
      %get3A_1498 = arith.constant 1488 : index
      %get3A_1499 = arith.constant 0 : index
      %get3A_1500 = vector.load %arg1[%get3A_1498, %get3A_1499] : memref<2048x1024xf32, #tpu.memory_space<vmem>>, vector<8x1024xf32>
      %mul3A_1501 = arith.constant 92.3324813 : f32
      %mul3A_1502 = vector.broadcast %mul3A_1501 : f32 to vector<8x1024xf32>
      %mul3A_1503 = arith.mulf %get3A_1500, %mul3A_1502 : vector<8x1024xf32>
      %exp23A_1504 = math.exp2 %mul3A_1503 : vector<8x1024xf32>
      %add3A_1505 = arith.addf %add3A_1497, %exp23A_1504 : vector<8x1024xf32>
      %get3A_1506 = arith.constant 1496 : index
      %get3A_1507 = arith.constant 0 : index
      %get3A_1508 = vector.load %arg1[%get3A_1506, %get3A_1507] : memref<2048x1024xf32, #tpu.memory_space<vmem>>, vector<8x1024xf32>
      %mul3A_1509 = arith.constant 92.3324813 : f32
      %mul3A_1510 = vector.broadcast %mul3A_1509 : f32 to vector<8x1024xf32>
      %mul3A_1511 = arith.mulf %get3A_1508, %mul3A_1510 : vector<8x1024xf32>
      %exp23A_1512 = math.exp2 %mul3A_1511 : vector<8x1024xf32>
      %add3A_1513 = arith.addf %add3A_1505, %exp23A_1512 : vector<8x1024xf32>
      %get3A_1514 = arith.constant 1504 : index
      %get3A_1515 = arith.constant 0 : index
      %get3A_1516 = vector.load %arg1[%get3A_1514, %get3A_1515] : memref<2048x1024xf32, #tpu.memory_space<vmem>>, vector<8x1024xf32>
      %mul3A_1517 = arith.constant 92.3324813 : f32
      %mul3A_1518 = vector.broadcast %mul3A_1517 : f32 to vector<8x1024xf32>
      %mul3A_1519 = arith.mulf %get3A_1516, %mul3A_1518 : vector<8x1024xf32>
      %exp23A_1520 = math.exp2 %mul3A_1519 : vector<8x1024xf32>
      %add3A_1521 = arith.addf %add3A_1513, %exp23A_1520 : vector<8x1024xf32>
      %get3A_1522 = arith.constant 1512 : index
      %get3A_1523 = arith.constant 0 : index
      %get3A_1524 = vector.load %arg1[%get3A_1522, %get3A_1523] : memref<2048x1024xf32, #tpu.memory_space<vmem>>, vector<8x1024xf32>
      %mul3A_1525 = arith.constant 92.3324813 : f32
      %mul3A_1526 = vector.broadcast %mul3A_1525 : f32 to vector<8x1024xf32>
      %mul3A_1527 = arith.mulf %get3A_1524, %mul3A_1526 : vector<8x1024xf32>
      %exp23A_1528 = math.exp2 %mul3A_1527 : vector<8x1024xf32>
      %add3A_1529 = arith.addf %add3A_1521, %exp23A_1528 : vector<8x1024xf32>
      %get3A_1530 = arith.constant 1520 : index
      %get3A_1531 = arith.constant 0 : index
      %get3A_1532 = vector.load %arg1[%get3A_1530, %get3A_1531] : memref<2048x1024xf32, #tpu.memory_space<vmem>>, vector<8x1024xf32>
      %mul3A_1533 = arith.constant 92.3324813 : f32
      %mul3A_1534 = vector.broadcast %mul3A_1533 : f32 to vector<8x1024xf32>
      %mul3A_1535 = arith.mulf %get3A_1532, %mul3A_1534 : vector<8x1024xf32>
      %exp23A_1536 = math.exp2 %mul3A_1535 : vector<8x1024xf32>
      %add3A_1537 = arith.addf %add3A_1529, %exp23A_1536 : vector<8x1024xf32>
      %get3A_1538 = arith.constant 1528 : index
      %get3A_1539 = arith.constant 0 : index
      %get3A_1540 = vector.load %arg1[%get3A_1538, %get3A_1539] : memref<2048x1024xf32, #tpu.memory_space<vmem>>, vector<8x1024xf32>
      %mul3A_1541 = arith.constant 92.3324813 : f32
      %mul3A_1542 = vector.broadcast %mul3A_1541 : f32 to vector<8x1024xf32>
      %mul3A_1543 = arith.mulf %get3A_1540, %mul3A_1542 : vector<8x1024xf32>
      %exp23A_1544 = math.exp2 %mul3A_1543 : vector<8x1024xf32>
      %add3A_1545 = arith.addf %add3A_1537, %exp23A_1544 : vector<8x1024xf32>
      %get3A_1546 = arith.constant 1536 : index
      %get3A_1547 = arith.constant 0 : index
      %get3A_1548 = vector.load %arg1[%get3A_1546, %get3A_1547] : memref<2048x1024xf32, #tpu.memory_space<vmem>>, vector<8x1024xf32>
      %mul3A_1549 = arith.constant 92.3324813 : f32
      %mul3A_1550 = vector.broadcast %mul3A_1549 : f32 to vector<8x1024xf32>
      %mul3A_1551 = arith.mulf %get3A_1548, %mul3A_1550 : vector<8x1024xf32>
      %exp23A_1552 = math.exp2 %mul3A_1551 : vector<8x1024xf32>
      %add3A_1553 = arith.addf %add3A_1545, %exp23A_1552 : vector<8x1024xf32>
      %get3A_1554 = arith.constant 1544 : index
      %get3A_1555 = arith.constant 0 : index
      %get3A_1556 = vector.load %arg1[%get3A_1554, %get3A_1555] : memref<2048x1024xf32, #tpu.memory_space<vmem>>, vector<8x1024xf32>
      %mul3A_1557 = arith.constant 92.3324813 : f32
      %mul3A_1558 = vector.broadcast %mul3A_1557 : f32 to vector<8x1024xf32>
      %mul3A_1559 = arith.mulf %get3A_1556, %mul3A_1558 : vector<8x1024xf32>
      %exp23A_1560 = math.exp2 %mul3A_1559 : vector<8x1024xf32>
      %add3A_1561 = arith.addf %add3A_1553, %exp23A_1560 : vector<8x1024xf32>
      %get3A_1562 = arith.constant 1552 : index
      %get3A_1563 = arith.constant 0 : index
      %get3A_1564 = vector.load %arg1[%get3A_1562, %get3A_1563] : memref<2048x1024xf32, #tpu.memory_space<vmem>>, vector<8x1024xf32>
      %mul3A_1565 = arith.constant 92.3324813 : f32
      %mul3A_1566 = vector.broadcast %mul3A_1565 : f32 to vector<8x1024xf32>
      %mul3A_1567 = arith.mulf %get3A_1564, %mul3A_1566 : vector<8x1024xf32>
      %exp23A_1568 = math.exp2 %mul3A_1567 : vector<8x1024xf32>
      %add3A_1569 = arith.addf %add3A_1561, %exp23A_1568 : vector<8x1024xf32>
      %get3A_1570 = arith.constant 1560 : index
      %get3A_1571 = arith.constant 0 : index
      %get3A_1572 = vector.load %arg1[%get3A_1570, %get3A_1571] : memref<2048x1024xf32, #tpu.memory_space<vmem>>, vector<8x1024xf32>
      %mul3A_1573 = arith.constant 92.3324813 : f32
      %mul3A_1574 = vector.broadcast %mul3A_1573 : f32 to vector<8x1024xf32>
      %mul3A_1575 = arith.mulf %get3A_1572, %mul3A_1574 : vector<8x1024xf32>
      %exp23A_1576 = math.exp2 %mul3A_1575 : vector<8x1024xf32>
      %add3A_1577 = arith.addf %add3A_1569, %exp23A_1576 : vector<8x1024xf32>
      %get3A_1578 = arith.constant 1568 : index
      %get3A_1579 = arith.constant 0 : index
      %get3A_1580 = vector.load %arg1[%get3A_1578, %get3A_1579] : memref<2048x1024xf32, #tpu.memory_space<vmem>>, vector<8x1024xf32>
      %mul3A_1581 = arith.constant 92.3324813 : f32
      %mul3A_1582 = vector.broadcast %mul3A_1581 : f32 to vector<8x1024xf32>
      %mul3A_1583 = arith.mulf %get3A_1580, %mul3A_1582 : vector<8x1024xf32>
      %exp23A_1584 = math.exp2 %mul3A_1583 : vector<8x1024xf32>
      %add3A_1585 = arith.addf %add3A_1577, %exp23A_1584 : vector<8x1024xf32>
      %get3A_1586 = arith.constant 1576 : index
      %get3A_1587 = arith.constant 0 : index
      %get3A_1588 = vector.load %arg1[%get3A_1586, %get3A_1587] : memref<2048x1024xf32, #tpu.memory_space<vmem>>, vector<8x1024xf32>
      %mul3A_1589 = arith.constant 92.3324813 : f32
      %mul3A_1590 = vector.broadcast %mul3A_1589 : f32 to vector<8x1024xf32>
      %mul3A_1591 = arith.mulf %get3A_1588, %mul3A_1590 : vector<8x1024xf32>
      %exp23A_1592 = math.exp2 %mul3A_1591 : vector<8x1024xf32>
      %add3A_1593 = arith.addf %add3A_1585, %exp23A_1592 : vector<8x1024xf32>
      %get3A_1594 = arith.constant 1584 : index
      %get3A_1595 = arith.constant 0 : index
      %get3A_1596 = vector.load %arg1[%get3A_1594, %get3A_1595] : memref<2048x1024xf32, #tpu.memory_space<vmem>>, vector<8x1024xf32>
      %mul3A_1597 = arith.constant 92.3324813 : f32
      %mul3A_1598 = vector.broadcast %mul3A_1597 : f32 to vector<8x1024xf32>
      %mul3A_1599 = arith.mulf %get3A_1596, %mul3A_1598 : vector<8x1024xf32>
      %exp23A_1600 = math.exp2 %mul3A_1599 : vector<8x1024xf32>
      %add3A_1601 = arith.addf %add3A_1593, %exp23A_1600 : vector<8x1024xf32>
      %get3A_1602 = arith.constant 1592 : index
      %get3A_1603 = arith.constant 0 : index
      %get3A_1604 = vector.load %arg1[%get3A_1602, %get3A_1603] : memref<2048x1024xf32, #tpu.memory_space<vmem>>, vector<8x1024xf32>
      %mul3A_1605 = arith.constant 92.3324813 : f32
      %mul3A_1606 = vector.broadcast %mul3A_1605 : f32 to vector<8x1024xf32>
      %mul3A_1607 = arith.mulf %get3A_1604, %mul3A_1606 : vector<8x1024xf32>
      %exp23A_1608 = math.exp2 %mul3A_1607 : vector<8x1024xf32>
      %add3A_1609 = arith.addf %add3A_1601, %exp23A_1608 : vector<8x1024xf32>
      %get3A_1610 = arith.constant 1600 : index
      %get3A_1611 = arith.constant 0 : index
      %get3A_1612 = vector.load %arg1[%get3A_1610, %get3A_1611] : memref<2048x1024xf32, #tpu.memory_space<vmem>>, vector<8x1024xf32>
      %mul3A_1613 = arith.constant 92.3324813 : f32
      %mul3A_1614 = vector.broadcast %mul3A_1613 : f32 to vector<8x1024xf32>
      %mul3A_1615 = arith.mulf %get3A_1612, %mul3A_1614 : vector<8x1024xf32>
      %exp23A_1616 = math.exp2 %mul3A_1615 : vector<8x1024xf32>
      %add3A_1617 = arith.addf %add3A_1609, %exp23A_1616 : vector<8x1024xf32>
      %get3A_1618 = arith.constant 1608 : index
      %get3A_1619 = arith.constant 0 : index
      %get3A_1620 = vector.load %arg1[%get3A_1618, %get3A_1619] : memref<2048x1024xf32, #tpu.memory_space<vmem>>, vector<8x1024xf32>
      %mul3A_1621 = arith.constant 92.3324813 : f32
      %mul3A_1622 = vector.broadcast %mul3A_1621 : f32 to vector<8x1024xf32>
      %mul3A_1623 = arith.mulf %get3A_1620, %mul3A_1622 : vector<8x1024xf32>
      %exp23A_1624 = math.exp2 %mul3A_1623 : vector<8x1024xf32>
      %add3A_1625 = arith.addf %add3A_1617, %exp23A_1624 : vector<8x1024xf32>
      %get3A_1626 = arith.constant 1616 : index
      %get3A_1627 = arith.constant 0 : index
      %get3A_1628 = vector.load %arg1[%get3A_1626, %get3A_1627] : memref<2048x1024xf32, #tpu.memory_space<vmem>>, vector<8x1024xf32>
      %mul3A_1629 = arith.constant 92.3324813 : f32
      %mul3A_1630 = vector.broadcast %mul3A_1629 : f32 to vector<8x1024xf32>
      %mul3A_1631 = arith.mulf %get3A_1628, %mul3A_1630 : vector<8x1024xf32>
      %exp23A_1632 = math.exp2 %mul3A_1631 : vector<8x1024xf32>
      %add3A_1633 = arith.addf %add3A_1625, %exp23A_1632 : vector<8x1024xf32>
      %get3A_1634 = arith.constant 1624 : index
      %get3A_1635 = arith.constant 0 : index
      %get3A_1636 = vector.load %arg1[%get3A_1634, %get3A_1635] : memref<2048x1024xf32, #tpu.memory_space<vmem>>, vector<8x1024xf32>
      %mul3A_1637 = arith.constant 92.3324813 : f32
      %mul3A_1638 = vector.broadcast %mul3A_1637 : f32 to vector<8x1024xf32>
      %mul3A_1639 = arith.mulf %get3A_1636, %mul3A_1638 : vector<8x1024xf32>
      %exp23A_1640 = math.exp2 %mul3A_1639 : vector<8x1024xf32>
      %add3A_1641 = arith.addf %add3A_1633, %exp23A_1640 : vector<8x1024xf32>
      %get3A_1642 = arith.constant 1632 : index
      %get3A_1643 = arith.constant 0 : index
      %get3A_1644 = vector.load %arg1[%get3A_1642, %get3A_1643] : memref<2048x1024xf32, #tpu.memory_space<vmem>>, vector<8x1024xf32>
      %mul3A_1645 = arith.constant 92.3324813 : f32
      %mul3A_1646 = vector.broadcast %mul3A_1645 : f32 to vector<8x1024xf32>
      %mul3A_1647 = arith.mulf %get3A_1644, %mul3A_1646 : vector<8x1024xf32>
      %exp23A_1648 = math.exp2 %mul3A_1647 : vector<8x1024xf32>
      %add3A_1649 = arith.addf %add3A_1641, %exp23A_1648 : vector<8x1024xf32>
      %get3A_1650 = arith.constant 1640 : index
      %get3A_1651 = arith.constant 0 : index
      %get3A_1652 = vector.load %arg1[%get3A_1650, %get3A_1651] : memref<2048x1024xf32, #tpu.memory_space<vmem>>, vector<8x1024xf32>
      %mul3A_1653 = arith.constant 92.3324813 : f32
      %mul3A_1654 = vector.broadcast %mul3A_1653 : f32 to vector<8x1024xf32>
      %mul3A_1655 = arith.mulf %get3A_1652, %mul3A_1654 : vector<8x1024xf32>
      %exp23A_1656 = math.exp2 %mul3A_1655 : vector<8x1024xf32>
      %add3A_1657 = arith.addf %add3A_1649, %exp23A_1656 : vector<8x1024xf32>
      %get3A_1658 = arith.constant 1648 : index
      %get3A_1659 = arith.constant 0 : index
      %get3A_1660 = vector.load %arg1[%get3A_1658, %get3A_1659] : memref<2048x1024xf32, #tpu.memory_space<vmem>>, vector<8x1024xf32>
      %mul3A_1661 = arith.constant 92.3324813 : f32
      %mul3A_1662 = vector.broadcast %mul3A_1661 : f32 to vector<8x1024xf32>
      %mul3A_1663 = arith.mulf %get3A_1660, %mul3A_1662 : vector<8x1024xf32>
      %exp23A_1664 = math.exp2 %mul3A_1663 : vector<8x1024xf32>
      %add3A_1665 = arith.addf %add3A_1657, %exp23A_1664 : vector<8x1024xf32>
      %get3A_1666 = arith.constant 1656 : index
      %get3A_1667 = arith.constant 0 : index
      %get3A_1668 = vector.load %arg1[%get3A_1666, %get3A_1667] : memref<2048x1024xf32, #tpu.memory_space<vmem>>, vector<8x1024xf32>
      %mul3A_1669 = arith.constant 92.3324813 : f32
      %mul3A_1670 = vector.broadcast %mul3A_1669 : f32 to vector<8x1024xf32>
      %mul3A_1671 = arith.mulf %get3A_1668, %mul3A_1670 : vector<8x1024xf32>
      %exp23A_1672 = math.exp2 %mul3A_1671 : vector<8x1024xf32>
      %add3A_1673 = arith.addf %add3A_1665, %exp23A_1672 : vector<8x1024xf32>
      %get3A_1674 = arith.constant 1664 : index
      %get3A_1675 = arith.constant 0 : index
      %get3A_1676 = vector.load %arg1[%get3A_1674, %get3A_1675] : memref<2048x1024xf32, #tpu.memory_space<vmem>>, vector<8x1024xf32>
      %mul3A_1677 = arith.constant 92.3324813 : f32
      %mul3A_1678 = vector.broadcast %mul3A_1677 : f32 to vector<8x1024xf32>
      %mul3A_1679 = arith.mulf %get3A_1676, %mul3A_1678 : vector<8x1024xf32>
      %exp23A_1680 = math.exp2 %mul3A_1679 : vector<8x1024xf32>
      %add3A_1681 = arith.addf %add3A_1673, %exp23A_1680 : vector<8x1024xf32>
      %get3A_1682 = arith.constant 1672 : index
      %get3A_1683 = arith.constant 0 : index
      %get3A_1684 = vector.load %arg1[%get3A_1682, %get3A_1683] : memref<2048x1024xf32, #tpu.memory_space<vmem>>, vector<8x1024xf32>
      %mul3A_1685 = arith.constant 92.3324813 : f32
      %mul3A_1686 = vector.broadcast %mul3A_1685 : f32 to vector<8x1024xf32>
      %mul3A_1687 = arith.mulf %get3A_1684, %mul3A_1686 : vector<8x1024xf32>
      %exp23A_1688 = math.exp2 %mul3A_1687 : vector<8x1024xf32>
      %add3A_1689 = arith.addf %add3A_1681, %exp23A_1688 : vector<8x1024xf32>
      %get3A_1690 = arith.constant 1680 : index
      %get3A_1691 = arith.constant 0 : index
      %get3A_1692 = vector.load %arg1[%get3A_1690, %get3A_1691] : memref<2048x1024xf32, #tpu.memory_space<vmem>>, vector<8x1024xf32>
      %mul3A_1693 = arith.constant 92.3324813 : f32
      %mul3A_1694 = vector.broadcast %mul3A_1693 : f32 to vector<8x1024xf32>
      %mul3A_1695 = arith.mulf %get3A_1692, %mul3A_1694 : vector<8x1024xf32>
      %exp23A_1696 = math.exp2 %mul3A_1695 : vector<8x1024xf32>
      %add3A_1697 = arith.addf %add3A_1689, %exp23A_1696 : vector<8x1024xf32>
      %get3A_1698 = arith.constant 1688 : index
      %get3A_1699 = arith.constant 0 : index
      %get3A_1700 = vector.load %arg1[%get3A_1698, %get3A_1699] : memref<2048x1024xf32, #tpu.memory_space<vmem>>, vector<8x1024xf32>
      %mul3A_1701 = arith.constant 92.3324813 : f32
      %mul3A_1702 = vector.broadcast %mul3A_1701 : f32 to vector<8x1024xf32>
      %mul3A_1703 = arith.mulf %get3A_1700, %mul3A_1702 : vector<8x1024xf32>
      %exp23A_1704 = math.exp2 %mul3A_1703 : vector<8x1024xf32>
      %add3A_1705 = arith.addf %add3A_1697, %exp23A_1704 : vector<8x1024xf32>
      %get3A_1706 = arith.constant 1696 : index
      %get3A_1707 = arith.constant 0 : index
      %get3A_1708 = vector.load %arg1[%get3A_1706, %get3A_1707] : memref<2048x1024xf32, #tpu.memory_space<vmem>>, vector<8x1024xf32>
      %mul3A_1709 = arith.constant 92.3324813 : f32
      %mul3A_1710 = vector.broadcast %mul3A_1709 : f32 to vector<8x1024xf32>
      %mul3A_1711 = arith.mulf %get3A_1708, %mul3A_1710 : vector<8x1024xf32>
      %exp23A_1712 = math.exp2 %mul3A_1711 : vector<8x1024xf32>
      %add3A_1713 = arith.addf %add3A_1705, %exp23A_1712 : vector<8x1024xf32>
      %get3A_1714 = arith.constant 1704 : index
      %get3A_1715 = arith.constant 0 : index
      %get3A_1716 = vector.load %arg1[%get3A_1714, %get3A_1715] : memref<2048x1024xf32, #tpu.memory_space<vmem>>, vector<8x1024xf32>
      %mul3A_1717 = arith.constant 92.3324813 : f32
      %mul3A_1718 = vector.broadcast %mul3A_1717 : f32 to vector<8x1024xf32>
      %mul3A_1719 = arith.mulf %get3A_1716, %mul3A_1718 : vector<8x1024xf32>
      %exp23A_1720 = math.exp2 %mul3A_1719 : vector<8x1024xf32>
      %add3A_1721 = arith.addf %add3A_1713, %exp23A_1720 : vector<8x1024xf32>
      %get3A_1722 = arith.constant 1712 : index
      %get3A_1723 = arith.constant 0 : index
      %get3A_1724 = vector.load %arg1[%get3A_1722, %get3A_1723] : memref<2048x1024xf32, #tpu.memory_space<vmem>>, vector<8x1024xf32>
      %mul3A_1725 = arith.constant 92.3324813 : f32
      %mul3A_1726 = vector.broadcast %mul3A_1725 : f32 to vector<8x1024xf32>
      %mul3A_1727 = arith.mulf %get3A_1724, %mul3A_1726 : vector<8x1024xf32>
      %exp23A_1728 = math.exp2 %mul3A_1727 : vector<8x1024xf32>
      %add3A_1729 = arith.addf %add3A_1721, %exp23A_1728 : vector<8x1024xf32>
      %get3A_1730 = arith.constant 1720 : index
      %get3A_1731 = arith.constant 0 : index
      %get3A_1732 = vector.load %arg1[%get3A_1730, %get3A_1731] : memref<2048x1024xf32, #tpu.memory_space<vmem>>, vector<8x1024xf32>
      %mul3A_1733 = arith.constant 92.3324813 : f32
      %mul3A_1734 = vector.broadcast %mul3A_1733 : f32 to vector<8x1024xf32>
      %mul3A_1735 = arith.mulf %get3A_1732, %mul3A_1734 : vector<8x1024xf32>
      %exp23A_1736 = math.exp2 %mul3A_1735 : vector<8x1024xf32>
      %add3A_1737 = arith.addf %add3A_1729, %exp23A_1736 : vector<8x1024xf32>
      %get3A_1738 = arith.constant 1728 : index
      %get3A_1739 = arith.constant 0 : index
      %get3A_1740 = vector.load %arg1[%get3A_1738, %get3A_1739] : memref<2048x1024xf32, #tpu.memory_space<vmem>>, vector<8x1024xf32>
      %mul3A_1741 = arith.constant 92.3324813 : f32
      %mul3A_1742 = vector.broadcast %mul3A_1741 : f32 to vector<8x1024xf32>
      %mul3A_1743 = arith.mulf %get3A_1740, %mul3A_1742 : vector<8x1024xf32>
      %exp23A_1744 = math.exp2 %mul3A_1743 : vector<8x1024xf32>
      %add3A_1745 = arith.addf %add3A_1737, %exp23A_1744 : vector<8x1024xf32>
      %get3A_1746 = arith.constant 1736 : index
      %get3A_1747 = arith.constant 0 : index
      %get3A_1748 = vector.load %arg1[%get3A_1746, %get3A_1747] : memref<2048x1024xf32, #tpu.memory_space<vmem>>, vector<8x1024xf32>
      %mul3A_1749 = arith.constant 92.3324813 : f32
      %mul3A_1750 = vector.broadcast %mul3A_1749 : f32 to vector<8x1024xf32>
      %mul3A_1751 = arith.mulf %get3A_1748, %mul3A_1750 : vector<8x1024xf32>
      %exp23A_1752 = math.exp2 %mul3A_1751 : vector<8x1024xf32>
      %add3A_1753 = arith.addf %add3A_1745, %exp23A_1752 : vector<8x1024xf32>
      %get3A_1754 = arith.constant 1744 : index
      %get3A_1755 = arith.constant 0 : index
      %get3A_1756 = vector.load %arg1[%get3A_1754, %get3A_1755] : memref<2048x1024xf32, #tpu.memory_space<vmem>>, vector<8x1024xf32>
      %mul3A_1757 = arith.constant 92.3324813 : f32
      %mul3A_1758 = vector.broadcast %mul3A_1757 : f32 to vector<8x1024xf32>
      %mul3A_1759 = arith.mulf %get3A_1756, %mul3A_1758 : vector<8x1024xf32>
      %exp23A_1760 = math.exp2 %mul3A_1759 : vector<8x1024xf32>
      %add3A_1761 = arith.addf %add3A_1753, %exp23A_1760 : vector<8x1024xf32>
      %get3A_1762 = arith.constant 1752 : index
      %get3A_1763 = arith.constant 0 : index
      %get3A_1764 = vector.load %arg1[%get3A_1762, %get3A_1763] : memref<2048x1024xf32, #tpu.memory_space<vmem>>, vector<8x1024xf32>
      %mul3A_1765 = arith.constant 92.3324813 : f32
      %mul3A_1766 = vector.broadcast %mul3A_1765 : f32 to vector<8x1024xf32>
      %mul3A_1767 = arith.mulf %get3A_1764, %mul3A_1766 : vector<8x1024xf32>
      %exp23A_1768 = math.exp2 %mul3A_1767 : vector<8x1024xf32>
      %add3A_1769 = arith.addf %add3A_1761, %exp23A_1768 : vector<8x1024xf32>
      %get3A_1770 = arith.constant 1760 : index
      %get3A_1771 = arith.constant 0 : index
      %get3A_1772 = vector.load %arg1[%get3A_1770, %get3A_1771] : memref<2048x1024xf32, #tpu.memory_space<vmem>>, vector<8x1024xf32>
      %mul3A_1773 = arith.constant 92.3324813 : f32
      %mul3A_1774 = vector.broadcast %mul3A_1773 : f32 to vector<8x1024xf32>
      %mul3A_1775 = arith.mulf %get3A_1772, %mul3A_1774 : vector<8x1024xf32>
      %exp23A_1776 = math.exp2 %mul3A_1775 : vector<8x1024xf32>
      %add3A_1777 = arith.addf %add3A_1769, %exp23A_1776 : vector<8x1024xf32>
      %get3A_1778 = arith.constant 1768 : index
      %get3A_1779 = arith.constant 0 : index
      %get3A_1780 = vector.load %arg1[%get3A_1778, %get3A_1779] : memref<2048x1024xf32, #tpu.memory_space<vmem>>, vector<8x1024xf32>
      %mul3A_1781 = arith.constant 92.3324813 : f32
      %mul3A_1782 = vector.broadcast %mul3A_1781 : f32 to vector<8x1024xf32>
      %mul3A_1783 = arith.mulf %get3A_1780, %mul3A_1782 : vector<8x1024xf32>
      %exp23A_1784 = math.exp2 %mul3A_1783 : vector<8x1024xf32>
      %add3A_1785 = arith.addf %add3A_1777, %exp23A_1784 : vector<8x1024xf32>
      %get3A_1786 = arith.constant 1776 : index
      %get3A_1787 = arith.constant 0 : index
      %get3A_1788 = vector.load %arg1[%get3A_1786, %get3A_1787] : memref<2048x1024xf32, #tpu.memory_space<vmem>>, vector<8x1024xf32>
      %mul3A_1789 = arith.constant 92.3324813 : f32
      %mul3A_1790 = vector.broadcast %mul3A_1789 : f32 to vector<8x1024xf32>
      %mul3A_1791 = arith.mulf %get3A_1788, %mul3A_1790 : vector<8x1024xf32>
      %exp23A_1792 = math.exp2 %mul3A_1791 : vector<8x1024xf32>
      %add3A_1793 = arith.addf %add3A_1785, %exp23A_1792 : vector<8x1024xf32>
      %get3A_1794 = arith.constant 1784 : index
      %get3A_1795 = arith.constant 0 : index
      %get3A_1796 = vector.load %arg1[%get3A_1794, %get3A_1795] : memref<2048x1024xf32, #tpu.memory_space<vmem>>, vector<8x1024xf32>
      %mul3A_1797 = arith.constant 92.3324813 : f32
      %mul3A_1798 = vector.broadcast %mul3A_1797 : f32 to vector<8x1024xf32>
      %mul3A_1799 = arith.mulf %get3A_1796, %mul3A_1798 : vector<8x1024xf32>
      %exp23A_1800 = math.exp2 %mul3A_1799 : vector<8x1024xf32>
      %add3A_1801 = arith.addf %add3A_1793, %exp23A_1800 : vector<8x1024xf32>
      %get3A_1802 = arith.constant 1792 : index
      %get3A_1803 = arith.constant 0 : index
      %get3A_1804 = vector.load %arg1[%get3A_1802, %get3A_1803] : memref<2048x1024xf32, #tpu.memory_space<vmem>>, vector<8x1024xf32>
      %mul3A_1805 = arith.constant 92.3324813 : f32
      %mul3A_1806 = vector.broadcast %mul3A_1805 : f32 to vector<8x1024xf32>
      %mul3A_1807 = arith.mulf %get3A_1804, %mul3A_1806 : vector<8x1024xf32>
      %exp23A_1808 = math.exp2 %mul3A_1807 : vector<8x1024xf32>
      %add3A_1809 = arith.addf %add3A_1801, %exp23A_1808 : vector<8x1024xf32>
      %get3A_1810 = arith.constant 1800 : index
      %get3A_1811 = arith.constant 0 : index
      %get3A_1812 = vector.load %arg1[%get3A_1810, %get3A_1811] : memref<2048x1024xf32, #tpu.memory_space<vmem>>, vector<8x1024xf32>
      %mul3A_1813 = arith.constant 92.3324813 : f32
      %mul3A_1814 = vector.broadcast %mul3A_1813 : f32 to vector<8x1024xf32>
      %mul3A_1815 = arith.mulf %get3A_1812, %mul3A_1814 : vector<8x1024xf32>
      %exp23A_1816 = math.exp2 %mul3A_1815 : vector<8x1024xf32>
      %add3A_1817 = arith.addf %add3A_1809, %exp23A_1816 : vector<8x1024xf32>
      %get3A_1818 = arith.constant 1808 : index
      %get3A_1819 = arith.constant 0 : index
      %get3A_1820 = vector.load %arg1[%get3A_1818, %get3A_1819] : memref<2048x1024xf32, #tpu.memory_space<vmem>>, vector<8x1024xf32>
      %mul3A_1821 = arith.constant 92.3324813 : f32
      %mul3A_1822 = vector.broadcast %mul3A_1821 : f32 to vector<8x1024xf32>
      %mul3A_1823 = arith.mulf %get3A_1820, %mul3A_1822 : vector<8x1024xf32>
      %exp23A_1824 = math.exp2 %mul3A_1823 : vector<8x1024xf32>
      %add3A_1825 = arith.addf %add3A_1817, %exp23A_1824 : vector<8x1024xf32>
      %get3A_1826 = arith.constant 1816 : index
      %get3A_1827 = arith.constant 0 : index
      %get3A_1828 = vector.load %arg1[%get3A_1826, %get3A_1827] : memref<2048x1024xf32, #tpu.memory_space<vmem>>, vector<8x1024xf32>
      %mul3A_1829 = arith.constant 92.3324813 : f32
      %mul3A_1830 = vector.broadcast %mul3A_1829 : f32 to vector<8x1024xf32>
      %mul3A_1831 = arith.mulf %get3A_1828, %mul3A_1830 : vector<8x1024xf32>
      %exp23A_1832 = math.exp2 %mul3A_1831 : vector<8x1024xf32>
      %add3A_1833 = arith.addf %add3A_1825, %exp23A_1832 : vector<8x1024xf32>
      %get3A_1834 = arith.constant 1824 : index
      %get3A_1835 = arith.constant 0 : index
      %get3A_1836 = vector.load %arg1[%get3A_1834, %get3A_1835] : memref<2048x1024xf32, #tpu.memory_space<vmem>>, vector<8x1024xf32>
      %mul3A_1837 = arith.constant 92.3324813 : f32
      %mul3A_1838 = vector.broadcast %mul3A_1837 : f32 to vector<8x1024xf32>
      %mul3A_1839 = arith.mulf %get3A_1836, %mul3A_1838 : vector<8x1024xf32>
      %exp23A_1840 = math.exp2 %mul3A_1839 : vector<8x1024xf32>
      %add3A_1841 = arith.addf %add3A_1833, %exp23A_1840 : vector<8x1024xf32>
      %get3A_1842 = arith.constant 1832 : index
      %get3A_1843 = arith.constant 0 : index
      %get3A_1844 = vector.load %arg1[%get3A_1842, %get3A_1843] : memref<2048x1024xf32, #tpu.memory_space<vmem>>, vector<8x1024xf32>
      %mul3A_1845 = arith.constant 92.3324813 : f32
      %mul3A_1846 = vector.broadcast %mul3A_1845 : f32 to vector<8x1024xf32>
      %mul3A_1847 = arith.mulf %get3A_1844, %mul3A_1846 : vector<8x1024xf32>
      %exp23A_1848 = math.exp2 %mul3A_1847 : vector<8x1024xf32>
      %add3A_1849 = arith.addf %add3A_1841, %exp23A_1848 : vector<8x1024xf32>
      %get3A_1850 = arith.constant 1840 : index
      %get3A_1851 = arith.constant 0 : index
      %get3A_1852 = vector.load %arg1[%get3A_1850, %get3A_1851] : memref<2048x1024xf32, #tpu.memory_space<vmem>>, vector<8x1024xf32>
      %mul3A_1853 = arith.constant 92.3324813 : f32
      %mul3A_1854 = vector.broadcast %mul3A_1853 : f32 to vector<8x1024xf32>
      %mul3A_1855 = arith.mulf %get3A_1852, %mul3A_1854 : vector<8x1024xf32>
      %exp23A_1856 = math.exp2 %mul3A_1855 : vector<8x1024xf32>
      %add3A_1857 = arith.addf %add3A_1849, %exp23A_1856 : vector<8x1024xf32>
      %get3A_1858 = arith.constant 1848 : index
      %get3A_1859 = arith.constant 0 : index
      %get3A_1860 = vector.load %arg1[%get3A_1858, %get3A_1859] : memref<2048x1024xf32, #tpu.memory_space<vmem>>, vector<8x1024xf32>
      %mul3A_1861 = arith.constant 92.3324813 : f32
      %mul3A_1862 = vector.broadcast %mul3A_1861 : f32 to vector<8x1024xf32>
      %mul3A_1863 = arith.mulf %get3A_1860, %mul3A_1862 : vector<8x1024xf32>
      %exp23A_1864 = math.exp2 %mul3A_1863 : vector<8x1024xf32>
      %add3A_1865 = arith.addf %add3A_1857, %exp23A_1864 : vector<8x1024xf32>
      %get3A_1866 = arith.constant 1856 : index
      %get3A_1867 = arith.constant 0 : index
      %get3A_1868 = vector.load %arg1[%get3A_1866, %get3A_1867] : memref<2048x1024xf32, #tpu.memory_space<vmem>>, vector<8x1024xf32>
      %mul3A_1869 = arith.constant 92.3324813 : f32
      %mul3A_1870 = vector.broadcast %mul3A_1869 : f32 to vector<8x1024xf32>
      %mul3A_1871 = arith.mulf %get3A_1868, %mul3A_1870 : vector<8x1024xf32>
      %exp23A_1872 = math.exp2 %mul3A_1871 : vector<8x1024xf32>
      %add3A_1873 = arith.addf %add3A_1865, %exp23A_1872 : vector<8x1024xf32>
      %get3A_1874 = arith.constant 1864 : index
      %get3A_1875 = arith.constant 0 : index
      %get3A_1876 = vector.load %arg1[%get3A_1874, %get3A_1875] : memref<2048x1024xf32, #tpu.memory_space<vmem>>, vector<8x1024xf32>
      %mul3A_1877 = arith.constant 92.3324813 : f32
      %mul3A_1878 = vector.broadcast %mul3A_1877 : f32 to vector<8x1024xf32>
      %mul3A_1879 = arith.mulf %get3A_1876, %mul3A_1878 : vector<8x1024xf32>
      %exp23A_1880 = math.exp2 %mul3A_1879 : vector<8x1024xf32>
      %add3A_1881 = arith.addf %add3A_1873, %exp23A_1880 : vector<8x1024xf32>
      %get3A_1882 = arith.constant 1872 : index
      %get3A_1883 = arith.constant 0 : index
      %get3A_1884 = vector.load %arg1[%get3A_1882, %get3A_1883] : memref<2048x1024xf32, #tpu.memory_space<vmem>>, vector<8x1024xf32>
      %mul3A_1885 = arith.constant 92.3324813 : f32
      %mul3A_1886 = vector.broadcast %mul3A_1885 : f32 to vector<8x1024xf32>
      %mul3A_1887 = arith.mulf %get3A_1884, %mul3A_1886 : vector<8x1024xf32>
      %exp23A_1888 = math.exp2 %mul3A_1887 : vector<8x1024xf32>
      %add3A_1889 = arith.addf %add3A_1881, %exp23A_1888 : vector<8x1024xf32>
      %get3A_1890 = arith.constant 1880 : index
      %get3A_1891 = arith.constant 0 : index
      %get3A_1892 = vector.load %arg1[%get3A_1890, %get3A_1891] : memref<2048x1024xf32, #tpu.memory_space<vmem>>, vector<8x1024xf32>
      %mul3A_1893 = arith.constant 92.3324813 : f32
      %mul3A_1894 = vector.broadcast %mul3A_1893 : f32 to vector<8x1024xf32>
      %mul3A_1895 = arith.mulf %get3A_1892, %mul3A_1894 : vector<8x1024xf32>
      %exp23A_1896 = math.exp2 %mul3A_1895 : vector<8x1024xf32>
      %add3A_1897 = arith.addf %add3A_1889, %exp23A_1896 : vector<8x1024xf32>
      %get3A_1898 = arith.constant 1888 : index
      %get3A_1899 = arith.constant 0 : index
      %get3A_1900 = vector.load %arg1[%get3A_1898, %get3A_1899] : memref<2048x1024xf32, #tpu.memory_space<vmem>>, vector<8x1024xf32>
      %mul3A_1901 = arith.constant 92.3324813 : f32
      %mul3A_1902 = vector.broadcast %mul3A_1901 : f32 to vector<8x1024xf32>
      %mul3A_1903 = arith.mulf %get3A_1900, %mul3A_1902 : vector<8x1024xf32>
      %exp23A_1904 = math.exp2 %mul3A_1903 : vector<8x1024xf32>
      %add3A_1905 = arith.addf %add3A_1897, %exp23A_1904 : vector<8x1024xf32>
      %get3A_1906 = arith.constant 1896 : index
      %get3A_1907 = arith.constant 0 : index
      %get3A_1908 = vector.load %arg1[%get3A_1906, %get3A_1907] : memref<2048x1024xf32, #tpu.memory_space<vmem>>, vector<8x1024xf32>
      %mul3A_1909 = arith.constant 92.3324813 : f32
      %mul3A_1910 = vector.broadcast %mul3A_1909 : f32 to vector<8x1024xf32>
      %mul3A_1911 = arith.mulf %get3A_1908, %mul3A_1910 : vector<8x1024xf32>
      %exp23A_1912 = math.exp2 %mul3A_1911 : vector<8x1024xf32>
      %add3A_1913 = arith.addf %add3A_1905, %exp23A_1912 : vector<8x1024xf32>
      %get3A_1914 = arith.constant 1904 : index
      %get3A_1915 = arith.constant 0 : index
      %get3A_1916 = vector.load %arg1[%get3A_1914, %get3A_1915] : memref<2048x1024xf32, #tpu.memory_space<vmem>>, vector<8x1024xf32>
      %mul3A_1917 = arith.constant 92.3324813 : f32
      %mul3A_1918 = vector.broadcast %mul3A_1917 : f32 to vector<8x1024xf32>
      %mul3A_1919 = arith.mulf %get3A_1916, %mul3A_1918 : vector<8x1024xf32>
      %exp23A_1920 = math.exp2 %mul3A_1919 : vector<8x1024xf32>
      %add3A_1921 = arith.addf %add3A_1913, %exp23A_1920 : vector<8x1024xf32>
      %get3A_1922 = arith.constant 1912 : index
      %get3A_1923 = arith.constant 0 : index
      %get3A_1924 = vector.load %arg1[%get3A_1922, %get3A_1923] : memref<2048x1024xf32, #tpu.memory_space<vmem>>, vector<8x1024xf32>
      %mul3A_1925 = arith.constant 92.3324813 : f32
      %mul3A_1926 = vector.broadcast %mul3A_1925 : f32 to vector<8x1024xf32>
      %mul3A_1927 = arith.mulf %get3A_1924, %mul3A_1926 : vector<8x1024xf32>
      %exp23A_1928 = math.exp2 %mul3A_1927 : vector<8x1024xf32>
      %add3A_1929 = arith.addf %add3A_1921, %exp23A_1928 : vector<8x1024xf32>
      %get3A_1930 = arith.constant 1920 : index
      %get3A_1931 = arith.constant 0 : index
      %get3A_1932 = vector.load %arg1[%get3A_1930, %get3A_1931] : memref<2048x1024xf32, #tpu.memory_space<vmem>>, vector<8x1024xf32>
      %mul3A_1933 = arith.constant 92.3324813 : f32
      %mul3A_1934 = vector.broadcast %mul3A_1933 : f32 to vector<8x1024xf32>
      %mul3A_1935 = arith.mulf %get3A_1932, %mul3A_1934 : vector<8x1024xf32>
      %exp23A_1936 = math.exp2 %mul3A_1935 : vector<8x1024xf32>
      %add3A_1937 = arith.addf %add3A_1929, %exp23A_1936 : vector<8x1024xf32>
      %get3A_1938 = arith.constant 1928 : index
      %get3A_1939 = arith.constant 0 : index
      %get3A_1940 = vector.load %arg1[%get3A_1938, %get3A_1939] : memref<2048x1024xf32, #tpu.memory_space<vmem>>, vector<8x1024xf32>
      %mul3A_1941 = arith.constant 92.3324813 : f32
      %mul3A_1942 = vector.broadcast %mul3A_1941 : f32 to vector<8x1024xf32>
      %mul3A_1943 = arith.mulf %get3A_1940, %mul3A_1942 : vector<8x1024xf32>
      %exp23A_1944 = math.exp2 %mul3A_1943 : vector<8x1024xf32>
      %add3A_1945 = arith.addf %add3A_1937, %exp23A_1944 : vector<8x1024xf32>
      %get3A_1946 = arith.constant 1936 : index
      %get3A_1947 = arith.constant 0 : index
      %get3A_1948 = vector.load %arg1[%get3A_1946, %get3A_1947] : memref<2048x1024xf32, #tpu.memory_space<vmem>>, vector<8x1024xf32>
      %mul3A_1949 = arith.constant 92.3324813 : f32
      %mul3A_1950 = vector.broadcast %mul3A_1949 : f32 to vector<8x1024xf32>
      %mul3A_1951 = arith.mulf %get3A_1948, %mul3A_1950 : vector<8x1024xf32>
      %exp23A_1952 = math.exp2 %mul3A_1951 : vector<8x1024xf32>
      %add3A_1953 = arith.addf %add3A_1945, %exp23A_1952 : vector<8x1024xf32>
      %get3A_1954 = arith.constant 1944 : index
      %get3A_1955 = arith.constant 0 : index
      %get3A_1956 = vector.load %arg1[%get3A_1954, %get3A_1955] : memref<2048x1024xf32, #tpu.memory_space<vmem>>, vector<8x1024xf32>
      %mul3A_1957 = arith.constant 92.3324813 : f32
      %mul3A_1958 = vector.broadcast %mul3A_1957 : f32 to vector<8x1024xf32>
      %mul3A_1959 = arith.mulf %get3A_1956, %mul3A_1958 : vector<8x1024xf32>
      %exp23A_1960 = math.exp2 %mul3A_1959 : vector<8x1024xf32>
      %add3A_1961 = arith.addf %add3A_1953, %exp23A_1960 : vector<8x1024xf32>
      %get3A_1962 = arith.constant 1952 : index
      %get3A_1963 = arith.constant 0 : index
      %get3A_1964 = vector.load %arg1[%get3A_1962, %get3A_1963] : memref<2048x1024xf32, #tpu.memory_space<vmem>>, vector<8x1024xf32>
      %mul3A_1965 = arith.constant 92.3324813 : f32
      %mul3A_1966 = vector.broadcast %mul3A_1965 : f32 to vector<8x1024xf32>
      %mul3A_1967 = arith.mulf %get3A_1964, %mul3A_1966 : vector<8x1024xf32>
      %exp23A_1968 = math.exp2 %mul3A_1967 : vector<8x1024xf32>
      %add3A_1969 = arith.addf %add3A_1961, %exp23A_1968 : vector<8x1024xf32>
      %get3A_1970 = arith.constant 1960 : index
      %get3A_1971 = arith.constant 0 : index
      %get3A_1972 = vector.load %arg1[%get3A_1970, %get3A_1971] : memref<2048x1024xf32, #tpu.memory_space<vmem>>, vector<8x1024xf32>
      %mul3A_1973 = arith.constant 92.3324813 : f32
      %mul3A_1974 = vector.broadcast %mul3A_1973 : f32 to vector<8x1024xf32>
      %mul3A_1975 = arith.mulf %get3A_1972, %mul3A_1974 : vector<8x1024xf32>
      %exp23A_1976 = math.exp2 %mul3A_1975 : vector<8x1024xf32>
      %add3A_1977 = arith.addf %add3A_1969, %exp23A_1976 : vector<8x1024xf32>
      %get3A_1978 = arith.constant 1968 : index
      %get3A_1979 = arith.constant 0 : index
      %get3A_1980 = vector.load %arg1[%get3A_1978, %get3A_1979] : memref<2048x1024xf32, #tpu.memory_space<vmem>>, vector<8x1024xf32>
      %mul3A_1981 = arith.constant 92.3324813 : f32
      %mul3A_1982 = vector.broadcast %mul3A_1981 : f32 to vector<8x1024xf32>
      %mul3A_1983 = arith.mulf %get3A_1980, %mul3A_1982 : vector<8x1024xf32>
      %exp23A_1984 = math.exp2 %mul3A_1983 : vector<8x1024xf32>
      %add3A_1985 = arith.addf %add3A_1977, %exp23A_1984 : vector<8x1024xf32>
      %get3A_1986 = arith.constant 1976 : index
      %get3A_1987 = arith.constant 0 : index
      %get3A_1988 = vector.load %arg1[%get3A_1986, %get3A_1987] : memref<2048x1024xf32, #tpu.memory_space<vmem>>, vector<8x1024xf32>
      %mul3A_1989 = arith.constant 92.3324813 : f32
      %mul3A_1990 = vector.broadcast %mul3A_1989 : f32 to vector<8x1024xf32>
      %mul3A_1991 = arith.mulf %get3A_1988, %mul3A_1990 : vector<8x1024xf32>
      %exp23A_1992 = math.exp2 %mul3A_1991 : vector<8x1024xf32>
      %add3A_1993 = arith.addf %add3A_1985, %exp23A_1992 : vector<8x1024xf32>
      %get3A_1994 = arith.constant 1984 : index
      %get3A_1995 = arith.constant 0 : index
      %get3A_1996 = vector.load %arg1[%get3A_1994, %get3A_1995] : memref<2048x1024xf32, #tpu.memory_space<vmem>>, vector<8x1024xf32>
      %mul3A_1997 = arith.constant 92.3324813 : f32
      %mul3A_1998 = vector.broadcast %mul3A_1997 : f32 to vector<8x1024xf32>
      %mul3A_1999 = arith.mulf %get3A_1996, %mul3A_1998 : vector<8x1024xf32>
      %exp23A_2000 = math.exp2 %mul3A_1999 : vector<8x1024xf32>
      %add3A_2001 = arith.addf %add3A_1993, %exp23A_2000 : vector<8x1024xf32>
      %get3A_2002 = arith.constant 1992 : index
      %get3A_2003 = arith.constant 0 : index
      %get3A_2004 = vector.load %arg1[%get3A_2002, %get3A_2003] : memref<2048x1024xf32, #tpu.memory_space<vmem>>, vector<8x1024xf32>
      %mul3A_2005 = arith.constant 92.3324813 : f32
      %mul3A_2006 = vector.broadcast %mul3A_2005 : f32 to vector<8x1024xf32>
      %mul3A_2007 = arith.mulf %get3A_2004, %mul3A_2006 : vector<8x1024xf32>
      %exp23A_2008 = math.exp2 %mul3A_2007 : vector<8x1024xf32>
      %add3A_2009 = arith.addf %add3A_2001, %exp23A_2008 : vector<8x1024xf32>
      %get3A_2010 = arith.constant 2000 : index
      %get3A_2011 = arith.constant 0 : index
      %get3A_2012 = vector.load %arg1[%get3A_2010, %get3A_2011] : memref<2048x1024xf32, #tpu.memory_space<vmem>>, vector<8x1024xf32>
      %mul3A_2013 = arith.constant 92.3324813 : f32
      %mul3A_2014 = vector.broadcast %mul3A_2013 : f32 to vector<8x1024xf32>
      %mul3A_2015 = arith.mulf %get3A_2012, %mul3A_2014 : vector<8x1024xf32>
      %exp23A_2016 = math.exp2 %mul3A_2015 : vector<8x1024xf32>
      %add3A_2017 = arith.addf %add3A_2009, %exp23A_2016 : vector<8x1024xf32>
      %get3A_2018 = arith.constant 2008 : index
      %get3A_2019 = arith.constant 0 : index
      %get3A_2020 = vector.load %arg1[%get3A_2018, %get3A_2019] : memref<2048x1024xf32, #tpu.memory_space<vmem>>, vector<8x1024xf32>
      %mul3A_2021 = arith.constant 92.3324813 : f32
      %mul3A_2022 = vector.broadcast %mul3A_2021 : f32 to vector<8x1024xf32>
      %mul3A_2023 = arith.mulf %get3A_2020, %mul3A_2022 : vector<8x1024xf32>
      %exp23A_2024 = math.exp2 %mul3A_2023 : vector<8x1024xf32>
      %add3A_2025 = arith.addf %add3A_2017, %exp23A_2024 : vector<8x1024xf32>
      %get3A_2026 = arith.constant 2016 : index
      %get3A_2027 = arith.constant 0 : index
      %get3A_2028 = vector.load %arg1[%get3A_2026, %get3A_2027] : memref<2048x1024xf32, #tpu.memory_space<vmem>>, vector<8x1024xf32>
      %mul3A_2029 = arith.constant 92.3324813 : f32
      %mul3A_2030 = vector.broadcast %mul3A_2029 : f32 to vector<8x1024xf32>
      %mul3A_2031 = arith.mulf %get3A_2028, %mul3A_2030 : vector<8x1024xf32>
      %exp23A_2032 = math.exp2 %mul3A_2031 : vector<8x1024xf32>
      %add3A_2033 = arith.addf %add3A_2025, %exp23A_2032 : vector<8x1024xf32>
      %get3A_2034 = arith.constant 2024 : index
      %get3A_2035 = arith.constant 0 : index
      %get3A_2036 = vector.load %arg1[%get3A_2034, %get3A_2035] : memref<2048x1024xf32, #tpu.memory_space<vmem>>, vector<8x1024xf32>
      %mul3A_2037 = arith.constant 92.3324813 : f32
      %mul3A_2038 = vector.broadcast %mul3A_2037 : f32 to vector<8x1024xf32>
      %mul3A_2039 = arith.mulf %get3A_2036, %mul3A_2038 : vector<8x1024xf32>
      %exp23A_2040 = math.exp2 %mul3A_2039 : vector<8x1024xf32>
      %add3A_2041 = arith.addf %add3A_2033, %exp23A_2040 : vector<8x1024xf32>
      %get3A_2042 = arith.constant 2032 : index
      %get3A_2043 = arith.constant 0 : index
      %get3A_2044 = vector.load %arg1[%get3A_2042, %get3A_2043] : memref<2048x1024xf32, #tpu.memory_space<vmem>>, vector<8x1024xf32>
      %mul3A_2045 = arith.constant 92.3324813 : f32
      %mul3A_2046 = vector.broadcast %mul3A_2045 : f32 to vector<8x1024xf32>
      %mul3A_2047 = arith.mulf %get3A_2044, %mul3A_2046 : vector<8x1024xf32>
      %exp23A_2048 = math.exp2 %mul3A_2047 : vector<8x1024xf32>
      %add3A_2049 = arith.addf %add3A_2041, %exp23A_2048 : vector<8x1024xf32>
      %get3A_2050 = arith.constant 2040 : index
      %get3A_2051 = arith.constant 0 : index
      %get3A_2052 = vector.load %arg1[%get3A_2050, %get3A_2051] : memref<2048x1024xf32, #tpu.memory_space<vmem>>, vector<8x1024xf32>
      %mul3A_2053 = arith.constant 92.3324813 : f32
      %mul3A_2054 = vector.broadcast %mul3A_2053 : f32 to vector<8x1024xf32>
      %mul3A_2055 = arith.mulf %get3A_2052, %mul3A_2054 : vector<8x1024xf32>
      %exp23A_2056 = math.exp2 %mul3A_2055 : vector<8x1024xf32>
      %add3A_2057 = arith.addf %add3A_2049, %exp23A_2056 : vector<8x1024xf32>
      %swap3A = arith.constant 0 : index
      %swap3A_2058 = arith.constant 0 : index
      %swap3A_2059 = vector.load %arg3[%swap3A, %swap3A_2058] : memref<8x1024xf32, #tpu.memory_space<vmem>>, vector<8x1024xf32>
      tpu.vector_store %arg3[%swap3A, %swap3A_2058], %add3A_2057 {strides = array<i32>} : memref<8x1024xf32, #tpu.memory_space<vmem>>, vector<8x1024xf32>,
    } else {
    }
    %eq3A_6 = arith.constant 48 : i32
    %eq3A_7 = arith.cmpi eq, %arg0, %eq3A_6 : i32
    %convert_element_type3A_8 = arith.extui %eq3A_7 : i1 to i32
    %cond3A_9 = arith.constant 0 : i32
    %cond3A_10 = arith.cmpi ne, %convert_element_type3A_8, %cond3A_9 : i32
    scf.if %cond3A_10 {
      %get3A = arith.constant 0 : index
      %get3A_11 = arith.constant 0 : index
      %get3A_12 = vector.load %arg3[%get3A, %get3A_11] : memref<8x1024xf32, #tpu.memory_space<vmem>>, vector<8x1024xf32>
      %iota3A = tpu.iota {dimensions = array<i32: 0>} : vector<8x1024xi32>
      %mul3A = arith.constant 2048 : i32
      %mul3A_13 = arith.muli %arg0, %mul3A : i32
      %add3A = vector.broadcast %mul3A_13 : i32 to vector<8x1024xi32>
      %add3A_14 = arith.addi %iota3A, %add3A : vector<8x1024xi32>
      %get3A_15 = arith.constant 0 : index
      %get3A_16 = arith.constant 0 : index
      %get3A_17 = vector.load %arg1[%get3A_15, %get3A_16] : memref<2048x1024xf32, #tpu.memory_space<vmem>>, vector<8x1024xf32>
      %mul3A_18 = arith.constant 92.3324813 : f32
      %mul3A_19 = vector.broadcast %mul3A_18 : f32 to vector<8x1024xf32>
      %mul3A_20 = arith.mulf %get3A_17, %mul3A_19 : vector<8x1024xf32>
      %exp23A = math.exp2 %mul3A_20 : vector<8x1024xf32>
      %lt3A_21 = arith.constant 100000 : i32
      %lt3A_22 = vector.broadcast %lt3A_21 : i32 to vector<8x1024xi32>
      %lt3A_23 = arith.cmpi slt, %add3A_14, %lt3A_22 : vector<8x1024xi32>
      %jit3A = arith.constant 0.000000e+00 : f32
      %broadcast_in_dim3A = vector.broadcast %jit3A : f32 to vector<8x1024xf32>
      %select_n3A = arith.select %lt3A_23, %exp23A, %broadcast_in_dim3A : vector<8x1024xi1>, vector<8x1024xf32>
      %add3A_24 = arith.constant 8 : i32
      %add3A_25 = vector.broadcast %add3A_24 : i32 to vector<8x1024xi32>
      %add3A_26 = arith.addi %add3A_14, %add3A_25 : vector<8x1024xi32>
      %add3A_27 = arith.addf %get3A_12, %select_n3A : vector<8x1024xf32>
      %get3A_28 = arith.constant 8 : index
      %get3A_29 = arith.constant 0 : index
      %get3A_30 = vector.load %arg1[%get3A_28, %get3A_29] : memref<2048x1024xf32, #tpu.memory_space<vmem>>, vector<8x1024xf32>
      %mul3A_31 = arith.constant 92.3324813 : f32
      %mul3A_32 = vector.broadcast %mul3A_31 : f32 to vector<8x1024xf32>
      %mul3A_33 = arith.mulf %get3A_30, %mul3A_32 : vector<8x1024xf32>
      %exp23A_34 = math.exp2 %mul3A_33 : vector<8x1024xf32>
      %lt3A_35 = arith.constant 100000 : i32
      %lt3A_36 = vector.broadcast %lt3A_35 : i32 to vector<8x1024xi32>
      %lt3A_37 = arith.cmpi slt, %add3A_26, %lt3A_36 : vector<8x1024xi32>
      %jit3A_38 = arith.constant 0.000000e+00 : f32
      %broadcast_in_dim3A_39 = vector.broadcast %jit3A_38 : f32 to vector<8x1024xf32>
      %select_n3A_40 = arith.select %lt3A_37, %exp23A_34, %broadcast_in_dim3A_39 : vector<8x1024xi1>, vector<8x1024xf32>
      %add3A_41 = arith.constant 8 : i32
      %add3A_42 = vector.broadcast %add3A_41 : i32 to vector<8x1024xi32>
      %add3A_43 = arith.addi %add3A_26, %add3A_42 : vector<8x1024xi32>
      %add3A_44 = arith.addf %add3A_27, %select_n3A_40 : vector<8x1024xf32>
      %get3A_45 = arith.constant 16 : index
      %get3A_46 = arith.constant 0 : index
      %get3A_47 = vector.load %arg1[%get3A_45, %get3A_46] : memref<2048x1024xf32, #tpu.memory_space<vmem>>, vector<8x1024xf32>
      %mul3A_48 = arith.constant 92.3324813 : f32
      %mul3A_49 = vector.broadcast %mul3A_48 : f32 to vector<8x1024xf32>
      %mul3A_50 = arith.mulf %get3A_47, %mul3A_49 : vector<8x1024xf32>
      %exp23A_51 = math.exp2 %mul3A_50 : vector<8x1024xf32>
      %lt3A_52 = arith.constant 100000 : i32
      %lt3A_53 = vector.broadcast %lt3A_52 : i32 to vector<8x1024xi32>
      %lt3A_54 = arith.cmpi slt, %add3A_43, %lt3A_53 : vector<8x1024xi32>
      %jit3A_55 = arith.constant 0.000000e+00 : f32
      %broadcast_in_dim3A_56 = vector.broadcast %jit3A_55 : f32 to vector<8x1024xf32>
      %select_n3A_57 = arith.select %lt3A_54, %exp23A_51, %broadcast_in_dim3A_56 : vector<8x1024xi1>, vector<8x1024xf32>
      %add3A_58 = arith.constant 8 : i32
      %add3A_59 = vector.broadcast %add3A_58 : i32 to vector<8x1024xi32>
      %add3A_60 = arith.addi %add3A_43, %add3A_59 : vector<8x1024xi32>
      %add3A_61 = arith.addf %add3A_44, %select_n3A_57 : vector<8x1024xf32>
      %get3A_62 = arith.constant 24 : index
      %get3A_63 = arith.constant 0 : index
      %get3A_64 = vector.load %arg1[%get3A_62, %get3A_63] : memref<2048x1024xf32, #tpu.memory_space<vmem>>, vector<8x1024xf32>
      %mul3A_65 = arith.constant 92.3324813 : f32
      %mul3A_66 = vector.broadcast %mul3A_65 : f32 to vector<8x1024xf32>
      %mul3A_67 = arith.mulf %get3A_64, %mul3A_66 : vector<8x1024xf32>
      %exp23A_68 = math.exp2 %mul3A_67 : vector<8x1024xf32>
      %lt3A_69 = arith.constant 100000 : i32
      %lt3A_70 = vector.broadcast %lt3A_69 : i32 to vector<8x1024xi32>
      %lt3A_71 = arith.cmpi slt, %add3A_60, %lt3A_70 : vector<8x1024xi32>
      %jit3A_72 = arith.constant 0.000000e+00 : f32
      %broadcast_in_dim3A_73 = vector.broadcast %jit3A_72 : f32 to vector<8x1024xf32>
      %select_n3A_74 = arith.select %lt3A_71, %exp23A_68, %broadcast_in_dim3A_73 : vector<8x1024xi1>, vector<8x1024xf32>
      %add3A_75 = arith.constant 8 : i32
      %add3A_76 = vector.broadcast %add3A_75 : i32 to vector<8x1024xi32>
      %add3A_77 = arith.addi %add3A_60, %add3A_76 : vector<8x1024xi32>
      %add3A_78 = arith.addf %add3A_61, %select_n3A_74 : vector<8x1024xf32>
      %get3A_79 = arith.constant 32 : index
      %get3A_80 = arith.constant 0 : index
      %get3A_81 = vector.load %arg1[%get3A_79, %get3A_80] : memref<2048x1024xf32, #tpu.memory_space<vmem>>, vector<8x1024xf32>
      %mul3A_82 = arith.constant 92.3324813 : f32
      %mul3A_83 = vector.broadcast %mul3A_82 : f32 to vector<8x1024xf32>
      %mul3A_84 = arith.mulf %get3A_81, %mul3A_83 : vector<8x1024xf32>
      %exp23A_85 = math.exp2 %mul3A_84 : vector<8x1024xf32>
      %lt3A_86 = arith.constant 100000 : i32
      %lt3A_87 = vector.broadcast %lt3A_86 : i32 to vector<8x1024xi32>
      %lt3A_88 = arith.cmpi slt, %add3A_77, %lt3A_87 : vector<8x1024xi32>
      %jit3A_89 = arith.constant 0.000000e+00 : f32
      %broadcast_in_dim3A_90 = vector.broadcast %jit3A_89 : f32 to vector<8x1024xf32>
      %select_n3A_91 = arith.select %lt3A_88, %exp23A_85, %broadcast_in_dim3A_90 : vector<8x1024xi1>, vector<8x1024xf32>
      %add3A_92 = arith.constant 8 : i32
      %add3A_93 = vector.broadcast %add3A_92 : i32 to vector<8x1024xi32>
      %add3A_94 = arith.addi %add3A_77, %add3A_93 : vector<8x1024xi32>
      %add3A_95 = arith.addf %add3A_78, %select_n3A_91 : vector<8x1024xf32>
      %get3A_96 = arith.constant 40 : index
      %get3A_97 = arith.constant 0 : index
      %get3A_98 = vector.load %arg1[%get3A_96, %get3A_97] : memref<2048x1024xf32, #tpu.memory_space<vmem>>, vector<8x1024xf32>
      %mul3A_99 = arith.constant 92.3324813 : f32
      %mul3A_100 = vector.broadcast %mul3A_99 : f32 to vector<8x1024xf32>
      %mul3A_101 = arith.mulf %get3A_98, %mul3A_100 : vector<8x1024xf32>
      %exp23A_102 = math.exp2 %mul3A_101 : vector<8x1024xf32>
      %lt3A_103 = arith.constant 100000 : i32
      %lt3A_104 = vector.broadcast %lt3A_103 : i32 to vector<8x1024xi32>
      %lt3A_105 = arith.cmpi slt, %add3A_94, %lt3A_104 : vector<8x1024xi32>
      %jit3A_106 = arith.constant 0.000000e+00 : f32
      %broadcast_in_dim3A_107 = vector.broadcast %jit3A_106 : f32 to vector<8x1024xf32>
      %select_n3A_108 = arith.select %lt3A_105, %exp23A_102, %broadcast_in_dim3A_107 : vector<8x1024xi1>, vector<8x1024xf32>
      %add3A_109 = arith.constant 8 : i32
      %add3A_110 = vector.broadcast %add3A_109 : i32 to vector<8x1024xi32>
      %add3A_111 = arith.addi %add3A_94, %add3A_110 : vector<8x1024xi32>
      %add3A_112 = arith.addf %add3A_95, %select_n3A_108 : vector<8x1024xf32>
      %get3A_113 = arith.constant 48 : index
      %get3A_114 = arith.constant 0 : index
      %get3A_115 = vector.load %arg1[%get3A_113, %get3A_114] : memref<2048x1024xf32, #tpu.memory_space<vmem>>, vector<8x1024xf32>
      %mul3A_116 = arith.constant 92.3324813 : f32
      %mul3A_117 = vector.broadcast %mul3A_116 : f32 to vector<8x1024xf32>
      %mul3A_118 = arith.mulf %get3A_115, %mul3A_117 : vector<8x1024xf32>
      %exp23A_119 = math.exp2 %mul3A_118 : vector<8x1024xf32>
      %lt3A_120 = arith.constant 100000 : i32
      %lt3A_121 = vector.broadcast %lt3A_120 : i32 to vector<8x1024xi32>
      %lt3A_122 = arith.cmpi slt, %add3A_111, %lt3A_121 : vector<8x1024xi32>
      %jit3A_123 = arith.constant 0.000000e+00 : f32
      %broadcast_in_dim3A_124 = vector.broadcast %jit3A_123 : f32 to vector<8x1024xf32>
      %select_n3A_125 = arith.select %lt3A_122, %exp23A_119, %broadcast_in_dim3A_124 : vector<8x1024xi1>, vector<8x1024xf32>
      %add3A_126 = arith.constant 8 : i32
      %add3A_127 = vector.broadcast %add3A_126 : i32 to vector<8x1024xi32>
      %add3A_128 = arith.addi %add3A_111, %add3A_127 : vector<8x1024xi32>
      %add3A_129 = arith.addf %add3A_112, %select_n3A_125 : vector<8x1024xf32>
      %get3A_130 = arith.constant 56 : index
      %get3A_131 = arith.constant 0 : index
      %get3A_132 = vector.load %arg1[%get3A_130, %get3A_131] : memref<2048x1024xf32, #tpu.memory_space<vmem>>, vector<8x1024xf32>
      %mul3A_133 = arith.constant 92.3324813 : f32
      %mul3A_134 = vector.broadcast %mul3A_133 : f32 to vector<8x1024xf32>
      %mul3A_135 = arith.mulf %get3A_132, %mul3A_134 : vector<8x1024xf32>
      %exp23A_136 = math.exp2 %mul3A_135 : vector<8x1024xf32>
      %lt3A_137 = arith.constant 100000 : i32
      %lt3A_138 = vector.broadcast %lt3A_137 : i32 to vector<8x1024xi32>
      %lt3A_139 = arith.cmpi slt, %add3A_128, %lt3A_138 : vector<8x1024xi32>
      %jit3A_140 = arith.constant 0.000000e+00 : f32
      %broadcast_in_dim3A_141 = vector.broadcast %jit3A_140 : f32 to vector<8x1024xf32>
      %select_n3A_142 = arith.select %lt3A_139, %exp23A_136, %broadcast_in_dim3A_141 : vector<8x1024xi1>, vector<8x1024xf32>
      %add3A_143 = arith.constant 8 : i32
      %add3A_144 = vector.broadcast %add3A_143 : i32 to vector<8x1024xi32>
      %add3A_145 = arith.addi %add3A_128, %add3A_144 : vector<8x1024xi32>
      %add3A_146 = arith.addf %add3A_129, %select_n3A_142 : vector<8x1024xf32>
      %get3A_147 = arith.constant 64 : index
      %get3A_148 = arith.constant 0 : index
      %get3A_149 = vector.load %arg1[%get3A_147, %get3A_148] : memref<2048x1024xf32, #tpu.memory_space<vmem>>, vector<8x1024xf32>
      %mul3A_150 = arith.constant 92.3324813 : f32
      %mul3A_151 = vector.broadcast %mul3A_150 : f32 to vector<8x1024xf32>
      %mul3A_152 = arith.mulf %get3A_149, %mul3A_151 : vector<8x1024xf32>
      %exp23A_153 = math.exp2 %mul3A_152 : vector<8x1024xf32>
      %lt3A_154 = arith.constant 100000 : i32
      %lt3A_155 = vector.broadcast %lt3A_154 : i32 to vector<8x1024xi32>
      %lt3A_156 = arith.cmpi slt, %add3A_145, %lt3A_155 : vector<8x1024xi32>
      %jit3A_157 = arith.constant 0.000000e+00 : f32
      %broadcast_in_dim3A_158 = vector.broadcast %jit3A_157 : f32 to vector<8x1024xf32>
      %select_n3A_159 = arith.select %lt3A_156, %exp23A_153, %broadcast_in_dim3A_158 : vector<8x1024xi1>, vector<8x1024xf32>
      %add3A_160 = arith.constant 8 : i32
      %add3A_161 = vector.broadcast %add3A_160 : i32 to vector<8x1024xi32>
      %add3A_162 = arith.addi %add3A_145, %add3A_161 : vector<8x1024xi32>
      %add3A_163 = arith.addf %add3A_146, %select_n3A_159 : vector<8x1024xf32>
      %get3A_164 = arith.constant 72 : index
      %get3A_165 = arith.constant 0 : index
      %get3A_166 = vector.load %arg1[%get3A_164, %get3A_165] : memref<2048x1024xf32, #tpu.memory_space<vmem>>, vector<8x1024xf32>
      %mul3A_167 = arith.constant 92.3324813 : f32
      %mul3A_168 = vector.broadcast %mul3A_167 : f32 to vector<8x1024xf32>
      %mul3A_169 = arith.mulf %get3A_166, %mul3A_168 : vector<8x1024xf32>
      %exp23A_170 = math.exp2 %mul3A_169 : vector<8x1024xf32>
      %lt3A_171 = arith.constant 100000 : i32
      %lt3A_172 = vector.broadcast %lt3A_171 : i32 to vector<8x1024xi32>
      %lt3A_173 = arith.cmpi slt, %add3A_162, %lt3A_172 : vector<8x1024xi32>
      %jit3A_174 = arith.constant 0.000000e+00 : f32
      %broadcast_in_dim3A_175 = vector.broadcast %jit3A_174 : f32 to vector<8x1024xf32>
      %select_n3A_176 = arith.select %lt3A_173, %exp23A_170, %broadcast_in_dim3A_175 : vector<8x1024xi1>, vector<8x1024xf32>
      %add3A_177 = arith.constant 8 : i32
      %add3A_178 = vector.broadcast %add3A_177 : i32 to vector<8x1024xi32>
      %add3A_179 = arith.addi %add3A_162, %add3A_178 : vector<8x1024xi32>
      %add3A_180 = arith.addf %add3A_163, %select_n3A_176 : vector<8x1024xf32>
      %get3A_181 = arith.constant 80 : index
      %get3A_182 = arith.constant 0 : index
      %get3A_183 = vector.load %arg1[%get3A_181, %get3A_182] : memref<2048x1024xf32, #tpu.memory_space<vmem>>, vector<8x1024xf32>
      %mul3A_184 = arith.constant 92.3324813 : f32
      %mul3A_185 = vector.broadcast %mul3A_184 : f32 to vector<8x1024xf32>
      %mul3A_186 = arith.mulf %get3A_183, %mul3A_185 : vector<8x1024xf32>
      %exp23A_187 = math.exp2 %mul3A_186 : vector<8x1024xf32>
      %lt3A_188 = arith.constant 100000 : i32
      %lt3A_189 = vector.broadcast %lt3A_188 : i32 to vector<8x1024xi32>
      %lt3A_190 = arith.cmpi slt, %add3A_179, %lt3A_189 : vector<8x1024xi32>
      %jit3A_191 = arith.constant 0.000000e+00 : f32
      %broadcast_in_dim3A_192 = vector.broadcast %jit3A_191 : f32 to vector<8x1024xf32>
      %select_n3A_193 = arith.select %lt3A_190, %exp23A_187, %broadcast_in_dim3A_192 : vector<8x1024xi1>, vector<8x1024xf32>
      %add3A_194 = arith.constant 8 : i32
      %add3A_195 = vector.broadcast %add3A_194 : i32 to vector<8x1024xi32>
      %add3A_196 = arith.addi %add3A_179, %add3A_195 : vector<8x1024xi32>
      %add3A_197 = arith.addf %add3A_180, %select_n3A_193 : vector<8x1024xf32>
      %get3A_198 = arith.constant 88 : index
      %get3A_199 = arith.constant 0 : index
      %get3A_200 = vector.load %arg1[%get3A_198, %get3A_199] : memref<2048x1024xf32, #tpu.memory_space<vmem>>, vector<8x1024xf32>
      %mul3A_201 = arith.constant 92.3324813 : f32
      %mul3A_202 = vector.broadcast %mul3A_201 : f32 to vector<8x1024xf32>
      %mul3A_203 = arith.mulf %get3A_200, %mul3A_202 : vector<8x1024xf32>
      %exp23A_204 = math.exp2 %mul3A_203 : vector<8x1024xf32>
      %lt3A_205 = arith.constant 100000 : i32
      %lt3A_206 = vector.broadcast %lt3A_205 : i32 to vector<8x1024xi32>
      %lt3A_207 = arith.cmpi slt, %add3A_196, %lt3A_206 : vector<8x1024xi32>
      %jit3A_208 = arith.constant 0.000000e+00 : f32
      %broadcast_in_dim3A_209 = vector.broadcast %jit3A_208 : f32 to vector<8x1024xf32>
      %select_n3A_210 = arith.select %lt3A_207, %exp23A_204, %broadcast_in_dim3A_209 : vector<8x1024xi1>, vector<8x1024xf32>
      %add3A_211 = arith.constant 8 : i32
      %add3A_212 = vector.broadcast %add3A_211 : i32 to vector<8x1024xi32>
      %add3A_213 = arith.addi %add3A_196, %add3A_212 : vector<8x1024xi32>
      %add3A_214 = arith.addf %add3A_197, %select_n3A_210 : vector<8x1024xf32>
      %get3A_215 = arith.constant 96 : index
      %get3A_216 = arith.constant 0 : index
      %get3A_217 = vector.load %arg1[%get3A_215, %get3A_216] : memref<2048x1024xf32, #tpu.memory_space<vmem>>, vector<8x1024xf32>
      %mul3A_218 = arith.constant 92.3324813 : f32
      %mul3A_219 = vector.broadcast %mul3A_218 : f32 to vector<8x1024xf32>
      %mul3A_220 = arith.mulf %get3A_217, %mul3A_219 : vector<8x1024xf32>
      %exp23A_221 = math.exp2 %mul3A_220 : vector<8x1024xf32>
      %lt3A_222 = arith.constant 100000 : i32
      %lt3A_223 = vector.broadcast %lt3A_222 : i32 to vector<8x1024xi32>
      %lt3A_224 = arith.cmpi slt, %add3A_213, %lt3A_223 : vector<8x1024xi32>
      %jit3A_225 = arith.constant 0.000000e+00 : f32
      %broadcast_in_dim3A_226 = vector.broadcast %jit3A_225 : f32 to vector<8x1024xf32>
      %select_n3A_227 = arith.select %lt3A_224, %exp23A_221, %broadcast_in_dim3A_226 : vector<8x1024xi1>, vector<8x1024xf32>
      %add3A_228 = arith.constant 8 : i32
      %add3A_229 = vector.broadcast %add3A_228 : i32 to vector<8x1024xi32>
      %add3A_230 = arith.addi %add3A_213, %add3A_229 : vector<8x1024xi32>
      %add3A_231 = arith.addf %add3A_214, %select_n3A_227 : vector<8x1024xf32>
      %get3A_232 = arith.constant 104 : index
      %get3A_233 = arith.constant 0 : index
      %get3A_234 = vector.load %arg1[%get3A_232, %get3A_233] : memref<2048x1024xf32, #tpu.memory_space<vmem>>, vector<8x1024xf32>
      %mul3A_235 = arith.constant 92.3324813 : f32
      %mul3A_236 = vector.broadcast %mul3A_235 : f32 to vector<8x1024xf32>
      %mul3A_237 = arith.mulf %get3A_234, %mul3A_236 : vector<8x1024xf32>
      %exp23A_238 = math.exp2 %mul3A_237 : vector<8x1024xf32>
      %lt3A_239 = arith.constant 100000 : i32
      %lt3A_240 = vector.broadcast %lt3A_239 : i32 to vector<8x1024xi32>
      %lt3A_241 = arith.cmpi slt, %add3A_230, %lt3A_240 : vector<8x1024xi32>
      %jit3A_242 = arith.constant 0.000000e+00 : f32
      %broadcast_in_dim3A_243 = vector.broadcast %jit3A_242 : f32 to vector<8x1024xf32>
      %select_n3A_244 = arith.select %lt3A_241, %exp23A_238, %broadcast_in_dim3A_243 : vector<8x1024xi1>, vector<8x1024xf32>
      %add3A_245 = arith.constant 8 : i32
      %add3A_246 = vector.broadcast %add3A_245 : i32 to vector<8x1024xi32>
      %add3A_247 = arith.addi %add3A_230, %add3A_246 : vector<8x1024xi32>
      %add3A_248 = arith.addf %add3A_231, %select_n3A_244 : vector<8x1024xf32>
      %get3A_249 = arith.constant 112 : index
      %get3A_250 = arith.constant 0 : index
      %get3A_251 = vector.load %arg1[%get3A_249, %get3A_250] : memref<2048x1024xf32, #tpu.memory_space<vmem>>, vector<8x1024xf32>
      %mul3A_252 = arith.constant 92.3324813 : f32
      %mul3A_253 = vector.broadcast %mul3A_252 : f32 to vector<8x1024xf32>
      %mul3A_254 = arith.mulf %get3A_251, %mul3A_253 : vector<8x1024xf32>
      %exp23A_255 = math.exp2 %mul3A_254 : vector<8x1024xf32>
      %lt3A_256 = arith.constant 100000 : i32
      %lt3A_257 = vector.broadcast %lt3A_256 : i32 to vector<8x1024xi32>
      %lt3A_258 = arith.cmpi slt, %add3A_247, %lt3A_257 : vector<8x1024xi32>
      %jit3A_259 = arith.constant 0.000000e+00 : f32
      %broadcast_in_dim3A_260 = vector.broadcast %jit3A_259 : f32 to vector<8x1024xf32>
      %select_n3A_261 = arith.select %lt3A_258, %exp23A_255, %broadcast_in_dim3A_260 : vector<8x1024xi1>, vector<8x1024xf32>
      %add3A_262 = arith.constant 8 : i32
      %add3A_263 = vector.broadcast %add3A_262 : i32 to vector<8x1024xi32>
      %add3A_264 = arith.addi %add3A_247, %add3A_263 : vector<8x1024xi32>
      %add3A_265 = arith.addf %add3A_248, %select_n3A_261 : vector<8x1024xf32>
      %get3A_266 = arith.constant 120 : index
      %get3A_267 = arith.constant 0 : index
      %get3A_268 = vector.load %arg1[%get3A_266, %get3A_267] : memref<2048x1024xf32, #tpu.memory_space<vmem>>, vector<8x1024xf32>
      %mul3A_269 = arith.constant 92.3324813 : f32
      %mul3A_270 = vector.broadcast %mul3A_269 : f32 to vector<8x1024xf32>
      %mul3A_271 = arith.mulf %get3A_268, %mul3A_270 : vector<8x1024xf32>
      %exp23A_272 = math.exp2 %mul3A_271 : vector<8x1024xf32>
      %lt3A_273 = arith.constant 100000 : i32
      %lt3A_274 = vector.broadcast %lt3A_273 : i32 to vector<8x1024xi32>
      %lt3A_275 = arith.cmpi slt, %add3A_264, %lt3A_274 : vector<8x1024xi32>
      %jit3A_276 = arith.constant 0.000000e+00 : f32
      %broadcast_in_dim3A_277 = vector.broadcast %jit3A_276 : f32 to vector<8x1024xf32>
      %select_n3A_278 = arith.select %lt3A_275, %exp23A_272, %broadcast_in_dim3A_277 : vector<8x1024xi1>, vector<8x1024xf32>
      %add3A_279 = arith.constant 8 : i32
      %add3A_280 = vector.broadcast %add3A_279 : i32 to vector<8x1024xi32>
      %add3A_281 = arith.addi %add3A_264, %add3A_280 : vector<8x1024xi32>
      %add3A_282 = arith.addf %add3A_265, %select_n3A_278 : vector<8x1024xf32>
      %get3A_283 = arith.constant 128 : index
      %get3A_284 = arith.constant 0 : index
      %get3A_285 = vector.load %arg1[%get3A_283, %get3A_284] : memref<2048x1024xf32, #tpu.memory_space<vmem>>, vector<8x1024xf32>
      %mul3A_286 = arith.constant 92.3324813 : f32
      %mul3A_287 = vector.broadcast %mul3A_286 : f32 to vector<8x1024xf32>
      %mul3A_288 = arith.mulf %get3A_285, %mul3A_287 : vector<8x1024xf32>
      %exp23A_289 = math.exp2 %mul3A_288 : vector<8x1024xf32>
      %lt3A_290 = arith.constant 100000 : i32
      %lt3A_291 = vector.broadcast %lt3A_290 : i32 to vector<8x1024xi32>
      %lt3A_292 = arith.cmpi slt, %add3A_281, %lt3A_291 : vector<8x1024xi32>
      %jit3A_293 = arith.constant 0.000000e+00 : f32
      %broadcast_in_dim3A_294 = vector.broadcast %jit3A_293 : f32 to vector<8x1024xf32>
      %select_n3A_295 = arith.select %lt3A_292, %exp23A_289, %broadcast_in_dim3A_294 : vector<8x1024xi1>, vector<8x1024xf32>
      %add3A_296 = arith.constant 8 : i32
      %add3A_297 = vector.broadcast %add3A_296 : i32 to vector<8x1024xi32>
      %add3A_298 = arith.addi %add3A_281, %add3A_297 : vector<8x1024xi32>
      %add3A_299 = arith.addf %add3A_282, %select_n3A_295 : vector<8x1024xf32>
      %get3A_300 = arith.constant 136 : index
      %get3A_301 = arith.constant 0 : index
      %get3A_302 = vector.load %arg1[%get3A_300, %get3A_301] : memref<2048x1024xf32, #tpu.memory_space<vmem>>, vector<8x1024xf32>
      %mul3A_303 = arith.constant 92.3324813 : f32
      %mul3A_304 = vector.broadcast %mul3A_303 : f32 to vector<8x1024xf32>
      %mul3A_305 = arith.mulf %get3A_302, %mul3A_304 : vector<8x1024xf32>
      %exp23A_306 = math.exp2 %mul3A_305 : vector<8x1024xf32>
      %lt3A_307 = arith.constant 100000 : i32
      %lt3A_308 = vector.broadcast %lt3A_307 : i32 to vector<8x1024xi32>
      %lt3A_309 = arith.cmpi slt, %add3A_298, %lt3A_308 : vector<8x1024xi32>
      %jit3A_310 = arith.constant 0.000000e+00 : f32
      %broadcast_in_dim3A_311 = vector.broadcast %jit3A_310 : f32 to vector<8x1024xf32>
      %select_n3A_312 = arith.select %lt3A_309, %exp23A_306, %broadcast_in_dim3A_311 : vector<8x1024xi1>, vector<8x1024xf32>
      %add3A_313 = arith.constant 8 : i32
      %add3A_314 = vector.broadcast %add3A_313 : i32 to vector<8x1024xi32>
      %add3A_315 = arith.addi %add3A_298, %add3A_314 : vector<8x1024xi32>
      %add3A_316 = arith.addf %add3A_299, %select_n3A_312 : vector<8x1024xf32>
      %get3A_317 = arith.constant 144 : index
      %get3A_318 = arith.constant 0 : index
      %get3A_319 = vector.load %arg1[%get3A_317, %get3A_318] : memref<2048x1024xf32, #tpu.memory_space<vmem>>, vector<8x1024xf32>
      %mul3A_320 = arith.constant 92.3324813 : f32
      %mul3A_321 = vector.broadcast %mul3A_320 : f32 to vector<8x1024xf32>
      %mul3A_322 = arith.mulf %get3A_319, %mul3A_321 : vector<8x1024xf32>
      %exp23A_323 = math.exp2 %mul3A_322 : vector<8x1024xf32>
      %lt3A_324 = arith.constant 100000 : i32
      %lt3A_325 = vector.broadcast %lt3A_324 : i32 to vector<8x1024xi32>
      %lt3A_326 = arith.cmpi slt, %add3A_315, %lt3A_325 : vector<8x1024xi32>
      %jit3A_327 = arith.constant 0.000000e+00 : f32
      %broadcast_in_dim3A_328 = vector.broadcast %jit3A_327 : f32 to vector<8x1024xf32>
      %select_n3A_329 = arith.select %lt3A_326, %exp23A_323, %broadcast_in_dim3A_328 : vector<8x1024xi1>, vector<8x1024xf32>
      %add3A_330 = arith.constant 8 : i32
      %add3A_331 = vector.broadcast %add3A_330 : i32 to vector<8x1024xi32>
      %add3A_332 = arith.addi %add3A_315, %add3A_331 : vector<8x1024xi32>
      %add3A_333 = arith.addf %add3A_316, %select_n3A_329 : vector<8x1024xf32>
      %get3A_334 = arith.constant 152 : index
      %get3A_335 = arith.constant 0 : index
      %get3A_336 = vector.load %arg1[%get3A_334, %get3A_335] : memref<2048x1024xf32, #tpu.memory_space<vmem>>, vector<8x1024xf32>
      %mul3A_337 = arith.constant 92.3324813 : f32
      %mul3A_338 = vector.broadcast %mul3A_337 : f32 to vector<8x1024xf32>
      %mul3A_339 = arith.mulf %get3A_336, %mul3A_338 : vector<8x1024xf32>
      %exp23A_340 = math.exp2 %mul3A_339 : vector<8x1024xf32>
      %lt3A_341 = arith.constant 100000 : i32
      %lt3A_342 = vector.broadcast %lt3A_341 : i32 to vector<8x1024xi32>
      %lt3A_343 = arith.cmpi slt, %add3A_332, %lt3A_342 : vector<8x1024xi32>
      %jit3A_344 = arith.constant 0.000000e+00 : f32
      %broadcast_in_dim3A_345 = vector.broadcast %jit3A_344 : f32 to vector<8x1024xf32>
      %select_n3A_346 = arith.select %lt3A_343, %exp23A_340, %broadcast_in_dim3A_345 : vector<8x1024xi1>, vector<8x1024xf32>
      %add3A_347 = arith.constant 8 : i32
      %add3A_348 = vector.broadcast %add3A_347 : i32 to vector<8x1024xi32>
      %add3A_349 = arith.addi %add3A_332, %add3A_348 : vector<8x1024xi32>
      %add3A_350 = arith.addf %add3A_333, %select_n3A_346 : vector<8x1024xf32>
      %get3A_351 = arith.constant 160 : index
      %get3A_352 = arith.constant 0 : index
      %get3A_353 = vector.load %arg1[%get3A_351, %get3A_352] : memref<2048x1024xf32, #tpu.memory_space<vmem>>, vector<8x1024xf32>
      %mul3A_354 = arith.constant 92.3324813 : f32
      %mul3A_355 = vector.broadcast %mul3A_354 : f32 to vector<8x1024xf32>
      %mul3A_356 = arith.mulf %get3A_353, %mul3A_355 : vector<8x1024xf32>
      %exp23A_357 = math.exp2 %mul3A_356 : vector<8x1024xf32>
      %lt3A_358 = arith.constant 100000 : i32
      %lt3A_359 = vector.broadcast %lt3A_358 : i32 to vector<8x1024xi32>
      %lt3A_360 = arith.cmpi slt, %add3A_349, %lt3A_359 : vector<8x1024xi32>
      %jit3A_361 = arith.constant 0.000000e+00 : f32
      %broadcast_in_dim3A_362 = vector.broadcast %jit3A_361 : f32 to vector<8x1024xf32>
      %select_n3A_363 = arith.select %lt3A_360, %exp23A_357, %broadcast_in_dim3A_362 : vector<8x1024xi1>, vector<8x1024xf32>
      %add3A_364 = arith.constant 8 : i32
      %add3A_365 = vector.broadcast %add3A_364 : i32 to vector<8x1024xi32>
      %add3A_366 = arith.addi %add3A_349, %add3A_365 : vector<8x1024xi32>
      %add3A_367 = arith.addf %add3A_350, %select_n3A_363 : vector<8x1024xf32>
      %get3A_368 = arith.constant 168 : index
      %get3A_369 = arith.constant 0 : index
      %get3A_370 = vector.load %arg1[%get3A_368, %get3A_369] : memref<2048x1024xf32, #tpu.memory_space<vmem>>, vector<8x1024xf32>
      %mul3A_371 = arith.constant 92.3324813 : f32
      %mul3A_372 = vector.broadcast %mul3A_371 : f32 to vector<8x1024xf32>
      %mul3A_373 = arith.mulf %get3A_370, %mul3A_372 : vector<8x1024xf32>
      %exp23A_374 = math.exp2 %mul3A_373 : vector<8x1024xf32>
      %lt3A_375 = arith.constant 100000 : i32
      %lt3A_376 = vector.broadcast %lt3A_375 : i32 to vector<8x1024xi32>
      %lt3A_377 = arith.cmpi slt, %add3A_366, %lt3A_376 : vector<8x1024xi32>
      %jit3A_378 = arith.constant 0.000000e+00 : f32
      %broadcast_in_dim3A_379 = vector.broadcast %jit3A_378 : f32 to vector<8x1024xf32>
      %select_n3A_380 = arith.select %lt3A_377, %exp23A_374, %broadcast_in_dim3A_379 : vector<8x1024xi1>, vector<8x1024xf32>
      %add3A_381 = arith.constant 8 : i32
      %add3A_382 = vector.broadcast %add3A_381 : i32 to vector<8x1024xi32>
      %add3A_383 = arith.addi %add3A_366, %add3A_382 : vector<8x1024xi32>
      %add3A_384 = arith.addf %add3A_367, %select_n3A_380 : vector<8x1024xf32>
      %get3A_385 = arith.constant 176 : index
      %get3A_386 = arith.constant 0 : index
      %get3A_387 = vector.load %arg1[%get3A_385, %get3A_386] : memref<2048x1024xf32, #tpu.memory_space<vmem>>, vector<8x1024xf32>
      %mul3A_388 = arith.constant 92.3324813 : f32
      %mul3A_389 = vector.broadcast %mul3A_388 : f32 to vector<8x1024xf32>
      %mul3A_390 = arith.mulf %get3A_387, %mul3A_389 : vector<8x1024xf32>
      %exp23A_391 = math.exp2 %mul3A_390 : vector<8x1024xf32>
      %lt3A_392 = arith.constant 100000 : i32
      %lt3A_393 = vector.broadcast %lt3A_392 : i32 to vector<8x1024xi32>
      %lt3A_394 = arith.cmpi slt, %add3A_383, %lt3A_393 : vector<8x1024xi32>
      %jit3A_395 = arith.constant 0.000000e+00 : f32
      %broadcast_in_dim3A_396 = vector.broadcast %jit3A_395 : f32 to vector<8x1024xf32>
      %select_n3A_397 = arith.select %lt3A_394, %exp23A_391, %broadcast_in_dim3A_396 : vector<8x1024xi1>, vector<8x1024xf32>
      %add3A_398 = arith.constant 8 : i32
      %add3A_399 = vector.broadcast %add3A_398 : i32 to vector<8x1024xi32>
      %add3A_400 = arith.addi %add3A_383, %add3A_399 : vector<8x1024xi32>
      %add3A_401 = arith.addf %add3A_384, %select_n3A_397 : vector<8x1024xf32>
      %get3A_402 = arith.constant 184 : index
      %get3A_403 = arith.constant 0 : index
      %get3A_404 = vector.load %arg1[%get3A_402, %get3A_403] : memref<2048x1024xf32, #tpu.memory_space<vmem>>, vector<8x1024xf32>
      %mul3A_405 = arith.constant 92.3324813 : f32
      %mul3A_406 = vector.broadcast %mul3A_405 : f32 to vector<8x1024xf32>
      %mul3A_407 = arith.mulf %get3A_404, %mul3A_406 : vector<8x1024xf32>
      %exp23A_408 = math.exp2 %mul3A_407 : vector<8x1024xf32>
      %lt3A_409 = arith.constant 100000 : i32
      %lt3A_410 = vector.broadcast %lt3A_409 : i32 to vector<8x1024xi32>
      %lt3A_411 = arith.cmpi slt, %add3A_400, %lt3A_410 : vector<8x1024xi32>
      %jit3A_412 = arith.constant 0.000000e+00 : f32
      %broadcast_in_dim3A_413 = vector.broadcast %jit3A_412 : f32 to vector<8x1024xf32>
      %select_n3A_414 = arith.select %lt3A_411, %exp23A_408, %broadcast_in_dim3A_413 : vector<8x1024xi1>, vector<8x1024xf32>
      %add3A_415 = arith.constant 8 : i32
      %add3A_416 = vector.broadcast %add3A_415 : i32 to vector<8x1024xi32>
      %add3A_417 = arith.addi %add3A_400, %add3A_416 : vector<8x1024xi32>
      %add3A_418 = arith.addf %add3A_401, %select_n3A_414 : vector<8x1024xf32>
      %get3A_419 = arith.constant 192 : index
      %get3A_420 = arith.constant 0 : index
      %get3A_421 = vector.load %arg1[%get3A_419, %get3A_420] : memref<2048x1024xf32, #tpu.memory_space<vmem>>, vector<8x1024xf32>
      %mul3A_422 = arith.constant 92.3324813 : f32
      %mul3A_423 = vector.broadcast %mul3A_422 : f32 to vector<8x1024xf32>
      %mul3A_424 = arith.mulf %get3A_421, %mul3A_423 : vector<8x1024xf32>
      %exp23A_425 = math.exp2 %mul3A_424 : vector<8x1024xf32>
      %lt3A_426 = arith.constant 100000 : i32
      %lt3A_427 = vector.broadcast %lt3A_426 : i32 to vector<8x1024xi32>
      %lt3A_428 = arith.cmpi slt, %add3A_417, %lt3A_427 : vector<8x1024xi32>
      %jit3A_429 = arith.constant 0.000000e+00 : f32
      %broadcast_in_dim3A_430 = vector.broadcast %jit3A_429 : f32 to vector<8x1024xf32>
      %select_n3A_431 = arith.select %lt3A_428, %exp23A_425, %broadcast_in_dim3A_430 : vector<8x1024xi1>, vector<8x1024xf32>
      %add3A_432 = arith.constant 8 : i32
      %add3A_433 = vector.broadcast %add3A_432 : i32 to vector<8x1024xi32>
      %add3A_434 = arith.addi %add3A_417, %add3A_433 : vector<8x1024xi32>
      %add3A_435 = arith.addf %add3A_418, %select_n3A_431 : vector<8x1024xf32>
      %get3A_436 = arith.constant 200 : index
      %get3A_437 = arith.constant 0 : index
      %get3A_438 = vector.load %arg1[%get3A_436, %get3A_437] : memref<2048x1024xf32, #tpu.memory_space<vmem>>, vector<8x1024xf32>
      %mul3A_439 = arith.constant 92.3324813 : f32
      %mul3A_440 = vector.broadcast %mul3A_439 : f32 to vector<8x1024xf32>
      %mul3A_441 = arith.mulf %get3A_438, %mul3A_440 : vector<8x1024xf32>
      %exp23A_442 = math.exp2 %mul3A_441 : vector<8x1024xf32>
      %lt3A_443 = arith.constant 100000 : i32
      %lt3A_444 = vector.broadcast %lt3A_443 : i32 to vector<8x1024xi32>
      %lt3A_445 = arith.cmpi slt, %add3A_434, %lt3A_444 : vector<8x1024xi32>
      %jit3A_446 = arith.constant 0.000000e+00 : f32
      %broadcast_in_dim3A_447 = vector.broadcast %jit3A_446 : f32 to vector<8x1024xf32>
      %select_n3A_448 = arith.select %lt3A_445, %exp23A_442, %broadcast_in_dim3A_447 : vector<8x1024xi1>, vector<8x1024xf32>
      %add3A_449 = arith.constant 8 : i32
      %add3A_450 = vector.broadcast %add3A_449 : i32 to vector<8x1024xi32>
      %add3A_451 = arith.addi %add3A_434, %add3A_450 : vector<8x1024xi32>
      %add3A_452 = arith.addf %add3A_435, %select_n3A_448 : vector<8x1024xf32>
      %get3A_453 = arith.constant 208 : index
      %get3A_454 = arith.constant 0 : index
      %get3A_455 = vector.load %arg1[%get3A_453, %get3A_454] : memref<2048x1024xf32, #tpu.memory_space<vmem>>, vector<8x1024xf32>
      %mul3A_456 = arith.constant 92.3324813 : f32
      %mul3A_457 = vector.broadcast %mul3A_456 : f32 to vector<8x1024xf32>
      %mul3A_458 = arith.mulf %get3A_455, %mul3A_457 : vector<8x1024xf32>
      %exp23A_459 = math.exp2 %mul3A_458 : vector<8x1024xf32>
      %lt3A_460 = arith.constant 100000 : i32
      %lt3A_461 = vector.broadcast %lt3A_460 : i32 to vector<8x1024xi32>
      %lt3A_462 = arith.cmpi slt, %add3A_451, %lt3A_461 : vector<8x1024xi32>
      %jit3A_463 = arith.constant 0.000000e+00 : f32
      %broadcast_in_dim3A_464 = vector.broadcast %jit3A_463 : f32 to vector<8x1024xf32>
      %select_n3A_465 = arith.select %lt3A_462, %exp23A_459, %broadcast_in_dim3A_464 : vector<8x1024xi1>, vector<8x1024xf32>
      %add3A_466 = arith.constant 8 : i32
      %add3A_467 = vector.broadcast %add3A_466 : i32 to vector<8x1024xi32>
      %add3A_468 = arith.addi %add3A_451, %add3A_467 : vector<8x1024xi32>
      %add3A_469 = arith.addf %add3A_452, %select_n3A_465 : vector<8x1024xf32>
      %get3A_470 = arith.constant 216 : index
      %get3A_471 = arith.constant 0 : index
      %get3A_472 = vector.load %arg1[%get3A_470, %get3A_471] : memref<2048x1024xf32, #tpu.memory_space<vmem>>, vector<8x1024xf32>
      %mul3A_473 = arith.constant 92.3324813 : f32
      %mul3A_474 = vector.broadcast %mul3A_473 : f32 to vector<8x1024xf32>
      %mul3A_475 = arith.mulf %get3A_472, %mul3A_474 : vector<8x1024xf32>
      %exp23A_476 = math.exp2 %mul3A_475 : vector<8x1024xf32>
      %lt3A_477 = arith.constant 100000 : i32
      %lt3A_478 = vector.broadcast %lt3A_477 : i32 to vector<8x1024xi32>
      %lt3A_479 = arith.cmpi slt, %add3A_468, %lt3A_478 : vector<8x1024xi32>
      %jit3A_480 = arith.constant 0.000000e+00 : f32
      %broadcast_in_dim3A_481 = vector.broadcast %jit3A_480 : f32 to vector<8x1024xf32>
      %select_n3A_482 = arith.select %lt3A_479, %exp23A_476, %broadcast_in_dim3A_481 : vector<8x1024xi1>, vector<8x1024xf32>
      %add3A_483 = arith.constant 8 : i32
      %add3A_484 = vector.broadcast %add3A_483 : i32 to vector<8x1024xi32>
      %add3A_485 = arith.addi %add3A_468, %add3A_484 : vector<8x1024xi32>
      %add3A_486 = arith.addf %add3A_469, %select_n3A_482 : vector<8x1024xf32>
      %get3A_487 = arith.constant 224 : index
      %get3A_488 = arith.constant 0 : index
      %get3A_489 = vector.load %arg1[%get3A_487, %get3A_488] : memref<2048x1024xf32, #tpu.memory_space<vmem>>, vector<8x1024xf32>
      %mul3A_490 = arith.constant 92.3324813 : f32
      %mul3A_491 = vector.broadcast %mul3A_490 : f32 to vector<8x1024xf32>
      %mul3A_492 = arith.mulf %get3A_489, %mul3A_491 : vector<8x1024xf32>
      %exp23A_493 = math.exp2 %mul3A_492 : vector<8x1024xf32>
      %lt3A_494 = arith.constant 100000 : i32
      %lt3A_495 = vector.broadcast %lt3A_494 : i32 to vector<8x1024xi32>
      %lt3A_496 = arith.cmpi slt, %add3A_485, %lt3A_495 : vector<8x1024xi32>
      %jit3A_497 = arith.constant 0.000000e+00 : f32
      %broadcast_in_dim3A_498 = vector.broadcast %jit3A_497 : f32 to vector<8x1024xf32>
      %select_n3A_499 = arith.select %lt3A_496, %exp23A_493, %broadcast_in_dim3A_498 : vector<8x1024xi1>, vector<8x1024xf32>
      %add3A_500 = arith.constant 8 : i32
      %add3A_501 = vector.broadcast %add3A_500 : i32 to vector<8x1024xi32>
      %add3A_502 = arith.addi %add3A_485, %add3A_501 : vector<8x1024xi32>
      %add3A_503 = arith.addf %add3A_486, %select_n3A_499 : vector<8x1024xf32>
      %get3A_504 = arith.constant 232 : index
      %get3A_505 = arith.constant 0 : index
      %get3A_506 = vector.load %arg1[%get3A_504, %get3A_505] : memref<2048x1024xf32, #tpu.memory_space<vmem>>, vector<8x1024xf32>
      %mul3A_507 = arith.constant 92.3324813 : f32
      %mul3A_508 = vector.broadcast %mul3A_507 : f32 to vector<8x1024xf32>
      %mul3A_509 = arith.mulf %get3A_506, %mul3A_508 : vector<8x1024xf32>
      %exp23A_510 = math.exp2 %mul3A_509 : vector<8x1024xf32>
      %lt3A_511 = arith.constant 100000 : i32
      %lt3A_512 = vector.broadcast %lt3A_511 : i32 to vector<8x1024xi32>
      %lt3A_513 = arith.cmpi slt, %add3A_502, %lt3A_512 : vector<8x1024xi32>
      %jit3A_514 = arith.constant 0.000000e+00 : f32
      %broadcast_in_dim3A_515 = vector.broadcast %jit3A_514 : f32 to vector<8x1024xf32>
      %select_n3A_516 = arith.select %lt3A_513, %exp23A_510, %broadcast_in_dim3A_515 : vector<8x1024xi1>, vector<8x1024xf32>
      %add3A_517 = arith.constant 8 : i32
      %add3A_518 = vector.broadcast %add3A_517 : i32 to vector<8x1024xi32>
      %add3A_519 = arith.addi %add3A_502, %add3A_518 : vector<8x1024xi32>
      %add3A_520 = arith.addf %add3A_503, %select_n3A_516 : vector<8x1024xf32>
      %get3A_521 = arith.constant 240 : index
      %get3A_522 = arith.constant 0 : index
      %get3A_523 = vector.load %arg1[%get3A_521, %get3A_522] : memref<2048x1024xf32, #tpu.memory_space<vmem>>, vector<8x1024xf32>
      %mul3A_524 = arith.constant 92.3324813 : f32
      %mul3A_525 = vector.broadcast %mul3A_524 : f32 to vector<8x1024xf32>
      %mul3A_526 = arith.mulf %get3A_523, %mul3A_525 : vector<8x1024xf32>
      %exp23A_527 = math.exp2 %mul3A_526 : vector<8x1024xf32>
      %lt3A_528 = arith.constant 100000 : i32
      %lt3A_529 = vector.broadcast %lt3A_528 : i32 to vector<8x1024xi32>
      %lt3A_530 = arith.cmpi slt, %add3A_519, %lt3A_529 : vector<8x1024xi32>
      %jit3A_531 = arith.constant 0.000000e+00 : f32
      %broadcast_in_dim3A_532 = vector.broadcast %jit3A_531 : f32 to vector<8x1024xf32>
      %select_n3A_533 = arith.select %lt3A_530, %exp23A_527, %broadcast_in_dim3A_532 : vector<8x1024xi1>, vector<8x1024xf32>
      %add3A_534 = arith.constant 8 : i32
      %add3A_535 = vector.broadcast %add3A_534 : i32 to vector<8x1024xi32>
      %add3A_536 = arith.addi %add3A_519, %add3A_535 : vector<8x1024xi32>
      %add3A_537 = arith.addf %add3A_520, %select_n3A_533 : vector<8x1024xf32>
      %get3A_538 = arith.constant 248 : index
      %get3A_539 = arith.constant 0 : index
      %get3A_540 = vector.load %arg1[%get3A_538, %get3A_539] : memref<2048x1024xf32, #tpu.memory_space<vmem>>, vector<8x1024xf32>
      %mul3A_541 = arith.constant 92.3324813 : f32
      %mul3A_542 = vector.broadcast %mul3A_541 : f32 to vector<8x1024xf32>
      %mul3A_543 = arith.mulf %get3A_540, %mul3A_542 : vector<8x1024xf32>
      %exp23A_544 = math.exp2 %mul3A_543 : vector<8x1024xf32>
      %lt3A_545 = arith.constant 100000 : i32
      %lt3A_546 = vector.broadcast %lt3A_545 : i32 to vector<8x1024xi32>
      %lt3A_547 = arith.cmpi slt, %add3A_536, %lt3A_546 : vector<8x1024xi32>
      %jit3A_548 = arith.constant 0.000000e+00 : f32
      %broadcast_in_dim3A_549 = vector.broadcast %jit3A_548 : f32 to vector<8x1024xf32>
      %select_n3A_550 = arith.select %lt3A_547, %exp23A_544, %broadcast_in_dim3A_549 : vector<8x1024xi1>, vector<8x1024xf32>
      %add3A_551 = arith.constant 8 : i32
      %add3A_552 = vector.broadcast %add3A_551 : i32 to vector<8x1024xi32>
      %add3A_553 = arith.addi %add3A_536, %add3A_552 : vector<8x1024xi32>
      %add3A_554 = arith.addf %add3A_537, %select_n3A_550 : vector<8x1024xf32>
      %get3A_555 = arith.constant 256 : index
      %get3A_556 = arith.constant 0 : index
      %get3A_557 = vector.load %arg1[%get3A_555, %get3A_556] : memref<2048x1024xf32, #tpu.memory_space<vmem>>, vector<8x1024xf32>
      %mul3A_558 = arith.constant 92.3324813 : f32
      %mul3A_559 = vector.broadcast %mul3A_558 : f32 to vector<8x1024xf32>
      %mul3A_560 = arith.mulf %get3A_557, %mul3A_559 : vector<8x1024xf32>
      %exp23A_561 = math.exp2 %mul3A_560 : vector<8x1024xf32>
      %lt3A_562 = arith.constant 100000 : i32
      %lt3A_563 = vector.broadcast %lt3A_562 : i32 to vector<8x1024xi32>
      %lt3A_564 = arith.cmpi slt, %add3A_553, %lt3A_563 : vector<8x1024xi32>
      %jit3A_565 = arith.constant 0.000000e+00 : f32
      %broadcast_in_dim3A_566 = vector.broadcast %jit3A_565 : f32 to vector<8x1024xf32>
      %select_n3A_567 = arith.select %lt3A_564, %exp23A_561, %broadcast_in_dim3A_566 : vector<8x1024xi1>, vector<8x1024xf32>
      %add3A_568 = arith.constant 8 : i32
      %add3A_569 = vector.broadcast %add3A_568 : i32 to vector<8x1024xi32>
      %add3A_570 = arith.addi %add3A_553, %add3A_569 : vector<8x1024xi32>
      %add3A_571 = arith.addf %add3A_554, %select_n3A_567 : vector<8x1024xf32>
      %get3A_572 = arith.constant 264 : index
      %get3A_573 = arith.constant 0 : index
      %get3A_574 = vector.load %arg1[%get3A_572, %get3A_573] : memref<2048x1024xf32, #tpu.memory_space<vmem>>, vector<8x1024xf32>
      %mul3A_575 = arith.constant 92.3324813 : f32
      %mul3A_576 = vector.broadcast %mul3A_575 : f32 to vector<8x1024xf32>
      %mul3A_577 = arith.mulf %get3A_574, %mul3A_576 : vector<8x1024xf32>
      %exp23A_578 = math.exp2 %mul3A_577 : vector<8x1024xf32>
      %lt3A_579 = arith.constant 100000 : i32
      %lt3A_580 = vector.broadcast %lt3A_579 : i32 to vector<8x1024xi32>
      %lt3A_581 = arith.cmpi slt, %add3A_570, %lt3A_580 : vector<8x1024xi32>
      %jit3A_582 = arith.constant 0.000000e+00 : f32
      %broadcast_in_dim3A_583 = vector.broadcast %jit3A_582 : f32 to vector<8x1024xf32>
      %select_n3A_584 = arith.select %lt3A_581, %exp23A_578, %broadcast_in_dim3A_583 : vector<8x1024xi1>, vector<8x1024xf32>
      %add3A_585 = arith.constant 8 : i32
      %add3A_586 = vector.broadcast %add3A_585 : i32 to vector<8x1024xi32>
      %add3A_587 = arith.addi %add3A_570, %add3A_586 : vector<8x1024xi32>
      %add3A_588 = arith.addf %add3A_571, %select_n3A_584 : vector<8x1024xf32>
      %get3A_589 = arith.constant 272 : index
      %get3A_590 = arith.constant 0 : index
      %get3A_591 = vector.load %arg1[%get3A_589, %get3A_590] : memref<2048x1024xf32, #tpu.memory_space<vmem>>, vector<8x1024xf32>
      %mul3A_592 = arith.constant 92.3324813 : f32
      %mul3A_593 = vector.broadcast %mul3A_592 : f32 to vector<8x1024xf32>
      %mul3A_594 = arith.mulf %get3A_591, %mul3A_593 : vector<8x1024xf32>
      %exp23A_595 = math.exp2 %mul3A_594 : vector<8x1024xf32>
      %lt3A_596 = arith.constant 100000 : i32
      %lt3A_597 = vector.broadcast %lt3A_596 : i32 to vector<8x1024xi32>
      %lt3A_598 = arith.cmpi slt, %add3A_587, %lt3A_597 : vector<8x1024xi32>
      %jit3A_599 = arith.constant 0.000000e+00 : f32
      %broadcast_in_dim3A_600 = vector.broadcast %jit3A_599 : f32 to vector<8x1024xf32>
      %select_n3A_601 = arith.select %lt3A_598, %exp23A_595, %broadcast_in_dim3A_600 : vector<8x1024xi1>, vector<8x1024xf32>
      %add3A_602 = arith.constant 8 : i32
      %add3A_603 = vector.broadcast %add3A_602 : i32 to vector<8x1024xi32>
      %add3A_604 = arith.addi %add3A_587, %add3A_603 : vector<8x1024xi32>
      %add3A_605 = arith.addf %add3A_588, %select_n3A_601 : vector<8x1024xf32>
      %get3A_606 = arith.constant 280 : index
      %get3A_607 = arith.constant 0 : index
      %get3A_608 = vector.load %arg1[%get3A_606, %get3A_607] : memref<2048x1024xf32, #tpu.memory_space<vmem>>, vector<8x1024xf32>
      %mul3A_609 = arith.constant 92.3324813 : f32
      %mul3A_610 = vector.broadcast %mul3A_609 : f32 to vector<8x1024xf32>
      %mul3A_611 = arith.mulf %get3A_608, %mul3A_610 : vector<8x1024xf32>
      %exp23A_612 = math.exp2 %mul3A_611 : vector<8x1024xf32>
      %lt3A_613 = arith.constant 100000 : i32
      %lt3A_614 = vector.broadcast %lt3A_613 : i32 to vector<8x1024xi32>
      %lt3A_615 = arith.cmpi slt, %add3A_604, %lt3A_614 : vector<8x1024xi32>
      %jit3A_616 = arith.constant 0.000000e+00 : f32
      %broadcast_in_dim3A_617 = vector.broadcast %jit3A_616 : f32 to vector<8x1024xf32>
      %select_n3A_618 = arith.select %lt3A_615, %exp23A_612, %broadcast_in_dim3A_617 : vector<8x1024xi1>, vector<8x1024xf32>
      %add3A_619 = arith.constant 8 : i32
      %add3A_620 = vector.broadcast %add3A_619 : i32 to vector<8x1024xi32>
      %add3A_621 = arith.addi %add3A_604, %add3A_620 : vector<8x1024xi32>
      %add3A_622 = arith.addf %add3A_605, %select_n3A_618 : vector<8x1024xf32>
      %get3A_623 = arith.constant 288 : index
      %get3A_624 = arith.constant 0 : index
      %get3A_625 = vector.load %arg1[%get3A_623, %get3A_624] : memref<2048x1024xf32, #tpu.memory_space<vmem>>, vector<8x1024xf32>
      %mul3A_626 = arith.constant 92.3324813 : f32
      %mul3A_627 = vector.broadcast %mul3A_626 : f32 to vector<8x1024xf32>
      %mul3A_628 = arith.mulf %get3A_625, %mul3A_627 : vector<8x1024xf32>
      %exp23A_629 = math.exp2 %mul3A_628 : vector<8x1024xf32>
      %lt3A_630 = arith.constant 100000 : i32
      %lt3A_631 = vector.broadcast %lt3A_630 : i32 to vector<8x1024xi32>
      %lt3A_632 = arith.cmpi slt, %add3A_621, %lt3A_631 : vector<8x1024xi32>
      %jit3A_633 = arith.constant 0.000000e+00 : f32
      %broadcast_in_dim3A_634 = vector.broadcast %jit3A_633 : f32 to vector<8x1024xf32>
      %select_n3A_635 = arith.select %lt3A_632, %exp23A_629, %broadcast_in_dim3A_634 : vector<8x1024xi1>, vector<8x1024xf32>
      %add3A_636 = arith.constant 8 : i32
      %add3A_637 = vector.broadcast %add3A_636 : i32 to vector<8x1024xi32>
      %add3A_638 = arith.addi %add3A_621, %add3A_637 : vector<8x1024xi32>
      %add3A_639 = arith.addf %add3A_622, %select_n3A_635 : vector<8x1024xf32>
      %get3A_640 = arith.constant 296 : index
      %get3A_641 = arith.constant 0 : index
      %get3A_642 = vector.load %arg1[%get3A_640, %get3A_641] : memref<2048x1024xf32, #tpu.memory_space<vmem>>, vector<8x1024xf32>
      %mul3A_643 = arith.constant 92.3324813 : f32
      %mul3A_644 = vector.broadcast %mul3A_643 : f32 to vector<8x1024xf32>
      %mul3A_645 = arith.mulf %get3A_642, %mul3A_644 : vector<8x1024xf32>
      %exp23A_646 = math.exp2 %mul3A_645 : vector<8x1024xf32>
      %lt3A_647 = arith.constant 100000 : i32
      %lt3A_648 = vector.broadcast %lt3A_647 : i32 to vector<8x1024xi32>
      %lt3A_649 = arith.cmpi slt, %add3A_638, %lt3A_648 : vector<8x1024xi32>
      %jit3A_650 = arith.constant 0.000000e+00 : f32
      %broadcast_in_dim3A_651 = vector.broadcast %jit3A_650 : f32 to vector<8x1024xf32>
      %select_n3A_652 = arith.select %lt3A_649, %exp23A_646, %broadcast_in_dim3A_651 : vector<8x1024xi1>, vector<8x1024xf32>
      %add3A_653 = arith.constant 8 : i32
      %add3A_654 = vector.broadcast %add3A_653 : i32 to vector<8x1024xi32>
      %add3A_655 = arith.addi %add3A_638, %add3A_654 : vector<8x1024xi32>
      %add3A_656 = arith.addf %add3A_639, %select_n3A_652 : vector<8x1024xf32>
      %get3A_657 = arith.constant 304 : index
      %get3A_658 = arith.constant 0 : index
      %get3A_659 = vector.load %arg1[%get3A_657, %get3A_658] : memref<2048x1024xf32, #tpu.memory_space<vmem>>, vector<8x1024xf32>
      %mul3A_660 = arith.constant 92.3324813 : f32
      %mul3A_661 = vector.broadcast %mul3A_660 : f32 to vector<8x1024xf32>
      %mul3A_662 = arith.mulf %get3A_659, %mul3A_661 : vector<8x1024xf32>
      %exp23A_663 = math.exp2 %mul3A_662 : vector<8x1024xf32>
      %lt3A_664 = arith.constant 100000 : i32
      %lt3A_665 = vector.broadcast %lt3A_664 : i32 to vector<8x1024xi32>
      %lt3A_666 = arith.cmpi slt, %add3A_655, %lt3A_665 : vector<8x1024xi32>
      %jit3A_667 = arith.constant 0.000000e+00 : f32
      %broadcast_in_dim3A_668 = vector.broadcast %jit3A_667 : f32 to vector<8x1024xf32>
      %select_n3A_669 = arith.select %lt3A_666, %exp23A_663, %broadcast_in_dim3A_668 : vector<8x1024xi1>, vector<8x1024xf32>
      %add3A_670 = arith.constant 8 : i32
      %add3A_671 = vector.broadcast %add3A_670 : i32 to vector<8x1024xi32>
      %add3A_672 = arith.addi %add3A_655, %add3A_671 : vector<8x1024xi32>
      %add3A_673 = arith.addf %add3A_656, %select_n3A_669 : vector<8x1024xf32>
      %get3A_674 = arith.constant 312 : index
      %get3A_675 = arith.constant 0 : index
      %get3A_676 = vector.load %arg1[%get3A_674, %get3A_675] : memref<2048x1024xf32, #tpu.memory_space<vmem>>, vector<8x1024xf32>
      %mul3A_677 = arith.constant 92.3324813 : f32
      %mul3A_678 = vector.broadcast %mul3A_677 : f32 to vector<8x1024xf32>
      %mul3A_679 = arith.mulf %get3A_676, %mul3A_678 : vector<8x1024xf32>
      %exp23A_680 = math.exp2 %mul3A_679 : vector<8x1024xf32>
      %lt3A_681 = arith.constant 100000 : i32
      %lt3A_682 = vector.broadcast %lt3A_681 : i32 to vector<8x1024xi32>
      %lt3A_683 = arith.cmpi slt, %add3A_672, %lt3A_682 : vector<8x1024xi32>
      %jit3A_684 = arith.constant 0.000000e+00 : f32
      %broadcast_in_dim3A_685 = vector.broadcast %jit3A_684 : f32 to vector<8x1024xf32>
      %select_n3A_686 = arith.select %lt3A_683, %exp23A_680, %broadcast_in_dim3A_685 : vector<8x1024xi1>, vector<8x1024xf32>
      %add3A_687 = arith.constant 8 : i32
      %add3A_688 = vector.broadcast %add3A_687 : i32 to vector<8x1024xi32>
      %add3A_689 = arith.addi %add3A_672, %add3A_688 : vector<8x1024xi32>
      %add3A_690 = arith.addf %add3A_673, %select_n3A_686 : vector<8x1024xf32>
      %get3A_691 = arith.constant 320 : index
      %get3A_692 = arith.constant 0 : index
      %get3A_693 = vector.load %arg1[%get3A_691, %get3A_692] : memref<2048x1024xf32, #tpu.memory_space<vmem>>, vector<8x1024xf32>
      %mul3A_694 = arith.constant 92.3324813 : f32
      %mul3A_695 = vector.broadcast %mul3A_694 : f32 to vector<8x1024xf32>
      %mul3A_696 = arith.mulf %get3A_693, %mul3A_695 : vector<8x1024xf32>
      %exp23A_697 = math.exp2 %mul3A_696 : vector<8x1024xf32>
      %lt3A_698 = arith.constant 100000 : i32
      %lt3A_699 = vector.broadcast %lt3A_698 : i32 to vector<8x1024xi32>
      %lt3A_700 = arith.cmpi slt, %add3A_689, %lt3A_699 : vector<8x1024xi32>
      %jit3A_701 = arith.constant 0.000000e+00 : f32
      %broadcast_in_dim3A_702 = vector.broadcast %jit3A_701 : f32 to vector<8x1024xf32>
      %select_n3A_703 = arith.select %lt3A_700, %exp23A_697, %broadcast_in_dim3A_702 : vector<8x1024xi1>, vector<8x1024xf32>
      %add3A_704 = arith.constant 8 : i32
      %add3A_705 = vector.broadcast %add3A_704 : i32 to vector<8x1024xi32>
      %add3A_706 = arith.addi %add3A_689, %add3A_705 : vector<8x1024xi32>
      %add3A_707 = arith.addf %add3A_690, %select_n3A_703 : vector<8x1024xf32>
      %get3A_708 = arith.constant 328 : index
      %get3A_709 = arith.constant 0 : index
      %get3A_710 = vector.load %arg1[%get3A_708, %get3A_709] : memref<2048x1024xf32, #tpu.memory_space<vmem>>, vector<8x1024xf32>
      %mul3A_711 = arith.constant 92.3324813 : f32
      %mul3A_712 = vector.broadcast %mul3A_711 : f32 to vector<8x1024xf32>
      %mul3A_713 = arith.mulf %get3A_710, %mul3A_712 : vector<8x1024xf32>
      %exp23A_714 = math.exp2 %mul3A_713 : vector<8x1024xf32>
      %lt3A_715 = arith.constant 100000 : i32
      %lt3A_716 = vector.broadcast %lt3A_715 : i32 to vector<8x1024xi32>
      %lt3A_717 = arith.cmpi slt, %add3A_706, %lt3A_716 : vector<8x1024xi32>
      %jit3A_718 = arith.constant 0.000000e+00 : f32
      %broadcast_in_dim3A_719 = vector.broadcast %jit3A_718 : f32 to vector<8x1024xf32>
      %select_n3A_720 = arith.select %lt3A_717, %exp23A_714, %broadcast_in_dim3A_719 : vector<8x1024xi1>, vector<8x1024xf32>
      %add3A_721 = arith.constant 8 : i32
      %add3A_722 = vector.broadcast %add3A_721 : i32 to vector<8x1024xi32>
      %add3A_723 = arith.addi %add3A_706, %add3A_722 : vector<8x1024xi32>
      %add3A_724 = arith.addf %add3A_707, %select_n3A_720 : vector<8x1024xf32>
      %get3A_725 = arith.constant 336 : index
      %get3A_726 = arith.constant 0 : index
      %get3A_727 = vector.load %arg1[%get3A_725, %get3A_726] : memref<2048x1024xf32, #tpu.memory_space<vmem>>, vector<8x1024xf32>
      %mul3A_728 = arith.constant 92.3324813 : f32
      %mul3A_729 = vector.broadcast %mul3A_728 : f32 to vector<8x1024xf32>
      %mul3A_730 = arith.mulf %get3A_727, %mul3A_729 : vector<8x1024xf32>
      %exp23A_731 = math.exp2 %mul3A_730 : vector<8x1024xf32>
      %lt3A_732 = arith.constant 100000 : i32
      %lt3A_733 = vector.broadcast %lt3A_732 : i32 to vector<8x1024xi32>
      %lt3A_734 = arith.cmpi slt, %add3A_723, %lt3A_733 : vector<8x1024xi32>
      %jit3A_735 = arith.constant 0.000000e+00 : f32
      %broadcast_in_dim3A_736 = vector.broadcast %jit3A_735 : f32 to vector<8x1024xf32>
      %select_n3A_737 = arith.select %lt3A_734, %exp23A_731, %broadcast_in_dim3A_736 : vector<8x1024xi1>, vector<8x1024xf32>
      %add3A_738 = arith.constant 8 : i32
      %add3A_739 = vector.broadcast %add3A_738 : i32 to vector<8x1024xi32>
      %add3A_740 = arith.addi %add3A_723, %add3A_739 : vector<8x1024xi32>
      %add3A_741 = arith.addf %add3A_724, %select_n3A_737 : vector<8x1024xf32>
      %get3A_742 = arith.constant 344 : index
      %get3A_743 = arith.constant 0 : index
      %get3A_744 = vector.load %arg1[%get3A_742, %get3A_743] : memref<2048x1024xf32, #tpu.memory_space<vmem>>, vector<8x1024xf32>
      %mul3A_745 = arith.constant 92.3324813 : f32
      %mul3A_746 = vector.broadcast %mul3A_745 : f32 to vector<8x1024xf32>
      %mul3A_747 = arith.mulf %get3A_744, %mul3A_746 : vector<8x1024xf32>
      %exp23A_748 = math.exp2 %mul3A_747 : vector<8x1024xf32>
      %lt3A_749 = arith.constant 100000 : i32
      %lt3A_750 = vector.broadcast %lt3A_749 : i32 to vector<8x1024xi32>
      %lt3A_751 = arith.cmpi slt, %add3A_740, %lt3A_750 : vector<8x1024xi32>
      %jit3A_752 = arith.constant 0.000000e+00 : f32
      %broadcast_in_dim3A_753 = vector.broadcast %jit3A_752 : f32 to vector<8x1024xf32>
      %select_n3A_754 = arith.select %lt3A_751, %exp23A_748, %broadcast_in_dim3A_753 : vector<8x1024xi1>, vector<8x1024xf32>
      %add3A_755 = arith.constant 8 : i32
      %add3A_756 = vector.broadcast %add3A_755 : i32 to vector<8x1024xi32>
      %add3A_757 = arith.addi %add3A_740, %add3A_756 : vector<8x1024xi32>
      %add3A_758 = arith.addf %add3A_741, %select_n3A_754 : vector<8x1024xf32>
      %get3A_759 = arith.constant 352 : index
      %get3A_760 = arith.constant 0 : index
      %get3A_761 = vector.load %arg1[%get3A_759, %get3A_760] : memref<2048x1024xf32, #tpu.memory_space<vmem>>, vector<8x1024xf32>
      %mul3A_762 = arith.constant 92.3324813 : f32
      %mul3A_763 = vector.broadcast %mul3A_762 : f32 to vector<8x1024xf32>
      %mul3A_764 = arith.mulf %get3A_761, %mul3A_763 : vector<8x1024xf32>
      %exp23A_765 = math.exp2 %mul3A_764 : vector<8x1024xf32>
      %lt3A_766 = arith.constant 100000 : i32
      %lt3A_767 = vector.broadcast %lt3A_766 : i32 to vector<8x1024xi32>
      %lt3A_768 = arith.cmpi slt, %add3A_757, %lt3A_767 : vector<8x1024xi32>
      %jit3A_769 = arith.constant 0.000000e+00 : f32
      %broadcast_in_dim3A_770 = vector.broadcast %jit3A_769 : f32 to vector<8x1024xf32>
      %select_n3A_771 = arith.select %lt3A_768, %exp23A_765, %broadcast_in_dim3A_770 : vector<8x1024xi1>, vector<8x1024xf32>
      %add3A_772 = arith.constant 8 : i32
      %add3A_773 = vector.broadcast %add3A_772 : i32 to vector<8x1024xi32>
      %add3A_774 = arith.addi %add3A_757, %add3A_773 : vector<8x1024xi32>
      %add3A_775 = arith.addf %add3A_758, %select_n3A_771 : vector<8x1024xf32>
      %get3A_776 = arith.constant 360 : index
      %get3A_777 = arith.constant 0 : index
      %get3A_778 = vector.load %arg1[%get3A_776, %get3A_777] : memref<2048x1024xf32, #tpu.memory_space<vmem>>, vector<8x1024xf32>
      %mul3A_779 = arith.constant 92.3324813 : f32
      %mul3A_780 = vector.broadcast %mul3A_779 : f32 to vector<8x1024xf32>
      %mul3A_781 = arith.mulf %get3A_778, %mul3A_780 : vector<8x1024xf32>
      %exp23A_782 = math.exp2 %mul3A_781 : vector<8x1024xf32>
      %lt3A_783 = arith.constant 100000 : i32
      %lt3A_784 = vector.broadcast %lt3A_783 : i32 to vector<8x1024xi32>
      %lt3A_785 = arith.cmpi slt, %add3A_774, %lt3A_784 : vector<8x1024xi32>
      %jit3A_786 = arith.constant 0.000000e+00 : f32
      %broadcast_in_dim3A_787 = vector.broadcast %jit3A_786 : f32 to vector<8x1024xf32>
      %select_n3A_788 = arith.select %lt3A_785, %exp23A_782, %broadcast_in_dim3A_787 : vector<8x1024xi1>, vector<8x1024xf32>
      %add3A_789 = arith.constant 8 : i32
      %add3A_790 = vector.broadcast %add3A_789 : i32 to vector<8x1024xi32>
      %add3A_791 = arith.addi %add3A_774, %add3A_790 : vector<8x1024xi32>
      %add3A_792 = arith.addf %add3A_775, %select_n3A_788 : vector<8x1024xf32>
      %get3A_793 = arith.constant 368 : index
      %get3A_794 = arith.constant 0 : index
      %get3A_795 = vector.load %arg1[%get3A_793, %get3A_794] : memref<2048x1024xf32, #tpu.memory_space<vmem>>, vector<8x1024xf32>
      %mul3A_796 = arith.constant 92.3324813 : f32
      %mul3A_797 = vector.broadcast %mul3A_796 : f32 to vector<8x1024xf32>
      %mul3A_798 = arith.mulf %get3A_795, %mul3A_797 : vector<8x1024xf32>
      %exp23A_799 = math.exp2 %mul3A_798 : vector<8x1024xf32>
      %lt3A_800 = arith.constant 100000 : i32
      %lt3A_801 = vector.broadcast %lt3A_800 : i32 to vector<8x1024xi32>
      %lt3A_802 = arith.cmpi slt, %add3A_791, %lt3A_801 : vector<8x1024xi32>
      %jit3A_803 = arith.constant 0.000000e+00 : f32
      %broadcast_in_dim3A_804 = vector.broadcast %jit3A_803 : f32 to vector<8x1024xf32>
      %select_n3A_805 = arith.select %lt3A_802, %exp23A_799, %broadcast_in_dim3A_804 : vector<8x1024xi1>, vector<8x1024xf32>
      %add3A_806 = arith.constant 8 : i32
      %add3A_807 = vector.broadcast %add3A_806 : i32 to vector<8x1024xi32>
      %add3A_808 = arith.addi %add3A_791, %add3A_807 : vector<8x1024xi32>
      %add3A_809 = arith.addf %add3A_792, %select_n3A_805 : vector<8x1024xf32>
      %get3A_810 = arith.constant 376 : index
      %get3A_811 = arith.constant 0 : index
      %get3A_812 = vector.load %arg1[%get3A_810, %get3A_811] : memref<2048x1024xf32, #tpu.memory_space<vmem>>, vector<8x1024xf32>
      %mul3A_813 = arith.constant 92.3324813 : f32
      %mul3A_814 = vector.broadcast %mul3A_813 : f32 to vector<8x1024xf32>
      %mul3A_815 = arith.mulf %get3A_812, %mul3A_814 : vector<8x1024xf32>
      %exp23A_816 = math.exp2 %mul3A_815 : vector<8x1024xf32>
      %lt3A_817 = arith.constant 100000 : i32
      %lt3A_818 = vector.broadcast %lt3A_817 : i32 to vector<8x1024xi32>
      %lt3A_819 = arith.cmpi slt, %add3A_808, %lt3A_818 : vector<8x1024xi32>
      %jit3A_820 = arith.constant 0.000000e+00 : f32
      %broadcast_in_dim3A_821 = vector.broadcast %jit3A_820 : f32 to vector<8x1024xf32>
      %select_n3A_822 = arith.select %lt3A_819, %exp23A_816, %broadcast_in_dim3A_821 : vector<8x1024xi1>, vector<8x1024xf32>
      %add3A_823 = arith.constant 8 : i32
      %add3A_824 = vector.broadcast %add3A_823 : i32 to vector<8x1024xi32>
      %add3A_825 = arith.addi %add3A_808, %add3A_824 : vector<8x1024xi32>
      %add3A_826 = arith.addf %add3A_809, %select_n3A_822 : vector<8x1024xf32>
      %get3A_827 = arith.constant 384 : index
      %get3A_828 = arith.constant 0 : index
      %get3A_829 = vector.load %arg1[%get3A_827, %get3A_828] : memref<2048x1024xf32, #tpu.memory_space<vmem>>, vector<8x1024xf32>
      %mul3A_830 = arith.constant 92.3324813 : f32
      %mul3A_831 = vector.broadcast %mul3A_830 : f32 to vector<8x1024xf32>
      %mul3A_832 = arith.mulf %get3A_829, %mul3A_831 : vector<8x1024xf32>
      %exp23A_833 = math.exp2 %mul3A_832 : vector<8x1024xf32>
      %lt3A_834 = arith.constant 100000 : i32
      %lt3A_835 = vector.broadcast %lt3A_834 : i32 to vector<8x1024xi32>
      %lt3A_836 = arith.cmpi slt, %add3A_825, %lt3A_835 : vector<8x1024xi32>
      %jit3A_837 = arith.constant 0.000000e+00 : f32
      %broadcast_in_dim3A_838 = vector.broadcast %jit3A_837 : f32 to vector<8x1024xf32>
      %select_n3A_839 = arith.select %lt3A_836, %exp23A_833, %broadcast_in_dim3A_838 : vector<8x1024xi1>, vector<8x1024xf32>
      %add3A_840 = arith.constant 8 : i32
      %add3A_841 = vector.broadcast %add3A_840 : i32 to vector<8x1024xi32>
      %add3A_842 = arith.addi %add3A_825, %add3A_841 : vector<8x1024xi32>
      %add3A_843 = arith.addf %add3A_826, %select_n3A_839 : vector<8x1024xf32>
      %get3A_844 = arith.constant 392 : index
      %get3A_845 = arith.constant 0 : index
      %get3A_846 = vector.load %arg1[%get3A_844, %get3A_845] : memref<2048x1024xf32, #tpu.memory_space<vmem>>, vector<8x1024xf32>
      %mul3A_847 = arith.constant 92.3324813 : f32
      %mul3A_848 = vector.broadcast %mul3A_847 : f32 to vector<8x1024xf32>
      %mul3A_849 = arith.mulf %get3A_846, %mul3A_848 : vector<8x1024xf32>
      %exp23A_850 = math.exp2 %mul3A_849 : vector<8x1024xf32>
      %lt3A_851 = arith.constant 100000 : i32
      %lt3A_852 = vector.broadcast %lt3A_851 : i32 to vector<8x1024xi32>
      %lt3A_853 = arith.cmpi slt, %add3A_842, %lt3A_852 : vector<8x1024xi32>
      %jit3A_854 = arith.constant 0.000000e+00 : f32
      %broadcast_in_dim3A_855 = vector.broadcast %jit3A_854 : f32 to vector<8x1024xf32>
      %select_n3A_856 = arith.select %lt3A_853, %exp23A_850, %broadcast_in_dim3A_855 : vector<8x1024xi1>, vector<8x1024xf32>
      %add3A_857 = arith.constant 8 : i32
      %add3A_858 = vector.broadcast %add3A_857 : i32 to vector<8x1024xi32>
      %add3A_859 = arith.addi %add3A_842, %add3A_858 : vector<8x1024xi32>
      %add3A_860 = arith.addf %add3A_843, %select_n3A_856 : vector<8x1024xf32>
      %get3A_861 = arith.constant 400 : index
      %get3A_862 = arith.constant 0 : index
      %get3A_863 = vector.load %arg1[%get3A_861, %get3A_862] : memref<2048x1024xf32, #tpu.memory_space<vmem>>, vector<8x1024xf32>
      %mul3A_864 = arith.constant 92.3324813 : f32
      %mul3A_865 = vector.broadcast %mul3A_864 : f32 to vector<8x1024xf32>
      %mul3A_866 = arith.mulf %get3A_863, %mul3A_865 : vector<8x1024xf32>
      %exp23A_867 = math.exp2 %mul3A_866 : vector<8x1024xf32>
      %lt3A_868 = arith.constant 100000 : i32
      %lt3A_869 = vector.broadcast %lt3A_868 : i32 to vector<8x1024xi32>
      %lt3A_870 = arith.cmpi slt, %add3A_859, %lt3A_869 : vector<8x1024xi32>
      %jit3A_871 = arith.constant 0.000000e+00 : f32
      %broadcast_in_dim3A_872 = vector.broadcast %jit3A_871 : f32 to vector<8x1024xf32>
      %select_n3A_873 = arith.select %lt3A_870, %exp23A_867, %broadcast_in_dim3A_872 : vector<8x1024xi1>, vector<8x1024xf32>
      %add3A_874 = arith.constant 8 : i32
      %add3A_875 = vector.broadcast %add3A_874 : i32 to vector<8x1024xi32>
      %add3A_876 = arith.addi %add3A_859, %add3A_875 : vector<8x1024xi32>
      %add3A_877 = arith.addf %add3A_860, %select_n3A_873 : vector<8x1024xf32>
      %get3A_878 = arith.constant 408 : index
      %get3A_879 = arith.constant 0 : index
      %get3A_880 = vector.load %arg1[%get3A_878, %get3A_879] : memref<2048x1024xf32, #tpu.memory_space<vmem>>, vector<8x1024xf32>
      %mul3A_881 = arith.constant 92.3324813 : f32
      %mul3A_882 = vector.broadcast %mul3A_881 : f32 to vector<8x1024xf32>
      %mul3A_883 = arith.mulf %get3A_880, %mul3A_882 : vector<8x1024xf32>
      %exp23A_884 = math.exp2 %mul3A_883 : vector<8x1024xf32>
      %lt3A_885 = arith.constant 100000 : i32
      %lt3A_886 = vector.broadcast %lt3A_885 : i32 to vector<8x1024xi32>
      %lt3A_887 = arith.cmpi slt, %add3A_876, %lt3A_886 : vector<8x1024xi32>
      %jit3A_888 = arith.constant 0.000000e+00 : f32
      %broadcast_in_dim3A_889 = vector.broadcast %jit3A_888 : f32 to vector<8x1024xf32>
      %select_n3A_890 = arith.select %lt3A_887, %exp23A_884, %broadcast_in_dim3A_889 : vector<8x1024xi1>, vector<8x1024xf32>
      %add3A_891 = arith.constant 8 : i32
      %add3A_892 = vector.broadcast %add3A_891 : i32 to vector<8x1024xi32>
      %add3A_893 = arith.addi %add3A_876, %add3A_892 : vector<8x1024xi32>
      %add3A_894 = arith.addf %add3A_877, %select_n3A_890 : vector<8x1024xf32>
      %get3A_895 = arith.constant 416 : index
      %get3A_896 = arith.constant 0 : index
      %get3A_897 = vector.load %arg1[%get3A_895, %get3A_896] : memref<2048x1024xf32, #tpu.memory_space<vmem>>, vector<8x1024xf32>
      %mul3A_898 = arith.constant 92.3324813 : f32
      %mul3A_899 = vector.broadcast %mul3A_898 : f32 to vector<8x1024xf32>
      %mul3A_900 = arith.mulf %get3A_897, %mul3A_899 : vector<8x1024xf32>
      %exp23A_901 = math.exp2 %mul3A_900 : vector<8x1024xf32>
      %lt3A_902 = arith.constant 100000 : i32
      %lt3A_903 = vector.broadcast %lt3A_902 : i32 to vector<8x1024xi32>
      %lt3A_904 = arith.cmpi slt, %add3A_893, %lt3A_903 : vector<8x1024xi32>
      %jit3A_905 = arith.constant 0.000000e+00 : f32
      %broadcast_in_dim3A_906 = vector.broadcast %jit3A_905 : f32 to vector<8x1024xf32>
      %select_n3A_907 = arith.select %lt3A_904, %exp23A_901, %broadcast_in_dim3A_906 : vector<8x1024xi1>, vector<8x1024xf32>
      %add3A_908 = arith.constant 8 : i32
      %add3A_909 = vector.broadcast %add3A_908 : i32 to vector<8x1024xi32>
      %add3A_910 = arith.addi %add3A_893, %add3A_909 : vector<8x1024xi32>
      %add3A_911 = arith.addf %add3A_894, %select_n3A_907 : vector<8x1024xf32>
      %get3A_912 = arith.constant 424 : index
      %get3A_913 = arith.constant 0 : index
      %get3A_914 = vector.load %arg1[%get3A_912, %get3A_913] : memref<2048x1024xf32, #tpu.memory_space<vmem>>, vector<8x1024xf32>
      %mul3A_915 = arith.constant 92.3324813 : f32
      %mul3A_916 = vector.broadcast %mul3A_915 : f32 to vector<8x1024xf32>
      %mul3A_917 = arith.mulf %get3A_914, %mul3A_916 : vector<8x1024xf32>
      %exp23A_918 = math.exp2 %mul3A_917 : vector<8x1024xf32>
      %lt3A_919 = arith.constant 100000 : i32
      %lt3A_920 = vector.broadcast %lt3A_919 : i32 to vector<8x1024xi32>
      %lt3A_921 = arith.cmpi slt, %add3A_910, %lt3A_920 : vector<8x1024xi32>
      %jit3A_922 = arith.constant 0.000000e+00 : f32
      %broadcast_in_dim3A_923 = vector.broadcast %jit3A_922 : f32 to vector<8x1024xf32>
      %select_n3A_924 = arith.select %lt3A_921, %exp23A_918, %broadcast_in_dim3A_923 : vector<8x1024xi1>, vector<8x1024xf32>
      %add3A_925 = arith.constant 8 : i32
      %add3A_926 = vector.broadcast %add3A_925 : i32 to vector<8x1024xi32>
      %add3A_927 = arith.addi %add3A_910, %add3A_926 : vector<8x1024xi32>
      %add3A_928 = arith.addf %add3A_911, %select_n3A_924 : vector<8x1024xf32>
      %get3A_929 = arith.constant 432 : index
      %get3A_930 = arith.constant 0 : index
      %get3A_931 = vector.load %arg1[%get3A_929, %get3A_930] : memref<2048x1024xf32, #tpu.memory_space<vmem>>, vector<8x1024xf32>
      %mul3A_932 = arith.constant 92.3324813 : f32
      %mul3A_933 = vector.broadcast %mul3A_932 : f32 to vector<8x1024xf32>
      %mul3A_934 = arith.mulf %get3A_931, %mul3A_933 : vector<8x1024xf32>
      %exp23A_935 = math.exp2 %mul3A_934 : vector<8x1024xf32>
      %lt3A_936 = arith.constant 100000 : i32
      %lt3A_937 = vector.broadcast %lt3A_936 : i32 to vector<8x1024xi32>
      %lt3A_938 = arith.cmpi slt, %add3A_927, %lt3A_937 : vector<8x1024xi32>
      %jit3A_939 = arith.constant 0.000000e+00 : f32
      %broadcast_in_dim3A_940 = vector.broadcast %jit3A_939 : f32 to vector<8x1024xf32>
      %select_n3A_941 = arith.select %lt3A_938, %exp23A_935, %broadcast_in_dim3A_940 : vector<8x1024xi1>, vector<8x1024xf32>
      %add3A_942 = arith.constant 8 : i32
      %add3A_943 = vector.broadcast %add3A_942 : i32 to vector<8x1024xi32>
      %add3A_944 = arith.addi %add3A_927, %add3A_943 : vector<8x1024xi32>
      %add3A_945 = arith.addf %add3A_928, %select_n3A_941 : vector<8x1024xf32>
      %get3A_946 = arith.constant 440 : index
      %get3A_947 = arith.constant 0 : index
      %get3A_948 = vector.load %arg1[%get3A_946, %get3A_947] : memref<2048x1024xf32, #tpu.memory_space<vmem>>, vector<8x1024xf32>
      %mul3A_949 = arith.constant 92.3324813 : f32
      %mul3A_950 = vector.broadcast %mul3A_949 : f32 to vector<8x1024xf32>
      %mul3A_951 = arith.mulf %get3A_948, %mul3A_950 : vector<8x1024xf32>
      %exp23A_952 = math.exp2 %mul3A_951 : vector<8x1024xf32>
      %lt3A_953 = arith.constant 100000 : i32
      %lt3A_954 = vector.broadcast %lt3A_953 : i32 to vector<8x1024xi32>
      %lt3A_955 = arith.cmpi slt, %add3A_944, %lt3A_954 : vector<8x1024xi32>
      %jit3A_956 = arith.constant 0.000000e+00 : f32
      %broadcast_in_dim3A_957 = vector.broadcast %jit3A_956 : f32 to vector<8x1024xf32>
      %select_n3A_958 = arith.select %lt3A_955, %exp23A_952, %broadcast_in_dim3A_957 : vector<8x1024xi1>, vector<8x1024xf32>
      %add3A_959 = arith.constant 8 : i32
      %add3A_960 = vector.broadcast %add3A_959 : i32 to vector<8x1024xi32>
      %add3A_961 = arith.addi %add3A_944, %add3A_960 : vector<8x1024xi32>
      %add3A_962 = arith.addf %add3A_945, %select_n3A_958 : vector<8x1024xf32>
      %get3A_963 = arith.constant 448 : index
      %get3A_964 = arith.constant 0 : index
      %get3A_965 = vector.load %arg1[%get3A_963, %get3A_964] : memref<2048x1024xf32, #tpu.memory_space<vmem>>, vector<8x1024xf32>
      %mul3A_966 = arith.constant 92.3324813 : f32
      %mul3A_967 = vector.broadcast %mul3A_966 : f32 to vector<8x1024xf32>
      %mul3A_968 = arith.mulf %get3A_965, %mul3A_967 : vector<8x1024xf32>
      %exp23A_969 = math.exp2 %mul3A_968 : vector<8x1024xf32>
      %lt3A_970 = arith.constant 100000 : i32
      %lt3A_971 = vector.broadcast %lt3A_970 : i32 to vector<8x1024xi32>
      %lt3A_972 = arith.cmpi slt, %add3A_961, %lt3A_971 : vector<8x1024xi32>
      %jit3A_973 = arith.constant 0.000000e+00 : f32
      %broadcast_in_dim3A_974 = vector.broadcast %jit3A_973 : f32 to vector<8x1024xf32>
      %select_n3A_975 = arith.select %lt3A_972, %exp23A_969, %broadcast_in_dim3A_974 : vector<8x1024xi1>, vector<8x1024xf32>
      %add3A_976 = arith.constant 8 : i32
      %add3A_977 = vector.broadcast %add3A_976 : i32 to vector<8x1024xi32>
      %add3A_978 = arith.addi %add3A_961, %add3A_977 : vector<8x1024xi32>
      %add3A_979 = arith.addf %add3A_962, %select_n3A_975 : vector<8x1024xf32>
      %get3A_980 = arith.constant 456 : index
      %get3A_981 = arith.constant 0 : index
      %get3A_982 = vector.load %arg1[%get3A_980, %get3A_981] : memref<2048x1024xf32, #tpu.memory_space<vmem>>, vector<8x1024xf32>
      %mul3A_983 = arith.constant 92.3324813 : f32
      %mul3A_984 = vector.broadcast %mul3A_983 : f32 to vector<8x1024xf32>
      %mul3A_985 = arith.mulf %get3A_982, %mul3A_984 : vector<8x1024xf32>
      %exp23A_986 = math.exp2 %mul3A_985 : vector<8x1024xf32>
      %lt3A_987 = arith.constant 100000 : i32
      %lt3A_988 = vector.broadcast %lt3A_987 : i32 to vector<8x1024xi32>
      %lt3A_989 = arith.cmpi slt, %add3A_978, %lt3A_988 : vector<8x1024xi32>
      %jit3A_990 = arith.constant 0.000000e+00 : f32
      %broadcast_in_dim3A_991 = vector.broadcast %jit3A_990 : f32 to vector<8x1024xf32>
      %select_n3A_992 = arith.select %lt3A_989, %exp23A_986, %broadcast_in_dim3A_991 : vector<8x1024xi1>, vector<8x1024xf32>
      %add3A_993 = arith.constant 8 : i32
      %add3A_994 = vector.broadcast %add3A_993 : i32 to vector<8x1024xi32>
      %add3A_995 = arith.addi %add3A_978, %add3A_994 : vector<8x1024xi32>
      %add3A_996 = arith.addf %add3A_979, %select_n3A_992 : vector<8x1024xf32>
      %get3A_997 = arith.constant 464 : index
      %get3A_998 = arith.constant 0 : index
      %get3A_999 = vector.load %arg1[%get3A_997, %get3A_998] : memref<2048x1024xf32, #tpu.memory_space<vmem>>, vector<8x1024xf32>
      %mul3A_1000 = arith.constant 92.3324813 : f32
      %mul3A_1001 = vector.broadcast %mul3A_1000 : f32 to vector<8x1024xf32>
      %mul3A_1002 = arith.mulf %get3A_999, %mul3A_1001 : vector<8x1024xf32>
      %exp23A_1003 = math.exp2 %mul3A_1002 : vector<8x1024xf32>
      %lt3A_1004 = arith.constant 100000 : i32
      %lt3A_1005 = vector.broadcast %lt3A_1004 : i32 to vector<8x1024xi32>
      %lt3A_1006 = arith.cmpi slt, %add3A_995, %lt3A_1005 : vector<8x1024xi32>
      %jit3A_1007 = arith.constant 0.000000e+00 : f32
      %broadcast_in_dim3A_1008 = vector.broadcast %jit3A_1007 : f32 to vector<8x1024xf32>
      %select_n3A_1009 = arith.select %lt3A_1006, %exp23A_1003, %broadcast_in_dim3A_1008 : vector<8x1024xi1>, vector<8x1024xf32>
      %add3A_1010 = arith.constant 8 : i32
      %add3A_1011 = vector.broadcast %add3A_1010 : i32 to vector<8x1024xi32>
      %add3A_1012 = arith.addi %add3A_995, %add3A_1011 : vector<8x1024xi32>
      %add3A_1013 = arith.addf %add3A_996, %select_n3A_1009 : vector<8x1024xf32>
      %get3A_1014 = arith.constant 472 : index
      %get3A_1015 = arith.constant 0 : index
      %get3A_1016 = vector.load %arg1[%get3A_1014, %get3A_1015] : memref<2048x1024xf32, #tpu.memory_space<vmem>>, vector<8x1024xf32>
      %mul3A_1017 = arith.constant 92.3324813 : f32
      %mul3A_1018 = vector.broadcast %mul3A_1017 : f32 to vector<8x1024xf32>
      %mul3A_1019 = arith.mulf %get3A_1016, %mul3A_1018 : vector<8x1024xf32>
      %exp23A_1020 = math.exp2 %mul3A_1019 : vector<8x1024xf32>
      %lt3A_1021 = arith.constant 100000 : i32
      %lt3A_1022 = vector.broadcast %lt3A_1021 : i32 to vector<8x1024xi32>
      %lt3A_1023 = arith.cmpi slt, %add3A_1012, %lt3A_1022 : vector<8x1024xi32>
      %jit3A_1024 = arith.constant 0.000000e+00 : f32
      %broadcast_in_dim3A_1025 = vector.broadcast %jit3A_1024 : f32 to vector<8x1024xf32>
      %select_n3A_1026 = arith.select %lt3A_1023, %exp23A_1020, %broadcast_in_dim3A_1025 : vector<8x1024xi1>, vector<8x1024xf32>
      %add3A_1027 = arith.constant 8 : i32
      %add3A_1028 = vector.broadcast %add3A_1027 : i32 to vector<8x1024xi32>
      %add3A_1029 = arith.addi %add3A_1012, %add3A_1028 : vector<8x1024xi32>
      %add3A_1030 = arith.addf %add3A_1013, %select_n3A_1026 : vector<8x1024xf32>
      %get3A_1031 = arith.constant 480 : index
      %get3A_1032 = arith.constant 0 : index
      %get3A_1033 = vector.load %arg1[%get3A_1031, %get3A_1032] : memref<2048x1024xf32, #tpu.memory_space<vmem>>, vector<8x1024xf32>
      %mul3A_1034 = arith.constant 92.3324813 : f32
      %mul3A_1035 = vector.broadcast %mul3A_1034 : f32 to vector<8x1024xf32>
      %mul3A_1036 = arith.mulf %get3A_1033, %mul3A_1035 : vector<8x1024xf32>
      %exp23A_1037 = math.exp2 %mul3A_1036 : vector<8x1024xf32>
      %lt3A_1038 = arith.constant 100000 : i32
      %lt3A_1039 = vector.broadcast %lt3A_1038 : i32 to vector<8x1024xi32>
      %lt3A_1040 = arith.cmpi slt, %add3A_1029, %lt3A_1039 : vector<8x1024xi32>
      %jit3A_1041 = arith.constant 0.000000e+00 : f32
      %broadcast_in_dim3A_1042 = vector.broadcast %jit3A_1041 : f32 to vector<8x1024xf32>
      %select_n3A_1043 = arith.select %lt3A_1040, %exp23A_1037, %broadcast_in_dim3A_1042 : vector<8x1024xi1>, vector<8x1024xf32>
      %add3A_1044 = arith.constant 8 : i32
      %add3A_1045 = vector.broadcast %add3A_1044 : i32 to vector<8x1024xi32>
      %add3A_1046 = arith.addi %add3A_1029, %add3A_1045 : vector<8x1024xi32>
      %add3A_1047 = arith.addf %add3A_1030, %select_n3A_1043 : vector<8x1024xf32>
      %get3A_1048 = arith.constant 488 : index
      %get3A_1049 = arith.constant 0 : index
      %get3A_1050 = vector.load %arg1[%get3A_1048, %get3A_1049] : memref<2048x1024xf32, #tpu.memory_space<vmem>>, vector<8x1024xf32>
      %mul3A_1051 = arith.constant 92.3324813 : f32
      %mul3A_1052 = vector.broadcast %mul3A_1051 : f32 to vector<8x1024xf32>
      %mul3A_1053 = arith.mulf %get3A_1050, %mul3A_1052 : vector<8x1024xf32>
      %exp23A_1054 = math.exp2 %mul3A_1053 : vector<8x1024xf32>
      %lt3A_1055 = arith.constant 100000 : i32
      %lt3A_1056 = vector.broadcast %lt3A_1055 : i32 to vector<8x1024xi32>
      %lt3A_1057 = arith.cmpi slt, %add3A_1046, %lt3A_1056 : vector<8x1024xi32>
      %jit3A_1058 = arith.constant 0.000000e+00 : f32
      %broadcast_in_dim3A_1059 = vector.broadcast %jit3A_1058 : f32 to vector<8x1024xf32>
      %select_n3A_1060 = arith.select %lt3A_1057, %exp23A_1054, %broadcast_in_dim3A_1059 : vector<8x1024xi1>, vector<8x1024xf32>
      %add3A_1061 = arith.constant 8 : i32
      %add3A_1062 = vector.broadcast %add3A_1061 : i32 to vector<8x1024xi32>
      %add3A_1063 = arith.addi %add3A_1046, %add3A_1062 : vector<8x1024xi32>
      %add3A_1064 = arith.addf %add3A_1047, %select_n3A_1060 : vector<8x1024xf32>
      %get3A_1065 = arith.constant 496 : index
      %get3A_1066 = arith.constant 0 : index
      %get3A_1067 = vector.load %arg1[%get3A_1065, %get3A_1066] : memref<2048x1024xf32, #tpu.memory_space<vmem>>, vector<8x1024xf32>
      %mul3A_1068 = arith.constant 92.3324813 : f32
      %mul3A_1069 = vector.broadcast %mul3A_1068 : f32 to vector<8x1024xf32>
      %mul3A_1070 = arith.mulf %get3A_1067, %mul3A_1069 : vector<8x1024xf32>
      %exp23A_1071 = math.exp2 %mul3A_1070 : vector<8x1024xf32>
      %lt3A_1072 = arith.constant 100000 : i32
      %lt3A_1073 = vector.broadcast %lt3A_1072 : i32 to vector<8x1024xi32>
      %lt3A_1074 = arith.cmpi slt, %add3A_1063, %lt3A_1073 : vector<8x1024xi32>
      %jit3A_1075 = arith.constant 0.000000e+00 : f32
      %broadcast_in_dim3A_1076 = vector.broadcast %jit3A_1075 : f32 to vector<8x1024xf32>
      %select_n3A_1077 = arith.select %lt3A_1074, %exp23A_1071, %broadcast_in_dim3A_1076 : vector<8x1024xi1>, vector<8x1024xf32>
      %add3A_1078 = arith.constant 8 : i32
      %add3A_1079 = vector.broadcast %add3A_1078 : i32 to vector<8x1024xi32>
      %add3A_1080 = arith.addi %add3A_1063, %add3A_1079 : vector<8x1024xi32>
      %add3A_1081 = arith.addf %add3A_1064, %select_n3A_1077 : vector<8x1024xf32>
      %get3A_1082 = arith.constant 504 : index
      %get3A_1083 = arith.constant 0 : index
      %get3A_1084 = vector.load %arg1[%get3A_1082, %get3A_1083] : memref<2048x1024xf32, #tpu.memory_space<vmem>>, vector<8x1024xf32>
      %mul3A_1085 = arith.constant 92.3324813 : f32
      %mul3A_1086 = vector.broadcast %mul3A_1085 : f32 to vector<8x1024xf32>
      %mul3A_1087 = arith.mulf %get3A_1084, %mul3A_1086 : vector<8x1024xf32>
      %exp23A_1088 = math.exp2 %mul3A_1087 : vector<8x1024xf32>
      %lt3A_1089 = arith.constant 100000 : i32
      %lt3A_1090 = vector.broadcast %lt3A_1089 : i32 to vector<8x1024xi32>
      %lt3A_1091 = arith.cmpi slt, %add3A_1080, %lt3A_1090 : vector<8x1024xi32>
      %jit3A_1092 = arith.constant 0.000000e+00 : f32
      %broadcast_in_dim3A_1093 = vector.broadcast %jit3A_1092 : f32 to vector<8x1024xf32>
      %select_n3A_1094 = arith.select %lt3A_1091, %exp23A_1088, %broadcast_in_dim3A_1093 : vector<8x1024xi1>, vector<8x1024xf32>
      %add3A_1095 = arith.constant 8 : i32
      %add3A_1096 = vector.broadcast %add3A_1095 : i32 to vector<8x1024xi32>
      %add3A_1097 = arith.addi %add3A_1080, %add3A_1096 : vector<8x1024xi32>
      %add3A_1098 = arith.addf %add3A_1081, %select_n3A_1094 : vector<8x1024xf32>
      %get3A_1099 = arith.constant 512 : index
      %get3A_1100 = arith.constant 0 : index
      %get3A_1101 = vector.load %arg1[%get3A_1099, %get3A_1100] : memref<2048x1024xf32, #tpu.memory_space<vmem>>, vector<8x1024xf32>
      %mul3A_1102 = arith.constant 92.3324813 : f32
      %mul3A_1103 = vector.broadcast %mul3A_1102 : f32 to vector<8x1024xf32>
      %mul3A_1104 = arith.mulf %get3A_1101, %mul3A_1103 : vector<8x1024xf32>
      %exp23A_1105 = math.exp2 %mul3A_1104 : vector<8x1024xf32>
      %lt3A_1106 = arith.constant 100000 : i32
      %lt3A_1107 = vector.broadcast %lt3A_1106 : i32 to vector<8x1024xi32>
      %lt3A_1108 = arith.cmpi slt, %add3A_1097, %lt3A_1107 : vector<8x1024xi32>
      %jit3A_1109 = arith.constant 0.000000e+00 : f32
      %broadcast_in_dim3A_1110 = vector.broadcast %jit3A_1109 : f32 to vector<8x1024xf32>
      %select_n3A_1111 = arith.select %lt3A_1108, %exp23A_1105, %broadcast_in_dim3A_1110 : vector<8x1024xi1>, vector<8x1024xf32>
      %add3A_1112 = arith.constant 8 : i32
      %add3A_1113 = vector.broadcast %add3A_1112 : i32 to vector<8x1024xi32>
      %add3A_1114 = arith.addi %add3A_1097, %add3A_1113 : vector<8x1024xi32>
      %add3A_1115 = arith.addf %add3A_1098, %select_n3A_1111 : vector<8x1024xf32>
      %get3A_1116 = arith.constant 520 : index
      %get3A_1117 = arith.constant 0 : index
      %get3A_1118 = vector.load %arg1[%get3A_1116, %get3A_1117] : memref<2048x1024xf32, #tpu.memory_space<vmem>>, vector<8x1024xf32>
      %mul3A_1119 = arith.constant 92.3324813 : f32
      %mul3A_1120 = vector.broadcast %mul3A_1119 : f32 to vector<8x1024xf32>
      %mul3A_1121 = arith.mulf %get3A_1118, %mul3A_1120 : vector<8x1024xf32>
      %exp23A_1122 = math.exp2 %mul3A_1121 : vector<8x1024xf32>
      %lt3A_1123 = arith.constant 100000 : i32
      %lt3A_1124 = vector.broadcast %lt3A_1123 : i32 to vector<8x1024xi32>
      %lt3A_1125 = arith.cmpi slt, %add3A_1114, %lt3A_1124 : vector<8x1024xi32>
      %jit3A_1126 = arith.constant 0.000000e+00 : f32
      %broadcast_in_dim3A_1127 = vector.broadcast %jit3A_1126 : f32 to vector<8x1024xf32>
      %select_n3A_1128 = arith.select %lt3A_1125, %exp23A_1122, %broadcast_in_dim3A_1127 : vector<8x1024xi1>, vector<8x1024xf32>
      %add3A_1129 = arith.constant 8 : i32
      %add3A_1130 = vector.broadcast %add3A_1129 : i32 to vector<8x1024xi32>
      %add3A_1131 = arith.addi %add3A_1114, %add3A_1130 : vector<8x1024xi32>
      %add3A_1132 = arith.addf %add3A_1115, %select_n3A_1128 : vector<8x1024xf32>
      %get3A_1133 = arith.constant 528 : index
      %get3A_1134 = arith.constant 0 : index
      %get3A_1135 = vector.load %arg1[%get3A_1133, %get3A_1134] : memref<2048x1024xf32, #tpu.memory_space<vmem>>, vector<8x1024xf32>
      %mul3A_1136 = arith.constant 92.3324813 : f32
      %mul3A_1137 = vector.broadcast %mul3A_1136 : f32 to vector<8x1024xf32>
      %mul3A_1138 = arith.mulf %get3A_1135, %mul3A_1137 : vector<8x1024xf32>
      %exp23A_1139 = math.exp2 %mul3A_1138 : vector<8x1024xf32>
      %lt3A_1140 = arith.constant 100000 : i32
      %lt3A_1141 = vector.broadcast %lt3A_1140 : i32 to vector<8x1024xi32>
      %lt3A_1142 = arith.cmpi slt, %add3A_1131, %lt3A_1141 : vector<8x1024xi32>
      %jit3A_1143 = arith.constant 0.000000e+00 : f32
      %broadcast_in_dim3A_1144 = vector.broadcast %jit3A_1143 : f32 to vector<8x1024xf32>
      %select_n3A_1145 = arith.select %lt3A_1142, %exp23A_1139, %broadcast_in_dim3A_1144 : vector<8x1024xi1>, vector<8x1024xf32>
      %add3A_1146 = arith.constant 8 : i32
      %add3A_1147 = vector.broadcast %add3A_1146 : i32 to vector<8x1024xi32>
      %add3A_1148 = arith.addi %add3A_1131, %add3A_1147 : vector<8x1024xi32>
      %add3A_1149 = arith.addf %add3A_1132, %select_n3A_1145 : vector<8x1024xf32>
      %get3A_1150 = arith.constant 536 : index
      %get3A_1151 = arith.constant 0 : index
      %get3A_1152 = vector.load %arg1[%get3A_1150, %get3A_1151] : memref<2048x1024xf32, #tpu.memory_space<vmem>>, vector<8x1024xf32>
      %mul3A_1153 = arith.constant 92.3324813 : f32
      %mul3A_1154 = vector.broadcast %mul3A_1153 : f32 to vector<8x1024xf32>
      %mul3A_1155 = arith.mulf %get3A_1152, %mul3A_1154 : vector<8x1024xf32>
      %exp23A_1156 = math.exp2 %mul3A_1155 : vector<8x1024xf32>
      %lt3A_1157 = arith.constant 100000 : i32
      %lt3A_1158 = vector.broadcast %lt3A_1157 : i32 to vector<8x1024xi32>
      %lt3A_1159 = arith.cmpi slt, %add3A_1148, %lt3A_1158 : vector<8x1024xi32>
      %jit3A_1160 = arith.constant 0.000000e+00 : f32
      %broadcast_in_dim3A_1161 = vector.broadcast %jit3A_1160 : f32 to vector<8x1024xf32>
      %select_n3A_1162 = arith.select %lt3A_1159, %exp23A_1156, %broadcast_in_dim3A_1161 : vector<8x1024xi1>, vector<8x1024xf32>
      %add3A_1163 = arith.constant 8 : i32
      %add3A_1164 = vector.broadcast %add3A_1163 : i32 to vector<8x1024xi32>
      %add3A_1165 = arith.addi %add3A_1148, %add3A_1164 : vector<8x1024xi32>
      %add3A_1166 = arith.addf %add3A_1149, %select_n3A_1162 : vector<8x1024xf32>
      %get3A_1167 = arith.constant 544 : index
      %get3A_1168 = arith.constant 0 : index
      %get3A_1169 = vector.load %arg1[%get3A_1167, %get3A_1168] : memref<2048x1024xf32, #tpu.memory_space<vmem>>, vector<8x1024xf32>
      %mul3A_1170 = arith.constant 92.3324813 : f32
      %mul3A_1171 = vector.broadcast %mul3A_1170 : f32 to vector<8x1024xf32>
      %mul3A_1172 = arith.mulf %get3A_1169, %mul3A_1171 : vector<8x1024xf32>
      %exp23A_1173 = math.exp2 %mul3A_1172 : vector<8x1024xf32>
      %lt3A_1174 = arith.constant 100000 : i32
      %lt3A_1175 = vector.broadcast %lt3A_1174 : i32 to vector<8x1024xi32>
      %lt3A_1176 = arith.cmpi slt, %add3A_1165, %lt3A_1175 : vector<8x1024xi32>
      %jit3A_1177 = arith.constant 0.000000e+00 : f32
      %broadcast_in_dim3A_1178 = vector.broadcast %jit3A_1177 : f32 to vector<8x1024xf32>
      %select_n3A_1179 = arith.select %lt3A_1176, %exp23A_1173, %broadcast_in_dim3A_1178 : vector<8x1024xi1>, vector<8x1024xf32>
      %add3A_1180 = arith.constant 8 : i32
      %add3A_1181 = vector.broadcast %add3A_1180 : i32 to vector<8x1024xi32>
      %add3A_1182 = arith.addi %add3A_1165, %add3A_1181 : vector<8x1024xi32>
      %add3A_1183 = arith.addf %add3A_1166, %select_n3A_1179 : vector<8x1024xf32>
      %get3A_1184 = arith.constant 552 : index
      %get3A_1185 = arith.constant 0 : index
      %get3A_1186 = vector.load %arg1[%get3A_1184, %get3A_1185] : memref<2048x1024xf32, #tpu.memory_space<vmem>>, vector<8x1024xf32>
      %mul3A_1187 = arith.constant 92.3324813 : f32
      %mul3A_1188 = vector.broadcast %mul3A_1187 : f32 to vector<8x1024xf32>
      %mul3A_1189 = arith.mulf %get3A_1186, %mul3A_1188 : vector<8x1024xf32>
      %exp23A_1190 = math.exp2 %mul3A_1189 : vector<8x1024xf32>
      %lt3A_1191 = arith.constant 100000 : i32
      %lt3A_1192 = vector.broadcast %lt3A_1191 : i32 to vector<8x1024xi32>
      %lt3A_1193 = arith.cmpi slt, %add3A_1182, %lt3A_1192 : vector<8x1024xi32>
      %jit3A_1194 = arith.constant 0.000000e+00 : f32
      %broadcast_in_dim3A_1195 = vector.broadcast %jit3A_1194 : f32 to vector<8x1024xf32>
      %select_n3A_1196 = arith.select %lt3A_1193, %exp23A_1190, %broadcast_in_dim3A_1195 : vector<8x1024xi1>, vector<8x1024xf32>
      %add3A_1197 = arith.constant 8 : i32
      %add3A_1198 = vector.broadcast %add3A_1197 : i32 to vector<8x1024xi32>
      %add3A_1199 = arith.addi %add3A_1182, %add3A_1198 : vector<8x1024xi32>
      %add3A_1200 = arith.addf %add3A_1183, %select_n3A_1196 : vector<8x1024xf32>
      %get3A_1201 = arith.constant 560 : index
      %get3A_1202 = arith.constant 0 : index
      %get3A_1203 = vector.load %arg1[%get3A_1201, %get3A_1202] : memref<2048x1024xf32, #tpu.memory_space<vmem>>, vector<8x1024xf32>
      %mul3A_1204 = arith.constant 92.3324813 : f32
      %mul3A_1205 = vector.broadcast %mul3A_1204 : f32 to vector<8x1024xf32>
      %mul3A_1206 = arith.mulf %get3A_1203, %mul3A_1205 : vector<8x1024xf32>
      %exp23A_1207 = math.exp2 %mul3A_1206 : vector<8x1024xf32>
      %lt3A_1208 = arith.constant 100000 : i32
      %lt3A_1209 = vector.broadcast %lt3A_1208 : i32 to vector<8x1024xi32>
      %lt3A_1210 = arith.cmpi slt, %add3A_1199, %lt3A_1209 : vector<8x1024xi32>
      %jit3A_1211 = arith.constant 0.000000e+00 : f32
      %broadcast_in_dim3A_1212 = vector.broadcast %jit3A_1211 : f32 to vector<8x1024xf32>
      %select_n3A_1213 = arith.select %lt3A_1210, %exp23A_1207, %broadcast_in_dim3A_1212 : vector<8x1024xi1>, vector<8x1024xf32>
      %add3A_1214 = arith.constant 8 : i32
      %add3A_1215 = vector.broadcast %add3A_1214 : i32 to vector<8x1024xi32>
      %add3A_1216 = arith.addi %add3A_1199, %add3A_1215 : vector<8x1024xi32>
      %add3A_1217 = arith.addf %add3A_1200, %select_n3A_1213 : vector<8x1024xf32>
      %get3A_1218 = arith.constant 568 : index
      %get3A_1219 = arith.constant 0 : index
      %get3A_1220 = vector.load %arg1[%get3A_1218, %get3A_1219] : memref<2048x1024xf32, #tpu.memory_space<vmem>>, vector<8x1024xf32>
      %mul3A_1221 = arith.constant 92.3324813 : f32
      %mul3A_1222 = vector.broadcast %mul3A_1221 : f32 to vector<8x1024xf32>
      %mul3A_1223 = arith.mulf %get3A_1220, %mul3A_1222 : vector<8x1024xf32>
      %exp23A_1224 = math.exp2 %mul3A_1223 : vector<8x1024xf32>
      %lt3A_1225 = arith.constant 100000 : i32
      %lt3A_1226 = vector.broadcast %lt3A_1225 : i32 to vector<8x1024xi32>
      %lt3A_1227 = arith.cmpi slt, %add3A_1216, %lt3A_1226 : vector<8x1024xi32>
      %jit3A_1228 = arith.constant 0.000000e+00 : f32
      %broadcast_in_dim3A_1229 = vector.broadcast %jit3A_1228 : f32 to vector<8x1024xf32>
      %select_n3A_1230 = arith.select %lt3A_1227, %exp23A_1224, %broadcast_in_dim3A_1229 : vector<8x1024xi1>, vector<8x1024xf32>
      %add3A_1231 = arith.constant 8 : i32
      %add3A_1232 = vector.broadcast %add3A_1231 : i32 to vector<8x1024xi32>
      %add3A_1233 = arith.addi %add3A_1216, %add3A_1232 : vector<8x1024xi32>
      %add3A_1234 = arith.addf %add3A_1217, %select_n3A_1230 : vector<8x1024xf32>
      %get3A_1235 = arith.constant 576 : index
      %get3A_1236 = arith.constant 0 : index
      %get3A_1237 = vector.load %arg1[%get3A_1235, %get3A_1236] : memref<2048x1024xf32, #tpu.memory_space<vmem>>, vector<8x1024xf32>
      %mul3A_1238 = arith.constant 92.3324813 : f32
      %mul3A_1239 = vector.broadcast %mul3A_1238 : f32 to vector<8x1024xf32>
      %mul3A_1240 = arith.mulf %get3A_1237, %mul3A_1239 : vector<8x1024xf32>
      %exp23A_1241 = math.exp2 %mul3A_1240 : vector<8x1024xf32>
      %lt3A_1242 = arith.constant 100000 : i32
      %lt3A_1243 = vector.broadcast %lt3A_1242 : i32 to vector<8x1024xi32>
      %lt3A_1244 = arith.cmpi slt, %add3A_1233, %lt3A_1243 : vector<8x1024xi32>
      %jit3A_1245 = arith.constant 0.000000e+00 : f32
      %broadcast_in_dim3A_1246 = vector.broadcast %jit3A_1245 : f32 to vector<8x1024xf32>
      %select_n3A_1247 = arith.select %lt3A_1244, %exp23A_1241, %broadcast_in_dim3A_1246 : vector<8x1024xi1>, vector<8x1024xf32>
      %add3A_1248 = arith.constant 8 : i32
      %add3A_1249 = vector.broadcast %add3A_1248 : i32 to vector<8x1024xi32>
      %add3A_1250 = arith.addi %add3A_1233, %add3A_1249 : vector<8x1024xi32>
      %add3A_1251 = arith.addf %add3A_1234, %select_n3A_1247 : vector<8x1024xf32>
      %get3A_1252 = arith.constant 584 : index
      %get3A_1253 = arith.constant 0 : index
      %get3A_1254 = vector.load %arg1[%get3A_1252, %get3A_1253] : memref<2048x1024xf32, #tpu.memory_space<vmem>>, vector<8x1024xf32>
      %mul3A_1255 = arith.constant 92.3324813 : f32
      %mul3A_1256 = vector.broadcast %mul3A_1255 : f32 to vector<8x1024xf32>
      %mul3A_1257 = arith.mulf %get3A_1254, %mul3A_1256 : vector<8x1024xf32>
      %exp23A_1258 = math.exp2 %mul3A_1257 : vector<8x1024xf32>
      %lt3A_1259 = arith.constant 100000 : i32
      %lt3A_1260 = vector.broadcast %lt3A_1259 : i32 to vector<8x1024xi32>
      %lt3A_1261 = arith.cmpi slt, %add3A_1250, %lt3A_1260 : vector<8x1024xi32>
      %jit3A_1262 = arith.constant 0.000000e+00 : f32
      %broadcast_in_dim3A_1263 = vector.broadcast %jit3A_1262 : f32 to vector<8x1024xf32>
      %select_n3A_1264 = arith.select %lt3A_1261, %exp23A_1258, %broadcast_in_dim3A_1263 : vector<8x1024xi1>, vector<8x1024xf32>
      %add3A_1265 = arith.constant 8 : i32
      %add3A_1266 = vector.broadcast %add3A_1265 : i32 to vector<8x1024xi32>
      %add3A_1267 = arith.addi %add3A_1250, %add3A_1266 : vector<8x1024xi32>
      %add3A_1268 = arith.addf %add3A_1251, %select_n3A_1264 : vector<8x1024xf32>
      %get3A_1269 = arith.constant 592 : index
      %get3A_1270 = arith.constant 0 : index
      %get3A_1271 = vector.load %arg1[%get3A_1269, %get3A_1270] : memref<2048x1024xf32, #tpu.memory_space<vmem>>, vector<8x1024xf32>
      %mul3A_1272 = arith.constant 92.3324813 : f32
      %mul3A_1273 = vector.broadcast %mul3A_1272 : f32 to vector<8x1024xf32>
      %mul3A_1274 = arith.mulf %get3A_1271, %mul3A_1273 : vector<8x1024xf32>
      %exp23A_1275 = math.exp2 %mul3A_1274 : vector<8x1024xf32>
      %lt3A_1276 = arith.constant 100000 : i32
      %lt3A_1277 = vector.broadcast %lt3A_1276 : i32 to vector<8x1024xi32>
      %lt3A_1278 = arith.cmpi slt, %add3A_1267, %lt3A_1277 : vector<8x1024xi32>
      %jit3A_1279 = arith.constant 0.000000e+00 : f32
      %broadcast_in_dim3A_1280 = vector.broadcast %jit3A_1279 : f32 to vector<8x1024xf32>
      %select_n3A_1281 = arith.select %lt3A_1278, %exp23A_1275, %broadcast_in_dim3A_1280 : vector<8x1024xi1>, vector<8x1024xf32>
      %add3A_1282 = arith.constant 8 : i32
      %add3A_1283 = vector.broadcast %add3A_1282 : i32 to vector<8x1024xi32>
      %add3A_1284 = arith.addi %add3A_1267, %add3A_1283 : vector<8x1024xi32>
      %add3A_1285 = arith.addf %add3A_1268, %select_n3A_1281 : vector<8x1024xf32>
      %get3A_1286 = arith.constant 600 : index
      %get3A_1287 = arith.constant 0 : index
      %get3A_1288 = vector.load %arg1[%get3A_1286, %get3A_1287] : memref<2048x1024xf32, #tpu.memory_space<vmem>>, vector<8x1024xf32>
      %mul3A_1289 = arith.constant 92.3324813 : f32
      %mul3A_1290 = vector.broadcast %mul3A_1289 : f32 to vector<8x1024xf32>
      %mul3A_1291 = arith.mulf %get3A_1288, %mul3A_1290 : vector<8x1024xf32>
      %exp23A_1292 = math.exp2 %mul3A_1291 : vector<8x1024xf32>
      %lt3A_1293 = arith.constant 100000 : i32
      %lt3A_1294 = vector.broadcast %lt3A_1293 : i32 to vector<8x1024xi32>
      %lt3A_1295 = arith.cmpi slt, %add3A_1284, %lt3A_1294 : vector<8x1024xi32>
      %jit3A_1296 = arith.constant 0.000000e+00 : f32
      %broadcast_in_dim3A_1297 = vector.broadcast %jit3A_1296 : f32 to vector<8x1024xf32>
      %select_n3A_1298 = arith.select %lt3A_1295, %exp23A_1292, %broadcast_in_dim3A_1297 : vector<8x1024xi1>, vector<8x1024xf32>
      %add3A_1299 = arith.constant 8 : i32
      %add3A_1300 = vector.broadcast %add3A_1299 : i32 to vector<8x1024xi32>
      %add3A_1301 = arith.addi %add3A_1284, %add3A_1300 : vector<8x1024xi32>
      %add3A_1302 = arith.addf %add3A_1285, %select_n3A_1298 : vector<8x1024xf32>
      %get3A_1303 = arith.constant 608 : index
      %get3A_1304 = arith.constant 0 : index
      %get3A_1305 = vector.load %arg1[%get3A_1303, %get3A_1304] : memref<2048x1024xf32, #tpu.memory_space<vmem>>, vector<8x1024xf32>
      %mul3A_1306 = arith.constant 92.3324813 : f32
      %mul3A_1307 = vector.broadcast %mul3A_1306 : f32 to vector<8x1024xf32>
      %mul3A_1308 = arith.mulf %get3A_1305, %mul3A_1307 : vector<8x1024xf32>
      %exp23A_1309 = math.exp2 %mul3A_1308 : vector<8x1024xf32>
      %lt3A_1310 = arith.constant 100000 : i32
      %lt3A_1311 = vector.broadcast %lt3A_1310 : i32 to vector<8x1024xi32>
      %lt3A_1312 = arith.cmpi slt, %add3A_1301, %lt3A_1311 : vector<8x1024xi32>
      %jit3A_1313 = arith.constant 0.000000e+00 : f32
      %broadcast_in_dim3A_1314 = vector.broadcast %jit3A_1313 : f32 to vector<8x1024xf32>
      %select_n3A_1315 = arith.select %lt3A_1312, %exp23A_1309, %broadcast_in_dim3A_1314 : vector<8x1024xi1>, vector<8x1024xf32>
      %add3A_1316 = arith.constant 8 : i32
      %add3A_1317 = vector.broadcast %add3A_1316 : i32 to vector<8x1024xi32>
      %add3A_1318 = arith.addi %add3A_1301, %add3A_1317 : vector<8x1024xi32>
      %add3A_1319 = arith.addf %add3A_1302, %select_n3A_1315 : vector<8x1024xf32>
      %get3A_1320 = arith.constant 616 : index
      %get3A_1321 = arith.constant 0 : index
      %get3A_1322 = vector.load %arg1[%get3A_1320, %get3A_1321] : memref<2048x1024xf32, #tpu.memory_space<vmem>>, vector<8x1024xf32>
      %mul3A_1323 = arith.constant 92.3324813 : f32
      %mul3A_1324 = vector.broadcast %mul3A_1323 : f32 to vector<8x1024xf32>
      %mul3A_1325 = arith.mulf %get3A_1322, %mul3A_1324 : vector<8x1024xf32>
      %exp23A_1326 = math.exp2 %mul3A_1325 : vector<8x1024xf32>
      %lt3A_1327 = arith.constant 100000 : i32
      %lt3A_1328 = vector.broadcast %lt3A_1327 : i32 to vector<8x1024xi32>
      %lt3A_1329 = arith.cmpi slt, %add3A_1318, %lt3A_1328 : vector<8x1024xi32>
      %jit3A_1330 = arith.constant 0.000000e+00 : f32
      %broadcast_in_dim3A_1331 = vector.broadcast %jit3A_1330 : f32 to vector<8x1024xf32>
      %select_n3A_1332 = arith.select %lt3A_1329, %exp23A_1326, %broadcast_in_dim3A_1331 : vector<8x1024xi1>, vector<8x1024xf32>
      %add3A_1333 = arith.constant 8 : i32
      %add3A_1334 = vector.broadcast %add3A_1333 : i32 to vector<8x1024xi32>
      %add3A_1335 = arith.addi %add3A_1318, %add3A_1334 : vector<8x1024xi32>
      %add3A_1336 = arith.addf %add3A_1319, %select_n3A_1332 : vector<8x1024xf32>
      %get3A_1337 = arith.constant 624 : index
      %get3A_1338 = arith.constant 0 : index
      %get3A_1339 = vector.load %arg1[%get3A_1337, %get3A_1338] : memref<2048x1024xf32, #tpu.memory_space<vmem>>, vector<8x1024xf32>
      %mul3A_1340 = arith.constant 92.3324813 : f32
      %mul3A_1341 = vector.broadcast %mul3A_1340 : f32 to vector<8x1024xf32>
      %mul3A_1342 = arith.mulf %get3A_1339, %mul3A_1341 : vector<8x1024xf32>
      %exp23A_1343 = math.exp2 %mul3A_1342 : vector<8x1024xf32>
      %lt3A_1344 = arith.constant 100000 : i32
      %lt3A_1345 = vector.broadcast %lt3A_1344 : i32 to vector<8x1024xi32>
      %lt3A_1346 = arith.cmpi slt, %add3A_1335, %lt3A_1345 : vector<8x1024xi32>
      %jit3A_1347 = arith.constant 0.000000e+00 : f32
      %broadcast_in_dim3A_1348 = vector.broadcast %jit3A_1347 : f32 to vector<8x1024xf32>
      %select_n3A_1349 = arith.select %lt3A_1346, %exp23A_1343, %broadcast_in_dim3A_1348 : vector<8x1024xi1>, vector<8x1024xf32>
      %add3A_1350 = arith.constant 8 : i32
      %add3A_1351 = vector.broadcast %add3A_1350 : i32 to vector<8x1024xi32>
      %add3A_1352 = arith.addi %add3A_1335, %add3A_1351 : vector<8x1024xi32>
      %add3A_1353 = arith.addf %add3A_1336, %select_n3A_1349 : vector<8x1024xf32>
      %get3A_1354 = arith.constant 632 : index
      %get3A_1355 = arith.constant 0 : index
      %get3A_1356 = vector.load %arg1[%get3A_1354, %get3A_1355] : memref<2048x1024xf32, #tpu.memory_space<vmem>>, vector<8x1024xf32>
      %mul3A_1357 = arith.constant 92.3324813 : f32
      %mul3A_1358 = vector.broadcast %mul3A_1357 : f32 to vector<8x1024xf32>
      %mul3A_1359 = arith.mulf %get3A_1356, %mul3A_1358 : vector<8x1024xf32>
      %exp23A_1360 = math.exp2 %mul3A_1359 : vector<8x1024xf32>
      %lt3A_1361 = arith.constant 100000 : i32
      %lt3A_1362 = vector.broadcast %lt3A_1361 : i32 to vector<8x1024xi32>
      %lt3A_1363 = arith.cmpi slt, %add3A_1352, %lt3A_1362 : vector<8x1024xi32>
      %jit3A_1364 = arith.constant 0.000000e+00 : f32
      %broadcast_in_dim3A_1365 = vector.broadcast %jit3A_1364 : f32 to vector<8x1024xf32>
      %select_n3A_1366 = arith.select %lt3A_1363, %exp23A_1360, %broadcast_in_dim3A_1365 : vector<8x1024xi1>, vector<8x1024xf32>
      %add3A_1367 = arith.constant 8 : i32
      %add3A_1368 = vector.broadcast %add3A_1367 : i32 to vector<8x1024xi32>
      %add3A_1369 = arith.addi %add3A_1352, %add3A_1368 : vector<8x1024xi32>
      %add3A_1370 = arith.addf %add3A_1353, %select_n3A_1366 : vector<8x1024xf32>
      %get3A_1371 = arith.constant 640 : index
      %get3A_1372 = arith.constant 0 : index
      %get3A_1373 = vector.load %arg1[%get3A_1371, %get3A_1372] : memref<2048x1024xf32, #tpu.memory_space<vmem>>, vector<8x1024xf32>
      %mul3A_1374 = arith.constant 92.3324813 : f32
      %mul3A_1375 = vector.broadcast %mul3A_1374 : f32 to vector<8x1024xf32>
      %mul3A_1376 = arith.mulf %get3A_1373, %mul3A_1375 : vector<8x1024xf32>
      %exp23A_1377 = math.exp2 %mul3A_1376 : vector<8x1024xf32>
      %lt3A_1378 = arith.constant 100000 : i32
      %lt3A_1379 = vector.broadcast %lt3A_1378 : i32 to vector<8x1024xi32>
      %lt3A_1380 = arith.cmpi slt, %add3A_1369, %lt3A_1379 : vector<8x1024xi32>
      %jit3A_1381 = arith.constant 0.000000e+00 : f32
      %broadcast_in_dim3A_1382 = vector.broadcast %jit3A_1381 : f32 to vector<8x1024xf32>
      %select_n3A_1383 = arith.select %lt3A_1380, %exp23A_1377, %broadcast_in_dim3A_1382 : vector<8x1024xi1>, vector<8x1024xf32>
      %add3A_1384 = arith.constant 8 : i32
      %add3A_1385 = vector.broadcast %add3A_1384 : i32 to vector<8x1024xi32>
      %add3A_1386 = arith.addi %add3A_1369, %add3A_1385 : vector<8x1024xi32>
      %add3A_1387 = arith.addf %add3A_1370, %select_n3A_1383 : vector<8x1024xf32>
      %get3A_1388 = arith.constant 648 : index
      %get3A_1389 = arith.constant 0 : index
      %get3A_1390 = vector.load %arg1[%get3A_1388, %get3A_1389] : memref<2048x1024xf32, #tpu.memory_space<vmem>>, vector<8x1024xf32>
      %mul3A_1391 = arith.constant 92.3324813 : f32
      %mul3A_1392 = vector.broadcast %mul3A_1391 : f32 to vector<8x1024xf32>
      %mul3A_1393 = arith.mulf %get3A_1390, %mul3A_1392 : vector<8x1024xf32>
      %exp23A_1394 = math.exp2 %mul3A_1393 : vector<8x1024xf32>
      %lt3A_1395 = arith.constant 100000 : i32
      %lt3A_1396 = vector.broadcast %lt3A_1395 : i32 to vector<8x1024xi32>
      %lt3A_1397 = arith.cmpi slt, %add3A_1386, %lt3A_1396 : vector<8x1024xi32>
      %jit3A_1398 = arith.constant 0.000000e+00 : f32
      %broadcast_in_dim3A_1399 = vector.broadcast %jit3A_1398 : f32 to vector<8x1024xf32>
      %select_n3A_1400 = arith.select %lt3A_1397, %exp23A_1394, %broadcast_in_dim3A_1399 : vector<8x1024xi1>, vector<8x1024xf32>
      %add3A_1401 = arith.constant 8 : i32
      %add3A_1402 = vector.broadcast %add3A_1401 : i32 to vector<8x1024xi32>
      %add3A_1403 = arith.addi %add3A_1386, %add3A_1402 : vector<8x1024xi32>
      %add3A_1404 = arith.addf %add3A_1387, %select_n3A_1400 : vector<8x1024xf32>
      %get3A_1405 = arith.constant 656 : index
      %get3A_1406 = arith.constant 0 : index
      %get3A_1407 = vector.load %arg1[%get3A_1405, %get3A_1406] : memref<2048x1024xf32, #tpu.memory_space<vmem>>, vector<8x1024xf32>
      %mul3A_1408 = arith.constant 92.3324813 : f32
      %mul3A_1409 = vector.broadcast %mul3A_1408 : f32 to vector<8x1024xf32>
      %mul3A_1410 = arith.mulf %get3A_1407, %mul3A_1409 : vector<8x1024xf32>
      %exp23A_1411 = math.exp2 %mul3A_1410 : vector<8x1024xf32>
      %lt3A_1412 = arith.constant 100000 : i32
      %lt3A_1413 = vector.broadcast %lt3A_1412 : i32 to vector<8x1024xi32>
      %lt3A_1414 = arith.cmpi slt, %add3A_1403, %lt3A_1413 : vector<8x1024xi32>
      %jit3A_1415 = arith.constant 0.000000e+00 : f32
      %broadcast_in_dim3A_1416 = vector.broadcast %jit3A_1415 : f32 to vector<8x1024xf32>
      %select_n3A_1417 = arith.select %lt3A_1414, %exp23A_1411, %broadcast_in_dim3A_1416 : vector<8x1024xi1>, vector<8x1024xf32>
      %add3A_1418 = arith.constant 8 : i32
      %add3A_1419 = vector.broadcast %add3A_1418 : i32 to vector<8x1024xi32>
      %add3A_1420 = arith.addi %add3A_1403, %add3A_1419 : vector<8x1024xi32>
      %add3A_1421 = arith.addf %add3A_1404, %select_n3A_1417 : vector<8x1024xf32>
      %get3A_1422 = arith.constant 664 : index
      %get3A_1423 = arith.constant 0 : index
      %get3A_1424 = vector.load %arg1[%get3A_1422, %get3A_1423] : memref<2048x1024xf32, #tpu.memory_space<vmem>>, vector<8x1024xf32>
      %mul3A_1425 = arith.constant 92.3324813 : f32
      %mul3A_1426 = vector.broadcast %mul3A_1425 : f32 to vector<8x1024xf32>
      %mul3A_1427 = arith.mulf %get3A_1424, %mul3A_1426 : vector<8x1024xf32>
      %exp23A_1428 = math.exp2 %mul3A_1427 : vector<8x1024xf32>
      %lt3A_1429 = arith.constant 100000 : i32
      %lt3A_1430 = vector.broadcast %lt3A_1429 : i32 to vector<8x1024xi32>
      %lt3A_1431 = arith.cmpi slt, %add3A_1420, %lt3A_1430 : vector<8x1024xi32>
      %jit3A_1432 = arith.constant 0.000000e+00 : f32
      %broadcast_in_dim3A_1433 = vector.broadcast %jit3A_1432 : f32 to vector<8x1024xf32>
      %select_n3A_1434 = arith.select %lt3A_1431, %exp23A_1428, %broadcast_in_dim3A_1433 : vector<8x1024xi1>, vector<8x1024xf32>
      %add3A_1435 = arith.constant 8 : i32
      %add3A_1436 = vector.broadcast %add3A_1435 : i32 to vector<8x1024xi32>
      %add3A_1437 = arith.addi %add3A_1420, %add3A_1436 : vector<8x1024xi32>
      %add3A_1438 = arith.addf %add3A_1421, %select_n3A_1434 : vector<8x1024xf32>
      %get3A_1439 = arith.constant 672 : index
      %get3A_1440 = arith.constant 0 : index
      %get3A_1441 = vector.load %arg1[%get3A_1439, %get3A_1440] : memref<2048x1024xf32, #tpu.memory_space<vmem>>, vector<8x1024xf32>
      %mul3A_1442 = arith.constant 92.3324813 : f32
      %mul3A_1443 = vector.broadcast %mul3A_1442 : f32 to vector<8x1024xf32>
      %mul3A_1444 = arith.mulf %get3A_1441, %mul3A_1443 : vector<8x1024xf32>
      %exp23A_1445 = math.exp2 %mul3A_1444 : vector<8x1024xf32>
      %lt3A_1446 = arith.constant 100000 : i32
      %lt3A_1447 = vector.broadcast %lt3A_1446 : i32 to vector<8x1024xi32>
      %lt3A_1448 = arith.cmpi slt, %add3A_1437, %lt3A_1447 : vector<8x1024xi32>
      %jit3A_1449 = arith.constant 0.000000e+00 : f32
      %broadcast_in_dim3A_1450 = vector.broadcast %jit3A_1449 : f32 to vector<8x1024xf32>
      %select_n3A_1451 = arith.select %lt3A_1448, %exp23A_1445, %broadcast_in_dim3A_1450 : vector<8x1024xi1>, vector<8x1024xf32>
      %add3A_1452 = arith.constant 8 : i32
      %add3A_1453 = vector.broadcast %add3A_1452 : i32 to vector<8x1024xi32>
      %add3A_1454 = arith.addi %add3A_1437, %add3A_1453 : vector<8x1024xi32>
      %add3A_1455 = arith.addf %add3A_1438, %select_n3A_1451 : vector<8x1024xf32>
      %get3A_1456 = arith.constant 680 : index
      %get3A_1457 = arith.constant 0 : index
      %get3A_1458 = vector.load %arg1[%get3A_1456, %get3A_1457] : memref<2048x1024xf32, #tpu.memory_space<vmem>>, vector<8x1024xf32>
      %mul3A_1459 = arith.constant 92.3324813 : f32
      %mul3A_1460 = vector.broadcast %mul3A_1459 : f32 to vector<8x1024xf32>
      %mul3A_1461 = arith.mulf %get3A_1458, %mul3A_1460 : vector<8x1024xf32>
      %exp23A_1462 = math.exp2 %mul3A_1461 : vector<8x1024xf32>
      %lt3A_1463 = arith.constant 100000 : i32
      %lt3A_1464 = vector.broadcast %lt3A_1463 : i32 to vector<8x1024xi32>
      %lt3A_1465 = arith.cmpi slt, %add3A_1454, %lt3A_1464 : vector<8x1024xi32>
      %jit3A_1466 = arith.constant 0.000000e+00 : f32
      %broadcast_in_dim3A_1467 = vector.broadcast %jit3A_1466 : f32 to vector<8x1024xf32>
      %select_n3A_1468 = arith.select %lt3A_1465, %exp23A_1462, %broadcast_in_dim3A_1467 : vector<8x1024xi1>, vector<8x1024xf32>
      %add3A_1469 = arith.constant 8 : i32
      %add3A_1470 = vector.broadcast %add3A_1469 : i32 to vector<8x1024xi32>
      %add3A_1471 = arith.addi %add3A_1454, %add3A_1470 : vector<8x1024xi32>
      %add3A_1472 = arith.addf %add3A_1455, %select_n3A_1468 : vector<8x1024xf32>
      %get3A_1473 = arith.constant 688 : index
      %get3A_1474 = arith.constant 0 : index
      %get3A_1475 = vector.load %arg1[%get3A_1473, %get3A_1474] : memref<2048x1024xf32, #tpu.memory_space<vmem>>, vector<8x1024xf32>
      %mul3A_1476 = arith.constant 92.3324813 : f32
      %mul3A_1477 = vector.broadcast %mul3A_1476 : f32 to vector<8x1024xf32>
      %mul3A_1478 = arith.mulf %get3A_1475, %mul3A_1477 : vector<8x1024xf32>
      %exp23A_1479 = math.exp2 %mul3A_1478 : vector<8x1024xf32>
      %lt3A_1480 = arith.constant 100000 : i32
      %lt3A_1481 = vector.broadcast %lt3A_1480 : i32 to vector<8x1024xi32>
      %lt3A_1482 = arith.cmpi slt, %add3A_1471, %lt3A_1481 : vector<8x1024xi32>
      %jit3A_1483 = arith.constant 0.000000e+00 : f32
      %broadcast_in_dim3A_1484 = vector.broadcast %jit3A_1483 : f32 to vector<8x1024xf32>
      %select_n3A_1485 = arith.select %lt3A_1482, %exp23A_1479, %broadcast_in_dim3A_1484 : vector<8x1024xi1>, vector<8x1024xf32>
      %add3A_1486 = arith.constant 8 : i32
      %add3A_1487 = vector.broadcast %add3A_1486 : i32 to vector<8x1024xi32>
      %add3A_1488 = arith.addi %add3A_1471, %add3A_1487 : vector<8x1024xi32>
      %add3A_1489 = arith.addf %add3A_1472, %select_n3A_1485 : vector<8x1024xf32>
      %get3A_1490 = arith.constant 696 : index
      %get3A_1491 = arith.constant 0 : index
      %get3A_1492 = vector.load %arg1[%get3A_1490, %get3A_1491] : memref<2048x1024xf32, #tpu.memory_space<vmem>>, vector<8x1024xf32>
      %mul3A_1493 = arith.constant 92.3324813 : f32
      %mul3A_1494 = vector.broadcast %mul3A_1493 : f32 to vector<8x1024xf32>
      %mul3A_1495 = arith.mulf %get3A_1492, %mul3A_1494 : vector<8x1024xf32>
      %exp23A_1496 = math.exp2 %mul3A_1495 : vector<8x1024xf32>
      %lt3A_1497 = arith.constant 100000 : i32
      %lt3A_1498 = vector.broadcast %lt3A_1497 : i32 to vector<8x1024xi32>
      %lt3A_1499 = arith.cmpi slt, %add3A_1488, %lt3A_1498 : vector<8x1024xi32>
      %jit3A_1500 = arith.constant 0.000000e+00 : f32
      %broadcast_in_dim3A_1501 = vector.broadcast %jit3A_1500 : f32 to vector<8x1024xf32>
      %select_n3A_1502 = arith.select %lt3A_1499, %exp23A_1496, %broadcast_in_dim3A_1501 : vector<8x1024xi1>, vector<8x1024xf32>
      %add3A_1503 = arith.constant 8 : i32
      %add3A_1504 = vector.broadcast %add3A_1503 : i32 to vector<8x1024xi32>
      %add3A_1505 = arith.addi %add3A_1488, %add3A_1504 : vector<8x1024xi32>
      %add3A_1506 = arith.addf %add3A_1489, %select_n3A_1502 : vector<8x1024xf32>
      %get3A_1507 = arith.constant 704 : index
      %get3A_1508 = arith.constant 0 : index
      %get3A_1509 = vector.load %arg1[%get3A_1507, %get3A_1508] : memref<2048x1024xf32, #tpu.memory_space<vmem>>, vector<8x1024xf32>
      %mul3A_1510 = arith.constant 92.3324813 : f32
      %mul3A_1511 = vector.broadcast %mul3A_1510 : f32 to vector<8x1024xf32>
      %mul3A_1512 = arith.mulf %get3A_1509, %mul3A_1511 : vector<8x1024xf32>
      %exp23A_1513 = math.exp2 %mul3A_1512 : vector<8x1024xf32>
      %lt3A_1514 = arith.constant 100000 : i32
      %lt3A_1515 = vector.broadcast %lt3A_1514 : i32 to vector<8x1024xi32>
      %lt3A_1516 = arith.cmpi slt, %add3A_1505, %lt3A_1515 : vector<8x1024xi32>
      %jit3A_1517 = arith.constant 0.000000e+00 : f32
      %broadcast_in_dim3A_1518 = vector.broadcast %jit3A_1517 : f32 to vector<8x1024xf32>
      %select_n3A_1519 = arith.select %lt3A_1516, %exp23A_1513, %broadcast_in_dim3A_1518 : vector<8x1024xi1>, vector<8x1024xf32>
      %add3A_1520 = arith.constant 8 : i32
      %add3A_1521 = vector.broadcast %add3A_1520 : i32 to vector<8x1024xi32>
      %add3A_1522 = arith.addi %add3A_1505, %add3A_1521 : vector<8x1024xi32>
      %add3A_1523 = arith.addf %add3A_1506, %select_n3A_1519 : vector<8x1024xf32>
      %get3A_1524 = arith.constant 712 : index
      %get3A_1525 = arith.constant 0 : index
      %get3A_1526 = vector.load %arg1[%get3A_1524, %get3A_1525] : memref<2048x1024xf32, #tpu.memory_space<vmem>>, vector<8x1024xf32>
      %mul3A_1527 = arith.constant 92.3324813 : f32
      %mul3A_1528 = vector.broadcast %mul3A_1527 : f32 to vector<8x1024xf32>
      %mul3A_1529 = arith.mulf %get3A_1526, %mul3A_1528 : vector<8x1024xf32>
      %exp23A_1530 = math.exp2 %mul3A_1529 : vector<8x1024xf32>
      %lt3A_1531 = arith.constant 100000 : i32
      %lt3A_1532 = vector.broadcast %lt3A_1531 : i32 to vector<8x1024xi32>
      %lt3A_1533 = arith.cmpi slt, %add3A_1522, %lt3A_1532 : vector<8x1024xi32>
      %jit3A_1534 = arith.constant 0.000000e+00 : f32
      %broadcast_in_dim3A_1535 = vector.broadcast %jit3A_1534 : f32 to vector<8x1024xf32>
      %select_n3A_1536 = arith.select %lt3A_1533, %exp23A_1530, %broadcast_in_dim3A_1535 : vector<8x1024xi1>, vector<8x1024xf32>
      %add3A_1537 = arith.constant 8 : i32
      %add3A_1538 = vector.broadcast %add3A_1537 : i32 to vector<8x1024xi32>
      %add3A_1539 = arith.addi %add3A_1522, %add3A_1538 : vector<8x1024xi32>
      %add3A_1540 = arith.addf %add3A_1523, %select_n3A_1536 : vector<8x1024xf32>
      %get3A_1541 = arith.constant 720 : index
      %get3A_1542 = arith.constant 0 : index
      %get3A_1543 = vector.load %arg1[%get3A_1541, %get3A_1542] : memref<2048x1024xf32, #tpu.memory_space<vmem>>, vector<8x1024xf32>
      %mul3A_1544 = arith.constant 92.3324813 : f32
      %mul3A_1545 = vector.broadcast %mul3A_1544 : f32 to vector<8x1024xf32>
      %mul3A_1546 = arith.mulf %get3A_1543, %mul3A_1545 : vector<8x1024xf32>
      %exp23A_1547 = math.exp2 %mul3A_1546 : vector<8x1024xf32>
      %lt3A_1548 = arith.constant 100000 : i32
      %lt3A_1549 = vector.broadcast %lt3A_1548 : i32 to vector<8x1024xi32>
      %lt3A_1550 = arith.cmpi slt, %add3A_1539, %lt3A_1549 : vector<8x1024xi32>
      %jit3A_1551 = arith.constant 0.000000e+00 : f32
      %broadcast_in_dim3A_1552 = vector.broadcast %jit3A_1551 : f32 to vector<8x1024xf32>
      %select_n3A_1553 = arith.select %lt3A_1550, %exp23A_1547, %broadcast_in_dim3A_1552 : vector<8x1024xi1>, vector<8x1024xf32>
      %add3A_1554 = arith.constant 8 : i32
      %add3A_1555 = vector.broadcast %add3A_1554 : i32 to vector<8x1024xi32>
      %add3A_1556 = arith.addi %add3A_1539, %add3A_1555 : vector<8x1024xi32>
      %add3A_1557 = arith.addf %add3A_1540, %select_n3A_1553 : vector<8x1024xf32>
      %get3A_1558 = arith.constant 728 : index
      %get3A_1559 = arith.constant 0 : index
      %get3A_1560 = vector.load %arg1[%get3A_1558, %get3A_1559] : memref<2048x1024xf32, #tpu.memory_space<vmem>>, vector<8x1024xf32>
      %mul3A_1561 = arith.constant 92.3324813 : f32
      %mul3A_1562 = vector.broadcast %mul3A_1561 : f32 to vector<8x1024xf32>
      %mul3A_1563 = arith.mulf %get3A_1560, %mul3A_1562 : vector<8x1024xf32>
      %exp23A_1564 = math.exp2 %mul3A_1563 : vector<8x1024xf32>
      %lt3A_1565 = arith.constant 100000 : i32
      %lt3A_1566 = vector.broadcast %lt3A_1565 : i32 to vector<8x1024xi32>
      %lt3A_1567 = arith.cmpi slt, %add3A_1556, %lt3A_1566 : vector<8x1024xi32>
      %jit3A_1568 = arith.constant 0.000000e+00 : f32
      %broadcast_in_dim3A_1569 = vector.broadcast %jit3A_1568 : f32 to vector<8x1024xf32>
      %select_n3A_1570 = arith.select %lt3A_1567, %exp23A_1564, %broadcast_in_dim3A_1569 : vector<8x1024xi1>, vector<8x1024xf32>
      %add3A_1571 = arith.constant 8 : i32
      %add3A_1572 = vector.broadcast %add3A_1571 : i32 to vector<8x1024xi32>
      %add3A_1573 = arith.addi %add3A_1556, %add3A_1572 : vector<8x1024xi32>
      %add3A_1574 = arith.addf %add3A_1557, %select_n3A_1570 : vector<8x1024xf32>
      %get3A_1575 = arith.constant 736 : index
      %get3A_1576 = arith.constant 0 : index
      %get3A_1577 = vector.load %arg1[%get3A_1575, %get3A_1576] : memref<2048x1024xf32, #tpu.memory_space<vmem>>, vector<8x1024xf32>
      %mul3A_1578 = arith.constant 92.3324813 : f32
      %mul3A_1579 = vector.broadcast %mul3A_1578 : f32 to vector<8x1024xf32>
      %mul3A_1580 = arith.mulf %get3A_1577, %mul3A_1579 : vector<8x1024xf32>
      %exp23A_1581 = math.exp2 %mul3A_1580 : vector<8x1024xf32>
      %lt3A_1582 = arith.constant 100000 : i32
      %lt3A_1583 = vector.broadcast %lt3A_1582 : i32 to vector<8x1024xi32>
      %lt3A_1584 = arith.cmpi slt, %add3A_1573, %lt3A_1583 : vector<8x1024xi32>
      %jit3A_1585 = arith.constant 0.000000e+00 : f32
      %broadcast_in_dim3A_1586 = vector.broadcast %jit3A_1585 : f32 to vector<8x1024xf32>
      %select_n3A_1587 = arith.select %lt3A_1584, %exp23A_1581, %broadcast_in_dim3A_1586 : vector<8x1024xi1>, vector<8x1024xf32>
      %add3A_1588 = arith.constant 8 : i32
      %add3A_1589 = vector.broadcast %add3A_1588 : i32 to vector<8x1024xi32>
      %add3A_1590 = arith.addi %add3A_1573, %add3A_1589 : vector<8x1024xi32>
      %add3A_1591 = arith.addf %add3A_1574, %select_n3A_1587 : vector<8x1024xf32>
      %get3A_1592 = arith.constant 744 : index
      %get3A_1593 = arith.constant 0 : index
      %get3A_1594 = vector.load %arg1[%get3A_1592, %get3A_1593] : memref<2048x1024xf32, #tpu.memory_space<vmem>>, vector<8x1024xf32>
      %mul3A_1595 = arith.constant 92.3324813 : f32
      %mul3A_1596 = vector.broadcast %mul3A_1595 : f32 to vector<8x1024xf32>
      %mul3A_1597 = arith.mulf %get3A_1594, %mul3A_1596 : vector<8x1024xf32>
      %exp23A_1598 = math.exp2 %mul3A_1597 : vector<8x1024xf32>
      %lt3A_1599 = arith.constant 100000 : i32
      %lt3A_1600 = vector.broadcast %lt3A_1599 : i32 to vector<8x1024xi32>
      %lt3A_1601 = arith.cmpi slt, %add3A_1590, %lt3A_1600 : vector<8x1024xi32>
      %jit3A_1602 = arith.constant 0.000000e+00 : f32
      %broadcast_in_dim3A_1603 = vector.broadcast %jit3A_1602 : f32 to vector<8x1024xf32>
      %select_n3A_1604 = arith.select %lt3A_1601, %exp23A_1598, %broadcast_in_dim3A_1603 : vector<8x1024xi1>, vector<8x1024xf32>
      %add3A_1605 = arith.constant 8 : i32
      %add3A_1606 = vector.broadcast %add3A_1605 : i32 to vector<8x1024xi32>
      %add3A_1607 = arith.addi %add3A_1590, %add3A_1606 : vector<8x1024xi32>
      %add3A_1608 = arith.addf %add3A_1591, %select_n3A_1604 : vector<8x1024xf32>
      %get3A_1609 = arith.constant 752 : index
      %get3A_1610 = arith.constant 0 : index
      %get3A_1611 = vector.load %arg1[%get3A_1609, %get3A_1610] : memref<2048x1024xf32, #tpu.memory_space<vmem>>, vector<8x1024xf32>
      %mul3A_1612 = arith.constant 92.3324813 : f32
      %mul3A_1613 = vector.broadcast %mul3A_1612 : f32 to vector<8x1024xf32>
      %mul3A_1614 = arith.mulf %get3A_1611, %mul3A_1613 : vector<8x1024xf32>
      %exp23A_1615 = math.exp2 %mul3A_1614 : vector<8x1024xf32>
      %lt3A_1616 = arith.constant 100000 : i32
      %lt3A_1617 = vector.broadcast %lt3A_1616 : i32 to vector<8x1024xi32>
      %lt3A_1618 = arith.cmpi slt, %add3A_1607, %lt3A_1617 : vector<8x1024xi32>
      %jit3A_1619 = arith.constant 0.000000e+00 : f32
      %broadcast_in_dim3A_1620 = vector.broadcast %jit3A_1619 : f32 to vector<8x1024xf32>
      %select_n3A_1621 = arith.select %lt3A_1618, %exp23A_1615, %broadcast_in_dim3A_1620 : vector<8x1024xi1>, vector<8x1024xf32>
      %add3A_1622 = arith.constant 8 : i32
      %add3A_1623 = vector.broadcast %add3A_1622 : i32 to vector<8x1024xi32>
      %add3A_1624 = arith.addi %add3A_1607, %add3A_1623 : vector<8x1024xi32>
      %add3A_1625 = arith.addf %add3A_1608, %select_n3A_1621 : vector<8x1024xf32>
      %get3A_1626 = arith.constant 760 : index
      %get3A_1627 = arith.constant 0 : index
      %get3A_1628 = vector.load %arg1[%get3A_1626, %get3A_1627] : memref<2048x1024xf32, #tpu.memory_space<vmem>>, vector<8x1024xf32>
      %mul3A_1629 = arith.constant 92.3324813 : f32
      %mul3A_1630 = vector.broadcast %mul3A_1629 : f32 to vector<8x1024xf32>
      %mul3A_1631 = arith.mulf %get3A_1628, %mul3A_1630 : vector<8x1024xf32>
      %exp23A_1632 = math.exp2 %mul3A_1631 : vector<8x1024xf32>
      %lt3A_1633 = arith.constant 100000 : i32
      %lt3A_1634 = vector.broadcast %lt3A_1633 : i32 to vector<8x1024xi32>
      %lt3A_1635 = arith.cmpi slt, %add3A_1624, %lt3A_1634 : vector<8x1024xi32>
      %jit3A_1636 = arith.constant 0.000000e+00 : f32
      %broadcast_in_dim3A_1637 = vector.broadcast %jit3A_1636 : f32 to vector<8x1024xf32>
      %select_n3A_1638 = arith.select %lt3A_1635, %exp23A_1632, %broadcast_in_dim3A_1637 : vector<8x1024xi1>, vector<8x1024xf32>
      %add3A_1639 = arith.constant 8 : i32
      %add3A_1640 = vector.broadcast %add3A_1639 : i32 to vector<8x1024xi32>
      %add3A_1641 = arith.addi %add3A_1624, %add3A_1640 : vector<8x1024xi32>
      %add3A_1642 = arith.addf %add3A_1625, %select_n3A_1638 : vector<8x1024xf32>
      %get3A_1643 = arith.constant 768 : index
      %get3A_1644 = arith.constant 0 : index
      %get3A_1645 = vector.load %arg1[%get3A_1643, %get3A_1644] : memref<2048x1024xf32, #tpu.memory_space<vmem>>, vector<8x1024xf32>
      %mul3A_1646 = arith.constant 92.3324813 : f32
      %mul3A_1647 = vector.broadcast %mul3A_1646 : f32 to vector<8x1024xf32>
      %mul3A_1648 = arith.mulf %get3A_1645, %mul3A_1647 : vector<8x1024xf32>
      %exp23A_1649 = math.exp2 %mul3A_1648 : vector<8x1024xf32>
      %lt3A_1650 = arith.constant 100000 : i32
      %lt3A_1651 = vector.broadcast %lt3A_1650 : i32 to vector<8x1024xi32>
      %lt3A_1652 = arith.cmpi slt, %add3A_1641, %lt3A_1651 : vector<8x1024xi32>
      %jit3A_1653 = arith.constant 0.000000e+00 : f32
      %broadcast_in_dim3A_1654 = vector.broadcast %jit3A_1653 : f32 to vector<8x1024xf32>
      %select_n3A_1655 = arith.select %lt3A_1652, %exp23A_1649, %broadcast_in_dim3A_1654 : vector<8x1024xi1>, vector<8x1024xf32>
      %add3A_1656 = arith.constant 8 : i32
      %add3A_1657 = vector.broadcast %add3A_1656 : i32 to vector<8x1024xi32>
      %add3A_1658 = arith.addi %add3A_1641, %add3A_1657 : vector<8x1024xi32>
      %add3A_1659 = arith.addf %add3A_1642, %select_n3A_1655 : vector<8x1024xf32>
      %get3A_1660 = arith.constant 776 : index
      %get3A_1661 = arith.constant 0 : index
      %get3A_1662 = vector.load %arg1[%get3A_1660, %get3A_1661] : memref<2048x1024xf32, #tpu.memory_space<vmem>>, vector<8x1024xf32>
      %mul3A_1663 = arith.constant 92.3324813 : f32
      %mul3A_1664 = vector.broadcast %mul3A_1663 : f32 to vector<8x1024xf32>
      %mul3A_1665 = arith.mulf %get3A_1662, %mul3A_1664 : vector<8x1024xf32>
      %exp23A_1666 = math.exp2 %mul3A_1665 : vector<8x1024xf32>
      %lt3A_1667 = arith.constant 100000 : i32
      %lt3A_1668 = vector.broadcast %lt3A_1667 : i32 to vector<8x1024xi32>
      %lt3A_1669 = arith.cmpi slt, %add3A_1658, %lt3A_1668 : vector<8x1024xi32>
      %jit3A_1670 = arith.constant 0.000000e+00 : f32
      %broadcast_in_dim3A_1671 = vector.broadcast %jit3A_1670 : f32 to vector<8x1024xf32>
      %select_n3A_1672 = arith.select %lt3A_1669, %exp23A_1666, %broadcast_in_dim3A_1671 : vector<8x1024xi1>, vector<8x1024xf32>
      %add3A_1673 = arith.constant 8 : i32
      %add3A_1674 = vector.broadcast %add3A_1673 : i32 to vector<8x1024xi32>
      %add3A_1675 = arith.addi %add3A_1658, %add3A_1674 : vector<8x1024xi32>
      %add3A_1676 = arith.addf %add3A_1659, %select_n3A_1672 : vector<8x1024xf32>
      %get3A_1677 = arith.constant 784 : index
      %get3A_1678 = arith.constant 0 : index
      %get3A_1679 = vector.load %arg1[%get3A_1677, %get3A_1678] : memref<2048x1024xf32, #tpu.memory_space<vmem>>, vector<8x1024xf32>
      %mul3A_1680 = arith.constant 92.3324813 : f32
      %mul3A_1681 = vector.broadcast %mul3A_1680 : f32 to vector<8x1024xf32>
      %mul3A_1682 = arith.mulf %get3A_1679, %mul3A_1681 : vector<8x1024xf32>
      %exp23A_1683 = math.exp2 %mul3A_1682 : vector<8x1024xf32>
      %lt3A_1684 = arith.constant 100000 : i32
      %lt3A_1685 = vector.broadcast %lt3A_1684 : i32 to vector<8x1024xi32>
      %lt3A_1686 = arith.cmpi slt, %add3A_1675, %lt3A_1685 : vector<8x1024xi32>
      %jit3A_1687 = arith.constant 0.000000e+00 : f32
      %broadcast_in_dim3A_1688 = vector.broadcast %jit3A_1687 : f32 to vector<8x1024xf32>
      %select_n3A_1689 = arith.select %lt3A_1686, %exp23A_1683, %broadcast_in_dim3A_1688 : vector<8x1024xi1>, vector<8x1024xf32>
      %add3A_1690 = arith.constant 8 : i32
      %add3A_1691 = vector.broadcast %add3A_1690 : i32 to vector<8x1024xi32>
      %add3A_1692 = arith.addi %add3A_1675, %add3A_1691 : vector<8x1024xi32>
      %add3A_1693 = arith.addf %add3A_1676, %select_n3A_1689 : vector<8x1024xf32>
      %get3A_1694 = arith.constant 792 : index
      %get3A_1695 = arith.constant 0 : index
      %get3A_1696 = vector.load %arg1[%get3A_1694, %get3A_1695] : memref<2048x1024xf32, #tpu.memory_space<vmem>>, vector<8x1024xf32>
      %mul3A_1697 = arith.constant 92.3324813 : f32
      %mul3A_1698 = vector.broadcast %mul3A_1697 : f32 to vector<8x1024xf32>
      %mul3A_1699 = arith.mulf %get3A_1696, %mul3A_1698 : vector<8x1024xf32>
      %exp23A_1700 = math.exp2 %mul3A_1699 : vector<8x1024xf32>
      %lt3A_1701 = arith.constant 100000 : i32
      %lt3A_1702 = vector.broadcast %lt3A_1701 : i32 to vector<8x1024xi32>
      %lt3A_1703 = arith.cmpi slt, %add3A_1692, %lt3A_1702 : vector<8x1024xi32>
      %jit3A_1704 = arith.constant 0.000000e+00 : f32
      %broadcast_in_dim3A_1705 = vector.broadcast %jit3A_1704 : f32 to vector<8x1024xf32>
      %select_n3A_1706 = arith.select %lt3A_1703, %exp23A_1700, %broadcast_in_dim3A_1705 : vector<8x1024xi1>, vector<8x1024xf32>
      %add3A_1707 = arith.constant 8 : i32
      %add3A_1708 = vector.broadcast %add3A_1707 : i32 to vector<8x1024xi32>
      %add3A_1709 = arith.addi %add3A_1692, %add3A_1708 : vector<8x1024xi32>
      %add3A_1710 = arith.addf %add3A_1693, %select_n3A_1706 : vector<8x1024xf32>
      %get3A_1711 = arith.constant 800 : index
      %get3A_1712 = arith.constant 0 : index
      %get3A_1713 = vector.load %arg1[%get3A_1711, %get3A_1712] : memref<2048x1024xf32, #tpu.memory_space<vmem>>, vector<8x1024xf32>
      %mul3A_1714 = arith.constant 92.3324813 : f32
      %mul3A_1715 = vector.broadcast %mul3A_1714 : f32 to vector<8x1024xf32>
      %mul3A_1716 = arith.mulf %get3A_1713, %mul3A_1715 : vector<8x1024xf32>
      %exp23A_1717 = math.exp2 %mul3A_1716 : vector<8x1024xf32>
      %lt3A_1718 = arith.constant 100000 : i32
      %lt3A_1719 = vector.broadcast %lt3A_1718 : i32 to vector<8x1024xi32>
      %lt3A_1720 = arith.cmpi slt, %add3A_1709, %lt3A_1719 : vector<8x1024xi32>
      %jit3A_1721 = arith.constant 0.000000e+00 : f32
      %broadcast_in_dim3A_1722 = vector.broadcast %jit3A_1721 : f32 to vector<8x1024xf32>
      %select_n3A_1723 = arith.select %lt3A_1720, %exp23A_1717, %broadcast_in_dim3A_1722 : vector<8x1024xi1>, vector<8x1024xf32>
      %add3A_1724 = arith.constant 8 : i32
      %add3A_1725 = vector.broadcast %add3A_1724 : i32 to vector<8x1024xi32>
      %add3A_1726 = arith.addi %add3A_1709, %add3A_1725 : vector<8x1024xi32>
      %add3A_1727 = arith.addf %add3A_1710, %select_n3A_1723 : vector<8x1024xf32>
      %get3A_1728 = arith.constant 808 : index
      %get3A_1729 = arith.constant 0 : index
      %get3A_1730 = vector.load %arg1[%get3A_1728, %get3A_1729] : memref<2048x1024xf32, #tpu.memory_space<vmem>>, vector<8x1024xf32>
      %mul3A_1731 = arith.constant 92.3324813 : f32
      %mul3A_1732 = vector.broadcast %mul3A_1731 : f32 to vector<8x1024xf32>
      %mul3A_1733 = arith.mulf %get3A_1730, %mul3A_1732 : vector<8x1024xf32>
      %exp23A_1734 = math.exp2 %mul3A_1733 : vector<8x1024xf32>
      %lt3A_1735 = arith.constant 100000 : i32
      %lt3A_1736 = vector.broadcast %lt3A_1735 : i32 to vector<8x1024xi32>
      %lt3A_1737 = arith.cmpi slt, %add3A_1726, %lt3A_1736 : vector<8x1024xi32>
      %jit3A_1738 = arith.constant 0.000000e+00 : f32
      %broadcast_in_dim3A_1739 = vector.broadcast %jit3A_1738 : f32 to vector<8x1024xf32>
      %select_n3A_1740 = arith.select %lt3A_1737, %exp23A_1734, %broadcast_in_dim3A_1739 : vector<8x1024xi1>, vector<8x1024xf32>
      %add3A_1741 = arith.constant 8 : i32
      %add3A_1742 = vector.broadcast %add3A_1741 : i32 to vector<8x1024xi32>
      %add3A_1743 = arith.addi %add3A_1726, %add3A_1742 : vector<8x1024xi32>
      %add3A_1744 = arith.addf %add3A_1727, %select_n3A_1740 : vector<8x1024xf32>
      %get3A_1745 = arith.constant 816 : index
      %get3A_1746 = arith.constant 0 : index
      %get3A_1747 = vector.load %arg1[%get3A_1745, %get3A_1746] : memref<2048x1024xf32, #tpu.memory_space<vmem>>, vector<8x1024xf32>
      %mul3A_1748 = arith.constant 92.3324813 : f32
      %mul3A_1749 = vector.broadcast %mul3A_1748 : f32 to vector<8x1024xf32>
      %mul3A_1750 = arith.mulf %get3A_1747, %mul3A_1749 : vector<8x1024xf32>
      %exp23A_1751 = math.exp2 %mul3A_1750 : vector<8x1024xf32>
      %lt3A_1752 = arith.constant 100000 : i32
      %lt3A_1753 = vector.broadcast %lt3A_1752 : i32 to vector<8x1024xi32>
      %lt3A_1754 = arith.cmpi slt, %add3A_1743, %lt3A_1753 : vector<8x1024xi32>
      %jit3A_1755 = arith.constant 0.000000e+00 : f32
      %broadcast_in_dim3A_1756 = vector.broadcast %jit3A_1755 : f32 to vector<8x1024xf32>
      %select_n3A_1757 = arith.select %lt3A_1754, %exp23A_1751, %broadcast_in_dim3A_1756 : vector<8x1024xi1>, vector<8x1024xf32>
      %add3A_1758 = arith.constant 8 : i32
      %add3A_1759 = vector.broadcast %add3A_1758 : i32 to vector<8x1024xi32>
      %add3A_1760 = arith.addi %add3A_1743, %add3A_1759 : vector<8x1024xi32>
      %add3A_1761 = arith.addf %add3A_1744, %select_n3A_1757 : vector<8x1024xf32>
      %get3A_1762 = arith.constant 824 : index
      %get3A_1763 = arith.constant 0 : index
      %get3A_1764 = vector.load %arg1[%get3A_1762, %get3A_1763] : memref<2048x1024xf32, #tpu.memory_space<vmem>>, vector<8x1024xf32>
      %mul3A_1765 = arith.constant 92.3324813 : f32
      %mul3A_1766 = vector.broadcast %mul3A_1765 : f32 to vector<8x1024xf32>
      %mul3A_1767 = arith.mulf %get3A_1764, %mul3A_1766 : vector<8x1024xf32>
      %exp23A_1768 = math.exp2 %mul3A_1767 : vector<8x1024xf32>
      %lt3A_1769 = arith.constant 100000 : i32
      %lt3A_1770 = vector.broadcast %lt3A_1769 : i32 to vector<8x1024xi32>
      %lt3A_1771 = arith.cmpi slt, %add3A_1760, %lt3A_1770 : vector<8x1024xi32>
      %jit3A_1772 = arith.constant 0.000000e+00 : f32
      %broadcast_in_dim3A_1773 = vector.broadcast %jit3A_1772 : f32 to vector<8x1024xf32>
      %select_n3A_1774 = arith.select %lt3A_1771, %exp23A_1768, %broadcast_in_dim3A_1773 : vector<8x1024xi1>, vector<8x1024xf32>
      %add3A_1775 = arith.constant 8 : i32
      %add3A_1776 = vector.broadcast %add3A_1775 : i32 to vector<8x1024xi32>
      %add3A_1777 = arith.addi %add3A_1760, %add3A_1776 : vector<8x1024xi32>
      %add3A_1778 = arith.addf %add3A_1761, %select_n3A_1774 : vector<8x1024xf32>
      %get3A_1779 = arith.constant 832 : index
      %get3A_1780 = arith.constant 0 : index
      %get3A_1781 = vector.load %arg1[%get3A_1779, %get3A_1780] : memref<2048x1024xf32, #tpu.memory_space<vmem>>, vector<8x1024xf32>
      %mul3A_1782 = arith.constant 92.3324813 : f32
      %mul3A_1783 = vector.broadcast %mul3A_1782 : f32 to vector<8x1024xf32>
      %mul3A_1784 = arith.mulf %get3A_1781, %mul3A_1783 : vector<8x1024xf32>
      %exp23A_1785 = math.exp2 %mul3A_1784 : vector<8x1024xf32>
      %lt3A_1786 = arith.constant 100000 : i32
      %lt3A_1787 = vector.broadcast %lt3A_1786 : i32 to vector<8x1024xi32>
      %lt3A_1788 = arith.cmpi slt, %add3A_1777, %lt3A_1787 : vector<8x1024xi32>
      %jit3A_1789 = arith.constant 0.000000e+00 : f32
      %broadcast_in_dim3A_1790 = vector.broadcast %jit3A_1789 : f32 to vector<8x1024xf32>
      %select_n3A_1791 = arith.select %lt3A_1788, %exp23A_1785, %broadcast_in_dim3A_1790 : vector<8x1024xi1>, vector<8x1024xf32>
      %add3A_1792 = arith.constant 8 : i32
      %add3A_1793 = vector.broadcast %add3A_1792 : i32 to vector<8x1024xi32>
      %add3A_1794 = arith.addi %add3A_1777, %add3A_1793 : vector<8x1024xi32>
      %add3A_1795 = arith.addf %add3A_1778, %select_n3A_1791 : vector<8x1024xf32>
      %get3A_1796 = arith.constant 840 : index
      %get3A_1797 = arith.constant 0 : index
      %get3A_1798 = vector.load %arg1[%get3A_1796, %get3A_1797] : memref<2048x1024xf32, #tpu.memory_space<vmem>>, vector<8x1024xf32>
      %mul3A_1799 = arith.constant 92.3324813 : f32
      %mul3A_1800 = vector.broadcast %mul3A_1799 : f32 to vector<8x1024xf32>
      %mul3A_1801 = arith.mulf %get3A_1798, %mul3A_1800 : vector<8x1024xf32>
      %exp23A_1802 = math.exp2 %mul3A_1801 : vector<8x1024xf32>
      %lt3A_1803 = arith.constant 100000 : i32
      %lt3A_1804 = vector.broadcast %lt3A_1803 : i32 to vector<8x1024xi32>
      %lt3A_1805 = arith.cmpi slt, %add3A_1794, %lt3A_1804 : vector<8x1024xi32>
      %jit3A_1806 = arith.constant 0.000000e+00 : f32
      %broadcast_in_dim3A_1807 = vector.broadcast %jit3A_1806 : f32 to vector<8x1024xf32>
      %select_n3A_1808 = arith.select %lt3A_1805, %exp23A_1802, %broadcast_in_dim3A_1807 : vector<8x1024xi1>, vector<8x1024xf32>
      %add3A_1809 = arith.constant 8 : i32
      %add3A_1810 = vector.broadcast %add3A_1809 : i32 to vector<8x1024xi32>
      %add3A_1811 = arith.addi %add3A_1794, %add3A_1810 : vector<8x1024xi32>
      %add3A_1812 = arith.addf %add3A_1795, %select_n3A_1808 : vector<8x1024xf32>
      %get3A_1813 = arith.constant 848 : index
      %get3A_1814 = arith.constant 0 : index
      %get3A_1815 = vector.load %arg1[%get3A_1813, %get3A_1814] : memref<2048x1024xf32, #tpu.memory_space<vmem>>, vector<8x1024xf32>
      %mul3A_1816 = arith.constant 92.3324813 : f32
      %mul3A_1817 = vector.broadcast %mul3A_1816 : f32 to vector<8x1024xf32>
      %mul3A_1818 = arith.mulf %get3A_1815, %mul3A_1817 : vector<8x1024xf32>
      %exp23A_1819 = math.exp2 %mul3A_1818 : vector<8x1024xf32>
      %lt3A_1820 = arith.constant 100000 : i32
      %lt3A_1821 = vector.broadcast %lt3A_1820 : i32 to vector<8x1024xi32>
      %lt3A_1822 = arith.cmpi slt, %add3A_1811, %lt3A_1821 : vector<8x1024xi32>
      %jit3A_1823 = arith.constant 0.000000e+00 : f32
      %broadcast_in_dim3A_1824 = vector.broadcast %jit3A_1823 : f32 to vector<8x1024xf32>
      %select_n3A_1825 = arith.select %lt3A_1822, %exp23A_1819, %broadcast_in_dim3A_1824 : vector<8x1024xi1>, vector<8x1024xf32>
      %add3A_1826 = arith.constant 8 : i32
      %add3A_1827 = vector.broadcast %add3A_1826 : i32 to vector<8x1024xi32>
      %add3A_1828 = arith.addi %add3A_1811, %add3A_1827 : vector<8x1024xi32>
      %add3A_1829 = arith.addf %add3A_1812, %select_n3A_1825 : vector<8x1024xf32>
      %get3A_1830 = arith.constant 856 : index
      %get3A_1831 = arith.constant 0 : index
      %get3A_1832 = vector.load %arg1[%get3A_1830, %get3A_1831] : memref<2048x1024xf32, #tpu.memory_space<vmem>>, vector<8x1024xf32>
      %mul3A_1833 = arith.constant 92.3324813 : f32
      %mul3A_1834 = vector.broadcast %mul3A_1833 : f32 to vector<8x1024xf32>
      %mul3A_1835 = arith.mulf %get3A_1832, %mul3A_1834 : vector<8x1024xf32>
      %exp23A_1836 = math.exp2 %mul3A_1835 : vector<8x1024xf32>
      %lt3A_1837 = arith.constant 100000 : i32
      %lt3A_1838 = vector.broadcast %lt3A_1837 : i32 to vector<8x1024xi32>
      %lt3A_1839 = arith.cmpi slt, %add3A_1828, %lt3A_1838 : vector<8x1024xi32>
      %jit3A_1840 = arith.constant 0.000000e+00 : f32
      %broadcast_in_dim3A_1841 = vector.broadcast %jit3A_1840 : f32 to vector<8x1024xf32>
      %select_n3A_1842 = arith.select %lt3A_1839, %exp23A_1836, %broadcast_in_dim3A_1841 : vector<8x1024xi1>, vector<8x1024xf32>
      %add3A_1843 = arith.constant 8 : i32
      %add3A_1844 = vector.broadcast %add3A_1843 : i32 to vector<8x1024xi32>
      %add3A_1845 = arith.addi %add3A_1828, %add3A_1844 : vector<8x1024xi32>
      %add3A_1846 = arith.addf %add3A_1829, %select_n3A_1842 : vector<8x1024xf32>
      %get3A_1847 = arith.constant 864 : index
      %get3A_1848 = arith.constant 0 : index
      %get3A_1849 = vector.load %arg1[%get3A_1847, %get3A_1848] : memref<2048x1024xf32, #tpu.memory_space<vmem>>, vector<8x1024xf32>
      %mul3A_1850 = arith.constant 92.3324813 : f32
      %mul3A_1851 = vector.broadcast %mul3A_1850 : f32 to vector<8x1024xf32>
      %mul3A_1852 = arith.mulf %get3A_1849, %mul3A_1851 : vector<8x1024xf32>
      %exp23A_1853 = math.exp2 %mul3A_1852 : vector<8x1024xf32>
      %lt3A_1854 = arith.constant 100000 : i32
      %lt3A_1855 = vector.broadcast %lt3A_1854 : i32 to vector<8x1024xi32>
      %lt3A_1856 = arith.cmpi slt, %add3A_1845, %lt3A_1855 : vector<8x1024xi32>
      %jit3A_1857 = arith.constant 0.000000e+00 : f32
      %broadcast_in_dim3A_1858 = vector.broadcast %jit3A_1857 : f32 to vector<8x1024xf32>
      %select_n3A_1859 = arith.select %lt3A_1856, %exp23A_1853, %broadcast_in_dim3A_1858 : vector<8x1024xi1>, vector<8x1024xf32>
      %add3A_1860 = arith.constant 8 : i32
      %add3A_1861 = vector.broadcast %add3A_1860 : i32 to vector<8x1024xi32>
      %add3A_1862 = arith.addi %add3A_1845, %add3A_1861 : vector<8x1024xi32>
      %add3A_1863 = arith.addf %add3A_1846, %select_n3A_1859 : vector<8x1024xf32>
      %get3A_1864 = arith.constant 872 : index
      %get3A_1865 = arith.constant 0 : index
      %get3A_1866 = vector.load %arg1[%get3A_1864, %get3A_1865] : memref<2048x1024xf32, #tpu.memory_space<vmem>>, vector<8x1024xf32>
      %mul3A_1867 = arith.constant 92.3324813 : f32
      %mul3A_1868 = vector.broadcast %mul3A_1867 : f32 to vector<8x1024xf32>
      %mul3A_1869 = arith.mulf %get3A_1866, %mul3A_1868 : vector<8x1024xf32>
      %exp23A_1870 = math.exp2 %mul3A_1869 : vector<8x1024xf32>
      %lt3A_1871 = arith.constant 100000 : i32
      %lt3A_1872 = vector.broadcast %lt3A_1871 : i32 to vector<8x1024xi32>
      %lt3A_1873 = arith.cmpi slt, %add3A_1862, %lt3A_1872 : vector<8x1024xi32>
      %jit3A_1874 = arith.constant 0.000000e+00 : f32
      %broadcast_in_dim3A_1875 = vector.broadcast %jit3A_1874 : f32 to vector<8x1024xf32>
      %select_n3A_1876 = arith.select %lt3A_1873, %exp23A_1870, %broadcast_in_dim3A_1875 : vector<8x1024xi1>, vector<8x1024xf32>
      %add3A_1877 = arith.constant 8 : i32
      %add3A_1878 = vector.broadcast %add3A_1877 : i32 to vector<8x1024xi32>
      %add3A_1879 = arith.addi %add3A_1862, %add3A_1878 : vector<8x1024xi32>
      %add3A_1880 = arith.addf %add3A_1863, %select_n3A_1876 : vector<8x1024xf32>
      %get3A_1881 = arith.constant 880 : index
      %get3A_1882 = arith.constant 0 : index
      %get3A_1883 = vector.load %arg1[%get3A_1881, %get3A_1882] : memref<2048x1024xf32, #tpu.memory_space<vmem>>, vector<8x1024xf32>
      %mul3A_1884 = arith.constant 92.3324813 : f32
      %mul3A_1885 = vector.broadcast %mul3A_1884 : f32 to vector<8x1024xf32>
      %mul3A_1886 = arith.mulf %get3A_1883, %mul3A_1885 : vector<8x1024xf32>
      %exp23A_1887 = math.exp2 %mul3A_1886 : vector<8x1024xf32>
      %lt3A_1888 = arith.constant 100000 : i32
      %lt3A_1889 = vector.broadcast %lt3A_1888 : i32 to vector<8x1024xi32>
      %lt3A_1890 = arith.cmpi slt, %add3A_1879, %lt3A_1889 : vector<8x1024xi32>
      %jit3A_1891 = arith.constant 0.000000e+00 : f32
      %broadcast_in_dim3A_1892 = vector.broadcast %jit3A_1891 : f32 to vector<8x1024xf32>
      %select_n3A_1893 = arith.select %lt3A_1890, %exp23A_1887, %broadcast_in_dim3A_1892 : vector<8x1024xi1>, vector<8x1024xf32>
      %add3A_1894 = arith.constant 8 : i32
      %add3A_1895 = vector.broadcast %add3A_1894 : i32 to vector<8x1024xi32>
      %add3A_1896 = arith.addi %add3A_1879, %add3A_1895 : vector<8x1024xi32>
      %add3A_1897 = arith.addf %add3A_1880, %select_n3A_1893 : vector<8x1024xf32>
      %get3A_1898 = arith.constant 888 : index
      %get3A_1899 = arith.constant 0 : index
      %get3A_1900 = vector.load %arg1[%get3A_1898, %get3A_1899] : memref<2048x1024xf32, #tpu.memory_space<vmem>>, vector<8x1024xf32>
      %mul3A_1901 = arith.constant 92.3324813 : f32
      %mul3A_1902 = vector.broadcast %mul3A_1901 : f32 to vector<8x1024xf32>
      %mul3A_1903 = arith.mulf %get3A_1900, %mul3A_1902 : vector<8x1024xf32>
      %exp23A_1904 = math.exp2 %mul3A_1903 : vector<8x1024xf32>
      %lt3A_1905 = arith.constant 100000 : i32
      %lt3A_1906 = vector.broadcast %lt3A_1905 : i32 to vector<8x1024xi32>
      %lt3A_1907 = arith.cmpi slt, %add3A_1896, %lt3A_1906 : vector<8x1024xi32>
      %jit3A_1908 = arith.constant 0.000000e+00 : f32
      %broadcast_in_dim3A_1909 = vector.broadcast %jit3A_1908 : f32 to vector<8x1024xf32>
      %select_n3A_1910 = arith.select %lt3A_1907, %exp23A_1904, %broadcast_in_dim3A_1909 : vector<8x1024xi1>, vector<8x1024xf32>
      %add3A_1911 = arith.constant 8 : i32
      %add3A_1912 = vector.broadcast %add3A_1911 : i32 to vector<8x1024xi32>
      %add3A_1913 = arith.addi %add3A_1896, %add3A_1912 : vector<8x1024xi32>
      %add3A_1914 = arith.addf %add3A_1897, %select_n3A_1910 : vector<8x1024xf32>
      %get3A_1915 = arith.constant 896 : index
      %get3A_1916 = arith.constant 0 : index
      %get3A_1917 = vector.load %arg1[%get3A_1915, %get3A_1916] : memref<2048x1024xf32, #tpu.memory_space<vmem>>, vector<8x1024xf32>
      %mul3A_1918 = arith.constant 92.3324813 : f32
      %mul3A_1919 = vector.broadcast %mul3A_1918 : f32 to vector<8x1024xf32>
      %mul3A_1920 = arith.mulf %get3A_1917, %mul3A_1919 : vector<8x1024xf32>
      %exp23A_1921 = math.exp2 %mul3A_1920 : vector<8x1024xf32>
      %lt3A_1922 = arith.constant 100000 : i32
      %lt3A_1923 = vector.broadcast %lt3A_1922 : i32 to vector<8x1024xi32>
      %lt3A_1924 = arith.cmpi slt, %add3A_1913, %lt3A_1923 : vector<8x1024xi32>
      %jit3A_1925 = arith.constant 0.000000e+00 : f32
      %broadcast_in_dim3A_1926 = vector.broadcast %jit3A_1925 : f32 to vector<8x1024xf32>
      %select_n3A_1927 = arith.select %lt3A_1924, %exp23A_1921, %broadcast_in_dim3A_1926 : vector<8x1024xi1>, vector<8x1024xf32>
      %add3A_1928 = arith.constant 8 : i32
      %add3A_1929 = vector.broadcast %add3A_1928 : i32 to vector<8x1024xi32>
      %add3A_1930 = arith.addi %add3A_1913, %add3A_1929 : vector<8x1024xi32>
      %add3A_1931 = arith.addf %add3A_1914, %select_n3A_1927 : vector<8x1024xf32>
      %get3A_1932 = arith.constant 904 : index
      %get3A_1933 = arith.constant 0 : index
      %get3A_1934 = vector.load %arg1[%get3A_1932, %get3A_1933] : memref<2048x1024xf32, #tpu.memory_space<vmem>>, vector<8x1024xf32>
      %mul3A_1935 = arith.constant 92.3324813 : f32
      %mul3A_1936 = vector.broadcast %mul3A_1935 : f32 to vector<8x1024xf32>
      %mul3A_1937 = arith.mulf %get3A_1934, %mul3A_1936 : vector<8x1024xf32>
      %exp23A_1938 = math.exp2 %mul3A_1937 : vector<8x1024xf32>
      %lt3A_1939 = arith.constant 100000 : i32
      %lt3A_1940 = vector.broadcast %lt3A_1939 : i32 to vector<8x1024xi32>
      %lt3A_1941 = arith.cmpi slt, %add3A_1930, %lt3A_1940 : vector<8x1024xi32>
      %jit3A_1942 = arith.constant 0.000000e+00 : f32
      %broadcast_in_dim3A_1943 = vector.broadcast %jit3A_1942 : f32 to vector<8x1024xf32>
      %select_n3A_1944 = arith.select %lt3A_1941, %exp23A_1938, %broadcast_in_dim3A_1943 : vector<8x1024xi1>, vector<8x1024xf32>
      %add3A_1945 = arith.constant 8 : i32
      %add3A_1946 = vector.broadcast %add3A_1945 : i32 to vector<8x1024xi32>
      %add3A_1947 = arith.addi %add3A_1930, %add3A_1946 : vector<8x1024xi32>
      %add3A_1948 = arith.addf %add3A_1931, %select_n3A_1944 : vector<8x1024xf32>
      %get3A_1949 = arith.constant 912 : index
      %get3A_1950 = arith.constant 0 : index
      %get3A_1951 = vector.load %arg1[%get3A_1949, %get3A_1950] : memref<2048x1024xf32, #tpu.memory_space<vmem>>, vector<8x1024xf32>
      %mul3A_1952 = arith.constant 92.3324813 : f32
      %mul3A_1953 = vector.broadcast %mul3A_1952 : f32 to vector<8x1024xf32>
      %mul3A_1954 = arith.mulf %get3A_1951, %mul3A_1953 : vector<8x1024xf32>
      %exp23A_1955 = math.exp2 %mul3A_1954 : vector<8x1024xf32>
      %lt3A_1956 = arith.constant 100000 : i32
      %lt3A_1957 = vector.broadcast %lt3A_1956 : i32 to vector<8x1024xi32>
      %lt3A_1958 = arith.cmpi slt, %add3A_1947, %lt3A_1957 : vector<8x1024xi32>
      %jit3A_1959 = arith.constant 0.000000e+00 : f32
      %broadcast_in_dim3A_1960 = vector.broadcast %jit3A_1959 : f32 to vector<8x1024xf32>
      %select_n3A_1961 = arith.select %lt3A_1958, %exp23A_1955, %broadcast_in_dim3A_1960 : vector<8x1024xi1>, vector<8x1024xf32>
      %add3A_1962 = arith.constant 8 : i32
      %add3A_1963 = vector.broadcast %add3A_1962 : i32 to vector<8x1024xi32>
      %add3A_1964 = arith.addi %add3A_1947, %add3A_1963 : vector<8x1024xi32>
      %add3A_1965 = arith.addf %add3A_1948, %select_n3A_1961 : vector<8x1024xf32>
      %get3A_1966 = arith.constant 920 : index
      %get3A_1967 = arith.constant 0 : index
      %get3A_1968 = vector.load %arg1[%get3A_1966, %get3A_1967] : memref<2048x1024xf32, #tpu.memory_space<vmem>>, vector<8x1024xf32>
      %mul3A_1969 = arith.constant 92.3324813 : f32
      %mul3A_1970 = vector.broadcast %mul3A_1969 : f32 to vector<8x1024xf32>
      %mul3A_1971 = arith.mulf %get3A_1968, %mul3A_1970 : vector<8x1024xf32>
      %exp23A_1972 = math.exp2 %mul3A_1971 : vector<8x1024xf32>
      %lt3A_1973 = arith.constant 100000 : i32
      %lt3A_1974 = vector.broadcast %lt3A_1973 : i32 to vector<8x1024xi32>
      %lt3A_1975 = arith.cmpi slt, %add3A_1964, %lt3A_1974 : vector<8x1024xi32>
      %jit3A_1976 = arith.constant 0.000000e+00 : f32
      %broadcast_in_dim3A_1977 = vector.broadcast %jit3A_1976 : f32 to vector<8x1024xf32>
      %select_n3A_1978 = arith.select %lt3A_1975, %exp23A_1972, %broadcast_in_dim3A_1977 : vector<8x1024xi1>, vector<8x1024xf32>
      %add3A_1979 = arith.constant 8 : i32
      %add3A_1980 = vector.broadcast %add3A_1979 : i32 to vector<8x1024xi32>
      %add3A_1981 = arith.addi %add3A_1964, %add3A_1980 : vector<8x1024xi32>
      %add3A_1982 = arith.addf %add3A_1965, %select_n3A_1978 : vector<8x1024xf32>
      %get3A_1983 = arith.constant 928 : index
      %get3A_1984 = arith.constant 0 : index
      %get3A_1985 = vector.load %arg1[%get3A_1983, %get3A_1984] : memref<2048x1024xf32, #tpu.memory_space<vmem>>, vector<8x1024xf32>
      %mul3A_1986 = arith.constant 92.3324813 : f32
      %mul3A_1987 = vector.broadcast %mul3A_1986 : f32 to vector<8x1024xf32>
      %mul3A_1988 = arith.mulf %get3A_1985, %mul3A_1987 : vector<8x1024xf32>
      %exp23A_1989 = math.exp2 %mul3A_1988 : vector<8x1024xf32>
      %lt3A_1990 = arith.constant 100000 : i32
      %lt3A_1991 = vector.broadcast %lt3A_1990 : i32 to vector<8x1024xi32>
      %lt3A_1992 = arith.cmpi slt, %add3A_1981, %lt3A_1991 : vector<8x1024xi32>
      %jit3A_1993 = arith.constant 0.000000e+00 : f32
      %broadcast_in_dim3A_1994 = vector.broadcast %jit3A_1993 : f32 to vector<8x1024xf32>
      %select_n3A_1995 = arith.select %lt3A_1992, %exp23A_1989, %broadcast_in_dim3A_1994 : vector<8x1024xi1>, vector<8x1024xf32>
      %add3A_1996 = arith.constant 8 : i32
      %add3A_1997 = vector.broadcast %add3A_1996 : i32 to vector<8x1024xi32>
      %add3A_1998 = arith.addi %add3A_1981, %add3A_1997 : vector<8x1024xi32>
      %add3A_1999 = arith.addf %add3A_1982, %select_n3A_1995 : vector<8x1024xf32>
      %get3A_2000 = arith.constant 936 : index
      %get3A_2001 = arith.constant 0 : index
      %get3A_2002 = vector.load %arg1[%get3A_2000, %get3A_2001] : memref<2048x1024xf32, #tpu.memory_space<vmem>>, vector<8x1024xf32>
      %mul3A_2003 = arith.constant 92.3324813 : f32
      %mul3A_2004 = vector.broadcast %mul3A_2003 : f32 to vector<8x1024xf32>
      %mul3A_2005 = arith.mulf %get3A_2002, %mul3A_2004 : vector<8x1024xf32>
      %exp23A_2006 = math.exp2 %mul3A_2005 : vector<8x1024xf32>
      %lt3A_2007 = arith.constant 100000 : i32
      %lt3A_2008 = vector.broadcast %lt3A_2007 : i32 to vector<8x1024xi32>
      %lt3A_2009 = arith.cmpi slt, %add3A_1998, %lt3A_2008 : vector<8x1024xi32>
      %jit3A_2010 = arith.constant 0.000000e+00 : f32
      %broadcast_in_dim3A_2011 = vector.broadcast %jit3A_2010 : f32 to vector<8x1024xf32>
      %select_n3A_2012 = arith.select %lt3A_2009, %exp23A_2006, %broadcast_in_dim3A_2011 : vector<8x1024xi1>, vector<8x1024xf32>
      %add3A_2013 = arith.constant 8 : i32
      %add3A_2014 = vector.broadcast %add3A_2013 : i32 to vector<8x1024xi32>
      %add3A_2015 = arith.addi %add3A_1998, %add3A_2014 : vector<8x1024xi32>
      %add3A_2016 = arith.addf %add3A_1999, %select_n3A_2012 : vector<8x1024xf32>
      %get3A_2017 = arith.constant 944 : index
      %get3A_2018 = arith.constant 0 : index
      %get3A_2019 = vector.load %arg1[%get3A_2017, %get3A_2018] : memref<2048x1024xf32, #tpu.memory_space<vmem>>, vector<8x1024xf32>
      %mul3A_2020 = arith.constant 92.3324813 : f32
      %mul3A_2021 = vector.broadcast %mul3A_2020 : f32 to vector<8x1024xf32>
      %mul3A_2022 = arith.mulf %get3A_2019, %mul3A_2021 : vector<8x1024xf32>
      %exp23A_2023 = math.exp2 %mul3A_2022 : vector<8x1024xf32>
      %lt3A_2024 = arith.constant 100000 : i32
      %lt3A_2025 = vector.broadcast %lt3A_2024 : i32 to vector<8x1024xi32>
      %lt3A_2026 = arith.cmpi slt, %add3A_2015, %lt3A_2025 : vector<8x1024xi32>
      %jit3A_2027 = arith.constant 0.000000e+00 : f32
      %broadcast_in_dim3A_2028 = vector.broadcast %jit3A_2027 : f32 to vector<8x1024xf32>
      %select_n3A_2029 = arith.select %lt3A_2026, %exp23A_2023, %broadcast_in_dim3A_2028 : vector<8x1024xi1>, vector<8x1024xf32>
      %add3A_2030 = arith.constant 8 : i32
      %add3A_2031 = vector.broadcast %add3A_2030 : i32 to vector<8x1024xi32>
      %add3A_2032 = arith.addi %add3A_2015, %add3A_2031 : vector<8x1024xi32>
      %add3A_2033 = arith.addf %add3A_2016, %select_n3A_2029 : vector<8x1024xf32>
      %get3A_2034 = arith.constant 952 : index
      %get3A_2035 = arith.constant 0 : index
      %get3A_2036 = vector.load %arg1[%get3A_2034, %get3A_2035] : memref<2048x1024xf32, #tpu.memory_space<vmem>>, vector<8x1024xf32>
      %mul3A_2037 = arith.constant 92.3324813 : f32
      %mul3A_2038 = vector.broadcast %mul3A_2037 : f32 to vector<8x1024xf32>
      %mul3A_2039 = arith.mulf %get3A_2036, %mul3A_2038 : vector<8x1024xf32>
      %exp23A_2040 = math.exp2 %mul3A_2039 : vector<8x1024xf32>
      %lt3A_2041 = arith.constant 100000 : i32
      %lt3A_2042 = vector.broadcast %lt3A_2041 : i32 to vector<8x1024xi32>
      %lt3A_2043 = arith.cmpi slt, %add3A_2032, %lt3A_2042 : vector<8x1024xi32>
      %jit3A_2044 = arith.constant 0.000000e+00 : f32
      %broadcast_in_dim3A_2045 = vector.broadcast %jit3A_2044 : f32 to vector<8x1024xf32>
      %select_n3A_2046 = arith.select %lt3A_2043, %exp23A_2040, %broadcast_in_dim3A_2045 : vector<8x1024xi1>, vector<8x1024xf32>
      %add3A_2047 = arith.constant 8 : i32
      %add3A_2048 = vector.broadcast %add3A_2047 : i32 to vector<8x1024xi32>
      %add3A_2049 = arith.addi %add3A_2032, %add3A_2048 : vector<8x1024xi32>
      %add3A_2050 = arith.addf %add3A_2033, %select_n3A_2046 : vector<8x1024xf32>
      %get3A_2051 = arith.constant 960 : index
      %get3A_2052 = arith.constant 0 : index
      %get3A_2053 = vector.load %arg1[%get3A_2051, %get3A_2052] : memref<2048x1024xf32, #tpu.memory_space<vmem>>, vector<8x1024xf32>
      %mul3A_2054 = arith.constant 92.3324813 : f32
      %mul3A_2055 = vector.broadcast %mul3A_2054 : f32 to vector<8x1024xf32>
      %mul3A_2056 = arith.mulf %get3A_2053, %mul3A_2055 : vector<8x1024xf32>
      %exp23A_2057 = math.exp2 %mul3A_2056 : vector<8x1024xf32>
      %lt3A_2058 = arith.constant 100000 : i32
      %lt3A_2059 = vector.broadcast %lt3A_2058 : i32 to vector<8x1024xi32>
      %lt3A_2060 = arith.cmpi slt, %add3A_2049, %lt3A_2059 : vector<8x1024xi32>
      %jit3A_2061 = arith.constant 0.000000e+00 : f32
      %broadcast_in_dim3A_2062 = vector.broadcast %jit3A_2061 : f32 to vector<8x1024xf32>
      %select_n3A_2063 = arith.select %lt3A_2060, %exp23A_2057, %broadcast_in_dim3A_2062 : vector<8x1024xi1>, vector<8x1024xf32>
      %add3A_2064 = arith.constant 8 : i32
      %add3A_2065 = vector.broadcast %add3A_2064 : i32 to vector<8x1024xi32>
      %add3A_2066 = arith.addi %add3A_2049, %add3A_2065 : vector<8x1024xi32>
      %add3A_2067 = arith.addf %add3A_2050, %select_n3A_2063 : vector<8x1024xf32>
      %get3A_2068 = arith.constant 968 : index
      %get3A_2069 = arith.constant 0 : index
      %get3A_2070 = vector.load %arg1[%get3A_2068, %get3A_2069] : memref<2048x1024xf32, #tpu.memory_space<vmem>>, vector<8x1024xf32>
      %mul3A_2071 = arith.constant 92.3324813 : f32
      %mul3A_2072 = vector.broadcast %mul3A_2071 : f32 to vector<8x1024xf32>
      %mul3A_2073 = arith.mulf %get3A_2070, %mul3A_2072 : vector<8x1024xf32>
      %exp23A_2074 = math.exp2 %mul3A_2073 : vector<8x1024xf32>
      %lt3A_2075 = arith.constant 100000 : i32
      %lt3A_2076 = vector.broadcast %lt3A_2075 : i32 to vector<8x1024xi32>
      %lt3A_2077 = arith.cmpi slt, %add3A_2066, %lt3A_2076 : vector<8x1024xi32>
      %jit3A_2078 = arith.constant 0.000000e+00 : f32
      %broadcast_in_dim3A_2079 = vector.broadcast %jit3A_2078 : f32 to vector<8x1024xf32>
      %select_n3A_2080 = arith.select %lt3A_2077, %exp23A_2074, %broadcast_in_dim3A_2079 : vector<8x1024xi1>, vector<8x1024xf32>
      %add3A_2081 = arith.constant 8 : i32
      %add3A_2082 = vector.broadcast %add3A_2081 : i32 to vector<8x1024xi32>
      %add3A_2083 = arith.addi %add3A_2066, %add3A_2082 : vector<8x1024xi32>
      %add3A_2084 = arith.addf %add3A_2067, %select_n3A_2080 : vector<8x1024xf32>
      %get3A_2085 = arith.constant 976 : index
      %get3A_2086 = arith.constant 0 : index
      %get3A_2087 = vector.load %arg1[%get3A_2085, %get3A_2086] : memref<2048x1024xf32, #tpu.memory_space<vmem>>, vector<8x1024xf32>
      %mul3A_2088 = arith.constant 92.3324813 : f32
      %mul3A_2089 = vector.broadcast %mul3A_2088 : f32 to vector<8x1024xf32>
      %mul3A_2090 = arith.mulf %get3A_2087, %mul3A_2089 : vector<8x1024xf32>
      %exp23A_2091 = math.exp2 %mul3A_2090 : vector<8x1024xf32>
      %lt3A_2092 = arith.constant 100000 : i32
      %lt3A_2093 = vector.broadcast %lt3A_2092 : i32 to vector<8x1024xi32>
      %lt3A_2094 = arith.cmpi slt, %add3A_2083, %lt3A_2093 : vector<8x1024xi32>
      %jit3A_2095 = arith.constant 0.000000e+00 : f32
      %broadcast_in_dim3A_2096 = vector.broadcast %jit3A_2095 : f32 to vector<8x1024xf32>
      %select_n3A_2097 = arith.select %lt3A_2094, %exp23A_2091, %broadcast_in_dim3A_2096 : vector<8x1024xi1>, vector<8x1024xf32>
      %add3A_2098 = arith.constant 8 : i32
      %add3A_2099 = vector.broadcast %add3A_2098 : i32 to vector<8x1024xi32>
      %add3A_2100 = arith.addi %add3A_2083, %add3A_2099 : vector<8x1024xi32>
      %add3A_2101 = arith.addf %add3A_2084, %select_n3A_2097 : vector<8x1024xf32>
      %get3A_2102 = arith.constant 984 : index
      %get3A_2103 = arith.constant 0 : index
      %get3A_2104 = vector.load %arg1[%get3A_2102, %get3A_2103] : memref<2048x1024xf32, #tpu.memory_space<vmem>>, vector<8x1024xf32>
      %mul3A_2105 = arith.constant 92.3324813 : f32
      %mul3A_2106 = vector.broadcast %mul3A_2105 : f32 to vector<8x1024xf32>
      %mul3A_2107 = arith.mulf %get3A_2104, %mul3A_2106 : vector<8x1024xf32>
      %exp23A_2108 = math.exp2 %mul3A_2107 : vector<8x1024xf32>
      %lt3A_2109 = arith.constant 100000 : i32
      %lt3A_2110 = vector.broadcast %lt3A_2109 : i32 to vector<8x1024xi32>
      %lt3A_2111 = arith.cmpi slt, %add3A_2100, %lt3A_2110 : vector<8x1024xi32>
      %jit3A_2112 = arith.constant 0.000000e+00 : f32
      %broadcast_in_dim3A_2113 = vector.broadcast %jit3A_2112 : f32 to vector<8x1024xf32>
      %select_n3A_2114 = arith.select %lt3A_2111, %exp23A_2108, %broadcast_in_dim3A_2113 : vector<8x1024xi1>, vector<8x1024xf32>
      %add3A_2115 = arith.constant 8 : i32
      %add3A_2116 = vector.broadcast %add3A_2115 : i32 to vector<8x1024xi32>
      %add3A_2117 = arith.addi %add3A_2100, %add3A_2116 : vector<8x1024xi32>
      %add3A_2118 = arith.addf %add3A_2101, %select_n3A_2114 : vector<8x1024xf32>
      %get3A_2119 = arith.constant 992 : index
      %get3A_2120 = arith.constant 0 : index
      %get3A_2121 = vector.load %arg1[%get3A_2119, %get3A_2120] : memref<2048x1024xf32, #tpu.memory_space<vmem>>, vector<8x1024xf32>
      %mul3A_2122 = arith.constant 92.3324813 : f32
      %mul3A_2123 = vector.broadcast %mul3A_2122 : f32 to vector<8x1024xf32>
      %mul3A_2124 = arith.mulf %get3A_2121, %mul3A_2123 : vector<8x1024xf32>
      %exp23A_2125 = math.exp2 %mul3A_2124 : vector<8x1024xf32>
      %lt3A_2126 = arith.constant 100000 : i32
      %lt3A_2127 = vector.broadcast %lt3A_2126 : i32 to vector<8x1024xi32>
      %lt3A_2128 = arith.cmpi slt, %add3A_2117, %lt3A_2127 : vector<8x1024xi32>
      %jit3A_2129 = arith.constant 0.000000e+00 : f32
      %broadcast_in_dim3A_2130 = vector.broadcast %jit3A_2129 : f32 to vector<8x1024xf32>
      %select_n3A_2131 = arith.select %lt3A_2128, %exp23A_2125, %broadcast_in_dim3A_2130 : vector<8x1024xi1>, vector<8x1024xf32>
      %add3A_2132 = arith.constant 8 : i32
      %add3A_2133 = vector.broadcast %add3A_2132 : i32 to vector<8x1024xi32>
      %add3A_2134 = arith.addi %add3A_2117, %add3A_2133 : vector<8x1024xi32>
      %add3A_2135 = arith.addf %add3A_2118, %select_n3A_2131 : vector<8x1024xf32>
      %get3A_2136 = arith.constant 1000 : index
      %get3A_2137 = arith.constant 0 : index
      %get3A_2138 = vector.load %arg1[%get3A_2136, %get3A_2137] : memref<2048x1024xf32, #tpu.memory_space<vmem>>, vector<8x1024xf32>
      %mul3A_2139 = arith.constant 92.3324813 : f32
      %mul3A_2140 = vector.broadcast %mul3A_2139 : f32 to vector<8x1024xf32>
      %mul3A_2141 = arith.mulf %get3A_2138, %mul3A_2140 : vector<8x1024xf32>
      %exp23A_2142 = math.exp2 %mul3A_2141 : vector<8x1024xf32>
      %lt3A_2143 = arith.constant 100000 : i32
      %lt3A_2144 = vector.broadcast %lt3A_2143 : i32 to vector<8x1024xi32>
      %lt3A_2145 = arith.cmpi slt, %add3A_2134, %lt3A_2144 : vector<8x1024xi32>
      %jit3A_2146 = arith.constant 0.000000e+00 : f32
      %broadcast_in_dim3A_2147 = vector.broadcast %jit3A_2146 : f32 to vector<8x1024xf32>
      %select_n3A_2148 = arith.select %lt3A_2145, %exp23A_2142, %broadcast_in_dim3A_2147 : vector<8x1024xi1>, vector<8x1024xf32>
      %add3A_2149 = arith.constant 8 : i32
      %add3A_2150 = vector.broadcast %add3A_2149 : i32 to vector<8x1024xi32>
      %add3A_2151 = arith.addi %add3A_2134, %add3A_2150 : vector<8x1024xi32>
      %add3A_2152 = arith.addf %add3A_2135, %select_n3A_2148 : vector<8x1024xf32>
      %get3A_2153 = arith.constant 1008 : index
      %get3A_2154 = arith.constant 0 : index
      %get3A_2155 = vector.load %arg1[%get3A_2153, %get3A_2154] : memref<2048x1024xf32, #tpu.memory_space<vmem>>, vector<8x1024xf32>
      %mul3A_2156 = arith.constant 92.3324813 : f32
      %mul3A_2157 = vector.broadcast %mul3A_2156 : f32 to vector<8x1024xf32>
      %mul3A_2158 = arith.mulf %get3A_2155, %mul3A_2157 : vector<8x1024xf32>
      %exp23A_2159 = math.exp2 %mul3A_2158 : vector<8x1024xf32>
      %lt3A_2160 = arith.constant 100000 : i32
      %lt3A_2161 = vector.broadcast %lt3A_2160 : i32 to vector<8x1024xi32>
      %lt3A_2162 = arith.cmpi slt, %add3A_2151, %lt3A_2161 : vector<8x1024xi32>
      %jit3A_2163 = arith.constant 0.000000e+00 : f32
      %broadcast_in_dim3A_2164 = vector.broadcast %jit3A_2163 : f32 to vector<8x1024xf32>
      %select_n3A_2165 = arith.select %lt3A_2162, %exp23A_2159, %broadcast_in_dim3A_2164 : vector<8x1024xi1>, vector<8x1024xf32>
      %add3A_2166 = arith.constant 8 : i32
      %add3A_2167 = vector.broadcast %add3A_2166 : i32 to vector<8x1024xi32>
      %add3A_2168 = arith.addi %add3A_2151, %add3A_2167 : vector<8x1024xi32>
      %add3A_2169 = arith.addf %add3A_2152, %select_n3A_2165 : vector<8x1024xf32>
      %get3A_2170 = arith.constant 1016 : index
      %get3A_2171 = arith.constant 0 : index
      %get3A_2172 = vector.load %arg1[%get3A_2170, %get3A_2171] : memref<2048x1024xf32, #tpu.memory_space<vmem>>, vector<8x1024xf32>
      %mul3A_2173 = arith.constant 92.3324813 : f32
      %mul3A_2174 = vector.broadcast %mul3A_2173 : f32 to vector<8x1024xf32>
      %mul3A_2175 = arith.mulf %get3A_2172, %mul3A_2174 : vector<8x1024xf32>
      %exp23A_2176 = math.exp2 %mul3A_2175 : vector<8x1024xf32>
      %lt3A_2177 = arith.constant 100000 : i32
      %lt3A_2178 = vector.broadcast %lt3A_2177 : i32 to vector<8x1024xi32>
      %lt3A_2179 = arith.cmpi slt, %add3A_2168, %lt3A_2178 : vector<8x1024xi32>
      %jit3A_2180 = arith.constant 0.000000e+00 : f32
      %broadcast_in_dim3A_2181 = vector.broadcast %jit3A_2180 : f32 to vector<8x1024xf32>
      %select_n3A_2182 = arith.select %lt3A_2179, %exp23A_2176, %broadcast_in_dim3A_2181 : vector<8x1024xi1>, vector<8x1024xf32>
      %add3A_2183 = arith.constant 8 : i32
      %add3A_2184 = vector.broadcast %add3A_2183 : i32 to vector<8x1024xi32>
      %add3A_2185 = arith.addi %add3A_2168, %add3A_2184 : vector<8x1024xi32>
      %add3A_2186 = arith.addf %add3A_2169, %select_n3A_2182 : vector<8x1024xf32>
      %get3A_2187 = arith.constant 1024 : index
      %get3A_2188 = arith.constant 0 : index
      %get3A_2189 = vector.load %arg1[%get3A_2187, %get3A_2188] : memref<2048x1024xf32, #tpu.memory_space<vmem>>, vector<8x1024xf32>
      %mul3A_2190 = arith.constant 92.3324813 : f32
      %mul3A_2191 = vector.broadcast %mul3A_2190 : f32 to vector<8x1024xf32>
      %mul3A_2192 = arith.mulf %get3A_2189, %mul3A_2191 : vector<8x1024xf32>
      %exp23A_2193 = math.exp2 %mul3A_2192 : vector<8x1024xf32>
      %lt3A_2194 = arith.constant 100000 : i32
      %lt3A_2195 = vector.broadcast %lt3A_2194 : i32 to vector<8x1024xi32>
      %lt3A_2196 = arith.cmpi slt, %add3A_2185, %lt3A_2195 : vector<8x1024xi32>
      %jit3A_2197 = arith.constant 0.000000e+00 : f32
      %broadcast_in_dim3A_2198 = vector.broadcast %jit3A_2197 : f32 to vector<8x1024xf32>
      %select_n3A_2199 = arith.select %lt3A_2196, %exp23A_2193, %broadcast_in_dim3A_2198 : vector<8x1024xi1>, vector<8x1024xf32>
      %add3A_2200 = arith.constant 8 : i32
      %add3A_2201 = vector.broadcast %add3A_2200 : i32 to vector<8x1024xi32>
      %add3A_2202 = arith.addi %add3A_2185, %add3A_2201 : vector<8x1024xi32>
      %add3A_2203 = arith.addf %add3A_2186, %select_n3A_2199 : vector<8x1024xf32>
      %get3A_2204 = arith.constant 1032 : index
      %get3A_2205 = arith.constant 0 : index
      %get3A_2206 = vector.load %arg1[%get3A_2204, %get3A_2205] : memref<2048x1024xf32, #tpu.memory_space<vmem>>, vector<8x1024xf32>
      %mul3A_2207 = arith.constant 92.3324813 : f32
      %mul3A_2208 = vector.broadcast %mul3A_2207 : f32 to vector<8x1024xf32>
      %mul3A_2209 = arith.mulf %get3A_2206, %mul3A_2208 : vector<8x1024xf32>
      %exp23A_2210 = math.exp2 %mul3A_2209 : vector<8x1024xf32>
      %lt3A_2211 = arith.constant 100000 : i32
      %lt3A_2212 = vector.broadcast %lt3A_2211 : i32 to vector<8x1024xi32>
      %lt3A_2213 = arith.cmpi slt, %add3A_2202, %lt3A_2212 : vector<8x1024xi32>
      %jit3A_2214 = arith.constant 0.000000e+00 : f32
      %broadcast_in_dim3A_2215 = vector.broadcast %jit3A_2214 : f32 to vector<8x1024xf32>
      %select_n3A_2216 = arith.select %lt3A_2213, %exp23A_2210, %broadcast_in_dim3A_2215 : vector<8x1024xi1>, vector<8x1024xf32>
      %add3A_2217 = arith.constant 8 : i32
      %add3A_2218 = vector.broadcast %add3A_2217 : i32 to vector<8x1024xi32>
      %add3A_2219 = arith.addi %add3A_2202, %add3A_2218 : vector<8x1024xi32>
      %add3A_2220 = arith.addf %add3A_2203, %select_n3A_2216 : vector<8x1024xf32>
      %get3A_2221 = arith.constant 1040 : index
      %get3A_2222 = arith.constant 0 : index
      %get3A_2223 = vector.load %arg1[%get3A_2221, %get3A_2222] : memref<2048x1024xf32, #tpu.memory_space<vmem>>, vector<8x1024xf32>
      %mul3A_2224 = arith.constant 92.3324813 : f32
      %mul3A_2225 = vector.broadcast %mul3A_2224 : f32 to vector<8x1024xf32>
      %mul3A_2226 = arith.mulf %get3A_2223, %mul3A_2225 : vector<8x1024xf32>
      %exp23A_2227 = math.exp2 %mul3A_2226 : vector<8x1024xf32>
      %lt3A_2228 = arith.constant 100000 : i32
      %lt3A_2229 = vector.broadcast %lt3A_2228 : i32 to vector<8x1024xi32>
      %lt3A_2230 = arith.cmpi slt, %add3A_2219, %lt3A_2229 : vector<8x1024xi32>
      %jit3A_2231 = arith.constant 0.000000e+00 : f32
      %broadcast_in_dim3A_2232 = vector.broadcast %jit3A_2231 : f32 to vector<8x1024xf32>
      %select_n3A_2233 = arith.select %lt3A_2230, %exp23A_2227, %broadcast_in_dim3A_2232 : vector<8x1024xi1>, vector<8x1024xf32>
      %add3A_2234 = arith.constant 8 : i32
      %add3A_2235 = vector.broadcast %add3A_2234 : i32 to vector<8x1024xi32>
      %add3A_2236 = arith.addi %add3A_2219, %add3A_2235 : vector<8x1024xi32>
      %add3A_2237 = arith.addf %add3A_2220, %select_n3A_2233 : vector<8x1024xf32>
      %get3A_2238 = arith.constant 1048 : index
      %get3A_2239 = arith.constant 0 : index
      %get3A_2240 = vector.load %arg1[%get3A_2238, %get3A_2239] : memref<2048x1024xf32, #tpu.memory_space<vmem>>, vector<8x1024xf32>
      %mul3A_2241 = arith.constant 92.3324813 : f32
      %mul3A_2242 = vector.broadcast %mul3A_2241 : f32 to vector<8x1024xf32>
      %mul3A_2243 = arith.mulf %get3A_2240, %mul3A_2242 : vector<8x1024xf32>
      %exp23A_2244 = math.exp2 %mul3A_2243 : vector<8x1024xf32>
      %lt3A_2245 = arith.constant 100000 : i32
      %lt3A_2246 = vector.broadcast %lt3A_2245 : i32 to vector<8x1024xi32>
      %lt3A_2247 = arith.cmpi slt, %add3A_2236, %lt3A_2246 : vector<8x1024xi32>
      %jit3A_2248 = arith.constant 0.000000e+00 : f32
      %broadcast_in_dim3A_2249 = vector.broadcast %jit3A_2248 : f32 to vector<8x1024xf32>
      %select_n3A_2250 = arith.select %lt3A_2247, %exp23A_2244, %broadcast_in_dim3A_2249 : vector<8x1024xi1>, vector<8x1024xf32>
      %add3A_2251 = arith.constant 8 : i32
      %add3A_2252 = vector.broadcast %add3A_2251 : i32 to vector<8x1024xi32>
      %add3A_2253 = arith.addi %add3A_2236, %add3A_2252 : vector<8x1024xi32>
      %add3A_2254 = arith.addf %add3A_2237, %select_n3A_2250 : vector<8x1024xf32>
      %get3A_2255 = arith.constant 1056 : index
      %get3A_2256 = arith.constant 0 : index
      %get3A_2257 = vector.load %arg1[%get3A_2255, %get3A_2256] : memref<2048x1024xf32, #tpu.memory_space<vmem>>, vector<8x1024xf32>
      %mul3A_2258 = arith.constant 92.3324813 : f32
      %mul3A_2259 = vector.broadcast %mul3A_2258 : f32 to vector<8x1024xf32>
      %mul3A_2260 = arith.mulf %get3A_2257, %mul3A_2259 : vector<8x1024xf32>
      %exp23A_2261 = math.exp2 %mul3A_2260 : vector<8x1024xf32>
      %lt3A_2262 = arith.constant 100000 : i32
      %lt3A_2263 = vector.broadcast %lt3A_2262 : i32 to vector<8x1024xi32>
      %lt3A_2264 = arith.cmpi slt, %add3A_2253, %lt3A_2263 : vector<8x1024xi32>
      %jit3A_2265 = arith.constant 0.000000e+00 : f32
      %broadcast_in_dim3A_2266 = vector.broadcast %jit3A_2265 : f32 to vector<8x1024xf32>
      %select_n3A_2267 = arith.select %lt3A_2264, %exp23A_2261, %broadcast_in_dim3A_2266 : vector<8x1024xi1>, vector<8x1024xf32>
      %add3A_2268 = arith.constant 8 : i32
      %add3A_2269 = vector.broadcast %add3A_2268 : i32 to vector<8x1024xi32>
      %add3A_2270 = arith.addi %add3A_2253, %add3A_2269 : vector<8x1024xi32>
      %add3A_2271 = arith.addf %add3A_2254, %select_n3A_2267 : vector<8x1024xf32>
      %get3A_2272 = arith.constant 1064 : index
      %get3A_2273 = arith.constant 0 : index
      %get3A_2274 = vector.load %arg1[%get3A_2272, %get3A_2273] : memref<2048x1024xf32, #tpu.memory_space<vmem>>, vector<8x1024xf32>
      %mul3A_2275 = arith.constant 92.3324813 : f32
      %mul3A_2276 = vector.broadcast %mul3A_2275 : f32 to vector<8x1024xf32>
      %mul3A_2277 = arith.mulf %get3A_2274, %mul3A_2276 : vector<8x1024xf32>
      %exp23A_2278 = math.exp2 %mul3A_2277 : vector<8x1024xf32>
      %lt3A_2279 = arith.constant 100000 : i32
      %lt3A_2280 = vector.broadcast %lt3A_2279 : i32 to vector<8x1024xi32>
      %lt3A_2281 = arith.cmpi slt, %add3A_2270, %lt3A_2280 : vector<8x1024xi32>
      %jit3A_2282 = arith.constant 0.000000e+00 : f32
      %broadcast_in_dim3A_2283 = vector.broadcast %jit3A_2282 : f32 to vector<8x1024xf32>
      %select_n3A_2284 = arith.select %lt3A_2281, %exp23A_2278, %broadcast_in_dim3A_2283 : vector<8x1024xi1>, vector<8x1024xf32>
      %add3A_2285 = arith.constant 8 : i32
      %add3A_2286 = vector.broadcast %add3A_2285 : i32 to vector<8x1024xi32>
      %add3A_2287 = arith.addi %add3A_2270, %add3A_2286 : vector<8x1024xi32>
      %add3A_2288 = arith.addf %add3A_2271, %select_n3A_2284 : vector<8x1024xf32>
      %get3A_2289 = arith.constant 1072 : index
      %get3A_2290 = arith.constant 0 : index
      %get3A_2291 = vector.load %arg1[%get3A_2289, %get3A_2290] : memref<2048x1024xf32, #tpu.memory_space<vmem>>, vector<8x1024xf32>
      %mul3A_2292 = arith.constant 92.3324813 : f32
      %mul3A_2293 = vector.broadcast %mul3A_2292 : f32 to vector<8x1024xf32>
      %mul3A_2294 = arith.mulf %get3A_2291, %mul3A_2293 : vector<8x1024xf32>
      %exp23A_2295 = math.exp2 %mul3A_2294 : vector<8x1024xf32>
      %lt3A_2296 = arith.constant 100000 : i32
      %lt3A_2297 = vector.broadcast %lt3A_2296 : i32 to vector<8x1024xi32>
      %lt3A_2298 = arith.cmpi slt, %add3A_2287, %lt3A_2297 : vector<8x1024xi32>
      %jit3A_2299 = arith.constant 0.000000e+00 : f32
      %broadcast_in_dim3A_2300 = vector.broadcast %jit3A_2299 : f32 to vector<8x1024xf32>
      %select_n3A_2301 = arith.select %lt3A_2298, %exp23A_2295, %broadcast_in_dim3A_2300 : vector<8x1024xi1>, vector<8x1024xf32>
      %add3A_2302 = arith.constant 8 : i32
      %add3A_2303 = vector.broadcast %add3A_2302 : i32 to vector<8x1024xi32>
      %add3A_2304 = arith.addi %add3A_2287, %add3A_2303 : vector<8x1024xi32>
      %add3A_2305 = arith.addf %add3A_2288, %select_n3A_2301 : vector<8x1024xf32>
      %get3A_2306 = arith.constant 1080 : index
      %get3A_2307 = arith.constant 0 : index
      %get3A_2308 = vector.load %arg1[%get3A_2306, %get3A_2307] : memref<2048x1024xf32, #tpu.memory_space<vmem>>, vector<8x1024xf32>
      %mul3A_2309 = arith.constant 92.3324813 : f32
      %mul3A_2310 = vector.broadcast %mul3A_2309 : f32 to vector<8x1024xf32>
      %mul3A_2311 = arith.mulf %get3A_2308, %mul3A_2310 : vector<8x1024xf32>
      %exp23A_2312 = math.exp2 %mul3A_2311 : vector<8x1024xf32>
      %lt3A_2313 = arith.constant 100000 : i32
      %lt3A_2314 = vector.broadcast %lt3A_2313 : i32 to vector<8x1024xi32>
      %lt3A_2315 = arith.cmpi slt, %add3A_2304, %lt3A_2314 : vector<8x1024xi32>
      %jit3A_2316 = arith.constant 0.000000e+00 : f32
      %broadcast_in_dim3A_2317 = vector.broadcast %jit3A_2316 : f32 to vector<8x1024xf32>
      %select_n3A_2318 = arith.select %lt3A_2315, %exp23A_2312, %broadcast_in_dim3A_2317 : vector<8x1024xi1>, vector<8x1024xf32>
      %add3A_2319 = arith.constant 8 : i32
      %add3A_2320 = vector.broadcast %add3A_2319 : i32 to vector<8x1024xi32>
      %add3A_2321 = arith.addi %add3A_2304, %add3A_2320 : vector<8x1024xi32>
      %add3A_2322 = arith.addf %add3A_2305, %select_n3A_2318 : vector<8x1024xf32>
      %get3A_2323 = arith.constant 1088 : index
      %get3A_2324 = arith.constant 0 : index
      %get3A_2325 = vector.load %arg1[%get3A_2323, %get3A_2324] : memref<2048x1024xf32, #tpu.memory_space<vmem>>, vector<8x1024xf32>
      %mul3A_2326 = arith.constant 92.3324813 : f32
      %mul3A_2327 = vector.broadcast %mul3A_2326 : f32 to vector<8x1024xf32>
      %mul3A_2328 = arith.mulf %get3A_2325, %mul3A_2327 : vector<8x1024xf32>
      %exp23A_2329 = math.exp2 %mul3A_2328 : vector<8x1024xf32>
      %lt3A_2330 = arith.constant 100000 : i32
      %lt3A_2331 = vector.broadcast %lt3A_2330 : i32 to vector<8x1024xi32>
      %lt3A_2332 = arith.cmpi slt, %add3A_2321, %lt3A_2331 : vector<8x1024xi32>
      %jit3A_2333 = arith.constant 0.000000e+00 : f32
      %broadcast_in_dim3A_2334 = vector.broadcast %jit3A_2333 : f32 to vector<8x1024xf32>
      %select_n3A_2335 = arith.select %lt3A_2332, %exp23A_2329, %broadcast_in_dim3A_2334 : vector<8x1024xi1>, vector<8x1024xf32>
      %add3A_2336 = arith.constant 8 : i32
      %add3A_2337 = vector.broadcast %add3A_2336 : i32 to vector<8x1024xi32>
      %add3A_2338 = arith.addi %add3A_2321, %add3A_2337 : vector<8x1024xi32>
      %add3A_2339 = arith.addf %add3A_2322, %select_n3A_2335 : vector<8x1024xf32>
      %get3A_2340 = arith.constant 1096 : index
      %get3A_2341 = arith.constant 0 : index
      %get3A_2342 = vector.load %arg1[%get3A_2340, %get3A_2341] : memref<2048x1024xf32, #tpu.memory_space<vmem>>, vector<8x1024xf32>
      %mul3A_2343 = arith.constant 92.3324813 : f32
      %mul3A_2344 = vector.broadcast %mul3A_2343 : f32 to vector<8x1024xf32>
      %mul3A_2345 = arith.mulf %get3A_2342, %mul3A_2344 : vector<8x1024xf32>
      %exp23A_2346 = math.exp2 %mul3A_2345 : vector<8x1024xf32>
      %lt3A_2347 = arith.constant 100000 : i32
      %lt3A_2348 = vector.broadcast %lt3A_2347 : i32 to vector<8x1024xi32>
      %lt3A_2349 = arith.cmpi slt, %add3A_2338, %lt3A_2348 : vector<8x1024xi32>
      %jit3A_2350 = arith.constant 0.000000e+00 : f32
      %broadcast_in_dim3A_2351 = vector.broadcast %jit3A_2350 : f32 to vector<8x1024xf32>
      %select_n3A_2352 = arith.select %lt3A_2349, %exp23A_2346, %broadcast_in_dim3A_2351 : vector<8x1024xi1>, vector<8x1024xf32>
      %add3A_2353 = arith.constant 8 : i32
      %add3A_2354 = vector.broadcast %add3A_2353 : i32 to vector<8x1024xi32>
      %add3A_2355 = arith.addi %add3A_2338, %add3A_2354 : vector<8x1024xi32>
      %add3A_2356 = arith.addf %add3A_2339, %select_n3A_2352 : vector<8x1024xf32>
      %get3A_2357 = arith.constant 1104 : index
      %get3A_2358 = arith.constant 0 : index
      %get3A_2359 = vector.load %arg1[%get3A_2357, %get3A_2358] : memref<2048x1024xf32, #tpu.memory_space<vmem>>, vector<8x1024xf32>
      %mul3A_2360 = arith.constant 92.3324813 : f32
      %mul3A_2361 = vector.broadcast %mul3A_2360 : f32 to vector<8x1024xf32>
      %mul3A_2362 = arith.mulf %get3A_2359, %mul3A_2361 : vector<8x1024xf32>
      %exp23A_2363 = math.exp2 %mul3A_2362 : vector<8x1024xf32>
      %lt3A_2364 = arith.constant 100000 : i32
      %lt3A_2365 = vector.broadcast %lt3A_2364 : i32 to vector<8x1024xi32>
      %lt3A_2366 = arith.cmpi slt, %add3A_2355, %lt3A_2365 : vector<8x1024xi32>
      %jit3A_2367 = arith.constant 0.000000e+00 : f32
      %broadcast_in_dim3A_2368 = vector.broadcast %jit3A_2367 : f32 to vector<8x1024xf32>
      %select_n3A_2369 = arith.select %lt3A_2366, %exp23A_2363, %broadcast_in_dim3A_2368 : vector<8x1024xi1>, vector<8x1024xf32>
      %add3A_2370 = arith.constant 8 : i32
      %add3A_2371 = vector.broadcast %add3A_2370 : i32 to vector<8x1024xi32>
      %add3A_2372 = arith.addi %add3A_2355, %add3A_2371 : vector<8x1024xi32>
      %add3A_2373 = arith.addf %add3A_2356, %select_n3A_2369 : vector<8x1024xf32>
      %get3A_2374 = arith.constant 1112 : index
      %get3A_2375 = arith.constant 0 : index
      %get3A_2376 = vector.load %arg1[%get3A_2374, %get3A_2375] : memref<2048x1024xf32, #tpu.memory_space<vmem>>, vector<8x1024xf32>
      %mul3A_2377 = arith.constant 92.3324813 : f32
      %mul3A_2378 = vector.broadcast %mul3A_2377 : f32 to vector<8x1024xf32>
      %mul3A_2379 = arith.mulf %get3A_2376, %mul3A_2378 : vector<8x1024xf32>
      %exp23A_2380 = math.exp2 %mul3A_2379 : vector<8x1024xf32>
      %lt3A_2381 = arith.constant 100000 : i32
      %lt3A_2382 = vector.broadcast %lt3A_2381 : i32 to vector<8x1024xi32>
      %lt3A_2383 = arith.cmpi slt, %add3A_2372, %lt3A_2382 : vector<8x1024xi32>
      %jit3A_2384 = arith.constant 0.000000e+00 : f32
      %broadcast_in_dim3A_2385 = vector.broadcast %jit3A_2384 : f32 to vector<8x1024xf32>
      %select_n3A_2386 = arith.select %lt3A_2383, %exp23A_2380, %broadcast_in_dim3A_2385 : vector<8x1024xi1>, vector<8x1024xf32>
      %add3A_2387 = arith.constant 8 : i32
      %add3A_2388 = vector.broadcast %add3A_2387 : i32 to vector<8x1024xi32>
      %add3A_2389 = arith.addi %add3A_2372, %add3A_2388 : vector<8x1024xi32>
      %add3A_2390 = arith.addf %add3A_2373, %select_n3A_2386 : vector<8x1024xf32>
      %get3A_2391 = arith.constant 1120 : index
      %get3A_2392 = arith.constant 0 : index
      %get3A_2393 = vector.load %arg1[%get3A_2391, %get3A_2392] : memref<2048x1024xf32, #tpu.memory_space<vmem>>, vector<8x1024xf32>
      %mul3A_2394 = arith.constant 92.3324813 : f32
      %mul3A_2395 = vector.broadcast %mul3A_2394 : f32 to vector<8x1024xf32>
      %mul3A_2396 = arith.mulf %get3A_2393, %mul3A_2395 : vector<8x1024xf32>
      %exp23A_2397 = math.exp2 %mul3A_2396 : vector<8x1024xf32>
      %lt3A_2398 = arith.constant 100000 : i32
      %lt3A_2399 = vector.broadcast %lt3A_2398 : i32 to vector<8x1024xi32>
      %lt3A_2400 = arith.cmpi slt, %add3A_2389, %lt3A_2399 : vector<8x1024xi32>
      %jit3A_2401 = arith.constant 0.000000e+00 : f32
      %broadcast_in_dim3A_2402 = vector.broadcast %jit3A_2401 : f32 to vector<8x1024xf32>
      %select_n3A_2403 = arith.select %lt3A_2400, %exp23A_2397, %broadcast_in_dim3A_2402 : vector<8x1024xi1>, vector<8x1024xf32>
      %add3A_2404 = arith.constant 8 : i32
      %add3A_2405 = vector.broadcast %add3A_2404 : i32 to vector<8x1024xi32>
      %add3A_2406 = arith.addi %add3A_2389, %add3A_2405 : vector<8x1024xi32>
      %add3A_2407 = arith.addf %add3A_2390, %select_n3A_2403 : vector<8x1024xf32>
      %get3A_2408 = arith.constant 1128 : index
      %get3A_2409 = arith.constant 0 : index
      %get3A_2410 = vector.load %arg1[%get3A_2408, %get3A_2409] : memref<2048x1024xf32, #tpu.memory_space<vmem>>, vector<8x1024xf32>
      %mul3A_2411 = arith.constant 92.3324813 : f32
      %mul3A_2412 = vector.broadcast %mul3A_2411 : f32 to vector<8x1024xf32>
      %mul3A_2413 = arith.mulf %get3A_2410, %mul3A_2412 : vector<8x1024xf32>
      %exp23A_2414 = math.exp2 %mul3A_2413 : vector<8x1024xf32>
      %lt3A_2415 = arith.constant 100000 : i32
      %lt3A_2416 = vector.broadcast %lt3A_2415 : i32 to vector<8x1024xi32>
      %lt3A_2417 = arith.cmpi slt, %add3A_2406, %lt3A_2416 : vector<8x1024xi32>
      %jit3A_2418 = arith.constant 0.000000e+00 : f32
      %broadcast_in_dim3A_2419 = vector.broadcast %jit3A_2418 : f32 to vector<8x1024xf32>
      %select_n3A_2420 = arith.select %lt3A_2417, %exp23A_2414, %broadcast_in_dim3A_2419 : vector<8x1024xi1>, vector<8x1024xf32>
      %add3A_2421 = arith.constant 8 : i32
      %add3A_2422 = vector.broadcast %add3A_2421 : i32 to vector<8x1024xi32>
      %add3A_2423 = arith.addi %add3A_2406, %add3A_2422 : vector<8x1024xi32>
      %add3A_2424 = arith.addf %add3A_2407, %select_n3A_2420 : vector<8x1024xf32>
      %get3A_2425 = arith.constant 1136 : index
      %get3A_2426 = arith.constant 0 : index
      %get3A_2427 = vector.load %arg1[%get3A_2425, %get3A_2426] : memref<2048x1024xf32, #tpu.memory_space<vmem>>, vector<8x1024xf32>
      %mul3A_2428 = arith.constant 92.3324813 : f32
      %mul3A_2429 = vector.broadcast %mul3A_2428 : f32 to vector<8x1024xf32>
      %mul3A_2430 = arith.mulf %get3A_2427, %mul3A_2429 : vector<8x1024xf32>
      %exp23A_2431 = math.exp2 %mul3A_2430 : vector<8x1024xf32>
      %lt3A_2432 = arith.constant 100000 : i32
      %lt3A_2433 = vector.broadcast %lt3A_2432 : i32 to vector<8x1024xi32>
      %lt3A_2434 = arith.cmpi slt, %add3A_2423, %lt3A_2433 : vector<8x1024xi32>
      %jit3A_2435 = arith.constant 0.000000e+00 : f32
      %broadcast_in_dim3A_2436 = vector.broadcast %jit3A_2435 : f32 to vector<8x1024xf32>
      %select_n3A_2437 = arith.select %lt3A_2434, %exp23A_2431, %broadcast_in_dim3A_2436 : vector<8x1024xi1>, vector<8x1024xf32>
      %add3A_2438 = arith.constant 8 : i32
      %add3A_2439 = vector.broadcast %add3A_2438 : i32 to vector<8x1024xi32>
      %add3A_2440 = arith.addi %add3A_2423, %add3A_2439 : vector<8x1024xi32>
      %add3A_2441 = arith.addf %add3A_2424, %select_n3A_2437 : vector<8x1024xf32>
      %get3A_2442 = arith.constant 1144 : index
      %get3A_2443 = arith.constant 0 : index
      %get3A_2444 = vector.load %arg1[%get3A_2442, %get3A_2443] : memref<2048x1024xf32, #tpu.memory_space<vmem>>, vector<8x1024xf32>
      %mul3A_2445 = arith.constant 92.3324813 : f32
      %mul3A_2446 = vector.broadcast %mul3A_2445 : f32 to vector<8x1024xf32>
      %mul3A_2447 = arith.mulf %get3A_2444, %mul3A_2446 : vector<8x1024xf32>
      %exp23A_2448 = math.exp2 %mul3A_2447 : vector<8x1024xf32>
      %lt3A_2449 = arith.constant 100000 : i32
      %lt3A_2450 = vector.broadcast %lt3A_2449 : i32 to vector<8x1024xi32>
      %lt3A_2451 = arith.cmpi slt, %add3A_2440, %lt3A_2450 : vector<8x1024xi32>
      %jit3A_2452 = arith.constant 0.000000e+00 : f32
      %broadcast_in_dim3A_2453 = vector.broadcast %jit3A_2452 : f32 to vector<8x1024xf32>
      %select_n3A_2454 = arith.select %lt3A_2451, %exp23A_2448, %broadcast_in_dim3A_2453 : vector<8x1024xi1>, vector<8x1024xf32>
      %add3A_2455 = arith.constant 8 : i32
      %add3A_2456 = vector.broadcast %add3A_2455 : i32 to vector<8x1024xi32>
      %add3A_2457 = arith.addi %add3A_2440, %add3A_2456 : vector<8x1024xi32>
      %add3A_2458 = arith.addf %add3A_2441, %select_n3A_2454 : vector<8x1024xf32>
      %get3A_2459 = arith.constant 1152 : index
      %get3A_2460 = arith.constant 0 : index
      %get3A_2461 = vector.load %arg1[%get3A_2459, %get3A_2460] : memref<2048x1024xf32, #tpu.memory_space<vmem>>, vector<8x1024xf32>
      %mul3A_2462 = arith.constant 92.3324813 : f32
      %mul3A_2463 = vector.broadcast %mul3A_2462 : f32 to vector<8x1024xf32>
      %mul3A_2464 = arith.mulf %get3A_2461, %mul3A_2463 : vector<8x1024xf32>
      %exp23A_2465 = math.exp2 %mul3A_2464 : vector<8x1024xf32>
      %lt3A_2466 = arith.constant 100000 : i32
      %lt3A_2467 = vector.broadcast %lt3A_2466 : i32 to vector<8x1024xi32>
      %lt3A_2468 = arith.cmpi slt, %add3A_2457, %lt3A_2467 : vector<8x1024xi32>
      %jit3A_2469 = arith.constant 0.000000e+00 : f32
      %broadcast_in_dim3A_2470 = vector.broadcast %jit3A_2469 : f32 to vector<8x1024xf32>
      %select_n3A_2471 = arith.select %lt3A_2468, %exp23A_2465, %broadcast_in_dim3A_2470 : vector<8x1024xi1>, vector<8x1024xf32>
      %add3A_2472 = arith.constant 8 : i32
      %add3A_2473 = vector.broadcast %add3A_2472 : i32 to vector<8x1024xi32>
      %add3A_2474 = arith.addi %add3A_2457, %add3A_2473 : vector<8x1024xi32>
      %add3A_2475 = arith.addf %add3A_2458, %select_n3A_2471 : vector<8x1024xf32>
      %get3A_2476 = arith.constant 1160 : index
      %get3A_2477 = arith.constant 0 : index
      %get3A_2478 = vector.load %arg1[%get3A_2476, %get3A_2477] : memref<2048x1024xf32, #tpu.memory_space<vmem>>, vector<8x1024xf32>
      %mul3A_2479 = arith.constant 92.3324813 : f32
      %mul3A_2480 = vector.broadcast %mul3A_2479 : f32 to vector<8x1024xf32>
      %mul3A_2481 = arith.mulf %get3A_2478, %mul3A_2480 : vector<8x1024xf32>
      %exp23A_2482 = math.exp2 %mul3A_2481 : vector<8x1024xf32>
      %lt3A_2483 = arith.constant 100000 : i32
      %lt3A_2484 = vector.broadcast %lt3A_2483 : i32 to vector<8x1024xi32>
      %lt3A_2485 = arith.cmpi slt, %add3A_2474, %lt3A_2484 : vector<8x1024xi32>
      %jit3A_2486 = arith.constant 0.000000e+00 : f32
      %broadcast_in_dim3A_2487 = vector.broadcast %jit3A_2486 : f32 to vector<8x1024xf32>
      %select_n3A_2488 = arith.select %lt3A_2485, %exp23A_2482, %broadcast_in_dim3A_2487 : vector<8x1024xi1>, vector<8x1024xf32>
      %add3A_2489 = arith.constant 8 : i32
      %add3A_2490 = vector.broadcast %add3A_2489 : i32 to vector<8x1024xi32>
      %add3A_2491 = arith.addi %add3A_2474, %add3A_2490 : vector<8x1024xi32>
      %add3A_2492 = arith.addf %add3A_2475, %select_n3A_2488 : vector<8x1024xf32>
      %get3A_2493 = arith.constant 1168 : index
      %get3A_2494 = arith.constant 0 : index
      %get3A_2495 = vector.load %arg1[%get3A_2493, %get3A_2494] : memref<2048x1024xf32, #tpu.memory_space<vmem>>, vector<8x1024xf32>
      %mul3A_2496 = arith.constant 92.3324813 : f32
      %mul3A_2497 = vector.broadcast %mul3A_2496 : f32 to vector<8x1024xf32>
      %mul3A_2498 = arith.mulf %get3A_2495, %mul3A_2497 : vector<8x1024xf32>
      %exp23A_2499 = math.exp2 %mul3A_2498 : vector<8x1024xf32>
      %lt3A_2500 = arith.constant 100000 : i32
      %lt3A_2501 = vector.broadcast %lt3A_2500 : i32 to vector<8x1024xi32>
      %lt3A_2502 = arith.cmpi slt, %add3A_2491, %lt3A_2501 : vector<8x1024xi32>
      %jit3A_2503 = arith.constant 0.000000e+00 : f32
      %broadcast_in_dim3A_2504 = vector.broadcast %jit3A_2503 : f32 to vector<8x1024xf32>
      %select_n3A_2505 = arith.select %lt3A_2502, %exp23A_2499, %broadcast_in_dim3A_2504 : vector<8x1024xi1>, vector<8x1024xf32>
      %add3A_2506 = arith.constant 8 : i32
      %add3A_2507 = vector.broadcast %add3A_2506 : i32 to vector<8x1024xi32>
      %add3A_2508 = arith.addi %add3A_2491, %add3A_2507 : vector<8x1024xi32>
      %add3A_2509 = arith.addf %add3A_2492, %select_n3A_2505 : vector<8x1024xf32>
      %get3A_2510 = arith.constant 1176 : index
      %get3A_2511 = arith.constant 0 : index
      %get3A_2512 = vector.load %arg1[%get3A_2510, %get3A_2511] : memref<2048x1024xf32, #tpu.memory_space<vmem>>, vector<8x1024xf32>
      %mul3A_2513 = arith.constant 92.3324813 : f32
      %mul3A_2514 = vector.broadcast %mul3A_2513 : f32 to vector<8x1024xf32>
      %mul3A_2515 = arith.mulf %get3A_2512, %mul3A_2514 : vector<8x1024xf32>
      %exp23A_2516 = math.exp2 %mul3A_2515 : vector<8x1024xf32>
      %lt3A_2517 = arith.constant 100000 : i32
      %lt3A_2518 = vector.broadcast %lt3A_2517 : i32 to vector<8x1024xi32>
      %lt3A_2519 = arith.cmpi slt, %add3A_2508, %lt3A_2518 : vector<8x1024xi32>
      %jit3A_2520 = arith.constant 0.000000e+00 : f32
      %broadcast_in_dim3A_2521 = vector.broadcast %jit3A_2520 : f32 to vector<8x1024xf32>
      %select_n3A_2522 = arith.select %lt3A_2519, %exp23A_2516, %broadcast_in_dim3A_2521 : vector<8x1024xi1>, vector<8x1024xf32>
      %add3A_2523 = arith.constant 8 : i32
      %add3A_2524 = vector.broadcast %add3A_2523 : i32 to vector<8x1024xi32>
      %add3A_2525 = arith.addi %add3A_2508, %add3A_2524 : vector<8x1024xi32>
      %add3A_2526 = arith.addf %add3A_2509, %select_n3A_2522 : vector<8x1024xf32>
      %get3A_2527 = arith.constant 1184 : index
      %get3A_2528 = arith.constant 0 : index
      %get3A_2529 = vector.load %arg1[%get3A_2527, %get3A_2528] : memref<2048x1024xf32, #tpu.memory_space<vmem>>, vector<8x1024xf32>
      %mul3A_2530 = arith.constant 92.3324813 : f32
      %mul3A_2531 = vector.broadcast %mul3A_2530 : f32 to vector<8x1024xf32>
      %mul3A_2532 = arith.mulf %get3A_2529, %mul3A_2531 : vector<8x1024xf32>
      %exp23A_2533 = math.exp2 %mul3A_2532 : vector<8x1024xf32>
      %lt3A_2534 = arith.constant 100000 : i32
      %lt3A_2535 = vector.broadcast %lt3A_2534 : i32 to vector<8x1024xi32>
      %lt3A_2536 = arith.cmpi slt, %add3A_2525, %lt3A_2535 : vector<8x1024xi32>
      %jit3A_2537 = arith.constant 0.000000e+00 : f32
      %broadcast_in_dim3A_2538 = vector.broadcast %jit3A_2537 : f32 to vector<8x1024xf32>
      %select_n3A_2539 = arith.select %lt3A_2536, %exp23A_2533, %broadcast_in_dim3A_2538 : vector<8x1024xi1>, vector<8x1024xf32>
      %add3A_2540 = arith.constant 8 : i32
      %add3A_2541 = vector.broadcast %add3A_2540 : i32 to vector<8x1024xi32>
      %add3A_2542 = arith.addi %add3A_2525, %add3A_2541 : vector<8x1024xi32>
      %add3A_2543 = arith.addf %add3A_2526, %select_n3A_2539 : vector<8x1024xf32>
      %get3A_2544 = arith.constant 1192 : index
      %get3A_2545 = arith.constant 0 : index
      %get3A_2546 = vector.load %arg1[%get3A_2544, %get3A_2545] : memref<2048x1024xf32, #tpu.memory_space<vmem>>, vector<8x1024xf32>
      %mul3A_2547 = arith.constant 92.3324813 : f32
      %mul3A_2548 = vector.broadcast %mul3A_2547 : f32 to vector<8x1024xf32>
      %mul3A_2549 = arith.mulf %get3A_2546, %mul3A_2548 : vector<8x1024xf32>
      %exp23A_2550 = math.exp2 %mul3A_2549 : vector<8x1024xf32>
      %lt3A_2551 = arith.constant 100000 : i32
      %lt3A_2552 = vector.broadcast %lt3A_2551 : i32 to vector<8x1024xi32>
      %lt3A_2553 = arith.cmpi slt, %add3A_2542, %lt3A_2552 : vector<8x1024xi32>
      %jit3A_2554 = arith.constant 0.000000e+00 : f32
      %broadcast_in_dim3A_2555 = vector.broadcast %jit3A_2554 : f32 to vector<8x1024xf32>
      %select_n3A_2556 = arith.select %lt3A_2553, %exp23A_2550, %broadcast_in_dim3A_2555 : vector<8x1024xi1>, vector<8x1024xf32>
      %add3A_2557 = arith.constant 8 : i32
      %add3A_2558 = vector.broadcast %add3A_2557 : i32 to vector<8x1024xi32>
      %add3A_2559 = arith.addi %add3A_2542, %add3A_2558 : vector<8x1024xi32>
      %add3A_2560 = arith.addf %add3A_2543, %select_n3A_2556 : vector<8x1024xf32>
      %get3A_2561 = arith.constant 1200 : index
      %get3A_2562 = arith.constant 0 : index
      %get3A_2563 = vector.load %arg1[%get3A_2561, %get3A_2562] : memref<2048x1024xf32, #tpu.memory_space<vmem>>, vector<8x1024xf32>
      %mul3A_2564 = arith.constant 92.3324813 : f32
      %mul3A_2565 = vector.broadcast %mul3A_2564 : f32 to vector<8x1024xf32>
      %mul3A_2566 = arith.mulf %get3A_2563, %mul3A_2565 : vector<8x1024xf32>
      %exp23A_2567 = math.exp2 %mul3A_2566 : vector<8x1024xf32>
      %lt3A_2568 = arith.constant 100000 : i32
      %lt3A_2569 = vector.broadcast %lt3A_2568 : i32 to vector<8x1024xi32>
      %lt3A_2570 = arith.cmpi slt, %add3A_2559, %lt3A_2569 : vector<8x1024xi32>
      %jit3A_2571 = arith.constant 0.000000e+00 : f32
      %broadcast_in_dim3A_2572 = vector.broadcast %jit3A_2571 : f32 to vector<8x1024xf32>
      %select_n3A_2573 = arith.select %lt3A_2570, %exp23A_2567, %broadcast_in_dim3A_2572 : vector<8x1024xi1>, vector<8x1024xf32>
      %add3A_2574 = arith.constant 8 : i32
      %add3A_2575 = vector.broadcast %add3A_2574 : i32 to vector<8x1024xi32>
      %add3A_2576 = arith.addi %add3A_2559, %add3A_2575 : vector<8x1024xi32>
      %add3A_2577 = arith.addf %add3A_2560, %select_n3A_2573 : vector<8x1024xf32>
      %get3A_2578 = arith.constant 1208 : index
      %get3A_2579 = arith.constant 0 : index
      %get3A_2580 = vector.load %arg1[%get3A_2578, %get3A_2579] : memref<2048x1024xf32, #tpu.memory_space<vmem>>, vector<8x1024xf32>
      %mul3A_2581 = arith.constant 92.3324813 : f32
      %mul3A_2582 = vector.broadcast %mul3A_2581 : f32 to vector<8x1024xf32>
      %mul3A_2583 = arith.mulf %get3A_2580, %mul3A_2582 : vector<8x1024xf32>
      %exp23A_2584 = math.exp2 %mul3A_2583 : vector<8x1024xf32>
      %lt3A_2585 = arith.constant 100000 : i32
      %lt3A_2586 = vector.broadcast %lt3A_2585 : i32 to vector<8x1024xi32>
      %lt3A_2587 = arith.cmpi slt, %add3A_2576, %lt3A_2586 : vector<8x1024xi32>
      %jit3A_2588 = arith.constant 0.000000e+00 : f32
      %broadcast_in_dim3A_2589 = vector.broadcast %jit3A_2588 : f32 to vector<8x1024xf32>
      %select_n3A_2590 = arith.select %lt3A_2587, %exp23A_2584, %broadcast_in_dim3A_2589 : vector<8x1024xi1>, vector<8x1024xf32>
      %add3A_2591 = arith.constant 8 : i32
      %add3A_2592 = vector.broadcast %add3A_2591 : i32 to vector<8x1024xi32>
      %add3A_2593 = arith.addi %add3A_2576, %add3A_2592 : vector<8x1024xi32>
      %add3A_2594 = arith.addf %add3A_2577, %select_n3A_2590 : vector<8x1024xf32>
      %get3A_2595 = arith.constant 1216 : index
      %get3A_2596 = arith.constant 0 : index
      %get3A_2597 = vector.load %arg1[%get3A_2595, %get3A_2596] : memref<2048x1024xf32, #tpu.memory_space<vmem>>, vector<8x1024xf32>
      %mul3A_2598 = arith.constant 92.3324813 : f32
      %mul3A_2599 = vector.broadcast %mul3A_2598 : f32 to vector<8x1024xf32>
      %mul3A_2600 = arith.mulf %get3A_2597, %mul3A_2599 : vector<8x1024xf32>
      %exp23A_2601 = math.exp2 %mul3A_2600 : vector<8x1024xf32>
      %lt3A_2602 = arith.constant 100000 : i32
      %lt3A_2603 = vector.broadcast %lt3A_2602 : i32 to vector<8x1024xi32>
      %lt3A_2604 = arith.cmpi slt, %add3A_2593, %lt3A_2603 : vector<8x1024xi32>
      %jit3A_2605 = arith.constant 0.000000e+00 : f32
      %broadcast_in_dim3A_2606 = vector.broadcast %jit3A_2605 : f32 to vector<8x1024xf32>
      %select_n3A_2607 = arith.select %lt3A_2604, %exp23A_2601, %broadcast_in_dim3A_2606 : vector<8x1024xi1>, vector<8x1024xf32>
      %add3A_2608 = arith.constant 8 : i32
      %add3A_2609 = vector.broadcast %add3A_2608 : i32 to vector<8x1024xi32>
      %add3A_2610 = arith.addi %add3A_2593, %add3A_2609 : vector<8x1024xi32>
      %add3A_2611 = arith.addf %add3A_2594, %select_n3A_2607 : vector<8x1024xf32>
      %get3A_2612 = arith.constant 1224 : index
      %get3A_2613 = arith.constant 0 : index
      %get3A_2614 = vector.load %arg1[%get3A_2612, %get3A_2613] : memref<2048x1024xf32, #tpu.memory_space<vmem>>, vector<8x1024xf32>
      %mul3A_2615 = arith.constant 92.3324813 : f32
      %mul3A_2616 = vector.broadcast %mul3A_2615 : f32 to vector<8x1024xf32>
      %mul3A_2617 = arith.mulf %get3A_2614, %mul3A_2616 : vector<8x1024xf32>
      %exp23A_2618 = math.exp2 %mul3A_2617 : vector<8x1024xf32>
      %lt3A_2619 = arith.constant 100000 : i32
      %lt3A_2620 = vector.broadcast %lt3A_2619 : i32 to vector<8x1024xi32>
      %lt3A_2621 = arith.cmpi slt, %add3A_2610, %lt3A_2620 : vector<8x1024xi32>
      %jit3A_2622 = arith.constant 0.000000e+00 : f32
      %broadcast_in_dim3A_2623 = vector.broadcast %jit3A_2622 : f32 to vector<8x1024xf32>
      %select_n3A_2624 = arith.select %lt3A_2621, %exp23A_2618, %broadcast_in_dim3A_2623 : vector<8x1024xi1>, vector<8x1024xf32>
      %add3A_2625 = arith.constant 8 : i32
      %add3A_2626 = vector.broadcast %add3A_2625 : i32 to vector<8x1024xi32>
      %add3A_2627 = arith.addi %add3A_2610, %add3A_2626 : vector<8x1024xi32>
      %add3A_2628 = arith.addf %add3A_2611, %select_n3A_2624 : vector<8x1024xf32>
      %get3A_2629 = arith.constant 1232 : index
      %get3A_2630 = arith.constant 0 : index
      %get3A_2631 = vector.load %arg1[%get3A_2629, %get3A_2630] : memref<2048x1024xf32, #tpu.memory_space<vmem>>, vector<8x1024xf32>
      %mul3A_2632 = arith.constant 92.3324813 : f32
      %mul3A_2633 = vector.broadcast %mul3A_2632 : f32 to vector<8x1024xf32>
      %mul3A_2634 = arith.mulf %get3A_2631, %mul3A_2633 : vector<8x1024xf32>
      %exp23A_2635 = math.exp2 %mul3A_2634 : vector<8x1024xf32>
      %lt3A_2636 = arith.constant 100000 : i32
      %lt3A_2637 = vector.broadcast %lt3A_2636 : i32 to vector<8x1024xi32>
      %lt3A_2638 = arith.cmpi slt, %add3A_2627, %lt3A_2637 : vector<8x1024xi32>
      %jit3A_2639 = arith.constant 0.000000e+00 : f32
      %broadcast_in_dim3A_2640 = vector.broadcast %jit3A_2639 : f32 to vector<8x1024xf32>
      %select_n3A_2641 = arith.select %lt3A_2638, %exp23A_2635, %broadcast_in_dim3A_2640 : vector<8x1024xi1>, vector<8x1024xf32>
      %add3A_2642 = arith.constant 8 : i32
      %add3A_2643 = vector.broadcast %add3A_2642 : i32 to vector<8x1024xi32>
      %add3A_2644 = arith.addi %add3A_2627, %add3A_2643 : vector<8x1024xi32>
      %add3A_2645 = arith.addf %add3A_2628, %select_n3A_2641 : vector<8x1024xf32>
      %get3A_2646 = arith.constant 1240 : index
      %get3A_2647 = arith.constant 0 : index
      %get3A_2648 = vector.load %arg1[%get3A_2646, %get3A_2647] : memref<2048x1024xf32, #tpu.memory_space<vmem>>, vector<8x1024xf32>
      %mul3A_2649 = arith.constant 92.3324813 : f32
      %mul3A_2650 = vector.broadcast %mul3A_2649 : f32 to vector<8x1024xf32>
      %mul3A_2651 = arith.mulf %get3A_2648, %mul3A_2650 : vector<8x1024xf32>
      %exp23A_2652 = math.exp2 %mul3A_2651 : vector<8x1024xf32>
      %lt3A_2653 = arith.constant 100000 : i32
      %lt3A_2654 = vector.broadcast %lt3A_2653 : i32 to vector<8x1024xi32>
      %lt3A_2655 = arith.cmpi slt, %add3A_2644, %lt3A_2654 : vector<8x1024xi32>
      %jit3A_2656 = arith.constant 0.000000e+00 : f32
      %broadcast_in_dim3A_2657 = vector.broadcast %jit3A_2656 : f32 to vector<8x1024xf32>
      %select_n3A_2658 = arith.select %lt3A_2655, %exp23A_2652, %broadcast_in_dim3A_2657 : vector<8x1024xi1>, vector<8x1024xf32>
      %add3A_2659 = arith.constant 8 : i32
      %add3A_2660 = vector.broadcast %add3A_2659 : i32 to vector<8x1024xi32>
      %add3A_2661 = arith.addi %add3A_2644, %add3A_2660 : vector<8x1024xi32>
      %add3A_2662 = arith.addf %add3A_2645, %select_n3A_2658 : vector<8x1024xf32>
      %get3A_2663 = arith.constant 1248 : index
      %get3A_2664 = arith.constant 0 : index
      %get3A_2665 = vector.load %arg1[%get3A_2663, %get3A_2664] : memref<2048x1024xf32, #tpu.memory_space<vmem>>, vector<8x1024xf32>
      %mul3A_2666 = arith.constant 92.3324813 : f32
      %mul3A_2667 = vector.broadcast %mul3A_2666 : f32 to vector<8x1024xf32>
      %mul3A_2668 = arith.mulf %get3A_2665, %mul3A_2667 : vector<8x1024xf32>
      %exp23A_2669 = math.exp2 %mul3A_2668 : vector<8x1024xf32>
      %lt3A_2670 = arith.constant 100000 : i32
      %lt3A_2671 = vector.broadcast %lt3A_2670 : i32 to vector<8x1024xi32>
      %lt3A_2672 = arith.cmpi slt, %add3A_2661, %lt3A_2671 : vector<8x1024xi32>
      %jit3A_2673 = arith.constant 0.000000e+00 : f32
      %broadcast_in_dim3A_2674 = vector.broadcast %jit3A_2673 : f32 to vector<8x1024xf32>
      %select_n3A_2675 = arith.select %lt3A_2672, %exp23A_2669, %broadcast_in_dim3A_2674 : vector<8x1024xi1>, vector<8x1024xf32>
      %add3A_2676 = arith.constant 8 : i32
      %add3A_2677 = vector.broadcast %add3A_2676 : i32 to vector<8x1024xi32>
      %add3A_2678 = arith.addi %add3A_2661, %add3A_2677 : vector<8x1024xi32>
      %add3A_2679 = arith.addf %add3A_2662, %select_n3A_2675 : vector<8x1024xf32>
      %get3A_2680 = arith.constant 1256 : index
      %get3A_2681 = arith.constant 0 : index
      %get3A_2682 = vector.load %arg1[%get3A_2680, %get3A_2681] : memref<2048x1024xf32, #tpu.memory_space<vmem>>, vector<8x1024xf32>
      %mul3A_2683 = arith.constant 92.3324813 : f32
      %mul3A_2684 = vector.broadcast %mul3A_2683 : f32 to vector<8x1024xf32>
      %mul3A_2685 = arith.mulf %get3A_2682, %mul3A_2684 : vector<8x1024xf32>
      %exp23A_2686 = math.exp2 %mul3A_2685 : vector<8x1024xf32>
      %lt3A_2687 = arith.constant 100000 : i32
      %lt3A_2688 = vector.broadcast %lt3A_2687 : i32 to vector<8x1024xi32>
      %lt3A_2689 = arith.cmpi slt, %add3A_2678, %lt3A_2688 : vector<8x1024xi32>
      %jit3A_2690 = arith.constant 0.000000e+00 : f32
      %broadcast_in_dim3A_2691 = vector.broadcast %jit3A_2690 : f32 to vector<8x1024xf32>
      %select_n3A_2692 = arith.select %lt3A_2689, %exp23A_2686, %broadcast_in_dim3A_2691 : vector<8x1024xi1>, vector<8x1024xf32>
      %add3A_2693 = arith.constant 8 : i32
      %add3A_2694 = vector.broadcast %add3A_2693 : i32 to vector<8x1024xi32>
      %add3A_2695 = arith.addi %add3A_2678, %add3A_2694 : vector<8x1024xi32>
      %add3A_2696 = arith.addf %add3A_2679, %select_n3A_2692 : vector<8x1024xf32>
      %get3A_2697 = arith.constant 1264 : index
      %get3A_2698 = arith.constant 0 : index
      %get3A_2699 = vector.load %arg1[%get3A_2697, %get3A_2698] : memref<2048x1024xf32, #tpu.memory_space<vmem>>, vector<8x1024xf32>
      %mul3A_2700 = arith.constant 92.3324813 : f32
      %mul3A_2701 = vector.broadcast %mul3A_2700 : f32 to vector<8x1024xf32>
      %mul3A_2702 = arith.mulf %get3A_2699, %mul3A_2701 : vector<8x1024xf32>
      %exp23A_2703 = math.exp2 %mul3A_2702 : vector<8x1024xf32>
      %lt3A_2704 = arith.constant 100000 : i32
      %lt3A_2705 = vector.broadcast %lt3A_2704 : i32 to vector<8x1024xi32>
      %lt3A_2706 = arith.cmpi slt, %add3A_2695, %lt3A_2705 : vector<8x1024xi32>
      %jit3A_2707 = arith.constant 0.000000e+00 : f32
      %broadcast_in_dim3A_2708 = vector.broadcast %jit3A_2707 : f32 to vector<8x1024xf32>
      %select_n3A_2709 = arith.select %lt3A_2706, %exp23A_2703, %broadcast_in_dim3A_2708 : vector<8x1024xi1>, vector<8x1024xf32>
      %add3A_2710 = arith.constant 8 : i32
      %add3A_2711 = vector.broadcast %add3A_2710 : i32 to vector<8x1024xi32>
      %add3A_2712 = arith.addi %add3A_2695, %add3A_2711 : vector<8x1024xi32>
      %add3A_2713 = arith.addf %add3A_2696, %select_n3A_2709 : vector<8x1024xf32>
      %get3A_2714 = arith.constant 1272 : index
      %get3A_2715 = arith.constant 0 : index
      %get3A_2716 = vector.load %arg1[%get3A_2714, %get3A_2715] : memref<2048x1024xf32, #tpu.memory_space<vmem>>, vector<8x1024xf32>
      %mul3A_2717 = arith.constant 92.3324813 : f32
      %mul3A_2718 = vector.broadcast %mul3A_2717 : f32 to vector<8x1024xf32>
      %mul3A_2719 = arith.mulf %get3A_2716, %mul3A_2718 : vector<8x1024xf32>
      %exp23A_2720 = math.exp2 %mul3A_2719 : vector<8x1024xf32>
      %lt3A_2721 = arith.constant 100000 : i32
      %lt3A_2722 = vector.broadcast %lt3A_2721 : i32 to vector<8x1024xi32>
      %lt3A_2723 = arith.cmpi slt, %add3A_2712, %lt3A_2722 : vector<8x1024xi32>
      %jit3A_2724 = arith.constant 0.000000e+00 : f32
      %broadcast_in_dim3A_2725 = vector.broadcast %jit3A_2724 : f32 to vector<8x1024xf32>
      %select_n3A_2726 = arith.select %lt3A_2723, %exp23A_2720, %broadcast_in_dim3A_2725 : vector<8x1024xi1>, vector<8x1024xf32>
      %add3A_2727 = arith.constant 8 : i32
      %add3A_2728 = vector.broadcast %add3A_2727 : i32 to vector<8x1024xi32>
      %add3A_2729 = arith.addi %add3A_2712, %add3A_2728 : vector<8x1024xi32>
      %add3A_2730 = arith.addf %add3A_2713, %select_n3A_2726 : vector<8x1024xf32>
      %get3A_2731 = arith.constant 1280 : index
      %get3A_2732 = arith.constant 0 : index
      %get3A_2733 = vector.load %arg1[%get3A_2731, %get3A_2732] : memref<2048x1024xf32, #tpu.memory_space<vmem>>, vector<8x1024xf32>
      %mul3A_2734 = arith.constant 92.3324813 : f32
      %mul3A_2735 = vector.broadcast %mul3A_2734 : f32 to vector<8x1024xf32>
      %mul3A_2736 = arith.mulf %get3A_2733, %mul3A_2735 : vector<8x1024xf32>
      %exp23A_2737 = math.exp2 %mul3A_2736 : vector<8x1024xf32>
      %lt3A_2738 = arith.constant 100000 : i32
      %lt3A_2739 = vector.broadcast %lt3A_2738 : i32 to vector<8x1024xi32>
      %lt3A_2740 = arith.cmpi slt, %add3A_2729, %lt3A_2739 : vector<8x1024xi32>
      %jit3A_2741 = arith.constant 0.000000e+00 : f32
      %broadcast_in_dim3A_2742 = vector.broadcast %jit3A_2741 : f32 to vector<8x1024xf32>
      %select_n3A_2743 = arith.select %lt3A_2740, %exp23A_2737, %broadcast_in_dim3A_2742 : vector<8x1024xi1>, vector<8x1024xf32>
      %add3A_2744 = arith.constant 8 : i32
      %add3A_2745 = vector.broadcast %add3A_2744 : i32 to vector<8x1024xi32>
      %add3A_2746 = arith.addi %add3A_2729, %add3A_2745 : vector<8x1024xi32>
      %add3A_2747 = arith.addf %add3A_2730, %select_n3A_2743 : vector<8x1024xf32>
      %get3A_2748 = arith.constant 1288 : index
      %get3A_2749 = arith.constant 0 : index
      %get3A_2750 = vector.load %arg1[%get3A_2748, %get3A_2749] : memref<2048x1024xf32, #tpu.memory_space<vmem>>, vector<8x1024xf32>
      %mul3A_2751 = arith.constant 92.3324813 : f32
      %mul3A_2752 = vector.broadcast %mul3A_2751 : f32 to vector<8x1024xf32>
      %mul3A_2753 = arith.mulf %get3A_2750, %mul3A_2752 : vector<8x1024xf32>
      %exp23A_2754 = math.exp2 %mul3A_2753 : vector<8x1024xf32>
      %lt3A_2755 = arith.constant 100000 : i32
      %lt3A_2756 = vector.broadcast %lt3A_2755 : i32 to vector<8x1024xi32>
      %lt3A_2757 = arith.cmpi slt, %add3A_2746, %lt3A_2756 : vector<8x1024xi32>
      %jit3A_2758 = arith.constant 0.000000e+00 : f32
      %broadcast_in_dim3A_2759 = vector.broadcast %jit3A_2758 : f32 to vector<8x1024xf32>
      %select_n3A_2760 = arith.select %lt3A_2757, %exp23A_2754, %broadcast_in_dim3A_2759 : vector<8x1024xi1>, vector<8x1024xf32>
      %add3A_2761 = arith.constant 8 : i32
      %add3A_2762 = vector.broadcast %add3A_2761 : i32 to vector<8x1024xi32>
      %add3A_2763 = arith.addi %add3A_2746, %add3A_2762 : vector<8x1024xi32>
      %add3A_2764 = arith.addf %add3A_2747, %select_n3A_2760 : vector<8x1024xf32>
      %get3A_2765 = arith.constant 1296 : index
      %get3A_2766 = arith.constant 0 : index
      %get3A_2767 = vector.load %arg1[%get3A_2765, %get3A_2766] : memref<2048x1024xf32, #tpu.memory_space<vmem>>, vector<8x1024xf32>
      %mul3A_2768 = arith.constant 92.3324813 : f32
      %mul3A_2769 = vector.broadcast %mul3A_2768 : f32 to vector<8x1024xf32>
      %mul3A_2770 = arith.mulf %get3A_2767, %mul3A_2769 : vector<8x1024xf32>
      %exp23A_2771 = math.exp2 %mul3A_2770 : vector<8x1024xf32>
      %lt3A_2772 = arith.constant 100000 : i32
      %lt3A_2773 = vector.broadcast %lt3A_2772 : i32 to vector<8x1024xi32>
      %lt3A_2774 = arith.cmpi slt, %add3A_2763, %lt3A_2773 : vector<8x1024xi32>
      %jit3A_2775 = arith.constant 0.000000e+00 : f32
      %broadcast_in_dim3A_2776 = vector.broadcast %jit3A_2775 : f32 to vector<8x1024xf32>
      %select_n3A_2777 = arith.select %lt3A_2774, %exp23A_2771, %broadcast_in_dim3A_2776 : vector<8x1024xi1>, vector<8x1024xf32>
      %add3A_2778 = arith.constant 8 : i32
      %add3A_2779 = vector.broadcast %add3A_2778 : i32 to vector<8x1024xi32>
      %add3A_2780 = arith.addi %add3A_2763, %add3A_2779 : vector<8x1024xi32>
      %add3A_2781 = arith.addf %add3A_2764, %select_n3A_2777 : vector<8x1024xf32>
      %get3A_2782 = arith.constant 1304 : index
      %get3A_2783 = arith.constant 0 : index
      %get3A_2784 = vector.load %arg1[%get3A_2782, %get3A_2783] : memref<2048x1024xf32, #tpu.memory_space<vmem>>, vector<8x1024xf32>
      %mul3A_2785 = arith.constant 92.3324813 : f32
      %mul3A_2786 = vector.broadcast %mul3A_2785 : f32 to vector<8x1024xf32>
      %mul3A_2787 = arith.mulf %get3A_2784, %mul3A_2786 : vector<8x1024xf32>
      %exp23A_2788 = math.exp2 %mul3A_2787 : vector<8x1024xf32>
      %lt3A_2789 = arith.constant 100000 : i32
      %lt3A_2790 = vector.broadcast %lt3A_2789 : i32 to vector<8x1024xi32>
      %lt3A_2791 = arith.cmpi slt, %add3A_2780, %lt3A_2790 : vector<8x1024xi32>
      %jit3A_2792 = arith.constant 0.000000e+00 : f32
      %broadcast_in_dim3A_2793 = vector.broadcast %jit3A_2792 : f32 to vector<8x1024xf32>
      %select_n3A_2794 = arith.select %lt3A_2791, %exp23A_2788, %broadcast_in_dim3A_2793 : vector<8x1024xi1>, vector<8x1024xf32>
      %add3A_2795 = arith.constant 8 : i32
      %add3A_2796 = vector.broadcast %add3A_2795 : i32 to vector<8x1024xi32>
      %add3A_2797 = arith.addi %add3A_2780, %add3A_2796 : vector<8x1024xi32>
      %add3A_2798 = arith.addf %add3A_2781, %select_n3A_2794 : vector<8x1024xf32>
      %get3A_2799 = arith.constant 1312 : index
      %get3A_2800 = arith.constant 0 : index
      %get3A_2801 = vector.load %arg1[%get3A_2799, %get3A_2800] : memref<2048x1024xf32, #tpu.memory_space<vmem>>, vector<8x1024xf32>
      %mul3A_2802 = arith.constant 92.3324813 : f32
      %mul3A_2803 = vector.broadcast %mul3A_2802 : f32 to vector<8x1024xf32>
      %mul3A_2804 = arith.mulf %get3A_2801, %mul3A_2803 : vector<8x1024xf32>
      %exp23A_2805 = math.exp2 %mul3A_2804 : vector<8x1024xf32>
      %lt3A_2806 = arith.constant 100000 : i32
      %lt3A_2807 = vector.broadcast %lt3A_2806 : i32 to vector<8x1024xi32>
      %lt3A_2808 = arith.cmpi slt, %add3A_2797, %lt3A_2807 : vector<8x1024xi32>
      %jit3A_2809 = arith.constant 0.000000e+00 : f32
      %broadcast_in_dim3A_2810 = vector.broadcast %jit3A_2809 : f32 to vector<8x1024xf32>
      %select_n3A_2811 = arith.select %lt3A_2808, %exp23A_2805, %broadcast_in_dim3A_2810 : vector<8x1024xi1>, vector<8x1024xf32>
      %add3A_2812 = arith.constant 8 : i32
      %add3A_2813 = vector.broadcast %add3A_2812 : i32 to vector<8x1024xi32>
      %add3A_2814 = arith.addi %add3A_2797, %add3A_2813 : vector<8x1024xi32>
      %add3A_2815 = arith.addf %add3A_2798, %select_n3A_2811 : vector<8x1024xf32>
      %get3A_2816 = arith.constant 1320 : index
      %get3A_2817 = arith.constant 0 : index
      %get3A_2818 = vector.load %arg1[%get3A_2816, %get3A_2817] : memref<2048x1024xf32, #tpu.memory_space<vmem>>, vector<8x1024xf32>
      %mul3A_2819 = arith.constant 92.3324813 : f32
      %mul3A_2820 = vector.broadcast %mul3A_2819 : f32 to vector<8x1024xf32>
      %mul3A_2821 = arith.mulf %get3A_2818, %mul3A_2820 : vector<8x1024xf32>
      %exp23A_2822 = math.exp2 %mul3A_2821 : vector<8x1024xf32>
      %lt3A_2823 = arith.constant 100000 : i32
      %lt3A_2824 = vector.broadcast %lt3A_2823 : i32 to vector<8x1024xi32>
      %lt3A_2825 = arith.cmpi slt, %add3A_2814, %lt3A_2824 : vector<8x1024xi32>
      %jit3A_2826 = arith.constant 0.000000e+00 : f32
      %broadcast_in_dim3A_2827 = vector.broadcast %jit3A_2826 : f32 to vector<8x1024xf32>
      %select_n3A_2828 = arith.select %lt3A_2825, %exp23A_2822, %broadcast_in_dim3A_2827 : vector<8x1024xi1>, vector<8x1024xf32>
      %add3A_2829 = arith.constant 8 : i32
      %add3A_2830 = vector.broadcast %add3A_2829 : i32 to vector<8x1024xi32>
      %add3A_2831 = arith.addi %add3A_2814, %add3A_2830 : vector<8x1024xi32>
      %add3A_2832 = arith.addf %add3A_2815, %select_n3A_2828 : vector<8x1024xf32>
      %get3A_2833 = arith.constant 1328 : index
      %get3A_2834 = arith.constant 0 : index
      %get3A_2835 = vector.load %arg1[%get3A_2833, %get3A_2834] : memref<2048x1024xf32, #tpu.memory_space<vmem>>, vector<8x1024xf32>
      %mul3A_2836 = arith.constant 92.3324813 : f32
      %mul3A_2837 = vector.broadcast %mul3A_2836 : f32 to vector<8x1024xf32>
      %mul3A_2838 = arith.mulf %get3A_2835, %mul3A_2837 : vector<8x1024xf32>
      %exp23A_2839 = math.exp2 %mul3A_2838 : vector<8x1024xf32>
      %lt3A_2840 = arith.constant 100000 : i32
      %lt3A_2841 = vector.broadcast %lt3A_2840 : i32 to vector<8x1024xi32>
      %lt3A_2842 = arith.cmpi slt, %add3A_2831, %lt3A_2841 : vector<8x1024xi32>
      %jit3A_2843 = arith.constant 0.000000e+00 : f32
      %broadcast_in_dim3A_2844 = vector.broadcast %jit3A_2843 : f32 to vector<8x1024xf32>
      %select_n3A_2845 = arith.select %lt3A_2842, %exp23A_2839, %broadcast_in_dim3A_2844 : vector<8x1024xi1>, vector<8x1024xf32>
      %add3A_2846 = arith.constant 8 : i32
      %add3A_2847 = vector.broadcast %add3A_2846 : i32 to vector<8x1024xi32>
      %add3A_2848 = arith.addi %add3A_2831, %add3A_2847 : vector<8x1024xi32>
      %add3A_2849 = arith.addf %add3A_2832, %select_n3A_2845 : vector<8x1024xf32>
      %get3A_2850 = arith.constant 1336 : index
      %get3A_2851 = arith.constant 0 : index
      %get3A_2852 = vector.load %arg1[%get3A_2850, %get3A_2851] : memref<2048x1024xf32, #tpu.memory_space<vmem>>, vector<8x1024xf32>
      %mul3A_2853 = arith.constant 92.3324813 : f32
      %mul3A_2854 = vector.broadcast %mul3A_2853 : f32 to vector<8x1024xf32>
      %mul3A_2855 = arith.mulf %get3A_2852, %mul3A_2854 : vector<8x1024xf32>
      %exp23A_2856 = math.exp2 %mul3A_2855 : vector<8x1024xf32>
      %lt3A_2857 = arith.constant 100000 : i32
      %lt3A_2858 = vector.broadcast %lt3A_2857 : i32 to vector<8x1024xi32>
      %lt3A_2859 = arith.cmpi slt, %add3A_2848, %lt3A_2858 : vector<8x1024xi32>
      %jit3A_2860 = arith.constant 0.000000e+00 : f32
      %broadcast_in_dim3A_2861 = vector.broadcast %jit3A_2860 : f32 to vector<8x1024xf32>
      %select_n3A_2862 = arith.select %lt3A_2859, %exp23A_2856, %broadcast_in_dim3A_2861 : vector<8x1024xi1>, vector<8x1024xf32>
      %add3A_2863 = arith.constant 8 : i32
      %add3A_2864 = vector.broadcast %add3A_2863 : i32 to vector<8x1024xi32>
      %add3A_2865 = arith.addi %add3A_2848, %add3A_2864 : vector<8x1024xi32>
      %add3A_2866 = arith.addf %add3A_2849, %select_n3A_2862 : vector<8x1024xf32>
      %get3A_2867 = arith.constant 1344 : index
      %get3A_2868 = arith.constant 0 : index
      %get3A_2869 = vector.load %arg1[%get3A_2867, %get3A_2868] : memref<2048x1024xf32, #tpu.memory_space<vmem>>, vector<8x1024xf32>
      %mul3A_2870 = arith.constant 92.3324813 : f32
      %mul3A_2871 = vector.broadcast %mul3A_2870 : f32 to vector<8x1024xf32>
      %mul3A_2872 = arith.mulf %get3A_2869, %mul3A_2871 : vector<8x1024xf32>
      %exp23A_2873 = math.exp2 %mul3A_2872 : vector<8x1024xf32>
      %lt3A_2874 = arith.constant 100000 : i32
      %lt3A_2875 = vector.broadcast %lt3A_2874 : i32 to vector<8x1024xi32>
      %lt3A_2876 = arith.cmpi slt, %add3A_2865, %lt3A_2875 : vector<8x1024xi32>
      %jit3A_2877 = arith.constant 0.000000e+00 : f32
      %broadcast_in_dim3A_2878 = vector.broadcast %jit3A_2877 : f32 to vector<8x1024xf32>
      %select_n3A_2879 = arith.select %lt3A_2876, %exp23A_2873, %broadcast_in_dim3A_2878 : vector<8x1024xi1>, vector<8x1024xf32>
      %add3A_2880 = arith.constant 8 : i32
      %add3A_2881 = vector.broadcast %add3A_2880 : i32 to vector<8x1024xi32>
      %add3A_2882 = arith.addi %add3A_2865, %add3A_2881 : vector<8x1024xi32>
      %add3A_2883 = arith.addf %add3A_2866, %select_n3A_2879 : vector<8x1024xf32>
      %get3A_2884 = arith.constant 1352 : index
      %get3A_2885 = arith.constant 0 : index
      %get3A_2886 = vector.load %arg1[%get3A_2884, %get3A_2885] : memref<2048x1024xf32, #tpu.memory_space<vmem>>, vector<8x1024xf32>
      %mul3A_2887 = arith.constant 92.3324813 : f32
      %mul3A_2888 = vector.broadcast %mul3A_2887 : f32 to vector<8x1024xf32>
      %mul3A_2889 = arith.mulf %get3A_2886, %mul3A_2888 : vector<8x1024xf32>
      %exp23A_2890 = math.exp2 %mul3A_2889 : vector<8x1024xf32>
      %lt3A_2891 = arith.constant 100000 : i32
      %lt3A_2892 = vector.broadcast %lt3A_2891 : i32 to vector<8x1024xi32>
      %lt3A_2893 = arith.cmpi slt, %add3A_2882, %lt3A_2892 : vector<8x1024xi32>
      %jit3A_2894 = arith.constant 0.000000e+00 : f32
      %broadcast_in_dim3A_2895 = vector.broadcast %jit3A_2894 : f32 to vector<8x1024xf32>
      %select_n3A_2896 = arith.select %lt3A_2893, %exp23A_2890, %broadcast_in_dim3A_2895 : vector<8x1024xi1>, vector<8x1024xf32>
      %add3A_2897 = arith.constant 8 : i32
      %add3A_2898 = vector.broadcast %add3A_2897 : i32 to vector<8x1024xi32>
      %add3A_2899 = arith.addi %add3A_2882, %add3A_2898 : vector<8x1024xi32>
      %add3A_2900 = arith.addf %add3A_2883, %select_n3A_2896 : vector<8x1024xf32>
      %get3A_2901 = arith.constant 1360 : index
      %get3A_2902 = arith.constant 0 : index
      %get3A_2903 = vector.load %arg1[%get3A_2901, %get3A_2902] : memref<2048x1024xf32, #tpu.memory_space<vmem>>, vector<8x1024xf32>
      %mul3A_2904 = arith.constant 92.3324813 : f32
      %mul3A_2905 = vector.broadcast %mul3A_2904 : f32 to vector<8x1024xf32>
      %mul3A_2906 = arith.mulf %get3A_2903, %mul3A_2905 : vector<8x1024xf32>
      %exp23A_2907 = math.exp2 %mul3A_2906 : vector<8x1024xf32>
      %lt3A_2908 = arith.constant 100000 : i32
      %lt3A_2909 = vector.broadcast %lt3A_2908 : i32 to vector<8x1024xi32>
      %lt3A_2910 = arith.cmpi slt, %add3A_2899, %lt3A_2909 : vector<8x1024xi32>
      %jit3A_2911 = arith.constant 0.000000e+00 : f32
      %broadcast_in_dim3A_2912 = vector.broadcast %jit3A_2911 : f32 to vector<8x1024xf32>
      %select_n3A_2913 = arith.select %lt3A_2910, %exp23A_2907, %broadcast_in_dim3A_2912 : vector<8x1024xi1>, vector<8x1024xf32>
      %add3A_2914 = arith.constant 8 : i32
      %add3A_2915 = vector.broadcast %add3A_2914 : i32 to vector<8x1024xi32>
      %add3A_2916 = arith.addi %add3A_2899, %add3A_2915 : vector<8x1024xi32>
      %add3A_2917 = arith.addf %add3A_2900, %select_n3A_2913 : vector<8x1024xf32>
      %get3A_2918 = arith.constant 1368 : index
      %get3A_2919 = arith.constant 0 : index
      %get3A_2920 = vector.load %arg1[%get3A_2918, %get3A_2919] : memref<2048x1024xf32, #tpu.memory_space<vmem>>, vector<8x1024xf32>
      %mul3A_2921 = arith.constant 92.3324813 : f32
      %mul3A_2922 = vector.broadcast %mul3A_2921 : f32 to vector<8x1024xf32>
      %mul3A_2923 = arith.mulf %get3A_2920, %mul3A_2922 : vector<8x1024xf32>
      %exp23A_2924 = math.exp2 %mul3A_2923 : vector<8x1024xf32>
      %lt3A_2925 = arith.constant 100000 : i32
      %lt3A_2926 = vector.broadcast %lt3A_2925 : i32 to vector<8x1024xi32>
      %lt3A_2927 = arith.cmpi slt, %add3A_2916, %lt3A_2926 : vector<8x1024xi32>
      %jit3A_2928 = arith.constant 0.000000e+00 : f32
      %broadcast_in_dim3A_2929 = vector.broadcast %jit3A_2928 : f32 to vector<8x1024xf32>
      %select_n3A_2930 = arith.select %lt3A_2927, %exp23A_2924, %broadcast_in_dim3A_2929 : vector<8x1024xi1>, vector<8x1024xf32>
      %add3A_2931 = arith.constant 8 : i32
      %add3A_2932 = vector.broadcast %add3A_2931 : i32 to vector<8x1024xi32>
      %add3A_2933 = arith.addi %add3A_2916, %add3A_2932 : vector<8x1024xi32>
      %add3A_2934 = arith.addf %add3A_2917, %select_n3A_2930 : vector<8x1024xf32>
      %get3A_2935 = arith.constant 1376 : index
      %get3A_2936 = arith.constant 0 : index
      %get3A_2937 = vector.load %arg1[%get3A_2935, %get3A_2936] : memref<2048x1024xf32, #tpu.memory_space<vmem>>, vector<8x1024xf32>
      %mul3A_2938 = arith.constant 92.3324813 : f32
      %mul3A_2939 = vector.broadcast %mul3A_2938 : f32 to vector<8x1024xf32>
      %mul3A_2940 = arith.mulf %get3A_2937, %mul3A_2939 : vector<8x1024xf32>
      %exp23A_2941 = math.exp2 %mul3A_2940 : vector<8x1024xf32>
      %lt3A_2942 = arith.constant 100000 : i32
      %lt3A_2943 = vector.broadcast %lt3A_2942 : i32 to vector<8x1024xi32>
      %lt3A_2944 = arith.cmpi slt, %add3A_2933, %lt3A_2943 : vector<8x1024xi32>
      %jit3A_2945 = arith.constant 0.000000e+00 : f32
      %broadcast_in_dim3A_2946 = vector.broadcast %jit3A_2945 : f32 to vector<8x1024xf32>
      %select_n3A_2947 = arith.select %lt3A_2944, %exp23A_2941, %broadcast_in_dim3A_2946 : vector<8x1024xi1>, vector<8x1024xf32>
      %add3A_2948 = arith.constant 8 : i32
      %add3A_2949 = vector.broadcast %add3A_2948 : i32 to vector<8x1024xi32>
      %add3A_2950 = arith.addi %add3A_2933, %add3A_2949 : vector<8x1024xi32>
      %add3A_2951 = arith.addf %add3A_2934, %select_n3A_2947 : vector<8x1024xf32>
      %get3A_2952 = arith.constant 1384 : index
      %get3A_2953 = arith.constant 0 : index
      %get3A_2954 = vector.load %arg1[%get3A_2952, %get3A_2953] : memref<2048x1024xf32, #tpu.memory_space<vmem>>, vector<8x1024xf32>
      %mul3A_2955 = arith.constant 92.3324813 : f32
      %mul3A_2956 = vector.broadcast %mul3A_2955 : f32 to vector<8x1024xf32>
      %mul3A_2957 = arith.mulf %get3A_2954, %mul3A_2956 : vector<8x1024xf32>
      %exp23A_2958 = math.exp2 %mul3A_2957 : vector<8x1024xf32>
      %lt3A_2959 = arith.constant 100000 : i32
      %lt3A_2960 = vector.broadcast %lt3A_2959 : i32 to vector<8x1024xi32>
      %lt3A_2961 = arith.cmpi slt, %add3A_2950, %lt3A_2960 : vector<8x1024xi32>
      %jit3A_2962 = arith.constant 0.000000e+00 : f32
      %broadcast_in_dim3A_2963 = vector.broadcast %jit3A_2962 : f32 to vector<8x1024xf32>
      %select_n3A_2964 = arith.select %lt3A_2961, %exp23A_2958, %broadcast_in_dim3A_2963 : vector<8x1024xi1>, vector<8x1024xf32>
      %add3A_2965 = arith.constant 8 : i32
      %add3A_2966 = vector.broadcast %add3A_2965 : i32 to vector<8x1024xi32>
      %add3A_2967 = arith.addi %add3A_2950, %add3A_2966 : vector<8x1024xi32>
      %add3A_2968 = arith.addf %add3A_2951, %select_n3A_2964 : vector<8x1024xf32>
      %get3A_2969 = arith.constant 1392 : index
      %get3A_2970 = arith.constant 0 : index
      %get3A_2971 = vector.load %arg1[%get3A_2969, %get3A_2970] : memref<2048x1024xf32, #tpu.memory_space<vmem>>, vector<8x1024xf32>
      %mul3A_2972 = arith.constant 92.3324813 : f32
      %mul3A_2973 = vector.broadcast %mul3A_2972 : f32 to vector<8x1024xf32>
      %mul3A_2974 = arith.mulf %get3A_2971, %mul3A_2973 : vector<8x1024xf32>
      %exp23A_2975 = math.exp2 %mul3A_2974 : vector<8x1024xf32>
      %lt3A_2976 = arith.constant 100000 : i32
      %lt3A_2977 = vector.broadcast %lt3A_2976 : i32 to vector<8x1024xi32>
      %lt3A_2978 = arith.cmpi slt, %add3A_2967, %lt3A_2977 : vector<8x1024xi32>
      %jit3A_2979 = arith.constant 0.000000e+00 : f32
      %broadcast_in_dim3A_2980 = vector.broadcast %jit3A_2979 : f32 to vector<8x1024xf32>
      %select_n3A_2981 = arith.select %lt3A_2978, %exp23A_2975, %broadcast_in_dim3A_2980 : vector<8x1024xi1>, vector<8x1024xf32>
      %add3A_2982 = arith.constant 8 : i32
      %add3A_2983 = vector.broadcast %add3A_2982 : i32 to vector<8x1024xi32>
      %add3A_2984 = arith.addi %add3A_2967, %add3A_2983 : vector<8x1024xi32>
      %add3A_2985 = arith.addf %add3A_2968, %select_n3A_2981 : vector<8x1024xf32>
      %get3A_2986 = arith.constant 1400 : index
      %get3A_2987 = arith.constant 0 : index
      %get3A_2988 = vector.load %arg1[%get3A_2986, %get3A_2987] : memref<2048x1024xf32, #tpu.memory_space<vmem>>, vector<8x1024xf32>
      %mul3A_2989 = arith.constant 92.3324813 : f32
      %mul3A_2990 = vector.broadcast %mul3A_2989 : f32 to vector<8x1024xf32>
      %mul3A_2991 = arith.mulf %get3A_2988, %mul3A_2990 : vector<8x1024xf32>
      %exp23A_2992 = math.exp2 %mul3A_2991 : vector<8x1024xf32>
      %lt3A_2993 = arith.constant 100000 : i32
      %lt3A_2994 = vector.broadcast %lt3A_2993 : i32 to vector<8x1024xi32>
      %lt3A_2995 = arith.cmpi slt, %add3A_2984, %lt3A_2994 : vector<8x1024xi32>
      %jit3A_2996 = arith.constant 0.000000e+00 : f32
      %broadcast_in_dim3A_2997 = vector.broadcast %jit3A_2996 : f32 to vector<8x1024xf32>
      %select_n3A_2998 = arith.select %lt3A_2995, %exp23A_2992, %broadcast_in_dim3A_2997 : vector<8x1024xi1>, vector<8x1024xf32>
      %add3A_2999 = arith.constant 8 : i32
      %add3A_3000 = vector.broadcast %add3A_2999 : i32 to vector<8x1024xi32>
      %add3A_3001 = arith.addi %add3A_2984, %add3A_3000 : vector<8x1024xi32>
      %add3A_3002 = arith.addf %add3A_2985, %select_n3A_2998 : vector<8x1024xf32>
      %get3A_3003 = arith.constant 1408 : index
      %get3A_3004 = arith.constant 0 : index
      %get3A_3005 = vector.load %arg1[%get3A_3003, %get3A_3004] : memref<2048x1024xf32, #tpu.memory_space<vmem>>, vector<8x1024xf32>
      %mul3A_3006 = arith.constant 92.3324813 : f32
      %mul3A_3007 = vector.broadcast %mul3A_3006 : f32 to vector<8x1024xf32>
      %mul3A_3008 = arith.mulf %get3A_3005, %mul3A_3007 : vector<8x1024xf32>
      %exp23A_3009 = math.exp2 %mul3A_3008 : vector<8x1024xf32>
      %lt3A_3010 = arith.constant 100000 : i32
      %lt3A_3011 = vector.broadcast %lt3A_3010 : i32 to vector<8x1024xi32>
      %lt3A_3012 = arith.cmpi slt, %add3A_3001, %lt3A_3011 : vector<8x1024xi32>
      %jit3A_3013 = arith.constant 0.000000e+00 : f32
      %broadcast_in_dim3A_3014 = vector.broadcast %jit3A_3013 : f32 to vector<8x1024xf32>
      %select_n3A_3015 = arith.select %lt3A_3012, %exp23A_3009, %broadcast_in_dim3A_3014 : vector<8x1024xi1>, vector<8x1024xf32>
      %add3A_3016 = arith.constant 8 : i32
      %add3A_3017 = vector.broadcast %add3A_3016 : i32 to vector<8x1024xi32>
      %add3A_3018 = arith.addi %add3A_3001, %add3A_3017 : vector<8x1024xi32>
      %add3A_3019 = arith.addf %add3A_3002, %select_n3A_3015 : vector<8x1024xf32>
      %get3A_3020 = arith.constant 1416 : index
      %get3A_3021 = arith.constant 0 : index
      %get3A_3022 = vector.load %arg1[%get3A_3020, %get3A_3021] : memref<2048x1024xf32, #tpu.memory_space<vmem>>, vector<8x1024xf32>
      %mul3A_3023 = arith.constant 92.3324813 : f32
      %mul3A_3024 = vector.broadcast %mul3A_3023 : f32 to vector<8x1024xf32>
      %mul3A_3025 = arith.mulf %get3A_3022, %mul3A_3024 : vector<8x1024xf32>
      %exp23A_3026 = math.exp2 %mul3A_3025 : vector<8x1024xf32>
      %lt3A_3027 = arith.constant 100000 : i32
      %lt3A_3028 = vector.broadcast %lt3A_3027 : i32 to vector<8x1024xi32>
      %lt3A_3029 = arith.cmpi slt, %add3A_3018, %lt3A_3028 : vector<8x1024xi32>
      %jit3A_3030 = arith.constant 0.000000e+00 : f32
      %broadcast_in_dim3A_3031 = vector.broadcast %jit3A_3030 : f32 to vector<8x1024xf32>
      %select_n3A_3032 = arith.select %lt3A_3029, %exp23A_3026, %broadcast_in_dim3A_3031 : vector<8x1024xi1>, vector<8x1024xf32>
      %add3A_3033 = arith.constant 8 : i32
      %add3A_3034 = vector.broadcast %add3A_3033 : i32 to vector<8x1024xi32>
      %add3A_3035 = arith.addi %add3A_3018, %add3A_3034 : vector<8x1024xi32>
      %add3A_3036 = arith.addf %add3A_3019, %select_n3A_3032 : vector<8x1024xf32>
      %get3A_3037 = arith.constant 1424 : index
      %get3A_3038 = arith.constant 0 : index
      %get3A_3039 = vector.load %arg1[%get3A_3037, %get3A_3038] : memref<2048x1024xf32, #tpu.memory_space<vmem>>, vector<8x1024xf32>
      %mul3A_3040 = arith.constant 92.3324813 : f32
      %mul3A_3041 = vector.broadcast %mul3A_3040 : f32 to vector<8x1024xf32>
      %mul3A_3042 = arith.mulf %get3A_3039, %mul3A_3041 : vector<8x1024xf32>
      %exp23A_3043 = math.exp2 %mul3A_3042 : vector<8x1024xf32>
      %lt3A_3044 = arith.constant 100000 : i32
      %lt3A_3045 = vector.broadcast %lt3A_3044 : i32 to vector<8x1024xi32>
      %lt3A_3046 = arith.cmpi slt, %add3A_3035, %lt3A_3045 : vector<8x1024xi32>
      %jit3A_3047 = arith.constant 0.000000e+00 : f32
      %broadcast_in_dim3A_3048 = vector.broadcast %jit3A_3047 : f32 to vector<8x1024xf32>
      %select_n3A_3049 = arith.select %lt3A_3046, %exp23A_3043, %broadcast_in_dim3A_3048 : vector<8x1024xi1>, vector<8x1024xf32>
      %add3A_3050 = arith.constant 8 : i32
      %add3A_3051 = vector.broadcast %add3A_3050 : i32 to vector<8x1024xi32>
      %add3A_3052 = arith.addi %add3A_3035, %add3A_3051 : vector<8x1024xi32>
      %add3A_3053 = arith.addf %add3A_3036, %select_n3A_3049 : vector<8x1024xf32>
      %get3A_3054 = arith.constant 1432 : index
      %get3A_3055 = arith.constant 0 : index
      %get3A_3056 = vector.load %arg1[%get3A_3054, %get3A_3055] : memref<2048x1024xf32, #tpu.memory_space<vmem>>, vector<8x1024xf32>
      %mul3A_3057 = arith.constant 92.3324813 : f32
      %mul3A_3058 = vector.broadcast %mul3A_3057 : f32 to vector<8x1024xf32>
      %mul3A_3059 = arith.mulf %get3A_3056, %mul3A_3058 : vector<8x1024xf32>
      %exp23A_3060 = math.exp2 %mul3A_3059 : vector<8x1024xf32>
      %lt3A_3061 = arith.constant 100000 : i32
      %lt3A_3062 = vector.broadcast %lt3A_3061 : i32 to vector<8x1024xi32>
      %lt3A_3063 = arith.cmpi slt, %add3A_3052, %lt3A_3062 : vector<8x1024xi32>
      %jit3A_3064 = arith.constant 0.000000e+00 : f32
      %broadcast_in_dim3A_3065 = vector.broadcast %jit3A_3064 : f32 to vector<8x1024xf32>
      %select_n3A_3066 = arith.select %lt3A_3063, %exp23A_3060, %broadcast_in_dim3A_3065 : vector<8x1024xi1>, vector<8x1024xf32>
      %add3A_3067 = arith.constant 8 : i32
      %add3A_3068 = vector.broadcast %add3A_3067 : i32 to vector<8x1024xi32>
      %add3A_3069 = arith.addi %add3A_3052, %add3A_3068 : vector<8x1024xi32>
      %add3A_3070 = arith.addf %add3A_3053, %select_n3A_3066 : vector<8x1024xf32>
      %get3A_3071 = arith.constant 1440 : index
      %get3A_3072 = arith.constant 0 : index
      %get3A_3073 = vector.load %arg1[%get3A_3071, %get3A_3072] : memref<2048x1024xf32, #tpu.memory_space<vmem>>, vector<8x1024xf32>
      %mul3A_3074 = arith.constant 92.3324813 : f32
      %mul3A_3075 = vector.broadcast %mul3A_3074 : f32 to vector<8x1024xf32>
      %mul3A_3076 = arith.mulf %get3A_3073, %mul3A_3075 : vector<8x1024xf32>
      %exp23A_3077 = math.exp2 %mul3A_3076 : vector<8x1024xf32>
      %lt3A_3078 = arith.constant 100000 : i32
      %lt3A_3079 = vector.broadcast %lt3A_3078 : i32 to vector<8x1024xi32>
      %lt3A_3080 = arith.cmpi slt, %add3A_3069, %lt3A_3079 : vector<8x1024xi32>
      %jit3A_3081 = arith.constant 0.000000e+00 : f32
      %broadcast_in_dim3A_3082 = vector.broadcast %jit3A_3081 : f32 to vector<8x1024xf32>
      %select_n3A_3083 = arith.select %lt3A_3080, %exp23A_3077, %broadcast_in_dim3A_3082 : vector<8x1024xi1>, vector<8x1024xf32>
      %add3A_3084 = arith.constant 8 : i32
      %add3A_3085 = vector.broadcast %add3A_3084 : i32 to vector<8x1024xi32>
      %add3A_3086 = arith.addi %add3A_3069, %add3A_3085 : vector<8x1024xi32>
      %add3A_3087 = arith.addf %add3A_3070, %select_n3A_3083 : vector<8x1024xf32>
      %get3A_3088 = arith.constant 1448 : index
      %get3A_3089 = arith.constant 0 : index
      %get3A_3090 = vector.load %arg1[%get3A_3088, %get3A_3089] : memref<2048x1024xf32, #tpu.memory_space<vmem>>, vector<8x1024xf32>
      %mul3A_3091 = arith.constant 92.3324813 : f32
      %mul3A_3092 = vector.broadcast %mul3A_3091 : f32 to vector<8x1024xf32>
      %mul3A_3093 = arith.mulf %get3A_3090, %mul3A_3092 : vector<8x1024xf32>
      %exp23A_3094 = math.exp2 %mul3A_3093 : vector<8x1024xf32>
      %lt3A_3095 = arith.constant 100000 : i32
      %lt3A_3096 = vector.broadcast %lt3A_3095 : i32 to vector<8x1024xi32>
      %lt3A_3097 = arith.cmpi slt, %add3A_3086, %lt3A_3096 : vector<8x1024xi32>
      %jit3A_3098 = arith.constant 0.000000e+00 : f32
      %broadcast_in_dim3A_3099 = vector.broadcast %jit3A_3098 : f32 to vector<8x1024xf32>
      %select_n3A_3100 = arith.select %lt3A_3097, %exp23A_3094, %broadcast_in_dim3A_3099 : vector<8x1024xi1>, vector<8x1024xf32>
      %add3A_3101 = arith.constant 8 : i32
      %add3A_3102 = vector.broadcast %add3A_3101 : i32 to vector<8x1024xi32>
      %add3A_3103 = arith.addi %add3A_3086, %add3A_3102 : vector<8x1024xi32>
      %add3A_3104 = arith.addf %add3A_3087, %select_n3A_3100 : vector<8x1024xf32>
      %get3A_3105 = arith.constant 1456 : index
      %get3A_3106 = arith.constant 0 : index
      %get3A_3107 = vector.load %arg1[%get3A_3105, %get3A_3106] : memref<2048x1024xf32, #tpu.memory_space<vmem>>, vector<8x1024xf32>
      %mul3A_3108 = arith.constant 92.3324813 : f32
      %mul3A_3109 = vector.broadcast %mul3A_3108 : f32 to vector<8x1024xf32>
      %mul3A_3110 = arith.mulf %get3A_3107, %mul3A_3109 : vector<8x1024xf32>
      %exp23A_3111 = math.exp2 %mul3A_3110 : vector<8x1024xf32>
      %lt3A_3112 = arith.constant 100000 : i32
      %lt3A_3113 = vector.broadcast %lt3A_3112 : i32 to vector<8x1024xi32>
      %lt3A_3114 = arith.cmpi slt, %add3A_3103, %lt3A_3113 : vector<8x1024xi32>
      %jit3A_3115 = arith.constant 0.000000e+00 : f32
      %broadcast_in_dim3A_3116 = vector.broadcast %jit3A_3115 : f32 to vector<8x1024xf32>
      %select_n3A_3117 = arith.select %lt3A_3114, %exp23A_3111, %broadcast_in_dim3A_3116 : vector<8x1024xi1>, vector<8x1024xf32>
      %add3A_3118 = arith.constant 8 : i32
      %add3A_3119 = vector.broadcast %add3A_3118 : i32 to vector<8x1024xi32>
      %add3A_3120 = arith.addi %add3A_3103, %add3A_3119 : vector<8x1024xi32>
      %add3A_3121 = arith.addf %add3A_3104, %select_n3A_3117 : vector<8x1024xf32>
      %get3A_3122 = arith.constant 1464 : index
      %get3A_3123 = arith.constant 0 : index
      %get3A_3124 = vector.load %arg1[%get3A_3122, %get3A_3123] : memref<2048x1024xf32, #tpu.memory_space<vmem>>, vector<8x1024xf32>
      %mul3A_3125 = arith.constant 92.3324813 : f32
      %mul3A_3126 = vector.broadcast %mul3A_3125 : f32 to vector<8x1024xf32>
      %mul3A_3127 = arith.mulf %get3A_3124, %mul3A_3126 : vector<8x1024xf32>
      %exp23A_3128 = math.exp2 %mul3A_3127 : vector<8x1024xf32>
      %lt3A_3129 = arith.constant 100000 : i32
      %lt3A_3130 = vector.broadcast %lt3A_3129 : i32 to vector<8x1024xi32>
      %lt3A_3131 = arith.cmpi slt, %add3A_3120, %lt3A_3130 : vector<8x1024xi32>
      %jit3A_3132 = arith.constant 0.000000e+00 : f32
      %broadcast_in_dim3A_3133 = vector.broadcast %jit3A_3132 : f32 to vector<8x1024xf32>
      %select_n3A_3134 = arith.select %lt3A_3131, %exp23A_3128, %broadcast_in_dim3A_3133 : vector<8x1024xi1>, vector<8x1024xf32>
      %add3A_3135 = arith.constant 8 : i32
      %add3A_3136 = vector.broadcast %add3A_3135 : i32 to vector<8x1024xi32>
      %add3A_3137 = arith.addi %add3A_3120, %add3A_3136 : vector<8x1024xi32>
      %add3A_3138 = arith.addf %add3A_3121, %select_n3A_3134 : vector<8x1024xf32>
      %get3A_3139 = arith.constant 1472 : index
      %get3A_3140 = arith.constant 0 : index
      %get3A_3141 = vector.load %arg1[%get3A_3139, %get3A_3140] : memref<2048x1024xf32, #tpu.memory_space<vmem>>, vector<8x1024xf32>
      %mul3A_3142 = arith.constant 92.3324813 : f32
      %mul3A_3143 = vector.broadcast %mul3A_3142 : f32 to vector<8x1024xf32>
      %mul3A_3144 = arith.mulf %get3A_3141, %mul3A_3143 : vector<8x1024xf32>
      %exp23A_3145 = math.exp2 %mul3A_3144 : vector<8x1024xf32>
      %lt3A_3146 = arith.constant 100000 : i32
      %lt3A_3147 = vector.broadcast %lt3A_3146 : i32 to vector<8x1024xi32>
      %lt3A_3148 = arith.cmpi slt, %add3A_3137, %lt3A_3147 : vector<8x1024xi32>
      %jit3A_3149 = arith.constant 0.000000e+00 : f32
      %broadcast_in_dim3A_3150 = vector.broadcast %jit3A_3149 : f32 to vector<8x1024xf32>
      %select_n3A_3151 = arith.select %lt3A_3148, %exp23A_3145, %broadcast_in_dim3A_3150 : vector<8x1024xi1>, vector<8x1024xf32>
      %add3A_3152 = arith.constant 8 : i32
      %add3A_3153 = vector.broadcast %add3A_3152 : i32 to vector<8x1024xi32>
      %add3A_3154 = arith.addi %add3A_3137, %add3A_3153 : vector<8x1024xi32>
      %add3A_3155 = arith.addf %add3A_3138, %select_n3A_3151 : vector<8x1024xf32>
      %get3A_3156 = arith.constant 1480 : index
      %get3A_3157 = arith.constant 0 : index
      %get3A_3158 = vector.load %arg1[%get3A_3156, %get3A_3157] : memref<2048x1024xf32, #tpu.memory_space<vmem>>, vector<8x1024xf32>
      %mul3A_3159 = arith.constant 92.3324813 : f32
      %mul3A_3160 = vector.broadcast %mul3A_3159 : f32 to vector<8x1024xf32>
      %mul3A_3161 = arith.mulf %get3A_3158, %mul3A_3160 : vector<8x1024xf32>
      %exp23A_3162 = math.exp2 %mul3A_3161 : vector<8x1024xf32>
      %lt3A_3163 = arith.constant 100000 : i32
      %lt3A_3164 = vector.broadcast %lt3A_3163 : i32 to vector<8x1024xi32>
      %lt3A_3165 = arith.cmpi slt, %add3A_3154, %lt3A_3164 : vector<8x1024xi32>
      %jit3A_3166 = arith.constant 0.000000e+00 : f32
      %broadcast_in_dim3A_3167 = vector.broadcast %jit3A_3166 : f32 to vector<8x1024xf32>
      %select_n3A_3168 = arith.select %lt3A_3165, %exp23A_3162, %broadcast_in_dim3A_3167 : vector<8x1024xi1>, vector<8x1024xf32>
      %add3A_3169 = arith.constant 8 : i32
      %add3A_3170 = vector.broadcast %add3A_3169 : i32 to vector<8x1024xi32>
      %add3A_3171 = arith.addi %add3A_3154, %add3A_3170 : vector<8x1024xi32>
      %add3A_3172 = arith.addf %add3A_3155, %select_n3A_3168 : vector<8x1024xf32>
      %get3A_3173 = arith.constant 1488 : index
      %get3A_3174 = arith.constant 0 : index
      %get3A_3175 = vector.load %arg1[%get3A_3173, %get3A_3174] : memref<2048x1024xf32, #tpu.memory_space<vmem>>, vector<8x1024xf32>
      %mul3A_3176 = arith.constant 92.3324813 : f32
      %mul3A_3177 = vector.broadcast %mul3A_3176 : f32 to vector<8x1024xf32>
      %mul3A_3178 = arith.mulf %get3A_3175, %mul3A_3177 : vector<8x1024xf32>
      %exp23A_3179 = math.exp2 %mul3A_3178 : vector<8x1024xf32>
      %lt3A_3180 = arith.constant 100000 : i32
      %lt3A_3181 = vector.broadcast %lt3A_3180 : i32 to vector<8x1024xi32>
      %lt3A_3182 = arith.cmpi slt, %add3A_3171, %lt3A_3181 : vector<8x1024xi32>
      %jit3A_3183 = arith.constant 0.000000e+00 : f32
      %broadcast_in_dim3A_3184 = vector.broadcast %jit3A_3183 : f32 to vector<8x1024xf32>
      %select_n3A_3185 = arith.select %lt3A_3182, %exp23A_3179, %broadcast_in_dim3A_3184 : vector<8x1024xi1>, vector<8x1024xf32>
      %add3A_3186 = arith.constant 8 : i32
      %add3A_3187 = vector.broadcast %add3A_3186 : i32 to vector<8x1024xi32>
      %add3A_3188 = arith.addi %add3A_3171, %add3A_3187 : vector<8x1024xi32>
      %add3A_3189 = arith.addf %add3A_3172, %select_n3A_3185 : vector<8x1024xf32>
      %get3A_3190 = arith.constant 1496 : index
      %get3A_3191 = arith.constant 0 : index
      %get3A_3192 = vector.load %arg1[%get3A_3190, %get3A_3191] : memref<2048x1024xf32, #tpu.memory_space<vmem>>, vector<8x1024xf32>
      %mul3A_3193 = arith.constant 92.3324813 : f32
      %mul3A_3194 = vector.broadcast %mul3A_3193 : f32 to vector<8x1024xf32>
      %mul3A_3195 = arith.mulf %get3A_3192, %mul3A_3194 : vector<8x1024xf32>
      %exp23A_3196 = math.exp2 %mul3A_3195 : vector<8x1024xf32>
      %lt3A_3197 = arith.constant 100000 : i32
      %lt3A_3198 = vector.broadcast %lt3A_3197 : i32 to vector<8x1024xi32>
      %lt3A_3199 = arith.cmpi slt, %add3A_3188, %lt3A_3198 : vector<8x1024xi32>
      %jit3A_3200 = arith.constant 0.000000e+00 : f32
      %broadcast_in_dim3A_3201 = vector.broadcast %jit3A_3200 : f32 to vector<8x1024xf32>
      %select_n3A_3202 = arith.select %lt3A_3199, %exp23A_3196, %broadcast_in_dim3A_3201 : vector<8x1024xi1>, vector<8x1024xf32>
      %add3A_3203 = arith.constant 8 : i32
      %add3A_3204 = vector.broadcast %add3A_3203 : i32 to vector<8x1024xi32>
      %add3A_3205 = arith.addi %add3A_3188, %add3A_3204 : vector<8x1024xi32>
      %add3A_3206 = arith.addf %add3A_3189, %select_n3A_3202 : vector<8x1024xf32>
      %get3A_3207 = arith.constant 1504 : index
      %get3A_3208 = arith.constant 0 : index
      %get3A_3209 = vector.load %arg1[%get3A_3207, %get3A_3208] : memref<2048x1024xf32, #tpu.memory_space<vmem>>, vector<8x1024xf32>
      %mul3A_3210 = arith.constant 92.3324813 : f32
      %mul3A_3211 = vector.broadcast %mul3A_3210 : f32 to vector<8x1024xf32>
      %mul3A_3212 = arith.mulf %get3A_3209, %mul3A_3211 : vector<8x1024xf32>
      %exp23A_3213 = math.exp2 %mul3A_3212 : vector<8x1024xf32>
      %lt3A_3214 = arith.constant 100000 : i32
      %lt3A_3215 = vector.broadcast %lt3A_3214 : i32 to vector<8x1024xi32>
      %lt3A_3216 = arith.cmpi slt, %add3A_3205, %lt3A_3215 : vector<8x1024xi32>
      %jit3A_3217 = arith.constant 0.000000e+00 : f32
      %broadcast_in_dim3A_3218 = vector.broadcast %jit3A_3217 : f32 to vector<8x1024xf32>
      %select_n3A_3219 = arith.select %lt3A_3216, %exp23A_3213, %broadcast_in_dim3A_3218 : vector<8x1024xi1>, vector<8x1024xf32>
      %add3A_3220 = arith.constant 8 : i32
      %add3A_3221 = vector.broadcast %add3A_3220 : i32 to vector<8x1024xi32>
      %add3A_3222 = arith.addi %add3A_3205, %add3A_3221 : vector<8x1024xi32>
      %add3A_3223 = arith.addf %add3A_3206, %select_n3A_3219 : vector<8x1024xf32>
      %get3A_3224 = arith.constant 1512 : index
      %get3A_3225 = arith.constant 0 : index
      %get3A_3226 = vector.load %arg1[%get3A_3224, %get3A_3225] : memref<2048x1024xf32, #tpu.memory_space<vmem>>, vector<8x1024xf32>
      %mul3A_3227 = arith.constant 92.3324813 : f32
      %mul3A_3228 = vector.broadcast %mul3A_3227 : f32 to vector<8x1024xf32>
      %mul3A_3229 = arith.mulf %get3A_3226, %mul3A_3228 : vector<8x1024xf32>
      %exp23A_3230 = math.exp2 %mul3A_3229 : vector<8x1024xf32>
      %lt3A_3231 = arith.constant 100000 : i32
      %lt3A_3232 = vector.broadcast %lt3A_3231 : i32 to vector<8x1024xi32>
      %lt3A_3233 = arith.cmpi slt, %add3A_3222, %lt3A_3232 : vector<8x1024xi32>
      %jit3A_3234 = arith.constant 0.000000e+00 : f32
      %broadcast_in_dim3A_3235 = vector.broadcast %jit3A_3234 : f32 to vector<8x1024xf32>
      %select_n3A_3236 = arith.select %lt3A_3233, %exp23A_3230, %broadcast_in_dim3A_3235 : vector<8x1024xi1>, vector<8x1024xf32>
      %add3A_3237 = arith.constant 8 : i32
      %add3A_3238 = vector.broadcast %add3A_3237 : i32 to vector<8x1024xi32>
      %add3A_3239 = arith.addi %add3A_3222, %add3A_3238 : vector<8x1024xi32>
      %add3A_3240 = arith.addf %add3A_3223, %select_n3A_3236 : vector<8x1024xf32>
      %get3A_3241 = arith.constant 1520 : index
      %get3A_3242 = arith.constant 0 : index
      %get3A_3243 = vector.load %arg1[%get3A_3241, %get3A_3242] : memref<2048x1024xf32, #tpu.memory_space<vmem>>, vector<8x1024xf32>
      %mul3A_3244 = arith.constant 92.3324813 : f32
      %mul3A_3245 = vector.broadcast %mul3A_3244 : f32 to vector<8x1024xf32>
      %mul3A_3246 = arith.mulf %get3A_3243, %mul3A_3245 : vector<8x1024xf32>
      %exp23A_3247 = math.exp2 %mul3A_3246 : vector<8x1024xf32>
      %lt3A_3248 = arith.constant 100000 : i32
      %lt3A_3249 = vector.broadcast %lt3A_3248 : i32 to vector<8x1024xi32>
      %lt3A_3250 = arith.cmpi slt, %add3A_3239, %lt3A_3249 : vector<8x1024xi32>
      %jit3A_3251 = arith.constant 0.000000e+00 : f32
      %broadcast_in_dim3A_3252 = vector.broadcast %jit3A_3251 : f32 to vector<8x1024xf32>
      %select_n3A_3253 = arith.select %lt3A_3250, %exp23A_3247, %broadcast_in_dim3A_3252 : vector<8x1024xi1>, vector<8x1024xf32>
      %add3A_3254 = arith.constant 8 : i32
      %add3A_3255 = vector.broadcast %add3A_3254 : i32 to vector<8x1024xi32>
      %add3A_3256 = arith.addi %add3A_3239, %add3A_3255 : vector<8x1024xi32>
      %add3A_3257 = arith.addf %add3A_3240, %select_n3A_3253 : vector<8x1024xf32>
      %get3A_3258 = arith.constant 1528 : index
      %get3A_3259 = arith.constant 0 : index
      %get3A_3260 = vector.load %arg1[%get3A_3258, %get3A_3259] : memref<2048x1024xf32, #tpu.memory_space<vmem>>, vector<8x1024xf32>
      %mul3A_3261 = arith.constant 92.3324813 : f32
      %mul3A_3262 = vector.broadcast %mul3A_3261 : f32 to vector<8x1024xf32>
      %mul3A_3263 = arith.mulf %get3A_3260, %mul3A_3262 : vector<8x1024xf32>
      %exp23A_3264 = math.exp2 %mul3A_3263 : vector<8x1024xf32>
      %lt3A_3265 = arith.constant 100000 : i32
      %lt3A_3266 = vector.broadcast %lt3A_3265 : i32 to vector<8x1024xi32>
      %lt3A_3267 = arith.cmpi slt, %add3A_3256, %lt3A_3266 : vector<8x1024xi32>
      %jit3A_3268 = arith.constant 0.000000e+00 : f32
      %broadcast_in_dim3A_3269 = vector.broadcast %jit3A_3268 : f32 to vector<8x1024xf32>
      %select_n3A_3270 = arith.select %lt3A_3267, %exp23A_3264, %broadcast_in_dim3A_3269 : vector<8x1024xi1>, vector<8x1024xf32>
      %add3A_3271 = arith.constant 8 : i32
      %add3A_3272 = vector.broadcast %add3A_3271 : i32 to vector<8x1024xi32>
      %add3A_3273 = arith.addi %add3A_3256, %add3A_3272 : vector<8x1024xi32>
      %add3A_3274 = arith.addf %add3A_3257, %select_n3A_3270 : vector<8x1024xf32>
      %get3A_3275 = arith.constant 1536 : index
      %get3A_3276 = arith.constant 0 : index
      %get3A_3277 = vector.load %arg1[%get3A_3275, %get3A_3276] : memref<2048x1024xf32, #tpu.memory_space<vmem>>, vector<8x1024xf32>
      %mul3A_3278 = arith.constant 92.3324813 : f32
      %mul3A_3279 = vector.broadcast %mul3A_3278 : f32 to vector<8x1024xf32>
      %mul3A_3280 = arith.mulf %get3A_3277, %mul3A_3279 : vector<8x1024xf32>
      %exp23A_3281 = math.exp2 %mul3A_3280 : vector<8x1024xf32>
      %lt3A_3282 = arith.constant 100000 : i32
      %lt3A_3283 = vector.broadcast %lt3A_3282 : i32 to vector<8x1024xi32>
      %lt3A_3284 = arith.cmpi slt, %add3A_3273, %lt3A_3283 : vector<8x1024xi32>
      %jit3A_3285 = arith.constant 0.000000e+00 : f32
      %broadcast_in_dim3A_3286 = vector.broadcast %jit3A_3285 : f32 to vector<8x1024xf32>
      %select_n3A_3287 = arith.select %lt3A_3284, %exp23A_3281, %broadcast_in_dim3A_3286 : vector<8x1024xi1>, vector<8x1024xf32>
      %add3A_3288 = arith.constant 8 : i32
      %add3A_3289 = vector.broadcast %add3A_3288 : i32 to vector<8x1024xi32>
      %add3A_3290 = arith.addi %add3A_3273, %add3A_3289 : vector<8x1024xi32>
      %add3A_3291 = arith.addf %add3A_3274, %select_n3A_3287 : vector<8x1024xf32>
      %get3A_3292 = arith.constant 1544 : index
      %get3A_3293 = arith.constant 0 : index
      %get3A_3294 = vector.load %arg1[%get3A_3292, %get3A_3293] : memref<2048x1024xf32, #tpu.memory_space<vmem>>, vector<8x1024xf32>
      %mul3A_3295 = arith.constant 92.3324813 : f32
      %mul3A_3296 = vector.broadcast %mul3A_3295 : f32 to vector<8x1024xf32>
      %mul3A_3297 = arith.mulf %get3A_3294, %mul3A_3296 : vector<8x1024xf32>
      %exp23A_3298 = math.exp2 %mul3A_3297 : vector<8x1024xf32>
      %lt3A_3299 = arith.constant 100000 : i32
      %lt3A_3300 = vector.broadcast %lt3A_3299 : i32 to vector<8x1024xi32>
      %lt3A_3301 = arith.cmpi slt, %add3A_3290, %lt3A_3300 : vector<8x1024xi32>
      %jit3A_3302 = arith.constant 0.000000e+00 : f32
      %broadcast_in_dim3A_3303 = vector.broadcast %jit3A_3302 : f32 to vector<8x1024xf32>
      %select_n3A_3304 = arith.select %lt3A_3301, %exp23A_3298, %broadcast_in_dim3A_3303 : vector<8x1024xi1>, vector<8x1024xf32>
      %add3A_3305 = arith.constant 8 : i32
      %add3A_3306 = vector.broadcast %add3A_3305 : i32 to vector<8x1024xi32>
      %add3A_3307 = arith.addi %add3A_3290, %add3A_3306 : vector<8x1024xi32>
      %add3A_3308 = arith.addf %add3A_3291, %select_n3A_3304 : vector<8x1024xf32>
      %get3A_3309 = arith.constant 1552 : index
      %get3A_3310 = arith.constant 0 : index
      %get3A_3311 = vector.load %arg1[%get3A_3309, %get3A_3310] : memref<2048x1024xf32, #tpu.memory_space<vmem>>, vector<8x1024xf32>
      %mul3A_3312 = arith.constant 92.3324813 : f32
      %mul3A_3313 = vector.broadcast %mul3A_3312 : f32 to vector<8x1024xf32>
      %mul3A_3314 = arith.mulf %get3A_3311, %mul3A_3313 : vector<8x1024xf32>
      %exp23A_3315 = math.exp2 %mul3A_3314 : vector<8x1024xf32>
      %lt3A_3316 = arith.constant 100000 : i32
      %lt3A_3317 = vector.broadcast %lt3A_3316 : i32 to vector<8x1024xi32>
      %lt3A_3318 = arith.cmpi slt, %add3A_3307, %lt3A_3317 : vector<8x1024xi32>
      %jit3A_3319 = arith.constant 0.000000e+00 : f32
      %broadcast_in_dim3A_3320 = vector.broadcast %jit3A_3319 : f32 to vector<8x1024xf32>
      %select_n3A_3321 = arith.select %lt3A_3318, %exp23A_3315, %broadcast_in_dim3A_3320 : vector<8x1024xi1>, vector<8x1024xf32>
      %add3A_3322 = arith.constant 8 : i32
      %add3A_3323 = vector.broadcast %add3A_3322 : i32 to vector<8x1024xi32>
      %add3A_3324 = arith.addi %add3A_3307, %add3A_3323 : vector<8x1024xi32>
      %add3A_3325 = arith.addf %add3A_3308, %select_n3A_3321 : vector<8x1024xf32>
      %get3A_3326 = arith.constant 1560 : index
      %get3A_3327 = arith.constant 0 : index
      %get3A_3328 = vector.load %arg1[%get3A_3326, %get3A_3327] : memref<2048x1024xf32, #tpu.memory_space<vmem>>, vector<8x1024xf32>
      %mul3A_3329 = arith.constant 92.3324813 : f32
      %mul3A_3330 = vector.broadcast %mul3A_3329 : f32 to vector<8x1024xf32>
      %mul3A_3331 = arith.mulf %get3A_3328, %mul3A_3330 : vector<8x1024xf32>
      %exp23A_3332 = math.exp2 %mul3A_3331 : vector<8x1024xf32>
      %lt3A_3333 = arith.constant 100000 : i32
      %lt3A_3334 = vector.broadcast %lt3A_3333 : i32 to vector<8x1024xi32>
      %lt3A_3335 = arith.cmpi slt, %add3A_3324, %lt3A_3334 : vector<8x1024xi32>
      %jit3A_3336 = arith.constant 0.000000e+00 : f32
      %broadcast_in_dim3A_3337 = vector.broadcast %jit3A_3336 : f32 to vector<8x1024xf32>
      %select_n3A_3338 = arith.select %lt3A_3335, %exp23A_3332, %broadcast_in_dim3A_3337 : vector<8x1024xi1>, vector<8x1024xf32>
      %add3A_3339 = arith.constant 8 : i32
      %add3A_3340 = vector.broadcast %add3A_3339 : i32 to vector<8x1024xi32>
      %add3A_3341 = arith.addi %add3A_3324, %add3A_3340 : vector<8x1024xi32>
      %add3A_3342 = arith.addf %add3A_3325, %select_n3A_3338 : vector<8x1024xf32>
      %get3A_3343 = arith.constant 1568 : index
      %get3A_3344 = arith.constant 0 : index
      %get3A_3345 = vector.load %arg1[%get3A_3343, %get3A_3344] : memref<2048x1024xf32, #tpu.memory_space<vmem>>, vector<8x1024xf32>
      %mul3A_3346 = arith.constant 92.3324813 : f32
      %mul3A_3347 = vector.broadcast %mul3A_3346 : f32 to vector<8x1024xf32>
      %mul3A_3348 = arith.mulf %get3A_3345, %mul3A_3347 : vector<8x1024xf32>
      %exp23A_3349 = math.exp2 %mul3A_3348 : vector<8x1024xf32>
      %lt3A_3350 = arith.constant 100000 : i32
      %lt3A_3351 = vector.broadcast %lt3A_3350 : i32 to vector<8x1024xi32>
      %lt3A_3352 = arith.cmpi slt, %add3A_3341, %lt3A_3351 : vector<8x1024xi32>
      %jit3A_3353 = arith.constant 0.000000e+00 : f32
      %broadcast_in_dim3A_3354 = vector.broadcast %jit3A_3353 : f32 to vector<8x1024xf32>
      %select_n3A_3355 = arith.select %lt3A_3352, %exp23A_3349, %broadcast_in_dim3A_3354 : vector<8x1024xi1>, vector<8x1024xf32>
      %add3A_3356 = arith.constant 8 : i32
      %add3A_3357 = vector.broadcast %add3A_3356 : i32 to vector<8x1024xi32>
      %add3A_3358 = arith.addi %add3A_3341, %add3A_3357 : vector<8x1024xi32>
      %add3A_3359 = arith.addf %add3A_3342, %select_n3A_3355 : vector<8x1024xf32>
      %get3A_3360 = arith.constant 1576 : index
      %get3A_3361 = arith.constant 0 : index
      %get3A_3362 = vector.load %arg1[%get3A_3360, %get3A_3361] : memref<2048x1024xf32, #tpu.memory_space<vmem>>, vector<8x1024xf32>
      %mul3A_3363 = arith.constant 92.3324813 : f32
      %mul3A_3364 = vector.broadcast %mul3A_3363 : f32 to vector<8x1024xf32>
      %mul3A_3365 = arith.mulf %get3A_3362, %mul3A_3364 : vector<8x1024xf32>
      %exp23A_3366 = math.exp2 %mul3A_3365 : vector<8x1024xf32>
      %lt3A_3367 = arith.constant 100000 : i32
      %lt3A_3368 = vector.broadcast %lt3A_3367 : i32 to vector<8x1024xi32>
      %lt3A_3369 = arith.cmpi slt, %add3A_3358, %lt3A_3368 : vector<8x1024xi32>
      %jit3A_3370 = arith.constant 0.000000e+00 : f32
      %broadcast_in_dim3A_3371 = vector.broadcast %jit3A_3370 : f32 to vector<8x1024xf32>
      %select_n3A_3372 = arith.select %lt3A_3369, %exp23A_3366, %broadcast_in_dim3A_3371 : vector<8x1024xi1>, vector<8x1024xf32>
      %add3A_3373 = arith.constant 8 : i32
      %add3A_3374 = vector.broadcast %add3A_3373 : i32 to vector<8x1024xi32>
      %add3A_3375 = arith.addi %add3A_3358, %add3A_3374 : vector<8x1024xi32>
      %add3A_3376 = arith.addf %add3A_3359, %select_n3A_3372 : vector<8x1024xf32>
      %get3A_3377 = arith.constant 1584 : index
      %get3A_3378 = arith.constant 0 : index
      %get3A_3379 = vector.load %arg1[%get3A_3377, %get3A_3378] : memref<2048x1024xf32, #tpu.memory_space<vmem>>, vector<8x1024xf32>
      %mul3A_3380 = arith.constant 92.3324813 : f32
      %mul3A_3381 = vector.broadcast %mul3A_3380 : f32 to vector<8x1024xf32>
      %mul3A_3382 = arith.mulf %get3A_3379, %mul3A_3381 : vector<8x1024xf32>
      %exp23A_3383 = math.exp2 %mul3A_3382 : vector<8x1024xf32>
      %lt3A_3384 = arith.constant 100000 : i32
      %lt3A_3385 = vector.broadcast %lt3A_3384 : i32 to vector<8x1024xi32>
      %lt3A_3386 = arith.cmpi slt, %add3A_3375, %lt3A_3385 : vector<8x1024xi32>
      %jit3A_3387 = arith.constant 0.000000e+00 : f32
      %broadcast_in_dim3A_3388 = vector.broadcast %jit3A_3387 : f32 to vector<8x1024xf32>
      %select_n3A_3389 = arith.select %lt3A_3386, %exp23A_3383, %broadcast_in_dim3A_3388 : vector<8x1024xi1>, vector<8x1024xf32>
      %add3A_3390 = arith.constant 8 : i32
      %add3A_3391 = vector.broadcast %add3A_3390 : i32 to vector<8x1024xi32>
      %add3A_3392 = arith.addi %add3A_3375, %add3A_3391 : vector<8x1024xi32>
      %add3A_3393 = arith.addf %add3A_3376, %select_n3A_3389 : vector<8x1024xf32>
      %get3A_3394 = arith.constant 1592 : index
      %get3A_3395 = arith.constant 0 : index
      %get3A_3396 = vector.load %arg1[%get3A_3394, %get3A_3395] : memref<2048x1024xf32, #tpu.memory_space<vmem>>, vector<8x1024xf32>
      %mul3A_3397 = arith.constant 92.3324813 : f32
      %mul3A_3398 = vector.broadcast %mul3A_3397 : f32 to vector<8x1024xf32>
      %mul3A_3399 = arith.mulf %get3A_3396, %mul3A_3398 : vector<8x1024xf32>
      %exp23A_3400 = math.exp2 %mul3A_3399 : vector<8x1024xf32>
      %lt3A_3401 = arith.constant 100000 : i32
      %lt3A_3402 = vector.broadcast %lt3A_3401 : i32 to vector<8x1024xi32>
      %lt3A_3403 = arith.cmpi slt, %add3A_3392, %lt3A_3402 : vector<8x1024xi32>
      %jit3A_3404 = arith.constant 0.000000e+00 : f32
      %broadcast_in_dim3A_3405 = vector.broadcast %jit3A_3404 : f32 to vector<8x1024xf32>
      %select_n3A_3406 = arith.select %lt3A_3403, %exp23A_3400, %broadcast_in_dim3A_3405 : vector<8x1024xi1>, vector<8x1024xf32>
      %add3A_3407 = arith.constant 8 : i32
      %add3A_3408 = vector.broadcast %add3A_3407 : i32 to vector<8x1024xi32>
      %add3A_3409 = arith.addi %add3A_3392, %add3A_3408 : vector<8x1024xi32>
      %add3A_3410 = arith.addf %add3A_3393, %select_n3A_3406 : vector<8x1024xf32>
      %get3A_3411 = arith.constant 1600 : index
      %get3A_3412 = arith.constant 0 : index
      %get3A_3413 = vector.load %arg1[%get3A_3411, %get3A_3412] : memref<2048x1024xf32, #tpu.memory_space<vmem>>, vector<8x1024xf32>
      %mul3A_3414 = arith.constant 92.3324813 : f32
      %mul3A_3415 = vector.broadcast %mul3A_3414 : f32 to vector<8x1024xf32>
      %mul3A_3416 = arith.mulf %get3A_3413, %mul3A_3415 : vector<8x1024xf32>
      %exp23A_3417 = math.exp2 %mul3A_3416 : vector<8x1024xf32>
      %lt3A_3418 = arith.constant 100000 : i32
      %lt3A_3419 = vector.broadcast %lt3A_3418 : i32 to vector<8x1024xi32>
      %lt3A_3420 = arith.cmpi slt, %add3A_3409, %lt3A_3419 : vector<8x1024xi32>
      %jit3A_3421 = arith.constant 0.000000e+00 : f32
      %broadcast_in_dim3A_3422 = vector.broadcast %jit3A_3421 : f32 to vector<8x1024xf32>
      %select_n3A_3423 = arith.select %lt3A_3420, %exp23A_3417, %broadcast_in_dim3A_3422 : vector<8x1024xi1>, vector<8x1024xf32>
      %add3A_3424 = arith.constant 8 : i32
      %add3A_3425 = vector.broadcast %add3A_3424 : i32 to vector<8x1024xi32>
      %add3A_3426 = arith.addi %add3A_3409, %add3A_3425 : vector<8x1024xi32>
      %add3A_3427 = arith.addf %add3A_3410, %select_n3A_3423 : vector<8x1024xf32>
      %get3A_3428 = arith.constant 1608 : index
      %get3A_3429 = arith.constant 0 : index
      %get3A_3430 = vector.load %arg1[%get3A_3428, %get3A_3429] : memref<2048x1024xf32, #tpu.memory_space<vmem>>, vector<8x1024xf32>
      %mul3A_3431 = arith.constant 92.3324813 : f32
      %mul3A_3432 = vector.broadcast %mul3A_3431 : f32 to vector<8x1024xf32>
      %mul3A_3433 = arith.mulf %get3A_3430, %mul3A_3432 : vector<8x1024xf32>
      %exp23A_3434 = math.exp2 %mul3A_3433 : vector<8x1024xf32>
      %lt3A_3435 = arith.constant 100000 : i32
      %lt3A_3436 = vector.broadcast %lt3A_3435 : i32 to vector<8x1024xi32>
      %lt3A_3437 = arith.cmpi slt, %add3A_3426, %lt3A_3436 : vector<8x1024xi32>
      %jit3A_3438 = arith.constant 0.000000e+00 : f32
      %broadcast_in_dim3A_3439 = vector.broadcast %jit3A_3438 : f32 to vector<8x1024xf32>
      %select_n3A_3440 = arith.select %lt3A_3437, %exp23A_3434, %broadcast_in_dim3A_3439 : vector<8x1024xi1>, vector<8x1024xf32>
      %add3A_3441 = arith.constant 8 : i32
      %add3A_3442 = vector.broadcast %add3A_3441 : i32 to vector<8x1024xi32>
      %add3A_3443 = arith.addi %add3A_3426, %add3A_3442 : vector<8x1024xi32>
      %add3A_3444 = arith.addf %add3A_3427, %select_n3A_3440 : vector<8x1024xf32>
      %get3A_3445 = arith.constant 1616 : index
      %get3A_3446 = arith.constant 0 : index
      %get3A_3447 = vector.load %arg1[%get3A_3445, %get3A_3446] : memref<2048x1024xf32, #tpu.memory_space<vmem>>, vector<8x1024xf32>
      %mul3A_3448 = arith.constant 92.3324813 : f32
      %mul3A_3449 = vector.broadcast %mul3A_3448 : f32 to vector<8x1024xf32>
      %mul3A_3450 = arith.mulf %get3A_3447, %mul3A_3449 : vector<8x1024xf32>
      %exp23A_3451 = math.exp2 %mul3A_3450 : vector<8x1024xf32>
      %lt3A_3452 = arith.constant 100000 : i32
      %lt3A_3453 = vector.broadcast %lt3A_3452 : i32 to vector<8x1024xi32>
      %lt3A_3454 = arith.cmpi slt, %add3A_3443, %lt3A_3453 : vector<8x1024xi32>
      %jit3A_3455 = arith.constant 0.000000e+00 : f32
      %broadcast_in_dim3A_3456 = vector.broadcast %jit3A_3455 : f32 to vector<8x1024xf32>
      %select_n3A_3457 = arith.select %lt3A_3454, %exp23A_3451, %broadcast_in_dim3A_3456 : vector<8x1024xi1>, vector<8x1024xf32>
      %add3A_3458 = arith.constant 8 : i32
      %add3A_3459 = vector.broadcast %add3A_3458 : i32 to vector<8x1024xi32>
      %add3A_3460 = arith.addi %add3A_3443, %add3A_3459 : vector<8x1024xi32>
      %add3A_3461 = arith.addf %add3A_3444, %select_n3A_3457 : vector<8x1024xf32>
      %get3A_3462 = arith.constant 1624 : index
      %get3A_3463 = arith.constant 0 : index
      %get3A_3464 = vector.load %arg1[%get3A_3462, %get3A_3463] : memref<2048x1024xf32, #tpu.memory_space<vmem>>, vector<8x1024xf32>
      %mul3A_3465 = arith.constant 92.3324813 : f32
      %mul3A_3466 = vector.broadcast %mul3A_3465 : f32 to vector<8x1024xf32>
      %mul3A_3467 = arith.mulf %get3A_3464, %mul3A_3466 : vector<8x1024xf32>
      %exp23A_3468 = math.exp2 %mul3A_3467 : vector<8x1024xf32>
      %lt3A_3469 = arith.constant 100000 : i32
      %lt3A_3470 = vector.broadcast %lt3A_3469 : i32 to vector<8x1024xi32>
      %lt3A_3471 = arith.cmpi slt, %add3A_3460, %lt3A_3470 : vector<8x1024xi32>
      %jit3A_3472 = arith.constant 0.000000e+00 : f32
      %broadcast_in_dim3A_3473 = vector.broadcast %jit3A_3472 : f32 to vector<8x1024xf32>
      %select_n3A_3474 = arith.select %lt3A_3471, %exp23A_3468, %broadcast_in_dim3A_3473 : vector<8x1024xi1>, vector<8x1024xf32>
      %add3A_3475 = arith.constant 8 : i32
      %add3A_3476 = vector.broadcast %add3A_3475 : i32 to vector<8x1024xi32>
      %add3A_3477 = arith.addi %add3A_3460, %add3A_3476 : vector<8x1024xi32>
      %add3A_3478 = arith.addf %add3A_3461, %select_n3A_3474 : vector<8x1024xf32>
      %get3A_3479 = arith.constant 1632 : index
      %get3A_3480 = arith.constant 0 : index
      %get3A_3481 = vector.load %arg1[%get3A_3479, %get3A_3480] : memref<2048x1024xf32, #tpu.memory_space<vmem>>, vector<8x1024xf32>
      %mul3A_3482 = arith.constant 92.3324813 : f32
      %mul3A_3483 = vector.broadcast %mul3A_3482 : f32 to vector<8x1024xf32>
      %mul3A_3484 = arith.mulf %get3A_3481, %mul3A_3483 : vector<8x1024xf32>
      %exp23A_3485 = math.exp2 %mul3A_3484 : vector<8x1024xf32>
      %lt3A_3486 = arith.constant 100000 : i32
      %lt3A_3487 = vector.broadcast %lt3A_3486 : i32 to vector<8x1024xi32>
      %lt3A_3488 = arith.cmpi slt, %add3A_3477, %lt3A_3487 : vector<8x1024xi32>
      %jit3A_3489 = arith.constant 0.000000e+00 : f32
      %broadcast_in_dim3A_3490 = vector.broadcast %jit3A_3489 : f32 to vector<8x1024xf32>
      %select_n3A_3491 = arith.select %lt3A_3488, %exp23A_3485, %broadcast_in_dim3A_3490 : vector<8x1024xi1>, vector<8x1024xf32>
      %add3A_3492 = arith.constant 8 : i32
      %add3A_3493 = vector.broadcast %add3A_3492 : i32 to vector<8x1024xi32>
      %add3A_3494 = arith.addi %add3A_3477, %add3A_3493 : vector<8x1024xi32>
      %add3A_3495 = arith.addf %add3A_3478, %select_n3A_3491 : vector<8x1024xf32>
      %get3A_3496 = arith.constant 1640 : index
      %get3A_3497 = arith.constant 0 : index
      %get3A_3498 = vector.load %arg1[%get3A_3496, %get3A_3497] : memref<2048x1024xf32, #tpu.memory_space<vmem>>, vector<8x1024xf32>
      %mul3A_3499 = arith.constant 92.3324813 : f32
      %mul3A_3500 = vector.broadcast %mul3A_3499 : f32 to vector<8x1024xf32>
      %mul3A_3501 = arith.mulf %get3A_3498, %mul3A_3500 : vector<8x1024xf32>
      %exp23A_3502 = math.exp2 %mul3A_3501 : vector<8x1024xf32>
      %lt3A_3503 = arith.constant 100000 : i32
      %lt3A_3504 = vector.broadcast %lt3A_3503 : i32 to vector<8x1024xi32>
      %lt3A_3505 = arith.cmpi slt, %add3A_3494, %lt3A_3504 : vector<8x1024xi32>
      %jit3A_3506 = arith.constant 0.000000e+00 : f32
      %broadcast_in_dim3A_3507 = vector.broadcast %jit3A_3506 : f32 to vector<8x1024xf32>
      %select_n3A_3508 = arith.select %lt3A_3505, %exp23A_3502, %broadcast_in_dim3A_3507 : vector<8x1024xi1>, vector<8x1024xf32>
      %add3A_3509 = arith.constant 8 : i32
      %add3A_3510 = vector.broadcast %add3A_3509 : i32 to vector<8x1024xi32>
      %add3A_3511 = arith.addi %add3A_3494, %add3A_3510 : vector<8x1024xi32>
      %add3A_3512 = arith.addf %add3A_3495, %select_n3A_3508 : vector<8x1024xf32>
      %get3A_3513 = arith.constant 1648 : index
      %get3A_3514 = arith.constant 0 : index
      %get3A_3515 = vector.load %arg1[%get3A_3513, %get3A_3514] : memref<2048x1024xf32, #tpu.memory_space<vmem>>, vector<8x1024xf32>
      %mul3A_3516 = arith.constant 92.3324813 : f32
      %mul3A_3517 = vector.broadcast %mul3A_3516 : f32 to vector<8x1024xf32>
      %mul3A_3518 = arith.mulf %get3A_3515, %mul3A_3517 : vector<8x1024xf32>
      %exp23A_3519 = math.exp2 %mul3A_3518 : vector<8x1024xf32>
      %lt3A_3520 = arith.constant 100000 : i32
      %lt3A_3521 = vector.broadcast %lt3A_3520 : i32 to vector<8x1024xi32>
      %lt3A_3522 = arith.cmpi slt, %add3A_3511, %lt3A_3521 : vector<8x1024xi32>
      %jit3A_3523 = arith.constant 0.000000e+00 : f32
      %broadcast_in_dim3A_3524 = vector.broadcast %jit3A_3523 : f32 to vector<8x1024xf32>
      %select_n3A_3525 = arith.select %lt3A_3522, %exp23A_3519, %broadcast_in_dim3A_3524 : vector<8x1024xi1>, vector<8x1024xf32>
      %add3A_3526 = arith.constant 8 : i32
      %add3A_3527 = vector.broadcast %add3A_3526 : i32 to vector<8x1024xi32>
      %add3A_3528 = arith.addi %add3A_3511, %add3A_3527 : vector<8x1024xi32>
      %add3A_3529 = arith.addf %add3A_3512, %select_n3A_3525 : vector<8x1024xf32>
      %get3A_3530 = arith.constant 1656 : index
      %get3A_3531 = arith.constant 0 : index
      %get3A_3532 = vector.load %arg1[%get3A_3530, %get3A_3531] : memref<2048x1024xf32, #tpu.memory_space<vmem>>, vector<8x1024xf32>
      %mul3A_3533 = arith.constant 92.3324813 : f32
      %mul3A_3534 = vector.broadcast %mul3A_3533 : f32 to vector<8x1024xf32>
      %mul3A_3535 = arith.mulf %get3A_3532, %mul3A_3534 : vector<8x1024xf32>
      %exp23A_3536 = math.exp2 %mul3A_3535 : vector<8x1024xf32>
      %lt3A_3537 = arith.constant 100000 : i32
      %lt3A_3538 = vector.broadcast %lt3A_3537 : i32 to vector<8x1024xi32>
      %lt3A_3539 = arith.cmpi slt, %add3A_3528, %lt3A_3538 : vector<8x1024xi32>
      %jit3A_3540 = arith.constant 0.000000e+00 : f32
      %broadcast_in_dim3A_3541 = vector.broadcast %jit3A_3540 : f32 to vector<8x1024xf32>
      %select_n3A_3542 = arith.select %lt3A_3539, %exp23A_3536, %broadcast_in_dim3A_3541 : vector<8x1024xi1>, vector<8x1024xf32>
      %add3A_3543 = arith.constant 8 : i32
      %add3A_3544 = vector.broadcast %add3A_3543 : i32 to vector<8x1024xi32>
      %add3A_3545 = arith.addi %add3A_3528, %add3A_3544 : vector<8x1024xi32>
      %add3A_3546 = arith.addf %add3A_3529, %select_n3A_3542 : vector<8x1024xf32>
      %get3A_3547 = arith.constant 1664 : index
      %get3A_3548 = arith.constant 0 : index
      %get3A_3549 = vector.load %arg1[%get3A_3547, %get3A_3548] : memref<2048x1024xf32, #tpu.memory_space<vmem>>, vector<8x1024xf32>
      %mul3A_3550 = arith.constant 92.3324813 : f32
      %mul3A_3551 = vector.broadcast %mul3A_3550 : f32 to vector<8x1024xf32>
      %mul3A_3552 = arith.mulf %get3A_3549, %mul3A_3551 : vector<8x1024xf32>
      %exp23A_3553 = math.exp2 %mul3A_3552 : vector<8x1024xf32>
      %lt3A_3554 = arith.constant 100000 : i32
      %lt3A_3555 = vector.broadcast %lt3A_3554 : i32 to vector<8x1024xi32>
      %lt3A_3556 = arith.cmpi slt, %add3A_3545, %lt3A_3555 : vector<8x1024xi32>
      %jit3A_3557 = arith.constant 0.000000e+00 : f32
      %broadcast_in_dim3A_3558 = vector.broadcast %jit3A_3557 : f32 to vector<8x1024xf32>
      %select_n3A_3559 = arith.select %lt3A_3556, %exp23A_3553, %broadcast_in_dim3A_3558 : vector<8x1024xi1>, vector<8x1024xf32>
      %add3A_3560 = arith.constant 8 : i32
      %add3A_3561 = vector.broadcast %add3A_3560 : i32 to vector<8x1024xi32>
      %add3A_3562 = arith.addi %add3A_3545, %add3A_3561 : vector<8x1024xi32>
      %add3A_3563 = arith.addf %add3A_3546, %select_n3A_3559 : vector<8x1024xf32>
      %get3A_3564 = arith.constant 1672 : index
      %get3A_3565 = arith.constant 0 : index
      %get3A_3566 = vector.load %arg1[%get3A_3564, %get3A_3565] : memref<2048x1024xf32, #tpu.memory_space<vmem>>, vector<8x1024xf32>
      %mul3A_3567 = arith.constant 92.3324813 : f32
      %mul3A_3568 = vector.broadcast %mul3A_3567 : f32 to vector<8x1024xf32>
      %mul3A_3569 = arith.mulf %get3A_3566, %mul3A_3568 : vector<8x1024xf32>
      %exp23A_3570 = math.exp2 %mul3A_3569 : vector<8x1024xf32>
      %lt3A_3571 = arith.constant 100000 : i32
      %lt3A_3572 = vector.broadcast %lt3A_3571 : i32 to vector<8x1024xi32>
      %lt3A_3573 = arith.cmpi slt, %add3A_3562, %lt3A_3572 : vector<8x1024xi32>
      %jit3A_3574 = arith.constant 0.000000e+00 : f32
      %broadcast_in_dim3A_3575 = vector.broadcast %jit3A_3574 : f32 to vector<8x1024xf32>
      %select_n3A_3576 = arith.select %lt3A_3573, %exp23A_3570, %broadcast_in_dim3A_3575 : vector<8x1024xi1>, vector<8x1024xf32>
      %add3A_3577 = arith.constant 8 : i32
      %add3A_3578 = vector.broadcast %add3A_3577 : i32 to vector<8x1024xi32>
      %add3A_3579 = arith.addi %add3A_3562, %add3A_3578 : vector<8x1024xi32>
      %add3A_3580 = arith.addf %add3A_3563, %select_n3A_3576 : vector<8x1024xf32>
      %get3A_3581 = arith.constant 1680 : index
      %get3A_3582 = arith.constant 0 : index
      %get3A_3583 = vector.load %arg1[%get3A_3581, %get3A_3582] : memref<2048x1024xf32, #tpu.memory_space<vmem>>, vector<8x1024xf32>
      %mul3A_3584 = arith.constant 92.3324813 : f32
      %mul3A_3585 = vector.broadcast %mul3A_3584 : f32 to vector<8x1024xf32>
      %mul3A_3586 = arith.mulf %get3A_3583, %mul3A_3585 : vector<8x1024xf32>
      %exp23A_3587 = math.exp2 %mul3A_3586 : vector<8x1024xf32>
      %lt3A_3588 = arith.constant 100000 : i32
      %lt3A_3589 = vector.broadcast %lt3A_3588 : i32 to vector<8x1024xi32>
      %lt3A_3590 = arith.cmpi slt, %add3A_3579, %lt3A_3589 : vector<8x1024xi32>
      %jit3A_3591 = arith.constant 0.000000e+00 : f32
      %broadcast_in_dim3A_3592 = vector.broadcast %jit3A_3591 : f32 to vector<8x1024xf32>
      %select_n3A_3593 = arith.select %lt3A_3590, %exp23A_3587, %broadcast_in_dim3A_3592 : vector<8x1024xi1>, vector<8x1024xf32>
      %add3A_3594 = arith.constant 8 : i32
      %add3A_3595 = vector.broadcast %add3A_3594 : i32 to vector<8x1024xi32>
      %add3A_3596 = arith.addi %add3A_3579, %add3A_3595 : vector<8x1024xi32>
      %add3A_3597 = arith.addf %add3A_3580, %select_n3A_3593 : vector<8x1024xf32>
      %get3A_3598 = arith.constant 1688 : index
      %get3A_3599 = arith.constant 0 : index
      %get3A_3600 = vector.load %arg1[%get3A_3598, %get3A_3599] : memref<2048x1024xf32, #tpu.memory_space<vmem>>, vector<8x1024xf32>
      %mul3A_3601 = arith.constant 92.3324813 : f32
      %mul3A_3602 = vector.broadcast %mul3A_3601 : f32 to vector<8x1024xf32>
      %mul3A_3603 = arith.mulf %get3A_3600, %mul3A_3602 : vector<8x1024xf32>
      %exp23A_3604 = math.exp2 %mul3A_3603 : vector<8x1024xf32>
      %lt3A_3605 = arith.constant 100000 : i32
      %lt3A_3606 = vector.broadcast %lt3A_3605 : i32 to vector<8x1024xi32>
      %lt3A_3607 = arith.cmpi slt, %add3A_3596, %lt3A_3606 : vector<8x1024xi32>
      %jit3A_3608 = arith.constant 0.000000e+00 : f32
      %broadcast_in_dim3A_3609 = vector.broadcast %jit3A_3608 : f32 to vector<8x1024xf32>
      %select_n3A_3610 = arith.select %lt3A_3607, %exp23A_3604, %broadcast_in_dim3A_3609 : vector<8x1024xi1>, vector<8x1024xf32>
      %add3A_3611 = arith.constant 8 : i32
      %add3A_3612 = vector.broadcast %add3A_3611 : i32 to vector<8x1024xi32>
      %add3A_3613 = arith.addi %add3A_3596, %add3A_3612 : vector<8x1024xi32>
      %add3A_3614 = arith.addf %add3A_3597, %select_n3A_3610 : vector<8x1024xf32>
      %get3A_3615 = arith.constant 1696 : index
      %get3A_3616 = arith.constant 0 : index
      %get3A_3617 = vector.load %arg1[%get3A_3615, %get3A_3616] : memref<2048x1024xf32, #tpu.memory_space<vmem>>, vector<8x1024xf32>
      %mul3A_3618 = arith.constant 92.3324813 : f32
      %mul3A_3619 = vector.broadcast %mul3A_3618 : f32 to vector<8x1024xf32>
      %mul3A_3620 = arith.mulf %get3A_3617, %mul3A_3619 : vector<8x1024xf32>
      %exp23A_3621 = math.exp2 %mul3A_3620 : vector<8x1024xf32>
      %lt3A_3622 = arith.constant 100000 : i32
      %lt3A_3623 = vector.broadcast %lt3A_3622 : i32 to vector<8x1024xi32>
      %lt3A_3624 = arith.cmpi slt, %add3A_3613, %lt3A_3623 : vector<8x1024xi32>
      %jit3A_3625 = arith.constant 0.000000e+00 : f32
      %broadcast_in_dim3A_3626 = vector.broadcast %jit3A_3625 : f32 to vector<8x1024xf32>
      %select_n3A_3627 = arith.select %lt3A_3624, %exp23A_3621, %broadcast_in_dim3A_3626 : vector<8x1024xi1>, vector<8x1024xf32>
      %add3A_3628 = arith.constant 8 : i32
      %add3A_3629 = vector.broadcast %add3A_3628 : i32 to vector<8x1024xi32>
      %add3A_3630 = arith.addi %add3A_3613, %add3A_3629 : vector<8x1024xi32>
      %add3A_3631 = arith.addf %add3A_3614, %select_n3A_3627 : vector<8x1024xf32>
      %get3A_3632 = arith.constant 1704 : index
      %get3A_3633 = arith.constant 0 : index
      %get3A_3634 = vector.load %arg1[%get3A_3632, %get3A_3633] : memref<2048x1024xf32, #tpu.memory_space<vmem>>, vector<8x1024xf32>
      %mul3A_3635 = arith.constant 92.3324813 : f32
      %mul3A_3636 = vector.broadcast %mul3A_3635 : f32 to vector<8x1024xf32>
      %mul3A_3637 = arith.mulf %get3A_3634, %mul3A_3636 : vector<8x1024xf32>
      %exp23A_3638 = math.exp2 %mul3A_3637 : vector<8x1024xf32>
      %lt3A_3639 = arith.constant 100000 : i32
      %lt3A_3640 = vector.broadcast %lt3A_3639 : i32 to vector<8x1024xi32>
      %lt3A_3641 = arith.cmpi slt, %add3A_3630, %lt3A_3640 : vector<8x1024xi32>
      %jit3A_3642 = arith.constant 0.000000e+00 : f32
      %broadcast_in_dim3A_3643 = vector.broadcast %jit3A_3642 : f32 to vector<8x1024xf32>
      %select_n3A_3644 = arith.select %lt3A_3641, %exp23A_3638, %broadcast_in_dim3A_3643 : vector<8x1024xi1>, vector<8x1024xf32>
      %add3A_3645 = arith.constant 8 : i32
      %add3A_3646 = vector.broadcast %add3A_3645 : i32 to vector<8x1024xi32>
      %add3A_3647 = arith.addi %add3A_3630, %add3A_3646 : vector<8x1024xi32>
      %add3A_3648 = arith.addf %add3A_3631, %select_n3A_3644 : vector<8x1024xf32>
      %get3A_3649 = arith.constant 1712 : index
      %get3A_3650 = arith.constant 0 : index
      %get3A_3651 = vector.load %arg1[%get3A_3649, %get3A_3650] : memref<2048x1024xf32, #tpu.memory_space<vmem>>, vector<8x1024xf32>
      %mul3A_3652 = arith.constant 92.3324813 : f32
      %mul3A_3653 = vector.broadcast %mul3A_3652 : f32 to vector<8x1024xf32>
      %mul3A_3654 = arith.mulf %get3A_3651, %mul3A_3653 : vector<8x1024xf32>
      %exp23A_3655 = math.exp2 %mul3A_3654 : vector<8x1024xf32>
      %lt3A_3656 = arith.constant 100000 : i32
      %lt3A_3657 = vector.broadcast %lt3A_3656 : i32 to vector<8x1024xi32>
      %lt3A_3658 = arith.cmpi slt, %add3A_3647, %lt3A_3657 : vector<8x1024xi32>
      %jit3A_3659 = arith.constant 0.000000e+00 : f32
      %broadcast_in_dim3A_3660 = vector.broadcast %jit3A_3659 : f32 to vector<8x1024xf32>
      %select_n3A_3661 = arith.select %lt3A_3658, %exp23A_3655, %broadcast_in_dim3A_3660 : vector<8x1024xi1>, vector<8x1024xf32>
      %add3A_3662 = arith.constant 8 : i32
      %add3A_3663 = vector.broadcast %add3A_3662 : i32 to vector<8x1024xi32>
      %add3A_3664 = arith.addi %add3A_3647, %add3A_3663 : vector<8x1024xi32>
      %add3A_3665 = arith.addf %add3A_3648, %select_n3A_3661 : vector<8x1024xf32>
      %get3A_3666 = arith.constant 1720 : index
      %get3A_3667 = arith.constant 0 : index
      %get3A_3668 = vector.load %arg1[%get3A_3666, %get3A_3667] : memref<2048x1024xf32, #tpu.memory_space<vmem>>, vector<8x1024xf32>
      %mul3A_3669 = arith.constant 92.3324813 : f32
      %mul3A_3670 = vector.broadcast %mul3A_3669 : f32 to vector<8x1024xf32>
      %mul3A_3671 = arith.mulf %get3A_3668, %mul3A_3670 : vector<8x1024xf32>
      %exp23A_3672 = math.exp2 %mul3A_3671 : vector<8x1024xf32>
      %lt3A_3673 = arith.constant 100000 : i32
      %lt3A_3674 = vector.broadcast %lt3A_3673 : i32 to vector<8x1024xi32>
      %lt3A_3675 = arith.cmpi slt, %add3A_3664, %lt3A_3674 : vector<8x1024xi32>
      %jit3A_3676 = arith.constant 0.000000e+00 : f32
      %broadcast_in_dim3A_3677 = vector.broadcast %jit3A_3676 : f32 to vector<8x1024xf32>
      %select_n3A_3678 = arith.select %lt3A_3675, %exp23A_3672, %broadcast_in_dim3A_3677 : vector<8x1024xi1>, vector<8x1024xf32>
      %add3A_3679 = arith.constant 8 : i32
      %add3A_3680 = vector.broadcast %add3A_3679 : i32 to vector<8x1024xi32>
      %add3A_3681 = arith.addi %add3A_3664, %add3A_3680 : vector<8x1024xi32>
      %add3A_3682 = arith.addf %add3A_3665, %select_n3A_3678 : vector<8x1024xf32>
      %get3A_3683 = arith.constant 1728 : index
      %get3A_3684 = arith.constant 0 : index
      %get3A_3685 = vector.load %arg1[%get3A_3683, %get3A_3684] : memref<2048x1024xf32, #tpu.memory_space<vmem>>, vector<8x1024xf32>
      %mul3A_3686 = arith.constant 92.3324813 : f32
      %mul3A_3687 = vector.broadcast %mul3A_3686 : f32 to vector<8x1024xf32>
      %mul3A_3688 = arith.mulf %get3A_3685, %mul3A_3687 : vector<8x1024xf32>
      %exp23A_3689 = math.exp2 %mul3A_3688 : vector<8x1024xf32>
      %lt3A_3690 = arith.constant 100000 : i32
      %lt3A_3691 = vector.broadcast %lt3A_3690 : i32 to vector<8x1024xi32>
      %lt3A_3692 = arith.cmpi slt, %add3A_3681, %lt3A_3691 : vector<8x1024xi32>
      %jit3A_3693 = arith.constant 0.000000e+00 : f32
      %broadcast_in_dim3A_3694 = vector.broadcast %jit3A_3693 : f32 to vector<8x1024xf32>
      %select_n3A_3695 = arith.select %lt3A_3692, %exp23A_3689, %broadcast_in_dim3A_3694 : vector<8x1024xi1>, vector<8x1024xf32>
      %add3A_3696 = arith.constant 8 : i32
      %add3A_3697 = vector.broadcast %add3A_3696 : i32 to vector<8x1024xi32>
      %add3A_3698 = arith.addi %add3A_3681, %add3A_3697 : vector<8x1024xi32>
      %add3A_3699 = arith.addf %add3A_3682, %select_n3A_3695 : vector<8x1024xf32>
      %get3A_3700 = arith.constant 1736 : index
      %get3A_3701 = arith.constant 0 : index
      %get3A_3702 = vector.load %arg1[%get3A_3700, %get3A_3701] : memref<2048x1024xf32, #tpu.memory_space<vmem>>, vector<8x1024xf32>
      %mul3A_3703 = arith.constant 92.3324813 : f32
      %mul3A_3704 = vector.broadcast %mul3A_3703 : f32 to vector<8x1024xf32>
      %mul3A_3705 = arith.mulf %get3A_3702, %mul3A_3704 : vector<8x1024xf32>
      %exp23A_3706 = math.exp2 %mul3A_3705 : vector<8x1024xf32>
      %lt3A_3707 = arith.constant 100000 : i32
      %lt3A_3708 = vector.broadcast %lt3A_3707 : i32 to vector<8x1024xi32>
      %lt3A_3709 = arith.cmpi slt, %add3A_3698, %lt3A_3708 : vector<8x1024xi32>
      %jit3A_3710 = arith.constant 0.000000e+00 : f32
      %broadcast_in_dim3A_3711 = vector.broadcast %jit3A_3710 : f32 to vector<8x1024xf32>
      %select_n3A_3712 = arith.select %lt3A_3709, %exp23A_3706, %broadcast_in_dim3A_3711 : vector<8x1024xi1>, vector<8x1024xf32>
      %add3A_3713 = arith.constant 8 : i32
      %add3A_3714 = vector.broadcast %add3A_3713 : i32 to vector<8x1024xi32>
      %add3A_3715 = arith.addi %add3A_3698, %add3A_3714 : vector<8x1024xi32>
      %add3A_3716 = arith.addf %add3A_3699, %select_n3A_3712 : vector<8x1024xf32>
      %get3A_3717 = arith.constant 1744 : index
      %get3A_3718 = arith.constant 0 : index
      %get3A_3719 = vector.load %arg1[%get3A_3717, %get3A_3718] : memref<2048x1024xf32, #tpu.memory_space<vmem>>, vector<8x1024xf32>
      %mul3A_3720 = arith.constant 92.3324813 : f32
      %mul3A_3721 = vector.broadcast %mul3A_3720 : f32 to vector<8x1024xf32>
      %mul3A_3722 = arith.mulf %get3A_3719, %mul3A_3721 : vector<8x1024xf32>
      %exp23A_3723 = math.exp2 %mul3A_3722 : vector<8x1024xf32>
      %lt3A_3724 = arith.constant 100000 : i32
      %lt3A_3725 = vector.broadcast %lt3A_3724 : i32 to vector<8x1024xi32>
      %lt3A_3726 = arith.cmpi slt, %add3A_3715, %lt3A_3725 : vector<8x1024xi32>
      %jit3A_3727 = arith.constant 0.000000e+00 : f32
      %broadcast_in_dim3A_3728 = vector.broadcast %jit3A_3727 : f32 to vector<8x1024xf32>
      %select_n3A_3729 = arith.select %lt3A_3726, %exp23A_3723, %broadcast_in_dim3A_3728 : vector<8x1024xi1>, vector<8x1024xf32>
      %add3A_3730 = arith.constant 8 : i32
      %add3A_3731 = vector.broadcast %add3A_3730 : i32 to vector<8x1024xi32>
      %add3A_3732 = arith.addi %add3A_3715, %add3A_3731 : vector<8x1024xi32>
      %add3A_3733 = arith.addf %add3A_3716, %select_n3A_3729 : vector<8x1024xf32>
      %get3A_3734 = arith.constant 1752 : index
      %get3A_3735 = arith.constant 0 : index
      %get3A_3736 = vector.load %arg1[%get3A_3734, %get3A_3735] : memref<2048x1024xf32, #tpu.memory_space<vmem>>, vector<8x1024xf32>
      %mul3A_3737 = arith.constant 92.3324813 : f32
      %mul3A_3738 = vector.broadcast %mul3A_3737 : f32 to vector<8x1024xf32>
      %mul3A_3739 = arith.mulf %get3A_3736, %mul3A_3738 : vector<8x1024xf32>
      %exp23A_3740 = math.exp2 %mul3A_3739 : vector<8x1024xf32>
      %lt3A_3741 = arith.constant 100000 : i32
      %lt3A_3742 = vector.broadcast %lt3A_3741 : i32 to vector<8x1024xi32>
      %lt3A_3743 = arith.cmpi slt, %add3A_3732, %lt3A_3742 : vector<8x1024xi32>
      %jit3A_3744 = arith.constant 0.000000e+00 : f32
      %broadcast_in_dim3A_3745 = vector.broadcast %jit3A_3744 : f32 to vector<8x1024xf32>
      %select_n3A_3746 = arith.select %lt3A_3743, %exp23A_3740, %broadcast_in_dim3A_3745 : vector<8x1024xi1>, vector<8x1024xf32>
      %add3A_3747 = arith.constant 8 : i32
      %add3A_3748 = vector.broadcast %add3A_3747 : i32 to vector<8x1024xi32>
      %add3A_3749 = arith.addi %add3A_3732, %add3A_3748 : vector<8x1024xi32>
      %add3A_3750 = arith.addf %add3A_3733, %select_n3A_3746 : vector<8x1024xf32>
      %get3A_3751 = arith.constant 1760 : index
      %get3A_3752 = arith.constant 0 : index
      %get3A_3753 = vector.load %arg1[%get3A_3751, %get3A_3752] : memref<2048x1024xf32, #tpu.memory_space<vmem>>, vector<8x1024xf32>
      %mul3A_3754 = arith.constant 92.3324813 : f32
      %mul3A_3755 = vector.broadcast %mul3A_3754 : f32 to vector<8x1024xf32>
      %mul3A_3756 = arith.mulf %get3A_3753, %mul3A_3755 : vector<8x1024xf32>
      %exp23A_3757 = math.exp2 %mul3A_3756 : vector<8x1024xf32>
      %lt3A_3758 = arith.constant 100000 : i32
      %lt3A_3759 = vector.broadcast %lt3A_3758 : i32 to vector<8x1024xi32>
      %lt3A_3760 = arith.cmpi slt, %add3A_3749, %lt3A_3759 : vector<8x1024xi32>
      %jit3A_3761 = arith.constant 0.000000e+00 : f32
      %broadcast_in_dim3A_3762 = vector.broadcast %jit3A_3761 : f32 to vector<8x1024xf32>
      %select_n3A_3763 = arith.select %lt3A_3760, %exp23A_3757, %broadcast_in_dim3A_3762 : vector<8x1024xi1>, vector<8x1024xf32>
      %add3A_3764 = arith.constant 8 : i32
      %add3A_3765 = vector.broadcast %add3A_3764 : i32 to vector<8x1024xi32>
      %add3A_3766 = arith.addi %add3A_3749, %add3A_3765 : vector<8x1024xi32>
      %add3A_3767 = arith.addf %add3A_3750, %select_n3A_3763 : vector<8x1024xf32>
      %get3A_3768 = arith.constant 1768 : index
      %get3A_3769 = arith.constant 0 : index
      %get3A_3770 = vector.load %arg1[%get3A_3768, %get3A_3769] : memref<2048x1024xf32, #tpu.memory_space<vmem>>, vector<8x1024xf32>
      %mul3A_3771 = arith.constant 92.3324813 : f32
      %mul3A_3772 = vector.broadcast %mul3A_3771 : f32 to vector<8x1024xf32>
      %mul3A_3773 = arith.mulf %get3A_3770, %mul3A_3772 : vector<8x1024xf32>
      %exp23A_3774 = math.exp2 %mul3A_3773 : vector<8x1024xf32>
      %lt3A_3775 = arith.constant 100000 : i32
      %lt3A_3776 = vector.broadcast %lt3A_3775 : i32 to vector<8x1024xi32>
      %lt3A_3777 = arith.cmpi slt, %add3A_3766, %lt3A_3776 : vector<8x1024xi32>
      %jit3A_3778 = arith.constant 0.000000e+00 : f32
      %broadcast_in_dim3A_3779 = vector.broadcast %jit3A_3778 : f32 to vector<8x1024xf32>
      %select_n3A_3780 = arith.select %lt3A_3777, %exp23A_3774, %broadcast_in_dim3A_3779 : vector<8x1024xi1>, vector<8x1024xf32>
      %add3A_3781 = arith.constant 8 : i32
      %add3A_3782 = vector.broadcast %add3A_3781 : i32 to vector<8x1024xi32>
      %add3A_3783 = arith.addi %add3A_3766, %add3A_3782 : vector<8x1024xi32>
      %add3A_3784 = arith.addf %add3A_3767, %select_n3A_3780 : vector<8x1024xf32>
      %get3A_3785 = arith.constant 1776 : index
      %get3A_3786 = arith.constant 0 : index
      %get3A_3787 = vector.load %arg1[%get3A_3785, %get3A_3786] : memref<2048x1024xf32, #tpu.memory_space<vmem>>, vector<8x1024xf32>
      %mul3A_3788 = arith.constant 92.3324813 : f32
      %mul3A_3789 = vector.broadcast %mul3A_3788 : f32 to vector<8x1024xf32>
      %mul3A_3790 = arith.mulf %get3A_3787, %mul3A_3789 : vector<8x1024xf32>
      %exp23A_3791 = math.exp2 %mul3A_3790 : vector<8x1024xf32>
      %lt3A_3792 = arith.constant 100000 : i32
      %lt3A_3793 = vector.broadcast %lt3A_3792 : i32 to vector<8x1024xi32>
      %lt3A_3794 = arith.cmpi slt, %add3A_3783, %lt3A_3793 : vector<8x1024xi32>
      %jit3A_3795 = arith.constant 0.000000e+00 : f32
      %broadcast_in_dim3A_3796 = vector.broadcast %jit3A_3795 : f32 to vector<8x1024xf32>
      %select_n3A_3797 = arith.select %lt3A_3794, %exp23A_3791, %broadcast_in_dim3A_3796 : vector<8x1024xi1>, vector<8x1024xf32>
      %add3A_3798 = arith.constant 8 : i32
      %add3A_3799 = vector.broadcast %add3A_3798 : i32 to vector<8x1024xi32>
      %add3A_3800 = arith.addi %add3A_3783, %add3A_3799 : vector<8x1024xi32>
      %add3A_3801 = arith.addf %add3A_3784, %select_n3A_3797 : vector<8x1024xf32>
      %get3A_3802 = arith.constant 1784 : index
      %get3A_3803 = arith.constant 0 : index
      %get3A_3804 = vector.load %arg1[%get3A_3802, %get3A_3803] : memref<2048x1024xf32, #tpu.memory_space<vmem>>, vector<8x1024xf32>
      %mul3A_3805 = arith.constant 92.3324813 : f32
      %mul3A_3806 = vector.broadcast %mul3A_3805 : f32 to vector<8x1024xf32>
      %mul3A_3807 = arith.mulf %get3A_3804, %mul3A_3806 : vector<8x1024xf32>
      %exp23A_3808 = math.exp2 %mul3A_3807 : vector<8x1024xf32>
      %lt3A_3809 = arith.constant 100000 : i32
      %lt3A_3810 = vector.broadcast %lt3A_3809 : i32 to vector<8x1024xi32>
      %lt3A_3811 = arith.cmpi slt, %add3A_3800, %lt3A_3810 : vector<8x1024xi32>
      %jit3A_3812 = arith.constant 0.000000e+00 : f32
      %broadcast_in_dim3A_3813 = vector.broadcast %jit3A_3812 : f32 to vector<8x1024xf32>
      %select_n3A_3814 = arith.select %lt3A_3811, %exp23A_3808, %broadcast_in_dim3A_3813 : vector<8x1024xi1>, vector<8x1024xf32>
      %add3A_3815 = arith.constant 8 : i32
      %add3A_3816 = vector.broadcast %add3A_3815 : i32 to vector<8x1024xi32>
      %add3A_3817 = arith.addi %add3A_3800, %add3A_3816 : vector<8x1024xi32>
      %add3A_3818 = arith.addf %add3A_3801, %select_n3A_3814 : vector<8x1024xf32>
      %get3A_3819 = arith.constant 1792 : index
      %get3A_3820 = arith.constant 0 : index
      %get3A_3821 = vector.load %arg1[%get3A_3819, %get3A_3820] : memref<2048x1024xf32, #tpu.memory_space<vmem>>, vector<8x1024xf32>
      %mul3A_3822 = arith.constant 92.3324813 : f32
      %mul3A_3823 = vector.broadcast %mul3A_3822 : f32 to vector<8x1024xf32>
      %mul3A_3824 = arith.mulf %get3A_3821, %mul3A_3823 : vector<8x1024xf32>
      %exp23A_3825 = math.exp2 %mul3A_3824 : vector<8x1024xf32>
      %lt3A_3826 = arith.constant 100000 : i32
      %lt3A_3827 = vector.broadcast %lt3A_3826 : i32 to vector<8x1024xi32>
      %lt3A_3828 = arith.cmpi slt, %add3A_3817, %lt3A_3827 : vector<8x1024xi32>
      %jit3A_3829 = arith.constant 0.000000e+00 : f32
      %broadcast_in_dim3A_3830 = vector.broadcast %jit3A_3829 : f32 to vector<8x1024xf32>
      %select_n3A_3831 = arith.select %lt3A_3828, %exp23A_3825, %broadcast_in_dim3A_3830 : vector<8x1024xi1>, vector<8x1024xf32>
      %add3A_3832 = arith.constant 8 : i32
      %add3A_3833 = vector.broadcast %add3A_3832 : i32 to vector<8x1024xi32>
      %add3A_3834 = arith.addi %add3A_3817, %add3A_3833 : vector<8x1024xi32>
      %add3A_3835 = arith.addf %add3A_3818, %select_n3A_3831 : vector<8x1024xf32>
      %get3A_3836 = arith.constant 1800 : index
      %get3A_3837 = arith.constant 0 : index
      %get3A_3838 = vector.load %arg1[%get3A_3836, %get3A_3837] : memref<2048x1024xf32, #tpu.memory_space<vmem>>, vector<8x1024xf32>
      %mul3A_3839 = arith.constant 92.3324813 : f32
      %mul3A_3840 = vector.broadcast %mul3A_3839 : f32 to vector<8x1024xf32>
      %mul3A_3841 = arith.mulf %get3A_3838, %mul3A_3840 : vector<8x1024xf32>
      %exp23A_3842 = math.exp2 %mul3A_3841 : vector<8x1024xf32>
      %lt3A_3843 = arith.constant 100000 : i32
      %lt3A_3844 = vector.broadcast %lt3A_3843 : i32 to vector<8x1024xi32>
      %lt3A_3845 = arith.cmpi slt, %add3A_3834, %lt3A_3844 : vector<8x1024xi32>
      %jit3A_3846 = arith.constant 0.000000e+00 : f32
      %broadcast_in_dim3A_3847 = vector.broadcast %jit3A_3846 : f32 to vector<8x1024xf32>
      %select_n3A_3848 = arith.select %lt3A_3845, %exp23A_3842, %broadcast_in_dim3A_3847 : vector<8x1024xi1>, vector<8x1024xf32>
      %add3A_3849 = arith.constant 8 : i32
      %add3A_3850 = vector.broadcast %add3A_3849 : i32 to vector<8x1024xi32>
      %add3A_3851 = arith.addi %add3A_3834, %add3A_3850 : vector<8x1024xi32>
      %add3A_3852 = arith.addf %add3A_3835, %select_n3A_3848 : vector<8x1024xf32>
      %get3A_3853 = arith.constant 1808 : index
      %get3A_3854 = arith.constant 0 : index
      %get3A_3855 = vector.load %arg1[%get3A_3853, %get3A_3854] : memref<2048x1024xf32, #tpu.memory_space<vmem>>, vector<8x1024xf32>
      %mul3A_3856 = arith.constant 92.3324813 : f32
      %mul3A_3857 = vector.broadcast %mul3A_3856 : f32 to vector<8x1024xf32>
      %mul3A_3858 = arith.mulf %get3A_3855, %mul3A_3857 : vector<8x1024xf32>
      %exp23A_3859 = math.exp2 %mul3A_3858 : vector<8x1024xf32>
      %lt3A_3860 = arith.constant 100000 : i32
      %lt3A_3861 = vector.broadcast %lt3A_3860 : i32 to vector<8x1024xi32>
      %lt3A_3862 = arith.cmpi slt, %add3A_3851, %lt3A_3861 : vector<8x1024xi32>
      %jit3A_3863 = arith.constant 0.000000e+00 : f32
      %broadcast_in_dim3A_3864 = vector.broadcast %jit3A_3863 : f32 to vector<8x1024xf32>
      %select_n3A_3865 = arith.select %lt3A_3862, %exp23A_3859, %broadcast_in_dim3A_3864 : vector<8x1024xi1>, vector<8x1024xf32>
      %add3A_3866 = arith.constant 8 : i32
      %add3A_3867 = vector.broadcast %add3A_3866 : i32 to vector<8x1024xi32>
      %add3A_3868 = arith.addi %add3A_3851, %add3A_3867 : vector<8x1024xi32>
      %add3A_3869 = arith.addf %add3A_3852, %select_n3A_3865 : vector<8x1024xf32>
      %get3A_3870 = arith.constant 1816 : index
      %get3A_3871 = arith.constant 0 : index
      %get3A_3872 = vector.load %arg1[%get3A_3870, %get3A_3871] : memref<2048x1024xf32, #tpu.memory_space<vmem>>, vector<8x1024xf32>
      %mul3A_3873 = arith.constant 92.3324813 : f32
      %mul3A_3874 = vector.broadcast %mul3A_3873 : f32 to vector<8x1024xf32>
      %mul3A_3875 = arith.mulf %get3A_3872, %mul3A_3874 : vector<8x1024xf32>
      %exp23A_3876 = math.exp2 %mul3A_3875 : vector<8x1024xf32>
      %lt3A_3877 = arith.constant 100000 : i32
      %lt3A_3878 = vector.broadcast %lt3A_3877 : i32 to vector<8x1024xi32>
      %lt3A_3879 = arith.cmpi slt, %add3A_3868, %lt3A_3878 : vector<8x1024xi32>
      %jit3A_3880 = arith.constant 0.000000e+00 : f32
      %broadcast_in_dim3A_3881 = vector.broadcast %jit3A_3880 : f32 to vector<8x1024xf32>
      %select_n3A_3882 = arith.select %lt3A_3879, %exp23A_3876, %broadcast_in_dim3A_3881 : vector<8x1024xi1>, vector<8x1024xf32>
      %add3A_3883 = arith.constant 8 : i32
      %add3A_3884 = vector.broadcast %add3A_3883 : i32 to vector<8x1024xi32>
      %add3A_3885 = arith.addi %add3A_3868, %add3A_3884 : vector<8x1024xi32>
      %add3A_3886 = arith.addf %add3A_3869, %select_n3A_3882 : vector<8x1024xf32>
      %get3A_3887 = arith.constant 1824 : index
      %get3A_3888 = arith.constant 0 : index
      %get3A_3889 = vector.load %arg1[%get3A_3887, %get3A_3888] : memref<2048x1024xf32, #tpu.memory_space<vmem>>, vector<8x1024xf32>
      %mul3A_3890 = arith.constant 92.3324813 : f32
      %mul3A_3891 = vector.broadcast %mul3A_3890 : f32 to vector<8x1024xf32>
      %mul3A_3892 = arith.mulf %get3A_3889, %mul3A_3891 : vector<8x1024xf32>
      %exp23A_3893 = math.exp2 %mul3A_3892 : vector<8x1024xf32>
      %lt3A_3894 = arith.constant 100000 : i32
      %lt3A_3895 = vector.broadcast %lt3A_3894 : i32 to vector<8x1024xi32>
      %lt3A_3896 = arith.cmpi slt, %add3A_3885, %lt3A_3895 : vector<8x1024xi32>
      %jit3A_3897 = arith.constant 0.000000e+00 : f32
      %broadcast_in_dim3A_3898 = vector.broadcast %jit3A_3897 : f32 to vector<8x1024xf32>
      %select_n3A_3899 = arith.select %lt3A_3896, %exp23A_3893, %broadcast_in_dim3A_3898 : vector<8x1024xi1>, vector<8x1024xf32>
      %add3A_3900 = arith.constant 8 : i32
      %add3A_3901 = vector.broadcast %add3A_3900 : i32 to vector<8x1024xi32>
      %add3A_3902 = arith.addi %add3A_3885, %add3A_3901 : vector<8x1024xi32>
      %add3A_3903 = arith.addf %add3A_3886, %select_n3A_3899 : vector<8x1024xf32>
      %get3A_3904 = arith.constant 1832 : index
      %get3A_3905 = arith.constant 0 : index
      %get3A_3906 = vector.load %arg1[%get3A_3904, %get3A_3905] : memref<2048x1024xf32, #tpu.memory_space<vmem>>, vector<8x1024xf32>
      %mul3A_3907 = arith.constant 92.3324813 : f32
      %mul3A_3908 = vector.broadcast %mul3A_3907 : f32 to vector<8x1024xf32>
      %mul3A_3909 = arith.mulf %get3A_3906, %mul3A_3908 : vector<8x1024xf32>
      %exp23A_3910 = math.exp2 %mul3A_3909 : vector<8x1024xf32>
      %lt3A_3911 = arith.constant 100000 : i32
      %lt3A_3912 = vector.broadcast %lt3A_3911 : i32 to vector<8x1024xi32>
      %lt3A_3913 = arith.cmpi slt, %add3A_3902, %lt3A_3912 : vector<8x1024xi32>
      %jit3A_3914 = arith.constant 0.000000e+00 : f32
      %broadcast_in_dim3A_3915 = vector.broadcast %jit3A_3914 : f32 to vector<8x1024xf32>
      %select_n3A_3916 = arith.select %lt3A_3913, %exp23A_3910, %broadcast_in_dim3A_3915 : vector<8x1024xi1>, vector<8x1024xf32>
      %add3A_3917 = arith.constant 8 : i32
      %add3A_3918 = vector.broadcast %add3A_3917 : i32 to vector<8x1024xi32>
      %add3A_3919 = arith.addi %add3A_3902, %add3A_3918 : vector<8x1024xi32>
      %add3A_3920 = arith.addf %add3A_3903, %select_n3A_3916 : vector<8x1024xf32>
      %get3A_3921 = arith.constant 1840 : index
      %get3A_3922 = arith.constant 0 : index
      %get3A_3923 = vector.load %arg1[%get3A_3921, %get3A_3922] : memref<2048x1024xf32, #tpu.memory_space<vmem>>, vector<8x1024xf32>
      %mul3A_3924 = arith.constant 92.3324813 : f32
      %mul3A_3925 = vector.broadcast %mul3A_3924 : f32 to vector<8x1024xf32>
      %mul3A_3926 = arith.mulf %get3A_3923, %mul3A_3925 : vector<8x1024xf32>
      %exp23A_3927 = math.exp2 %mul3A_3926 : vector<8x1024xf32>
      %lt3A_3928 = arith.constant 100000 : i32
      %lt3A_3929 = vector.broadcast %lt3A_3928 : i32 to vector<8x1024xi32>
      %lt3A_3930 = arith.cmpi slt, %add3A_3919, %lt3A_3929 : vector<8x1024xi32>
      %jit3A_3931 = arith.constant 0.000000e+00 : f32
      %broadcast_in_dim3A_3932 = vector.broadcast %jit3A_3931 : f32 to vector<8x1024xf32>
      %select_n3A_3933 = arith.select %lt3A_3930, %exp23A_3927, %broadcast_in_dim3A_3932 : vector<8x1024xi1>, vector<8x1024xf32>
      %add3A_3934 = arith.constant 8 : i32
      %add3A_3935 = vector.broadcast %add3A_3934 : i32 to vector<8x1024xi32>
      %add3A_3936 = arith.addi %add3A_3919, %add3A_3935 : vector<8x1024xi32>
      %add3A_3937 = arith.addf %add3A_3920, %select_n3A_3933 : vector<8x1024xf32>
      %get3A_3938 = arith.constant 1848 : index
      %get3A_3939 = arith.constant 0 : index
      %get3A_3940 = vector.load %arg1[%get3A_3938, %get3A_3939] : memref<2048x1024xf32, #tpu.memory_space<vmem>>, vector<8x1024xf32>
      %mul3A_3941 = arith.constant 92.3324813 : f32
      %mul3A_3942 = vector.broadcast %mul3A_3941 : f32 to vector<8x1024xf32>
      %mul3A_3943 = arith.mulf %get3A_3940, %mul3A_3942 : vector<8x1024xf32>
      %exp23A_3944 = math.exp2 %mul3A_3943 : vector<8x1024xf32>
      %lt3A_3945 = arith.constant 100000 : i32
      %lt3A_3946 = vector.broadcast %lt3A_3945 : i32 to vector<8x1024xi32>
      %lt3A_3947 = arith.cmpi slt, %add3A_3936, %lt3A_3946 : vector<8x1024xi32>
      %jit3A_3948 = arith.constant 0.000000e+00 : f32
      %broadcast_in_dim3A_3949 = vector.broadcast %jit3A_3948 : f32 to vector<8x1024xf32>
      %select_n3A_3950 = arith.select %lt3A_3947, %exp23A_3944, %broadcast_in_dim3A_3949 : vector<8x1024xi1>, vector<8x1024xf32>
      %add3A_3951 = arith.constant 8 : i32
      %add3A_3952 = vector.broadcast %add3A_3951 : i32 to vector<8x1024xi32>
      %add3A_3953 = arith.addi %add3A_3936, %add3A_3952 : vector<8x1024xi32>
      %add3A_3954 = arith.addf %add3A_3937, %select_n3A_3950 : vector<8x1024xf32>
      %get3A_3955 = arith.constant 1856 : index
      %get3A_3956 = arith.constant 0 : index
      %get3A_3957 = vector.load %arg1[%get3A_3955, %get3A_3956] : memref<2048x1024xf32, #tpu.memory_space<vmem>>, vector<8x1024xf32>
      %mul3A_3958 = arith.constant 92.3324813 : f32
      %mul3A_3959 = vector.broadcast %mul3A_3958 : f32 to vector<8x1024xf32>
      %mul3A_3960 = arith.mulf %get3A_3957, %mul3A_3959 : vector<8x1024xf32>
      %exp23A_3961 = math.exp2 %mul3A_3960 : vector<8x1024xf32>
      %lt3A_3962 = arith.constant 100000 : i32
      %lt3A_3963 = vector.broadcast %lt3A_3962 : i32 to vector<8x1024xi32>
      %lt3A_3964 = arith.cmpi slt, %add3A_3953, %lt3A_3963 : vector<8x1024xi32>
      %jit3A_3965 = arith.constant 0.000000e+00 : f32
      %broadcast_in_dim3A_3966 = vector.broadcast %jit3A_3965 : f32 to vector<8x1024xf32>
      %select_n3A_3967 = arith.select %lt3A_3964, %exp23A_3961, %broadcast_in_dim3A_3966 : vector<8x1024xi1>, vector<8x1024xf32>
      %add3A_3968 = arith.constant 8 : i32
      %add3A_3969 = vector.broadcast %add3A_3968 : i32 to vector<8x1024xi32>
      %add3A_3970 = arith.addi %add3A_3953, %add3A_3969 : vector<8x1024xi32>
      %add3A_3971 = arith.addf %add3A_3954, %select_n3A_3967 : vector<8x1024xf32>
      %get3A_3972 = arith.constant 1864 : index
      %get3A_3973 = arith.constant 0 : index
      %get3A_3974 = vector.load %arg1[%get3A_3972, %get3A_3973] : memref<2048x1024xf32, #tpu.memory_space<vmem>>, vector<8x1024xf32>
      %mul3A_3975 = arith.constant 92.3324813 : f32
      %mul3A_3976 = vector.broadcast %mul3A_3975 : f32 to vector<8x1024xf32>
      %mul3A_3977 = arith.mulf %get3A_3974, %mul3A_3976 : vector<8x1024xf32>
      %exp23A_3978 = math.exp2 %mul3A_3977 : vector<8x1024xf32>
      %lt3A_3979 = arith.constant 100000 : i32
      %lt3A_3980 = vector.broadcast %lt3A_3979 : i32 to vector<8x1024xi32>
      %lt3A_3981 = arith.cmpi slt, %add3A_3970, %lt3A_3980 : vector<8x1024xi32>
      %jit3A_3982 = arith.constant 0.000000e+00 : f32
      %broadcast_in_dim3A_3983 = vector.broadcast %jit3A_3982 : f32 to vector<8x1024xf32>
      %select_n3A_3984 = arith.select %lt3A_3981, %exp23A_3978, %broadcast_in_dim3A_3983 : vector<8x1024xi1>, vector<8x1024xf32>
      %add3A_3985 = arith.constant 8 : i32
      %add3A_3986 = vector.broadcast %add3A_3985 : i32 to vector<8x1024xi32>
      %add3A_3987 = arith.addi %add3A_3970, %add3A_3986 : vector<8x1024xi32>
      %add3A_3988 = arith.addf %add3A_3971, %select_n3A_3984 : vector<8x1024xf32>
      %get3A_3989 = arith.constant 1872 : index
      %get3A_3990 = arith.constant 0 : index
      %get3A_3991 = vector.load %arg1[%get3A_3989, %get3A_3990] : memref<2048x1024xf32, #tpu.memory_space<vmem>>, vector<8x1024xf32>
      %mul3A_3992 = arith.constant 92.3324813 : f32
      %mul3A_3993 = vector.broadcast %mul3A_3992 : f32 to vector<8x1024xf32>
      %mul3A_3994 = arith.mulf %get3A_3991, %mul3A_3993 : vector<8x1024xf32>
      %exp23A_3995 = math.exp2 %mul3A_3994 : vector<8x1024xf32>
      %lt3A_3996 = arith.constant 100000 : i32
      %lt3A_3997 = vector.broadcast %lt3A_3996 : i32 to vector<8x1024xi32>
      %lt3A_3998 = arith.cmpi slt, %add3A_3987, %lt3A_3997 : vector<8x1024xi32>
      %jit3A_3999 = arith.constant 0.000000e+00 : f32
      %broadcast_in_dim3A_4000 = vector.broadcast %jit3A_3999 : f32 to vector<8x1024xf32>
      %select_n3A_4001 = arith.select %lt3A_3998, %exp23A_3995, %broadcast_in_dim3A_4000 : vector<8x1024xi1>, vector<8x1024xf32>
      %add3A_4002 = arith.constant 8 : i32
      %add3A_4003 = vector.broadcast %add3A_4002 : i32 to vector<8x1024xi32>
      %add3A_4004 = arith.addi %add3A_3987, %add3A_4003 : vector<8x1024xi32>
      %add3A_4005 = arith.addf %add3A_3988, %select_n3A_4001 : vector<8x1024xf32>
      %get3A_4006 = arith.constant 1880 : index
      %get3A_4007 = arith.constant 0 : index
      %get3A_4008 = vector.load %arg1[%get3A_4006, %get3A_4007] : memref<2048x1024xf32, #tpu.memory_space<vmem>>, vector<8x1024xf32>
      %mul3A_4009 = arith.constant 92.3324813 : f32
      %mul3A_4010 = vector.broadcast %mul3A_4009 : f32 to vector<8x1024xf32>
      %mul3A_4011 = arith.mulf %get3A_4008, %mul3A_4010 : vector<8x1024xf32>
      %exp23A_4012 = math.exp2 %mul3A_4011 : vector<8x1024xf32>
      %lt3A_4013 = arith.constant 100000 : i32
      %lt3A_4014 = vector.broadcast %lt3A_4013 : i32 to vector<8x1024xi32>
      %lt3A_4015 = arith.cmpi slt, %add3A_4004, %lt3A_4014 : vector<8x1024xi32>
      %jit3A_4016 = arith.constant 0.000000e+00 : f32
      %broadcast_in_dim3A_4017 = vector.broadcast %jit3A_4016 : f32 to vector<8x1024xf32>
      %select_n3A_4018 = arith.select %lt3A_4015, %exp23A_4012, %broadcast_in_dim3A_4017 : vector<8x1024xi1>, vector<8x1024xf32>
      %add3A_4019 = arith.constant 8 : i32
      %add3A_4020 = vector.broadcast %add3A_4019 : i32 to vector<8x1024xi32>
      %add3A_4021 = arith.addi %add3A_4004, %add3A_4020 : vector<8x1024xi32>
      %add3A_4022 = arith.addf %add3A_4005, %select_n3A_4018 : vector<8x1024xf32>
      %get3A_4023 = arith.constant 1888 : index
      %get3A_4024 = arith.constant 0 : index
      %get3A_4025 = vector.load %arg1[%get3A_4023, %get3A_4024] : memref<2048x1024xf32, #tpu.memory_space<vmem>>, vector<8x1024xf32>
      %mul3A_4026 = arith.constant 92.3324813 : f32
      %mul3A_4027 = vector.broadcast %mul3A_4026 : f32 to vector<8x1024xf32>
      %mul3A_4028 = arith.mulf %get3A_4025, %mul3A_4027 : vector<8x1024xf32>
      %exp23A_4029 = math.exp2 %mul3A_4028 : vector<8x1024xf32>
      %lt3A_4030 = arith.constant 100000 : i32
      %lt3A_4031 = vector.broadcast %lt3A_4030 : i32 to vector<8x1024xi32>
      %lt3A_4032 = arith.cmpi slt, %add3A_4021, %lt3A_4031 : vector<8x1024xi32>
      %jit3A_4033 = arith.constant 0.000000e+00 : f32
      %broadcast_in_dim3A_4034 = vector.broadcast %jit3A_4033 : f32 to vector<8x1024xf32>
      %select_n3A_4035 = arith.select %lt3A_4032, %exp23A_4029, %broadcast_in_dim3A_4034 : vector<8x1024xi1>, vector<8x1024xf32>
      %add3A_4036 = arith.constant 8 : i32
      %add3A_4037 = vector.broadcast %add3A_4036 : i32 to vector<8x1024xi32>
      %add3A_4038 = arith.addi %add3A_4021, %add3A_4037 : vector<8x1024xi32>
      %add3A_4039 = arith.addf %add3A_4022, %select_n3A_4035 : vector<8x1024xf32>
      %get3A_4040 = arith.constant 1896 : index
      %get3A_4041 = arith.constant 0 : index
      %get3A_4042 = vector.load %arg1[%get3A_4040, %get3A_4041] : memref<2048x1024xf32, #tpu.memory_space<vmem>>, vector<8x1024xf32>
      %mul3A_4043 = arith.constant 92.3324813 : f32
      %mul3A_4044 = vector.broadcast %mul3A_4043 : f32 to vector<8x1024xf32>
      %mul3A_4045 = arith.mulf %get3A_4042, %mul3A_4044 : vector<8x1024xf32>
      %exp23A_4046 = math.exp2 %mul3A_4045 : vector<8x1024xf32>
      %lt3A_4047 = arith.constant 100000 : i32
      %lt3A_4048 = vector.broadcast %lt3A_4047 : i32 to vector<8x1024xi32>
      %lt3A_4049 = arith.cmpi slt, %add3A_4038, %lt3A_4048 : vector<8x1024xi32>
      %jit3A_4050 = arith.constant 0.000000e+00 : f32
      %broadcast_in_dim3A_4051 = vector.broadcast %jit3A_4050 : f32 to vector<8x1024xf32>
      %select_n3A_4052 = arith.select %lt3A_4049, %exp23A_4046, %broadcast_in_dim3A_4051 : vector<8x1024xi1>, vector<8x1024xf32>
      %add3A_4053 = arith.constant 8 : i32
      %add3A_4054 = vector.broadcast %add3A_4053 : i32 to vector<8x1024xi32>
      %add3A_4055 = arith.addi %add3A_4038, %add3A_4054 : vector<8x1024xi32>
      %add3A_4056 = arith.addf %add3A_4039, %select_n3A_4052 : vector<8x1024xf32>
      %get3A_4057 = arith.constant 1904 : index
      %get3A_4058 = arith.constant 0 : index
      %get3A_4059 = vector.load %arg1[%get3A_4057, %get3A_4058] : memref<2048x1024xf32, #tpu.memory_space<vmem>>, vector<8x1024xf32>
      %mul3A_4060 = arith.constant 92.3324813 : f32
      %mul3A_4061 = vector.broadcast %mul3A_4060 : f32 to vector<8x1024xf32>
      %mul3A_4062 = arith.mulf %get3A_4059, %mul3A_4061 : vector<8x1024xf32>
      %exp23A_4063 = math.exp2 %mul3A_4062 : vector<8x1024xf32>
      %lt3A_4064 = arith.constant 100000 : i32
      %lt3A_4065 = vector.broadcast %lt3A_4064 : i32 to vector<8x1024xi32>
      %lt3A_4066 = arith.cmpi slt, %add3A_4055, %lt3A_4065 : vector<8x1024xi32>
      %jit3A_4067 = arith.constant 0.000000e+00 : f32
      %broadcast_in_dim3A_4068 = vector.broadcast %jit3A_4067 : f32 to vector<8x1024xf32>
      %select_n3A_4069 = arith.select %lt3A_4066, %exp23A_4063, %broadcast_in_dim3A_4068 : vector<8x1024xi1>, vector<8x1024xf32>
      %add3A_4070 = arith.constant 8 : i32
      %add3A_4071 = vector.broadcast %add3A_4070 : i32 to vector<8x1024xi32>
      %add3A_4072 = arith.addi %add3A_4055, %add3A_4071 : vector<8x1024xi32>
      %add3A_4073 = arith.addf %add3A_4056, %select_n3A_4069 : vector<8x1024xf32>
      %get3A_4074 = arith.constant 1912 : index
      %get3A_4075 = arith.constant 0 : index
      %get3A_4076 = vector.load %arg1[%get3A_4074, %get3A_4075] : memref<2048x1024xf32, #tpu.memory_space<vmem>>, vector<8x1024xf32>
      %mul3A_4077 = arith.constant 92.3324813 : f32
      %mul3A_4078 = vector.broadcast %mul3A_4077 : f32 to vector<8x1024xf32>
      %mul3A_4079 = arith.mulf %get3A_4076, %mul3A_4078 : vector<8x1024xf32>
      %exp23A_4080 = math.exp2 %mul3A_4079 : vector<8x1024xf32>
      %lt3A_4081 = arith.constant 100000 : i32
      %lt3A_4082 = vector.broadcast %lt3A_4081 : i32 to vector<8x1024xi32>
      %lt3A_4083 = arith.cmpi slt, %add3A_4072, %lt3A_4082 : vector<8x1024xi32>
      %jit3A_4084 = arith.constant 0.000000e+00 : f32
      %broadcast_in_dim3A_4085 = vector.broadcast %jit3A_4084 : f32 to vector<8x1024xf32>
      %select_n3A_4086 = arith.select %lt3A_4083, %exp23A_4080, %broadcast_in_dim3A_4085 : vector<8x1024xi1>, vector<8x1024xf32>
      %add3A_4087 = arith.constant 8 : i32
      %add3A_4088 = vector.broadcast %add3A_4087 : i32 to vector<8x1024xi32>
      %add3A_4089 = arith.addi %add3A_4072, %add3A_4088 : vector<8x1024xi32>
      %add3A_4090 = arith.addf %add3A_4073, %select_n3A_4086 : vector<8x1024xf32>
      %get3A_4091 = arith.constant 1920 : index
      %get3A_4092 = arith.constant 0 : index
      %get3A_4093 = vector.load %arg1[%get3A_4091, %get3A_4092] : memref<2048x1024xf32, #tpu.memory_space<vmem>>, vector<8x1024xf32>
      %mul3A_4094 = arith.constant 92.3324813 : f32
      %mul3A_4095 = vector.broadcast %mul3A_4094 : f32 to vector<8x1024xf32>
      %mul3A_4096 = arith.mulf %get3A_4093, %mul3A_4095 : vector<8x1024xf32>
      %exp23A_4097 = math.exp2 %mul3A_4096 : vector<8x1024xf32>
      %lt3A_4098 = arith.constant 100000 : i32
      %lt3A_4099 = vector.broadcast %lt3A_4098 : i32 to vector<8x1024xi32>
      %lt3A_4100 = arith.cmpi slt, %add3A_4089, %lt3A_4099 : vector<8x1024xi32>
      %jit3A_4101 = arith.constant 0.000000e+00 : f32
      %broadcast_in_dim3A_4102 = vector.broadcast %jit3A_4101 : f32 to vector<8x1024xf32>
      %select_n3A_4103 = arith.select %lt3A_4100, %exp23A_4097, %broadcast_in_dim3A_4102 : vector<8x1024xi1>, vector<8x1024xf32>
      %add3A_4104 = arith.constant 8 : i32
      %add3A_4105 = vector.broadcast %add3A_4104 : i32 to vector<8x1024xi32>
      %add3A_4106 = arith.addi %add3A_4089, %add3A_4105 : vector<8x1024xi32>
      %add3A_4107 = arith.addf %add3A_4090, %select_n3A_4103 : vector<8x1024xf32>
      %get3A_4108 = arith.constant 1928 : index
      %get3A_4109 = arith.constant 0 : index
      %get3A_4110 = vector.load %arg1[%get3A_4108, %get3A_4109] : memref<2048x1024xf32, #tpu.memory_space<vmem>>, vector<8x1024xf32>
      %mul3A_4111 = arith.constant 92.3324813 : f32
      %mul3A_4112 = vector.broadcast %mul3A_4111 : f32 to vector<8x1024xf32>
      %mul3A_4113 = arith.mulf %get3A_4110, %mul3A_4112 : vector<8x1024xf32>
      %exp23A_4114 = math.exp2 %mul3A_4113 : vector<8x1024xf32>
      %lt3A_4115 = arith.constant 100000 : i32
      %lt3A_4116 = vector.broadcast %lt3A_4115 : i32 to vector<8x1024xi32>
      %lt3A_4117 = arith.cmpi slt, %add3A_4106, %lt3A_4116 : vector<8x1024xi32>
      %jit3A_4118 = arith.constant 0.000000e+00 : f32
      %broadcast_in_dim3A_4119 = vector.broadcast %jit3A_4118 : f32 to vector<8x1024xf32>
      %select_n3A_4120 = arith.select %lt3A_4117, %exp23A_4114, %broadcast_in_dim3A_4119 : vector<8x1024xi1>, vector<8x1024xf32>
      %add3A_4121 = arith.constant 8 : i32
      %add3A_4122 = vector.broadcast %add3A_4121 : i32 to vector<8x1024xi32>
      %add3A_4123 = arith.addi %add3A_4106, %add3A_4122 : vector<8x1024xi32>
      %add3A_4124 = arith.addf %add3A_4107, %select_n3A_4120 : vector<8x1024xf32>
      %get3A_4125 = arith.constant 1936 : index
      %get3A_4126 = arith.constant 0 : index
      %get3A_4127 = vector.load %arg1[%get3A_4125, %get3A_4126] : memref<2048x1024xf32, #tpu.memory_space<vmem>>, vector<8x1024xf32>
      %mul3A_4128 = arith.constant 92.3324813 : f32
      %mul3A_4129 = vector.broadcast %mul3A_4128 : f32 to vector<8x1024xf32>
      %mul3A_4130 = arith.mulf %get3A_4127, %mul3A_4129 : vector<8x1024xf32>
      %exp23A_4131 = math.exp2 %mul3A_4130 : vector<8x1024xf32>
      %lt3A_4132 = arith.constant 100000 : i32
      %lt3A_4133 = vector.broadcast %lt3A_4132 : i32 to vector<8x1024xi32>
      %lt3A_4134 = arith.cmpi slt, %add3A_4123, %lt3A_4133 : vector<8x1024xi32>
      %jit3A_4135 = arith.constant 0.000000e+00 : f32
      %broadcast_in_dim3A_4136 = vector.broadcast %jit3A_4135 : f32 to vector<8x1024xf32>
      %select_n3A_4137 = arith.select %lt3A_4134, %exp23A_4131, %broadcast_in_dim3A_4136 : vector<8x1024xi1>, vector<8x1024xf32>
      %add3A_4138 = arith.constant 8 : i32
      %add3A_4139 = vector.broadcast %add3A_4138 : i32 to vector<8x1024xi32>
      %add3A_4140 = arith.addi %add3A_4123, %add3A_4139 : vector<8x1024xi32>
      %add3A_4141 = arith.addf %add3A_4124, %select_n3A_4137 : vector<8x1024xf32>
      %get3A_4142 = arith.constant 1944 : index
      %get3A_4143 = arith.constant 0 : index
      %get3A_4144 = vector.load %arg1[%get3A_4142, %get3A_4143] : memref<2048x1024xf32, #tpu.memory_space<vmem>>, vector<8x1024xf32>
      %mul3A_4145 = arith.constant 92.3324813 : f32
      %mul3A_4146 = vector.broadcast %mul3A_4145 : f32 to vector<8x1024xf32>
      %mul3A_4147 = arith.mulf %get3A_4144, %mul3A_4146 : vector<8x1024xf32>
      %exp23A_4148 = math.exp2 %mul3A_4147 : vector<8x1024xf32>
      %lt3A_4149 = arith.constant 100000 : i32
      %lt3A_4150 = vector.broadcast %lt3A_4149 : i32 to vector<8x1024xi32>
      %lt3A_4151 = arith.cmpi slt, %add3A_4140, %lt3A_4150 : vector<8x1024xi32>
      %jit3A_4152 = arith.constant 0.000000e+00 : f32
      %broadcast_in_dim3A_4153 = vector.broadcast %jit3A_4152 : f32 to vector<8x1024xf32>
      %select_n3A_4154 = arith.select %lt3A_4151, %exp23A_4148, %broadcast_in_dim3A_4153 : vector<8x1024xi1>, vector<8x1024xf32>
      %add3A_4155 = arith.constant 8 : i32
      %add3A_4156 = vector.broadcast %add3A_4155 : i32 to vector<8x1024xi32>
      %add3A_4157 = arith.addi %add3A_4140, %add3A_4156 : vector<8x1024xi32>
      %add3A_4158 = arith.addf %add3A_4141, %select_n3A_4154 : vector<8x1024xf32>
      %get3A_4159 = arith.constant 1952 : index
      %get3A_4160 = arith.constant 0 : index
      %get3A_4161 = vector.load %arg1[%get3A_4159, %get3A_4160] : memref<2048x1024xf32, #tpu.memory_space<vmem>>, vector<8x1024xf32>
      %mul3A_4162 = arith.constant 92.3324813 : f32
      %mul3A_4163 = vector.broadcast %mul3A_4162 : f32 to vector<8x1024xf32>
      %mul3A_4164 = arith.mulf %get3A_4161, %mul3A_4163 : vector<8x1024xf32>
      %exp23A_4165 = math.exp2 %mul3A_4164 : vector<8x1024xf32>
      %lt3A_4166 = arith.constant 100000 : i32
      %lt3A_4167 = vector.broadcast %lt3A_4166 : i32 to vector<8x1024xi32>
      %lt3A_4168 = arith.cmpi slt, %add3A_4157, %lt3A_4167 : vector<8x1024xi32>
      %jit3A_4169 = arith.constant 0.000000e+00 : f32
      %broadcast_in_dim3A_4170 = vector.broadcast %jit3A_4169 : f32 to vector<8x1024xf32>
      %select_n3A_4171 = arith.select %lt3A_4168, %exp23A_4165, %broadcast_in_dim3A_4170 : vector<8x1024xi1>, vector<8x1024xf32>
      %add3A_4172 = arith.constant 8 : i32
      %add3A_4173 = vector.broadcast %add3A_4172 : i32 to vector<8x1024xi32>
      %add3A_4174 = arith.addi %add3A_4157, %add3A_4173 : vector<8x1024xi32>
      %add3A_4175 = arith.addf %add3A_4158, %select_n3A_4171 : vector<8x1024xf32>
      %get3A_4176 = arith.constant 1960 : index
      %get3A_4177 = arith.constant 0 : index
      %get3A_4178 = vector.load %arg1[%get3A_4176, %get3A_4177] : memref<2048x1024xf32, #tpu.memory_space<vmem>>, vector<8x1024xf32>
      %mul3A_4179 = arith.constant 92.3324813 : f32
      %mul3A_4180 = vector.broadcast %mul3A_4179 : f32 to vector<8x1024xf32>
      %mul3A_4181 = arith.mulf %get3A_4178, %mul3A_4180 : vector<8x1024xf32>
      %exp23A_4182 = math.exp2 %mul3A_4181 : vector<8x1024xf32>
      %lt3A_4183 = arith.constant 100000 : i32
      %lt3A_4184 = vector.broadcast %lt3A_4183 : i32 to vector<8x1024xi32>
      %lt3A_4185 = arith.cmpi slt, %add3A_4174, %lt3A_4184 : vector<8x1024xi32>
      %jit3A_4186 = arith.constant 0.000000e+00 : f32
      %broadcast_in_dim3A_4187 = vector.broadcast %jit3A_4186 : f32 to vector<8x1024xf32>
      %select_n3A_4188 = arith.select %lt3A_4185, %exp23A_4182, %broadcast_in_dim3A_4187 : vector<8x1024xi1>, vector<8x1024xf32>
      %add3A_4189 = arith.constant 8 : i32
      %add3A_4190 = vector.broadcast %add3A_4189 : i32 to vector<8x1024xi32>
      %add3A_4191 = arith.addi %add3A_4174, %add3A_4190 : vector<8x1024xi32>
      %add3A_4192 = arith.addf %add3A_4175, %select_n3A_4188 : vector<8x1024xf32>
      %get3A_4193 = arith.constant 1968 : index
      %get3A_4194 = arith.constant 0 : index
      %get3A_4195 = vector.load %arg1[%get3A_4193, %get3A_4194] : memref<2048x1024xf32, #tpu.memory_space<vmem>>, vector<8x1024xf32>
      %mul3A_4196 = arith.constant 92.3324813 : f32
      %mul3A_4197 = vector.broadcast %mul3A_4196 : f32 to vector<8x1024xf32>
      %mul3A_4198 = arith.mulf %get3A_4195, %mul3A_4197 : vector<8x1024xf32>
      %exp23A_4199 = math.exp2 %mul3A_4198 : vector<8x1024xf32>
      %lt3A_4200 = arith.constant 100000 : i32
      %lt3A_4201 = vector.broadcast %lt3A_4200 : i32 to vector<8x1024xi32>
      %lt3A_4202 = arith.cmpi slt, %add3A_4191, %lt3A_4201 : vector<8x1024xi32>
      %jit3A_4203 = arith.constant 0.000000e+00 : f32
      %broadcast_in_dim3A_4204 = vector.broadcast %jit3A_4203 : f32 to vector<8x1024xf32>
      %select_n3A_4205 = arith.select %lt3A_4202, %exp23A_4199, %broadcast_in_dim3A_4204 : vector<8x1024xi1>, vector<8x1024xf32>
      %add3A_4206 = arith.constant 8 : i32
      %add3A_4207 = vector.broadcast %add3A_4206 : i32 to vector<8x1024xi32>
      %add3A_4208 = arith.addi %add3A_4191, %add3A_4207 : vector<8x1024xi32>
      %add3A_4209 = arith.addf %add3A_4192, %select_n3A_4205 : vector<8x1024xf32>
      %get3A_4210 = arith.constant 1976 : index
      %get3A_4211 = arith.constant 0 : index
      %get3A_4212 = vector.load %arg1[%get3A_4210, %get3A_4211] : memref<2048x1024xf32, #tpu.memory_space<vmem>>, vector<8x1024xf32>
      %mul3A_4213 = arith.constant 92.3324813 : f32
      %mul3A_4214 = vector.broadcast %mul3A_4213 : f32 to vector<8x1024xf32>
      %mul3A_4215 = arith.mulf %get3A_4212, %mul3A_4214 : vector<8x1024xf32>
      %exp23A_4216 = math.exp2 %mul3A_4215 : vector<8x1024xf32>
      %lt3A_4217 = arith.constant 100000 : i32
      %lt3A_4218 = vector.broadcast %lt3A_4217 : i32 to vector<8x1024xi32>
      %lt3A_4219 = arith.cmpi slt, %add3A_4208, %lt3A_4218 : vector<8x1024xi32>
      %jit3A_4220 = arith.constant 0.000000e+00 : f32
      %broadcast_in_dim3A_4221 = vector.broadcast %jit3A_4220 : f32 to vector<8x1024xf32>
      %select_n3A_4222 = arith.select %lt3A_4219, %exp23A_4216, %broadcast_in_dim3A_4221 : vector<8x1024xi1>, vector<8x1024xf32>
      %add3A_4223 = arith.constant 8 : i32
      %add3A_4224 = vector.broadcast %add3A_4223 : i32 to vector<8x1024xi32>
      %add3A_4225 = arith.addi %add3A_4208, %add3A_4224 : vector<8x1024xi32>
      %add3A_4226 = arith.addf %add3A_4209, %select_n3A_4222 : vector<8x1024xf32>
      %get3A_4227 = arith.constant 1984 : index
      %get3A_4228 = arith.constant 0 : index
      %get3A_4229 = vector.load %arg1[%get3A_4227, %get3A_4228] : memref<2048x1024xf32, #tpu.memory_space<vmem>>, vector<8x1024xf32>
      %mul3A_4230 = arith.constant 92.3324813 : f32
      %mul3A_4231 = vector.broadcast %mul3A_4230 : f32 to vector<8x1024xf32>
      %mul3A_4232 = arith.mulf %get3A_4229, %mul3A_4231 : vector<8x1024xf32>
      %exp23A_4233 = math.exp2 %mul3A_4232 : vector<8x1024xf32>
      %lt3A_4234 = arith.constant 100000 : i32
      %lt3A_4235 = vector.broadcast %lt3A_4234 : i32 to vector<8x1024xi32>
      %lt3A_4236 = arith.cmpi slt, %add3A_4225, %lt3A_4235 : vector<8x1024xi32>
      %jit3A_4237 = arith.constant 0.000000e+00 : f32
      %broadcast_in_dim3A_4238 = vector.broadcast %jit3A_4237 : f32 to vector<8x1024xf32>
      %select_n3A_4239 = arith.select %lt3A_4236, %exp23A_4233, %broadcast_in_dim3A_4238 : vector<8x1024xi1>, vector<8x1024xf32>
      %add3A_4240 = arith.constant 8 : i32
      %add3A_4241 = vector.broadcast %add3A_4240 : i32 to vector<8x1024xi32>
      %add3A_4242 = arith.addi %add3A_4225, %add3A_4241 : vector<8x1024xi32>
      %add3A_4243 = arith.addf %add3A_4226, %select_n3A_4239 : vector<8x1024xf32>
      %get3A_4244 = arith.constant 1992 : index
      %get3A_4245 = arith.constant 0 : index
      %get3A_4246 = vector.load %arg1[%get3A_4244, %get3A_4245] : memref<2048x1024xf32, #tpu.memory_space<vmem>>, vector<8x1024xf32>
      %mul3A_4247 = arith.constant 92.3324813 : f32
      %mul3A_4248 = vector.broadcast %mul3A_4247 : f32 to vector<8x1024xf32>
      %mul3A_4249 = arith.mulf %get3A_4246, %mul3A_4248 : vector<8x1024xf32>
      %exp23A_4250 = math.exp2 %mul3A_4249 : vector<8x1024xf32>
      %lt3A_4251 = arith.constant 100000 : i32
      %lt3A_4252 = vector.broadcast %lt3A_4251 : i32 to vector<8x1024xi32>
      %lt3A_4253 = arith.cmpi slt, %add3A_4242, %lt3A_4252 : vector<8x1024xi32>
      %jit3A_4254 = arith.constant 0.000000e+00 : f32
      %broadcast_in_dim3A_4255 = vector.broadcast %jit3A_4254 : f32 to vector<8x1024xf32>
      %select_n3A_4256 = arith.select %lt3A_4253, %exp23A_4250, %broadcast_in_dim3A_4255 : vector<8x1024xi1>, vector<8x1024xf32>
      %add3A_4257 = arith.constant 8 : i32
      %add3A_4258 = vector.broadcast %add3A_4257 : i32 to vector<8x1024xi32>
      %add3A_4259 = arith.addi %add3A_4242, %add3A_4258 : vector<8x1024xi32>
      %add3A_4260 = arith.addf %add3A_4243, %select_n3A_4256 : vector<8x1024xf32>
      %get3A_4261 = arith.constant 2000 : index
      %get3A_4262 = arith.constant 0 : index
      %get3A_4263 = vector.load %arg1[%get3A_4261, %get3A_4262] : memref<2048x1024xf32, #tpu.memory_space<vmem>>, vector<8x1024xf32>
      %mul3A_4264 = arith.constant 92.3324813 : f32
      %mul3A_4265 = vector.broadcast %mul3A_4264 : f32 to vector<8x1024xf32>
      %mul3A_4266 = arith.mulf %get3A_4263, %mul3A_4265 : vector<8x1024xf32>
      %exp23A_4267 = math.exp2 %mul3A_4266 : vector<8x1024xf32>
      %lt3A_4268 = arith.constant 100000 : i32
      %lt3A_4269 = vector.broadcast %lt3A_4268 : i32 to vector<8x1024xi32>
      %lt3A_4270 = arith.cmpi slt, %add3A_4259, %lt3A_4269 : vector<8x1024xi32>
      %jit3A_4271 = arith.constant 0.000000e+00 : f32
      %broadcast_in_dim3A_4272 = vector.broadcast %jit3A_4271 : f32 to vector<8x1024xf32>
      %select_n3A_4273 = arith.select %lt3A_4270, %exp23A_4267, %broadcast_in_dim3A_4272 : vector<8x1024xi1>, vector<8x1024xf32>
      %add3A_4274 = arith.constant 8 : i32
      %add3A_4275 = vector.broadcast %add3A_4274 : i32 to vector<8x1024xi32>
      %add3A_4276 = arith.addi %add3A_4259, %add3A_4275 : vector<8x1024xi32>
      %add3A_4277 = arith.addf %add3A_4260, %select_n3A_4273 : vector<8x1024xf32>
      %get3A_4278 = arith.constant 2008 : index
      %get3A_4279 = arith.constant 0 : index
      %get3A_4280 = vector.load %arg1[%get3A_4278, %get3A_4279] : memref<2048x1024xf32, #tpu.memory_space<vmem>>, vector<8x1024xf32>
      %mul3A_4281 = arith.constant 92.3324813 : f32
      %mul3A_4282 = vector.broadcast %mul3A_4281 : f32 to vector<8x1024xf32>
      %mul3A_4283 = arith.mulf %get3A_4280, %mul3A_4282 : vector<8x1024xf32>
      %exp23A_4284 = math.exp2 %mul3A_4283 : vector<8x1024xf32>
      %lt3A_4285 = arith.constant 100000 : i32
      %lt3A_4286 = vector.broadcast %lt3A_4285 : i32 to vector<8x1024xi32>
      %lt3A_4287 = arith.cmpi slt, %add3A_4276, %lt3A_4286 : vector<8x1024xi32>
      %jit3A_4288 = arith.constant 0.000000e+00 : f32
      %broadcast_in_dim3A_4289 = vector.broadcast %jit3A_4288 : f32 to vector<8x1024xf32>
      %select_n3A_4290 = arith.select %lt3A_4287, %exp23A_4284, %broadcast_in_dim3A_4289 : vector<8x1024xi1>, vector<8x1024xf32>
      %add3A_4291 = arith.constant 8 : i32
      %add3A_4292 = vector.broadcast %add3A_4291 : i32 to vector<8x1024xi32>
      %add3A_4293 = arith.addi %add3A_4276, %add3A_4292 : vector<8x1024xi32>
      %add3A_4294 = arith.addf %add3A_4277, %select_n3A_4290 : vector<8x1024xf32>
      %get3A_4295 = arith.constant 2016 : index
      %get3A_4296 = arith.constant 0 : index
      %get3A_4297 = vector.load %arg1[%get3A_4295, %get3A_4296] : memref<2048x1024xf32, #tpu.memory_space<vmem>>, vector<8x1024xf32>
      %mul3A_4298 = arith.constant 92.3324813 : f32
      %mul3A_4299 = vector.broadcast %mul3A_4298 : f32 to vector<8x1024xf32>
      %mul3A_4300 = arith.mulf %get3A_4297, %mul3A_4299 : vector<8x1024xf32>
      %exp23A_4301 = math.exp2 %mul3A_4300 : vector<8x1024xf32>
      %lt3A_4302 = arith.constant 100000 : i32
      %lt3A_4303 = vector.broadcast %lt3A_4302 : i32 to vector<8x1024xi32>
      %lt3A_4304 = arith.cmpi slt, %add3A_4293, %lt3A_4303 : vector<8x1024xi32>
      %jit3A_4305 = arith.constant 0.000000e+00 : f32
      %broadcast_in_dim3A_4306 = vector.broadcast %jit3A_4305 : f32 to vector<8x1024xf32>
      %select_n3A_4307 = arith.select %lt3A_4304, %exp23A_4301, %broadcast_in_dim3A_4306 : vector<8x1024xi1>, vector<8x1024xf32>
      %add3A_4308 = arith.constant 8 : i32
      %add3A_4309 = vector.broadcast %add3A_4308 : i32 to vector<8x1024xi32>
      %add3A_4310 = arith.addi %add3A_4293, %add3A_4309 : vector<8x1024xi32>
      %add3A_4311 = arith.addf %add3A_4294, %select_n3A_4307 : vector<8x1024xf32>
      %get3A_4312 = arith.constant 2024 : index
      %get3A_4313 = arith.constant 0 : index
      %get3A_4314 = vector.load %arg1[%get3A_4312, %get3A_4313] : memref<2048x1024xf32, #tpu.memory_space<vmem>>, vector<8x1024xf32>
      %mul3A_4315 = arith.constant 92.3324813 : f32
      %mul3A_4316 = vector.broadcast %mul3A_4315 : f32 to vector<8x1024xf32>
      %mul3A_4317 = arith.mulf %get3A_4314, %mul3A_4316 : vector<8x1024xf32>
      %exp23A_4318 = math.exp2 %mul3A_4317 : vector<8x1024xf32>
      %lt3A_4319 = arith.constant 100000 : i32
      %lt3A_4320 = vector.broadcast %lt3A_4319 : i32 to vector<8x1024xi32>
      %lt3A_4321 = arith.cmpi slt, %add3A_4310, %lt3A_4320 : vector<8x1024xi32>
      %jit3A_4322 = arith.constant 0.000000e+00 : f32
      %broadcast_in_dim3A_4323 = vector.broadcast %jit3A_4322 : f32 to vector<8x1024xf32>
      %select_n3A_4324 = arith.select %lt3A_4321, %exp23A_4318, %broadcast_in_dim3A_4323 : vector<8x1024xi1>, vector<8x1024xf32>
      %add3A_4325 = arith.constant 8 : i32
      %add3A_4326 = vector.broadcast %add3A_4325 : i32 to vector<8x1024xi32>
      %add3A_4327 = arith.addi %add3A_4310, %add3A_4326 : vector<8x1024xi32>
      %add3A_4328 = arith.addf %add3A_4311, %select_n3A_4324 : vector<8x1024xf32>
      %get3A_4329 = arith.constant 2032 : index
      %get3A_4330 = arith.constant 0 : index
      %get3A_4331 = vector.load %arg1[%get3A_4329, %get3A_4330] : memref<2048x1024xf32, #tpu.memory_space<vmem>>, vector<8x1024xf32>
      %mul3A_4332 = arith.constant 92.3324813 : f32
      %mul3A_4333 = vector.broadcast %mul3A_4332 : f32 to vector<8x1024xf32>
      %mul3A_4334 = arith.mulf %get3A_4331, %mul3A_4333 : vector<8x1024xf32>
      %exp23A_4335 = math.exp2 %mul3A_4334 : vector<8x1024xf32>
      %lt3A_4336 = arith.constant 100000 : i32
      %lt3A_4337 = vector.broadcast %lt3A_4336 : i32 to vector<8x1024xi32>
      %lt3A_4338 = arith.cmpi slt, %add3A_4327, %lt3A_4337 : vector<8x1024xi32>
      %jit3A_4339 = arith.constant 0.000000e+00 : f32
      %broadcast_in_dim3A_4340 = vector.broadcast %jit3A_4339 : f32 to vector<8x1024xf32>
      %select_n3A_4341 = arith.select %lt3A_4338, %exp23A_4335, %broadcast_in_dim3A_4340 : vector<8x1024xi1>, vector<8x1024xf32>
      %add3A_4342 = arith.constant 8 : i32
      %add3A_4343 = vector.broadcast %add3A_4342 : i32 to vector<8x1024xi32>
      %add3A_4344 = arith.addi %add3A_4327, %add3A_4343 : vector<8x1024xi32>
      %add3A_4345 = arith.addf %add3A_4328, %select_n3A_4341 : vector<8x1024xf32>
      %get3A_4346 = arith.constant 2040 : index
      %get3A_4347 = arith.constant 0 : index
      %get3A_4348 = vector.load %arg1[%get3A_4346, %get3A_4347] : memref<2048x1024xf32, #tpu.memory_space<vmem>>, vector<8x1024xf32>
      %mul3A_4349 = arith.constant 92.3324813 : f32
      %mul3A_4350 = vector.broadcast %mul3A_4349 : f32 to vector<8x1024xf32>
      %mul3A_4351 = arith.mulf %get3A_4348, %mul3A_4350 : vector<8x1024xf32>
      %exp23A_4352 = math.exp2 %mul3A_4351 : vector<8x1024xf32>
      %lt3A_4353 = arith.constant 100000 : i32
      %lt3A_4354 = vector.broadcast %lt3A_4353 : i32 to vector<8x1024xi32>
      %lt3A_4355 = arith.cmpi slt, %add3A_4344, %lt3A_4354 : vector<8x1024xi32>
      %jit3A_4356 = arith.constant 0.000000e+00 : f32
      %broadcast_in_dim3A_4357 = vector.broadcast %jit3A_4356 : f32 to vector<8x1024xf32>
      %select_n3A_4358 = arith.select %lt3A_4355, %exp23A_4352, %broadcast_in_dim3A_4357 : vector<8x1024xi1>, vector<8x1024xf32>
      %add3A_4359 = arith.addf %add3A_4345, %select_n3A_4358 : vector<8x1024xf32>
      %swap3A = arith.constant 0 : index
      %swap3A_4360 = arith.constant 0 : index
      %swap3A_4361 = vector.load %arg3[%swap3A, %swap3A_4360] : memref<8x1024xf32, #tpu.memory_space<vmem>>, vector<8x1024xf32>
      tpu.vector_store %arg3[%swap3A, %swap3A_4360], %add3A_4359 {strides = array<i32>} : memref<8x1024xf32, #tpu.memory_space<vmem>>, vector<8x1024xf32>,
      %get3A_4362 = arith.constant 0 : index
      %get3A_4363 = arith.constant 0 : index
      %get3A_4364 = vector.load %arg3[%get3A_4362, %get3A_4363] : memref<8x1024xf32, #tpu.memory_space<vmem>>, vector<8x1024xf32>
      %reduce_sum3A = arith.constant dense<0.000000e+00> : vector<1024xf32>
      %reduce_sum3A_4365 = vector.multi_reduction <add>, %get3A_4364, %reduce_sum3A [0] : vector<8x1024xf32> to vector<1024xf32>
      %broadcast_in_dim3A_4366 = vector.shape_cast %reduce_sum3A_4365 : vector<1024xf32> to vector<1x1024xf32>
      %swap3A_4367 = arith.constant 0 : index
      %swap3A_4368 = arith.constant 0 : index
      %swap3A_4369 = vector.load %arg2[%swap3A_4367, %swap3A_4368] : memref<1x1024xf32, #tpu.memory_space<vmem>>, vector<1x1024xf32>
      tpu.vector_store %arg2[%swap3A_4367, %swap3A_4368], %broadcast_in_dim3A_4366 {strides = array<i32>} : memref<1x1024xf32, #tpu.memory_space<vmem>>, vector<1x1024xf32>,
    } else {
    }
    return
  }
  func.func @transform_0(%arg0: i32) -> (i32, i32) {
    %c0_i32 = arith.constant 0 : i32
    %c0_i32_0 = arith.constant 0 : i32
    return %arg0, %c0_i32 : i32, i32
  }
  func.func @transform_1(%arg0: i32) -> (i32, i32) {
    %c0_i32 = arith.constant 0 : i32
    %c0_i32_0 = arith.constant 0 : i32
    %c0_i32_1 = arith.constant 0 : i32
    return %c0_i32, %c0_i32_0 : i32, i32
  }
}

</mosaic_0001>

<sc_bundles>
// kernel: kernel.5.cloned.1.call-start
scs
__scs_entry_jumppad:
0x0: {  	(pc) =	sbr.rel $0x88, $3  }
0x1: {  	(tag) =	ssettag $0x0;
	lr =	simm.s32 $0x1  }
0x2: {  	[smem:$0x3F9F] =	sst lr;
	_ =	strace $0xD0000000  }
0x3: {  	_ = 	snop  }
0x4: {  	_ = 	snop  }
0x5: {  	_ = 	snop  }
0x6: {  	_ = 	snop  }
0x7: {  	_ = 	snop  }
__scs_overlays_trampoline_lowered:
0x8: {  	[smem:$0x3FAE] =	sst s0  }
0x9: {  	[smem:$0x3FAF] =	sst s1  }
0xa: {  	[smem:$0x3FB0] =	sst s2  }
0xb: {  	[smem:$0x3FB1] =	sst s3  }
0xc: {  	[smem:$0x3FB2] =	sst s4  }
0xd: {  	[smem:$0x3FB3] =	sst s5  }
0xe: {  	[smem:$0x3FB4] =	sst s6  }
0xf: {  	[smem:$0x3FB5] =	sst s7  }
0x10: {  	[smem:$0x3FB6] =	sst s8  }
0x11: {  	[smem:$0x3FB7] =	sst s9;
	s0 =	simm.s32 @!p0 $0x0  }
0x12: {  	s1 =	sld [smem:$0x3F9D];
	s0 =	simm.s32 @p0 $0x1  }
0x13: {  	[smem:$0x3FB8] =	sst s0;
	s0 =	simm.s32 @!p1 $0x0  }
0x14: {  	s2 =	sld [smem:$0x3F9C];
	s0 =	simm.s32 @p1 $0x1  }
0x15: {  	[smem:$0x3FB9] =	sst s0;
	s0 =	simm.s32 @!p2 $0x0  }
0x16: {  	s3 =	sld [smem:$0x3FDB];
	s0 =	simm.s32 @p2 $0x1  }
0x17: {  	s4 =	simm.s32 $0x1BF5;
	[smem:$0x3FBB] =	sst s0  }
0x18: {  	s0 =	sld [smem:$0x3F9E];
	_ =	swait.ge [sflag:s4], $0x0  }
0x19: {  	s7 =	sld [smem:$0x3F9F]  }
0x1a: {  	s8 =	sadd.s32 $0xFFFFE003, lr  }
0x1b: {  	s9 =	sadd.s32 $0xFFFFFEF7, lr;
	s5 =	simm.s32 $0xFFFFFFFF;
	p2 =	slt.u32 s8, $0xFFFFF086  }
0x1c: {  	p1 =	slt.u32 s9, $0xF7A;
	s5 =	simm.s32 @!p2 $0x0  }
0x1d: {  	s5 =	simm.s32 @p1 $0x1;
	p0 =	seq.s32 s7, s2  }
0x1e: {  	s7 =	smul.u32 @!p0 $0xF7A, s2;
	p2 =	seq.s32 @!p0 s5, $0x0  }
0x1f: {  	s9 =	smul.u32 $0xF7A, s1;
	s8 =	simm.s32 @!p0 $0x1BF5;
	p2 =	por !p2, p0  }
0x20: {  	[sflag:s8] =	ssyncset.s32 @!p0 $0xFFFFF086;
	s6 =	sadd.s32 @!p0 s3, s7;
	s7 =	simm.s32 @!p0 $0x108  }
0x21: {  	s3 =	sadd.s32 s3, s9;
	s6 =	sadd.s32 @!p0 $0x88, s6;
	s7 =	simm.s32 @p2 $0x1082  }
0x22: {  	[simem:s7], [sflag:s8] =	dma.local @!p0 [hbm:s6], $0xF7A  }
0x23: {  	s9 =	sor.u32 $0xD0000000, s2;
	s6 =	simm.s32 $0x108;
	_ =	swait.ge @!p0 [sflag:s8], $0x0  }
0x24: {  	s3 =	sadd.s32 $0x88, s3;
	s6 =	simm.s32 @!p1 $0x1082;
	[sflag:s4] =	ssyncset.s32 $0xFFFFF086  }
0x25: {  	[simem:s6], [sflag:s4] =	dma.local [hbm:s3], $0xF7A  }
0x26: {  	[smem:$0x3F9F] =	sst s1;
	(tag) =	ssettag s2;
	_ =	strace s9  }
0x27: {  	s1 =	sld [smem:$0x3FAF]  }
0x28: {  	s2 =	sld [smem:$0x3FB0]  }
0x29: {  	s4 =	sld [smem:$0x3FB2]  }
0x2a: {  	p0 =	seq.s32 s5, $0x0;
	s5 =	sld [smem:$0x3FB3]  }
0x2b: {  	s6 =	sld [smem:$0x3FB4]  }
0x2c: {  	s7 =	sld [smem:$0x3FB5]  }
0x2d: {  	s3 =	simm.s32 $0x108;
	s8 =	sld [smem:$0x3FB6]  }
0x2e: {  	s3 =	simm.s32 @!p0 $0x1082;
	s9 =	sld [smem:$0x3FB7]  }
0x2f: {  	lr =	sadd.s32 s0, s3;
	s0 =	sld [smem:$0x3FAE]  }
0x30: {  	s3 =	sld [smem:$0x3FB1]  }
0x31: {  	[smem:$0x3FBA] =	sst s10  }
0x32: {  	s10 =	sld [smem:$0x3FB8];
	_ =	sdelay $0x3  }
0x33: {  	p0 =	seq.s32 s10, $0x1;
	s10 =	sld [smem:$0x3FBA];
	_ =	sdelay $0x3  }
0x34: {  	[smem:$0x3FBA] =	sst s10  }
0x35: {  	s10 =	sld [smem:$0x3FB9];
	_ =	sdelay $0x3  }
0x36: {  	p1 =	seq.s32 s10, $0x1;
	s10 =	sld [smem:$0x3FBA];
	_ =	sdelay $0x3  }
0x37: {  	[smem:$0x3FBA] =	sst s10  }
0x38: {  	s10 =	sld [smem:$0x3FBB]  }
0x39: {  	_ = 	snop;
	(pc) =	sbr.ind lr, $3  }
0x3a: {  	_ = 	snop  }
0x3b: {  	_ = 	snop  }
0x3c: {  	p2 =	seq.s32 s10, $0x1;
	s10 =	sld [smem:$0x3FBA]  }
0x3d: {  	_ =	shalt  }
0x3e: {  	_ =	shalt  }
0x3f: {  	_ =	shalt  }
0x40: {  	_ =	shalt  }
0x41: {  	_ =	shalt  }
0x42: {  	_ =	shalt  }
0x43: {  	_ =	shalt  }
0x44: {  	_ =	shalt  }
0x45: {  	_ =	shalt  }
0x46: {  	_ =	shalt  }
0x47: {  	_ =	shalt  }
0x48: {  	_ =	shalt  }
0x49: {  	_ =	shalt  }
0x4a: {  	_ =	shalt  }
0x4b: {  	_ =	shalt  }
0x4c: {  	_ =	shalt  }
0x4d: {  	_ =	shalt  }
0x4e: {  	_ =	shalt  }
0x4f: {  	_ =	shalt  }
0x50: {  	_ =	shalt  }
0x51: {  	_ =	shalt  }
0x52: {  	_ =	shalt  }
0x53: {  	_ =	shalt  }
0x54: {  	_ =	shalt  }
0x55: {  	_ =	shalt  }
0x56: {  	_ =	shalt  }
0x57: {  	_ =	shalt  }
0x58: {  	_ =	shalt  }
0x59: {  	_ =	shalt  }
0x5a: {  	_ =	shalt  }
0x5b: {  	_ =	shalt  }
0x5c: {  	_ =	shalt  }
0x5d: {  	_ =	shalt  }
0x5e: {  	_ =	shalt  }
0x5f: {  	_ =	shalt  }
0x60: {  	_ =	shalt  }
0x61: {  	_ =	shalt  }
0x62: {  	_ =	shalt  }
0x63: {  	_ =	shalt  }
0x64: {  	_ =	shalt  }
0x65: {  	_ =	shalt  }
0x66: {  	_ =	shalt  }
0x67: {  	_ =	shalt  }
0x68: {  	_ =	shalt  }
0x69: {  	_ =	shalt  }
0x6a: {  	_ =	shalt  }
0x6b: {  	_ =	shalt  }
0x6c: {  	_ =	shalt  }
0x6d: {  	_ =	shalt  }
0x6e: {  	_ =	shalt  }
0x6f: {  	_ =	shalt  }
0x70: {  	_ =	shalt  }
0x71: {  	_ =	shalt  }
0x72: {  	_ =	shalt  }
0x73: {  	_ =	shalt  }
0x74: {  	_ =	shalt  }
0x75: {  	_ =	shalt  }
0x76: {  	_ =	shalt  }
0x77: {  	_ =	shalt  }
0x78: {  	_ =	shalt  }
0x79: {  	_ =	shalt  }
0x7a: {  	_ =	shalt  }
0x7b: {  	_ =	shalt  }
0x7c: {  	_ =	shalt  }
0x7d: {  	_ =	shalt  }
0x7e: {  	_ =	shalt  }
0x7f: {  	_ =	shalt  }
0x80: {  	_ =	shalt  }
0x81: {  	_ =	shalt  }
0x82: {  	_ =	shalt  }
0x83: {  	_ =	shalt  }
0x84: {  	_ =	shalt  }
0x85: {  	_ =	shalt  }
0x86: {  	_ =	shalt  }
0x87: {  	_ =	shalt  }
.Lfunc_end0:
.L_simem_size_0:
called_computation_lowered:
.L_overlay_start_0:
0x88: {  	s0 =	sld [smem:$0x3FD9]  }
0x89: {  	s1 =	sld [smem:$0x3FFE];
	_ =	sdelay $0x3  }
0x8a: {  	s0 =	sadd.s32 s1, s0  }
0x8b: {  	[smem:$0x3FC6] =	sst s0  }
0x8c: {  	_ = 	snop  }
0x8d: {  	s0 =	sld [smem:$0x3FC9]  }
0x8e: {  	s16 =	sld [smem:$0x3FC8];
	(tm) =	ssettm $0x1  }
0x8f: {  	s2 =	sld [smem:$0x3FFB];
	_ =	sdelay $0x3  }
0x90: {  	_ =	strace s2  }
0x91: {  	s2 =	sld [smem:$0x3FFC];
	_ =	sdelay $0x3  }
0x92: {  	_ =	strace s2  }
0x93: {  	s2 =	sld [smem:$0x3FFD];
	_ =	sdelay $0x3  }
0x94: {  	_ =	strace s2  }
0x95: {  	_ =	strace $0x8FFFFFFF  }
0x96: {  	s17 =	sld [smem:$0x3FDB];
	_ =	sdelay $0x1  }
0x97: {  	s3 =	simm.s32 $_scs_section_size  }
0x98: {  	s4 =	simm.s32 $_size__tile_overlayer_lowered;
	s5 =	simm.s32 $_tile_overlayer_lowered  }
0x99: {  	s20 =	simm.s32 $0x1BFF;
	s19 =	sshll.u32 s5, $0x1;
	s2 =	sadd.s32 s3, s17  }
0x9a: {  	s6 =	simm.s32 $0x0;
	s18 =	sshll.u32 s4, $0x1;
	s4 =	sadd.s32 s19, s2  }
0x9b: {  	[timem:s6], [sflag:s20] =	dma.local [hbm:s4], s18  }
0x9c: {  	_ =	swait.ge [sflag:s20], s18  }
0x9d: {  	s3 =	ssub.s32 $0x0, s18;
	[sflag:s20] =	ssyncset.done $0x0  }
0x9e: {  	[sflag:s20] =	ssyncadd.s32 s3;
	_ =	sdelay $0x1  }
0x9f: {  	s21 =	simm.s32 $0x1B8B  }
0xa0: {  	_ =	swait.ge [sflag:s21], $0x1  }
0xa1: {  	[sflag:s21] =	ssyncset.done $0x0  }
0xa2: {  	s23 =	simm.s32 $0x1B8E;
	s22 =	sld [smem:$0x3FFE];
	[sflag:s21] =	ssyncadd.s32 $0xFFFFFFFF  }
0xa3: {  	s24 =	simm.s32 $execute0_lowered;
	[smem:$0x3FD2] =	sst s23  }
0xa4: {  	s4 =	sshll.u32 s24, $0x1;
	_ =	strace $0x80000046;
	[dreg:$0x1] =	wrdreg $0xFFFFFFFF  }
0xa5: {  	s25 =	simm.s32 $_size_execute0_lowered;
	s2 =	sadd.s32 s2, s4;
	[dreg:$0x0] =	wrdreg $0x0  }
0xa6: {  	s4 =	sshll.u32 s25, $0x1;
	[dreg:$0x2] =	wrdreg s2  }
0xa7: {  	[dreg:$0x3] =	wrdreg s4  }
0xa8: {  	[dreg:$0x4] =	wrdreg $0xC0  }
0xa9: {  	_ =	task [dreg:s6], $0x5FFFF  }
0xaa: {  	[dreg:$0x1] =	wrdreg $0xFFFFFFFF  }
0xab: {  	[dreg:$0x0] =	wrdreg $0x60  }
0xac: {  	[dreg:$0x2] =	wrdreg s0  }
0xad: {  	[dreg:$0x3] =	wrdreg s16  }
0xae: {  	[dreg:$0x4] =	wrdreg s22  }
0xaf: {  	[dreg:$0x5] =	wrdreg $0x9  }
0xb0: {  	_ =	task.clear_ibuf [dreg:s6], $0x6FFFF;
	_ =	strace $0x90000046  }
0xb1: {  	s26 =	simm.s32 $0x9;
	_ =	strace $0x80000048  }
0xb2: {  	_ =	swait.ge [sflag:s26], $0x1  }
0xb3: {  	[sflag:s26] =	ssyncadd.s32 $0xFFFFFFFF  }
0xb4: {  	_ =	strace $0x90000048  }
0xb5: {  	_ =	sfence  }
0xb6: {  	s28 =	sld [smem:$0x0];
	_ =	sdelay $0x1  }
0xb7: {  	s29 =	srdreg.scid  }
0xb8: {  	s30 =	sshll.u32 s29, $0xD;
	s31 =	sshrl.u32 s29, $0x2  }
0xb9: {  	s1 =	sand.u32 $0x1, s29;
	s2 =	sand.u32 $0x4000, s30;
	s0 =	sadd.s32 s31, s28  }
0xba: {  	s1 =	sor.u32 s2, s1;
	s0 =	sshll.u32 s0, $0x11  }
0xbb: {  	s0 =	sor.u32 s0, s1  }
0xbc: {  	s0 =	sadd.s32 $0x8F2B, s0  }
0xbd: {  	[sflag:s0] =	ssyncadd.remote.s32 $0x1  }
0xbe: {  	_ =	sfence.sel $0xFFFF  }
0xbf: {  	[dreg:$0x0] =	wrdreg $0xFFFFFFFF;
	(pc) =	sbr.abs _section_cstart, $3  }
0xc0: {  	[dreg:$0x1] =	wrdreg $0xFFFFFFFF  }
0xc1: {  	_ =	task.clear_ibuf [dreg:s6], $0x2FFFF;
	_ =	strace $0x9FFFFFFF  }
0xc2: {  	(tm) =	ssettm $0x7FFFFFFF  }
0xc3: {  	_ =	shalt  }
tec
execute0_lowered:
.L_overlay_start_1:
0x0: {  	(tag) =	ssettag $0x1  }
0x1: {  	s5 =	rddreg [dreg:$0x0]  }
0x2: {  	s4 =	rddreg [dreg:$0x1]  }
0x3: {  	s3 =	rddreg [dreg:$0x2];
	s2 =	simm.s32 $0x0;
	s1 =	stileid.u32  }
0x4: {  	[smem:$0x7FF] =	sst s2;
	s6 =	sshll.u32 s1, $0x3  }
0x5: {  	s0 =	rddreg [dreg:$0x3];
	_ =	strace $0x80000047;
	s4 =	sadd.s32 s4, s6  }
0x6: {  	[tilespmem:s2], [sflag:$0x2] =	stream.linear.gather [hbm4b:s4+s2], $0x40, $0x38;
	[tilespmem:$0x2080] =	vst v63  }
0x7: {  	s4 =	simm.s32 $0x2  }
0x8: {  	_ =	swait.ge [sflag:s4], $0x40  }
0x9: {  	[sflag:s4] =	ssyncset.done $0x0  }
0xa: {  	[sflag:s4] =	ssyncadd.s32 $0xFFFFFFC0  }
0xb: {  	v0 =	vld [tilespmem:$0x0];
	_ =	sdelay $0x4  }
0xc: {  	vm0 =	vgt.s32 v0, $0x0  }
0xd: {  	v4 =	vld [tilespmem:$0x10];
	v3 =	vnsel vm0, $0x0, v0  }
0xe: {  	v5 =	vld [tilespmem:$0x20];
	v0 =	vshll.u32 v3, $0x3  }
0xf: {  	v6 =	vld [tilespmem:$0x30];
	v2 =	vand.u32 $0x7, v3;
	v0 =	vand.u32 $0xFFFFFFC0, v0  }
0x10: {  	v1 =	vimm.s32 $0x0;
	v50 =	vlaneseq.u32;
	v17 =	vor.u32 v2, v0  }
0x11: {  	v0 =	vmul.u32 $0x8, v50;
	v7 =	vperm.xlane v17, v1  }
0x12: {  	vm13 =	vgt.s32 v4, $0x0;
	v2 =	vimm.s32 $0x1  }
0x13: {  	vm1 =	vgt.s32 v5, $0x0;
	v8 =	vperm.xlane v17, v2;
	v7 =	vadd.s32 v0, v7  }
0x14: {  	vm14 =	vgt.s32 v6, $0x0;
	v4 =	vnsel vm13, $0x0, v4;
	[tilespmem:$0x0] =	vst v3;
	v3 =	vimm.s32 $0x2  }
0x15: {  	s12 =	sshll.u32 s1, $0x6;
	v5 =	vnsel vm1, $0x0, v5;
	[tilespmem:$0x10] =	vst v4;
	v9 =	vperm.xlane v17, v3;
	v8 =	vadd.s32 v0, v8  }
0x16: {  	s6 =	sand.u32 $0x380, s12;
	v51 =	vnsel vm14, $0x0, v6;
	[tilespmem:$0x20] =	vst v5;
	v4 =	vimm.s32 $0x3  }
0x17: {  	vm15 =	vmmov $0x1;
	s6 =	sadd.s32 s5, s6;
	s5 =	simm.s32 $0x80;
	[tilespmem:$0x30] =	vst v51;
	v52 =	vperm.xlane v17, v4;
	v9 =	vadd.s32 v0, v9  }
0x18: {  	v5 =	vimm.s32 $0x4;
	[tilespmem:s5], [sflag:$0x1] =	stream.indirect_vreg.gather [hbm4b:s6+s2], $0x80, v7, vm15, $0xb8;
	[tilespmem:$0x2080] =	vst v63  }
0x19: {  	s7 =	simm.s32 $0x100;
	v53 =	vperm.xlane v17, v5;
	v10 =	vadd.s32 v0, v52  }
0x1a: {  	v6 =	vimm.s32 $0x5;
	[tilespmem:s7], [sflag:$0x1] =	stream.indirect_vreg.gather [hbm4b:s6+s2], $0x80, v8, vm15, $0xb8;
	[tilespmem:$0x2080] =	vst v63  }
0x1b: {  	s13 =	simm.s32 $0x180;
	v54 =	vperm.xlane v17, v6;
	v11 =	vadd.s32 v0, v53  }
0x1c: {  	v8 =	vimm.s32 $0x6;
	[tilespmem:s13], [sflag:$0x1] =	stream.indirect_vreg.gather [hbm4b:s6+s2], $0x80, v9, vm15, $0xb8;
	[tilespmem:$0x2080] =	vst v63  }
0x1d: {  	s14 =	simm.s32 $0x200;
	v12 =	vadd.s32 v0, v54;
	v55 =	vperm.xlane v17, v8  }
0x1e: {  	v7 =	vimm.s32 $0x7;
	[tilespmem:s14], [sflag:$0x1] =	stream.indirect_vreg.gather [hbm4b:s6+s2], $0x80, v10, vm15, $0xb8;
	[tilespmem:$0x2080] =	vst v63  }
0x1f: {  	s15 =	simm.s32 $0x280;
	v56 =	vperm.xlane v17, v7;
	v13 =	vadd.s32 v0, v55  }
0x20: {  	v9 =	vimm.s32 $0x8;
	[tilespmem:s15], [sflag:$0x1] =	stream.indirect_vreg.gather [hbm4b:s6+s2], $0x80, v11, vm15, $0xb8;
	[tilespmem:$0x2080] =	vst v63  }
0x21: {  	s16 =	simm.s32 $0x300;
	v14 =	vadd.s32 v0, v56;
	v57 =	vperm.xlane v17, v9  }
0x22: {  	v10 =	vimm.s32 $0x9;
	[tilespmem:s16], [sflag:$0x1] =	stream.indirect_vreg.gather [hbm4b:s6+s2], $0x80, v12, vm15, $0xb8;
	[tilespmem:$0x2080] =	vst v63  }
0x23: {  	s17 =	simm.s32 $0x380;
	v15 =	vadd.s32 v0, v57;
	v58 =	vperm.xlane v17, v10  }
0x24: {  	v11 =	vimm.s32 $0xA;
	[tilespmem:s17], [sflag:$0x1] =	stream.indirect_vreg.gather [hbm4b:s6+s2], $0x80, v13, vm15, $0xb8;
	[tilespmem:$0x2080] =	vst v63  }
0x25: {  	s18 =	simm.s32 $0x400;
	v16 =	vadd.s32 v0, v58;
	v59 =	vperm.xlane v17, v11  }
0x26: {  	v12 =	vimm.s32 $0xB;
	[tilespmem:s18], [sflag:$0x1] =	stream.indirect_vreg.gather [hbm4b:s6+s2], $0x80, v14, vm15, $0xb8;
	[tilespmem:$0x2080] =	vst v63  }
0x27: {  	s19 =	simm.s32 $0x480;
	v18 =	vadd.s32 v0, v59;
	v60 =	vperm.xlane v17, v12  }
0x28: {  	v13 =	vimm.s32 $0xC;
	[tilespmem:s19], [sflag:$0x1] =	stream.indirect_vreg.gather [hbm4b:s6+s2], $0x80, v15, vm15, $0xb8;
	[tilespmem:$0x2080] =	vst v63  }
0x29: {  	s20 =	simm.s32 $0x500;
	v19 =	vadd.s32 v0, v60;
	v61 =	vperm.xlane v17, v13  }
0x2a: {  	v14 =	vimm.s32 $0xD;
	[tilespmem:s20], [sflag:$0x1] =	stream.indirect_vreg.gather [hbm4b:s6+s2], $0x80, v16, vm15, $0xb8;
	[tilespmem:$0x2080] =	vst v63  }
0x2b: {  	s21 =	simm.s32 $0x580;
	v20 =	vadd.s32 v0, v61;
	v62 =	vperm.xlane v17, v14  }
0x2c: {  	v15 =	vimm.s32 $0xE;
	[tilespmem:s21], [sflag:$0x1] =	stream.indirect_vreg.gather [hbm4b:s6+s2], $0x80, v18, vm15, $0xb8;
	[tilespmem:$0x2080] =	vst v63  }
0x2d: {  	s22 =	simm.s32 $0x600;
	v63 =	vadd.s32 v0, v62;
	v21 =	vperm.xlane v17, v15  }
0x2e: {  	v16 =	vimm.s32 $0xF;
	[tilespmem:s22], [sflag:$0x1] =	stream.indirect_vreg.gather [hbm4b:s6+s2], $0x80, v19, vm15, $0xb8;
	[tilespmem:$0x2080] =	vst v63  }
0x2f: {  	s23 =	simm.s32 $0x680;
	v24 =	vadd.s32 v0, v21;
	v17 =	vperm.xlane v17, v16  }
0x30: {  	[tilespmem:s23], [sflag:$0x1] =	stream.indirect_vreg.gather [hbm4b:s6+s2], $0x80, v20, vm15, $0xb8;
	[tilespmem:$0x2080] =	vst v63  }
0x31: {  	s24 =	simm.s32 $0x700;
	v17 =	vadd.s32 v0, v17  }
0x32: {  	[tilespmem:s24], [sflag:$0x1] =	stream.indirect_vreg.gather [hbm4b:s6+s2], $0x80, v63, vm15, $0xb8;
	[tilespmem:$0x2080] =	vst v63  }
0x33: {  	s25 =	simm.s32 $0x780  }
0x34: {  	[tilespmem:s25], [sflag:$0x1] =	stream.indirect_vreg.gather [hbm4b:s6+s2], $0x80, v24, vm15, $0xb8;
	[tilespmem:$0x2080] =	vst v63  }
0x35: {  	s26 =	simm.s32 $0x800  }
0x36: {  	[tilespmem:s26], [sflag:$0x1] =	stream.indirect_vreg.gather [hbm4b:s6+s2], $0x80, v17, vm15, $0xb8;
	[tilespmem:$0x2080] =	vst v63  }
0x37: {  	v17 =	vld [tilespmem:$0x10];
	_ =	sdelay $0x4  }
0x38: {  	v25 =	vshll.u32 v17, $0x3  }
0x39: {  	v17 =	vand.u32 $0x7, v17;
	v18 =	vand.u32 $0xFFFFFFC0, v25  }
0x3a: {  	v17 =	vor.u32 v17, v18  }
0x3b: {  	v18 =	vperm.xlane v17, v1;
	_ =	sdelay $0x1  }
0x3c: {  	v26 =	vperm.xlane v17, v2;
	v18 =	vadd.s32 v0, v18;
	_ =	sdelay $0x1  }
0x3d: {  	v27 =	vperm.xlane v17, v3;
	v19 =	vadd.s32 v0, v26;
	_ =	sdelay $0x1  }
0x3e: {  	s28 =	simm.s32 $0x880;
	v28 =	vperm.xlane v17, v4;
	v20 =	vadd.s32 v0, v27  }
0x3f: {  	[tilespmem:s28], [sflag:$0x1] =	stream.indirect_vreg.gather [hbm4b:s6+s2], $0x80, v18, vm15, $0xb8;
	[tilespmem:$0x2080] =	vst v63  }
0x40: {  	s29 =	simm.s32 $0x900;
	v30 =	vperm.xlane v17, v5;
	v29 =	vadd.s32 v0, v28  }
0x41: {  	[tilespmem:s29], [sflag:$0x1] =	stream.indirect_vreg.gather [hbm4b:s6+s2], $0x80, v19, vm15, $0xb8;
	[tilespmem:$0x2080] =	vst v63  }
0x42: {  	s30 =	simm.s32 $0x980;
	v32 =	vperm.xlane v17, v6;
	v31 =	vadd.s32 v0, v30  }
0x43: {  	[tilespmem:s30], [sflag:$0x1] =	stream.indirect_vreg.gather [hbm4b:s6+s2], $0x80, v20, vm15, $0xb8;
	[tilespmem:$0x2080] =	vst v63  }
0x44: {  	s31 =	simm.s32 $0xA00;
	v34 =	vperm.xlane v17, v8;
	v33 =	vadd.s32 v0, v32  }
0x45: {  	[tilespmem:s31], [sflag:$0x1] =	stream.indirect_vreg.gather [hbm4b:s6+s2], $0x80, v29, vm15, $0xb8;
	[tilespmem:$0x2080] =	vst v63  }
0x46: {  	s8 =	simm.s32 $0xA80;
	v36 =	vperm.xlane v17, v7;
	v35 =	vadd.s32 v0, v34  }
0x47: {  	[tilespmem:s8], [sflag:$0x1] =	stream.indirect_vreg.gather [hbm4b:s6+s2], $0x80, v31, vm15, $0xb8;
	[tilespmem:$0x2080] =	vst v63  }
0x48: {  	s9 =	simm.s32 $0xB00;
	v38 =	vperm.xlane v17, v9;
	v37 =	vadd.s32 v0, v36  }
0x49: {  	[tilespmem:s9], [sflag:$0x1] =	stream.indirect_vreg.gather [hbm4b:s6+s2], $0x80, v33, vm15, $0xb8;
	[tilespmem:$0x2080] =	vst v63  }
0x4a: {  	s10 =	simm.s32 $0xB80;
	v40 =	vperm.xlane v17, v10;
	v39 =	vadd.s32 v0, v38  }
0x4b: {  	[tilespmem:s10], [sflag:$0x1] =	stream.indirect_vreg.gather [hbm4b:s6+s2], $0x80, v35, vm15, $0xb8;
	[tilespmem:$0x2080] =	vst v63  }
0x4c: {  	s11 =	simm.s32 $0xC00;
	v42 =	vperm.xlane v17, v11;
	v41 =	vadd.s32 v0, v40  }
0x4d: {  	[tilespmem:s11], [sflag:$0x1] =	stream.indirect_vreg.gather [hbm4b:s6+s2], $0x80, v37, vm15, $0xb8;
	[tilespmem:$0x2080] =	vst v63  }
0x4e: {  	s12 =	simm.s32 $0xC80;
	v44 =	vperm.xlane v17, v12;
	v43 =	vadd.s32 v0, v42  }
0x4f: {  	[tilespmem:s12], [sflag:$0x1] =	stream.indirect_vreg.gather [hbm4b:s6+s2], $0x80, v39, vm15, $0xb8;
	[tilespmem:$0x2080] =	vst v63  }
0x50: {  	s13 =	simm.s32 $0xD00;
	v46 =	vperm.xlane v17, v13;
	v45 =	vadd.s32 v0, v44  }
0x51: {  	[tilespmem:s13], [sflag:$0x1] =	stream.indirect_vreg.gather [hbm4b:s6+s2], $0x80, v41, vm15, $0xb8;
	[tilespmem:$0x2080] =	vst v63  }
0x52: {  	s14 =	simm.s32 $0xD80;
	v48 =	vperm.xlane v17, v14;
	v47 =	vadd.s32 v0, v46  }
0x53: {  	[tilespmem:s14], [sflag:$0x1] =	stream.indirect_vreg.gather [hbm4b:s6+s2], $0x80, v43, vm15, $0xb8;
	[tilespmem:$0x2080] =	vst v63  }
0x54: {  	s15 =	simm.s32 $0xE00;
	v50 =	vperm.xlane v17, v15;
	v49 =	vadd.s32 v0, v48  }
0x55: {  	[tilespmem:s15], [sflag:$0x1] =	stream.indirect_vreg.gather [hbm4b:s6+s2], $0x80, v45, vm15, $0xb8;
	[tilespmem:$0x2080] =	vst v63  }
0x56: {  	s16 =	simm.s32 $0xE80;
	v17 =	vperm.xlane v17, v16;
	v51 =	vadd.s32 v0, v50  }
0x57: {  	[tilespmem:s16], [sflag:$0x1] =	stream.indirect_vreg.gather [hbm4b:s6+s2], $0x80, v47, vm15, $0xb8;
	[tilespmem:$0x2080] =	vst v63  }
0x58: {  	s17 =	simm.s32 $0xF00;
	v17 =	vadd.s32 v0, v17  }
0x59: {  	[tilespmem:s17], [sflag:$0x1] =	stream.indirect_vreg.gather [hbm4b:s6+s2], $0x80, v49, vm15, $0xb8;
	[tilespmem:$0x2080] =	vst v63  }
0x5a: {  	s18 =	simm.s32 $0xF80  }
0x5b: {  	[tilespmem:s18], [sflag:$0x1] =	stream.indirect_vreg.gather [hbm4b:s6+s2], $0x80, v51, vm15, $0xb8;
	[tilespmem:$0x2080] =	vst v63  }
0x5c: {  	s19 =	simm.s32 $0x1000  }
0x5d: {  	[tilespmem:s19], [sflag:$0x1] =	stream.indirect_vreg.gather [hbm4b:s6+s2], $0x80, v17, vm15, $0xb8;
	[tilespmem:$0x2080] =	vst v63  }
0x5e: {  	v17 =	vld [tilespmem:$0x20];
	_ =	sdelay $0x4  }
0x5f: {  	v52 =	vshll.u32 v17, $0x3  }
0x60: {  	v17 =	vand.u32 $0x7, v17;
	v18 =	vand.u32 $0xFFFFFFC0, v52  }
0x61: {  	v17 =	vor.u32 v17, v18  }
0x62: {  	v18 =	vperm.xlane v17, v1;
	_ =	sdelay $0x1  }
0x63: {  	v53 =	vperm.xlane v17, v2;
	v18 =	vadd.s32 v0, v18;
	_ =	sdelay $0x1  }
0x64: {  	v54 =	vperm.xlane v17, v3;
	v19 =	vadd.s32 v0, v53;
	_ =	sdelay $0x1  }
0x65: {  	s20 =	simm.s32 $0x1080;
	v55 =	vperm.xlane v17, v4;
	v20 =	vadd.s32 v0, v54  }
0x66: {  	[tilespmem:s20], [sflag:$0x1] =	stream.indirect_vreg.gather [hbm4b:s6+s2], $0x80, v18, vm15, $0xb8;
	[tilespmem:$0x2080] =	vst v63  }
0x67: {  	s21 =	simm.s32 $0x1100;
	v57 =	vperm.xlane v17, v5;
	v56 =	vadd.s32 v0, v55  }
0x68: {  	[tilespmem:s21], [sflag:$0x1] =	stream.indirect_vreg.gather [hbm4b:s6+s2], $0x80, v19, vm15, $0xb8;
	[tilespmem:$0x2080] =	vst v63  }
0x69: {  	s22 =	simm.s32 $0x1180;
	v59 =	vperm.xlane v17, v6;
	v58 =	vadd.s32 v0, v57  }
0x6a: {  	[tilespmem:s22], [sflag:$0x1] =	stream.indirect_vreg.gather [hbm4b:s6+s2], $0x80, v20, vm15, $0xb8;
	[tilespmem:$0x2080] =	vst v63  }
0x6b: {  	s23 =	simm.s32 $0x1200;
	v61 =	vperm.xlane v17, v8;
	v60 =	vadd.s32 v0, v59  }
0x6c: {  	[tilespmem:s23], [sflag:$0x1] =	stream.indirect_vreg.gather [hbm4b:s6+s2], $0x80, v56, vm15, $0xb8;
	[tilespmem:$0x2080] =	vst v63  }
0x6d: {  	s24 =	simm.s32 $0x1280;
	v63 =	vperm.xlane v17, v7;
	v62 =	vadd.s32 v0, v61  }
0x6e: {  	[tilespmem:s24], [sflag:$0x1] =	stream.indirect_vreg.gather [hbm4b:s6+s2], $0x80, v58, vm15, $0xb8;
	[tilespmem:$0x2080] =	vst v63  }
0x6f: {  	s25 =	simm.s32 $0x1300;
	v25 =	vperm.xlane v17, v9;
	v24 =	vadd.s32 v0, v63  }
0x70: {  	[tilespmem:s25], [sflag:$0x1] =	stream.indirect_vreg.gather [hbm4b:s6+s2], $0x80, v60, vm15, $0xb8;
	[tilespmem:$0x2080] =	vst v63  }
0x71: {  	s26 =	simm.s32 $0x1380;
	v27 =	vperm.xlane v17, v10;
	v26 =	vadd.s32 v0, v25  }
0x72: {  	[tilespmem:s26], [sflag:$0x1] =	stream.indirect_vreg.gather [hbm4b:s6+s2], $0x80, v62, vm15, $0xb8;
	[tilespmem:$0x2080] =	vst v63  }
0x73: {  	s28 =	simm.s32 $0x1400;
	v29 =	vperm.xlane v17, v11;
	v28 =	vadd.s32 v0, v27  }
0x74: {  	[tilespmem:s28], [sflag:$0x1] =	stream.indirect_vreg.gather [hbm4b:s6+s2], $0x80, v24, vm15, $0xb8;
	[tilespmem:$0x2080] =	vst v63  }
0x75: {  	s29 =	simm.s32 $0x1480;
	v31 =	vperm.xlane v17, v12;
	v30 =	vadd.s32 v0, v29  }
0x76: {  	[tilespmem:s29], [sflag:$0x1] =	stream.indirect_vreg.gather [hbm4b:s6+s2], $0x80, v26, vm15, $0xb8;
	[tilespmem:$0x2080] =	vst v63  }
0x77: {  	s30 =	simm.s32 $0x1500;
	v33 =	vperm.xlane v17, v13;
	v32 =	vadd.s32 v0, v31  }
0x78: {  	[tilespmem:s30], [sflag:$0x1] =	stream.indirect_vreg.gather [hbm4b:s6+s2], $0x80, v28, vm15, $0xb8;
	[tilespmem:$0x2080] =	vst v63  }
0x79: {  	s31 =	simm.s32 $0x1580;
	v35 =	vperm.xlane v17, v14;
	v34 =	vadd.s32 v0, v33  }
0x7a: {  	[tilespmem:s31], [sflag:$0x1] =	stream.indirect_vreg.gather [hbm4b:s6+s2], $0x80, v30, vm15, $0xb8;
	[tilespmem:$0x2080] =	vst v63  }
0x7b: {  	s8 =	simm.s32 $0x1600;
	v37 =	vperm.xlane v17, v15;
	v36 =	vadd.s32 v0, v35  }
0x7c: {  	[tilespmem:s8], [sflag:$0x1] =	stream.indirect_vreg.gather [hbm4b:s6+s2], $0x80, v32, vm15, $0xb8;
	[tilespmem:$0x2080] =	vst v63  }
0x7d: {  	s9 =	simm.s32 $0x1680;
	v17 =	vperm.xlane v17, v16;
	v38 =	vadd.s32 v0, v37  }
0x7e: {  	[tilespmem:s9], [sflag:$0x1] =	stream.indirect_vreg.gather [hbm4b:s6+s2], $0x80, v34, vm15, $0xb8;
	[tilespmem:$0x2080] =	vst v63  }
0x7f: {  	s10 =	simm.s32 $0x1700;
	v17 =	vadd.s32 v0, v17  }
0x80: {  	[tilespmem:s10], [sflag:$0x1] =	stream.indirect_vreg.gather [hbm4b:s6+s2], $0x80, v36, vm15, $0xb8;
	[tilespmem:$0x2080] =	vst v63  }
0x81: {  	s11 =	simm.s32 $0x1780  }
0x82: {  	[tilespmem:s11], [sflag:$0x1] =	stream.indirect_vreg.gather [hbm4b:s6+s2], $0x80, v38, vm15, $0xb8;
	[tilespmem:$0x2080] =	vst v63  }
0x83: {  	s12 =	simm.s32 $0x1800  }
0x84: {  	[tilespmem:s12], [sflag:$0x1] =	stream.indirect_vreg.gather [hbm4b:s6+s2], $0x80, v17, vm15, $0xb8;
	[tilespmem:$0x2080] =	vst v63  }
0x85: {  	v17 =	vld [tilespmem:$0x30];
	_ =	sdelay $0x4  }
0x86: {  	v39 =	vshll.u32 v17, $0x3  }
0x87: {  	v17 =	vand.u32 $0x7, v17;
	v18 =	vand.u32 $0xFFFFFFC0, v39  }
0x88: {  	v17 =	vor.u32 v17, v18  }
0x89: {  	v1 =	vperm.xlane v17, v1;
	_ =	sdelay $0x1  }
0x8a: {  	v2 =	vperm.xlane v17, v2;
	v1 =	vadd.s32 v0, v1;
	_ =	sdelay $0x1  }
0x8b: {  	v3 =	vperm.xlane v17, v3;
	v2 =	vadd.s32 v0, v2;
	_ =	sdelay $0x1  }
0x8c: {  	s13 =	simm.s32 $0x1880;
	v4 =	vperm.xlane v17, v4;
	v3 =	vadd.s32 v0, v3  }
0x8d: {  	[tilespmem:s13], [sflag:$0x1] =	stream.indirect_vreg.gather [hbm4b:s6+s2], $0x80, v1, vm15, $0xb8;
	[tilespmem:$0x2080] =	vst v63  }
0x8e: {  	s14 =	simm.s32 $0x1900;
	v41 =	vperm.xlane v17, v5;
	v40 =	vadd.s32 v0, v4  }
0x8f: {  	[tilespmem:s14], [sflag:$0x1] =	stream.indirect_vreg.gather [hbm4b:s6+s2], $0x80, v2, vm15, $0xb8;
	[tilespmem:$0x2080] =	vst v63  }
0x90: {  	s15 =	simm.s32 $0x1980;
	v43 =	vperm.xlane v17, v6;
	v42 =	vadd.s32 v0, v41  }
0x91: {  	[tilespmem:s15], [sflag:$0x1] =	stream.indirect_vreg.gather [hbm4b:s6+s2], $0x80, v3, vm15, $0xb8;
	[tilespmem:$0x2080] =	vst v63  }
0x92: {  	s16 =	simm.s32 $0x1A00;
	v45 =	vperm.xlane v17, v8;
	v44 =	vadd.s32 v0, v43  }
0x93: {  	[tilespmem:s16], [sflag:$0x1] =	stream.indirect_vreg.gather [hbm4b:s6+s2], $0x80, v40, vm15, $0xb8;
	[tilespmem:$0x2080] =	vst v63  }
0x94: {  	s17 =	simm.s32 $0x1A80;
	v47 =	vperm.xlane v17, v7;
	v46 =	vadd.s32 v0, v45  }
0x95: {  	[tilespmem:s17], [sflag:$0x1] =	stream.indirect_vreg.gather [hbm4b:s6+s2], $0x80, v42, vm15, $0xb8;
	[tilespmem:$0x2080] =	vst v63  }
0x96: {  	s18 =	simm.s32 $0x1B00;
	v49 =	vperm.xlane v17, v9;
	v48 =	vadd.s32 v0, v47  }
0x97: {  	[tilespmem:s18], [sflag:$0x1] =	stream.indirect_vreg.gather [hbm4b:s6+s2], $0x80, v44, vm15, $0xb8;
	[tilespmem:$0x2080] =	vst v63  }
0x98: {  	s19 =	simm.s32 $0x1B80;
	v51 =	vperm.xlane v17, v10;
	v50 =	vadd.s32 v0, v49  }
0x99: {  	[tilespmem:s19], [sflag:$0x1] =	stream.indirect_vreg.gather [hbm4b:s6+s2], $0x80, v46, vm15, $0xb8;
	[tilespmem:$0x2080] =	vst v63  }
0x9a: {  	s20 =	simm.s32 $0x1C00;
	v53 =	vperm.xlane v17, v11;
	v52 =	vadd.s32 v0, v51  }
0x9b: {  	[tilespmem:s20], [sflag:$0x1] =	stream.indirect_vreg.gather [hbm4b:s6+s2], $0x80, v48, vm15, $0xb8;
	[tilespmem:$0x2080] =	vst v63  }
0x9c: {  	s21 =	simm.s32 $0x1C80;
	v55 =	vperm.xlane v17, v12;
	v54 =	vadd.s32 v0, v53  }
0x9d: {  	[tilespmem:s21], [sflag:$0x1] =	stream.indirect_vreg.gather [hbm4b:s6+s2], $0x80, v50, vm15, $0xb8;
	[tilespmem:$0x2080] =	vst v63  }
0x9e: {  	s22 =	simm.s32 $0x1D00;
	v57 =	vperm.xlane v17, v13;
	v56 =	vadd.s32 v0, v55  }
0x9f: {  	[tilespmem:s22], [sflag:$0x1] =	stream.indirect_vreg.gather [hbm4b:s6+s2], $0x80, v52, vm15, $0xb8;
	[tilespmem:$0x2080] =	vst v63  }
0xa0: {  	s23 =	simm.s32 $0x1D80;
	v59 =	vperm.xlane v17, v14;
	v58 =	vadd.s32 v0, v57  }
0xa1: {  	[tilespmem:s23], [sflag:$0x1] =	stream.indirect_vreg.gather [hbm4b:s6+s2], $0x80, v54, vm15, $0xb8;
	[tilespmem:$0x2080] =	vst v63  }
0xa2: {  	s24 =	simm.s32 $0x1E00;
	v61 =	vperm.xlane v17, v15;
	v60 =	vadd.s32 v0, v59  }
0xa3: {  	[tilespmem:s24], [sflag:$0x1] =	stream.indirect_vreg.gather [hbm4b:s6+s2], $0x80, v56, vm15, $0xb8;
	[tilespmem:$0x2080] =	vst v63  }
0xa4: {  	s25 =	simm.s32 $0x1E80;
	v63 =	vperm.xlane v17, v16;
	v62 =	vadd.s32 v0, v61  }
0xa5: {  	[tilespmem:s25], [sflag:$0x1] =	stream.indirect_vreg.gather [hbm4b:s6+s2], $0x80, v58, vm15, $0xb8;
	[tilespmem:$0x2080] =	vst v63  }
0xa6: {  	s26 =	simm.s32 $0x1F00;
	v0 =	vadd.s32 v0, v63  }
0xa7: {  	[tilespmem:s26], [sflag:$0x1] =	stream.indirect_vreg.gather [hbm4b:s6+s2], $0x80, v60, vm15, $0xb8;
	[tilespmem:$0x2080] =	vst v63  }
0xa8: {  	s28 =	simm.s32 $0x1F80  }
0xa9: {  	[tilespmem:s28], [sflag:$0x1] =	stream.indirect_vreg.gather [hbm4b:s6+s2], $0x80, v62, vm15, $0xb8;
	[tilespmem:$0x2080] =	vst v63  }
0xaa: {  	s29 =	simm.s32 $0x2000;
	s30 =	simm.s32 $0x1  }
0xab: {  	[tilespmem:s29], [sflag:$0x1] =	stream.indirect_vreg.gather [hbm4b:s6+s2], $0x80, v0, vm15, $0xb8;
	[tilespmem:$0x2080] =	vst v63  }
0xac: {  	s31 =	sshll.u32 s1, $0xA;
	_ =	swait.ge [sflag:s30], $0x2000  }
0xad: {  	s3 =	sadd.s32 s31, s3;
	[sflag:s30] =	ssyncset.done $0x0  }
0xae: {  	s3 =	sadd.s32 $0x800, s3;
	[sflag:s30] =	ssyncadd.s32 $0xFFFFE000  }
0xaf: {  	[hbm4b:s3+s2] =	stream.linear.scatter [tilespmem:s5], [sflag:$0x2], $0x2000, $0x38;
	[tilespmem:$0x2080] =	vst v63  }
0xb0: {  	_ =	swait.ge [sflag:s4], $0x2000  }
0xb1: {  	[sflag:s4] =	ssyncset.done $0x0  }
0xb2: {  	[sflag:s4] =	ssyncadd.s32 $0xFFFFE000  }
0xb3: {  	_ =	sfence.sel $0x180000  }
0xb4: {  	[bflag:$0x0] =	sbarrier.arrive $0xFFFF  }
0xb5: {  	p0 =	sne.s32 s1, $0x0;
	_ =	strace $0x90000047  }
0xb6: {  	s0 =	sadd.s32 @!p0 $0x100000, s0;
	[bflag:$0x2] =	sbarrier.arrive $0xFFFF  }
0xb7: {  	[sflag:s0] =	ssyncadd.tile.s32 @!p0 $0x1;
	_ =	shalt  }
.Lfunc_end2:
_tile_overlayer_lowered:
.L_overlay_start_2:
0xb8: {  	(tag) =	ssettag $0x2  }
0xb9: {  	s0 =	rddreg [dreg:$0x0];
	s2 =	stileid.u32  }
0xba: {  	s1 =	rddreg [dreg:$0x1];
	p0 =	sne.s32 s2, $0x0  }
0xbb: {  	s3 =	rddreg [dreg:$0x2];
	[bflag:$0x3] =	sbarrier.arrive $0xFFFF;
	s2 =	simm.s32 @!p0 $0x1C02  }
0xbc: {  	[timem:s3], [sflag:s2] =	dma.local @!p0 [hbm:s0], s1  }
0xbd: {  	s0 =	simm.s32 @!p0 $0x2  }
0xbe: {  	_ =	swait.ge @!p0 [sflag:s0], s1  }
0xbf: {  	s1 =	ssub.s32 @!p0 $0x0, s1;
	[sflag:s0] =	ssyncset.done @!p0 $0x0  }
0xc0: {  	[sflag:s0] =	ssyncadd.s32 @!p0 s1  }
0xc1: {  	[bflag:$0x3] =	sbarrier.arrive $0xFFFF  }
0xc2: {  	_ =	shalt  }

</sc_bundles>
